<compile_context>
chip_gen: v7x
topology: tpu7x:2x2x1
jax: 0.10.2.dev20260603
libtpu: 0.0.44.dev20260713+nightly
codegen_flags: <defaults>
</compile_context>

<pallas_src>
import jax
import jax.numpy as jnp
from jax import lax
from jax.experimental import pallas as pl
from jax.experimental.pallas import tpu as pltpu
from jax.experimental.pallas import tpu_sc as plsc

NY, NX = 400, 400
TOT = NY * NX
B = 4
P = 16000
C = 64
CPAD = 16128
SENTINEL = P

NSUB = 16
CELLS_PER_TILE = TOT // NSUB
CH_PER_TILE = C // NSUB
PILLAR_CHUNK = 2000
ROWS_BLK = 8
BLK_CELLS = ROWS_BLK * NX
NBLK = NY // ROWS_BLK
GRP_PER_ROW = NX // 16


def _feature_tables(voxel_features):
    ft = jnp.transpose(voxel_features.reshape(B, P, C), (0, 2, 1))
    ft = jnp.pad(ft, ((0, 0), (0, 0), (0, CPAD - P)))
    return ft.reshape(B * C * CPAD)


def _sc_body(feat_hbm, y_hbm, x_hbm, out_hbm, inv_hbm,
             inv_v, y_v, x_v,
             r0, r1, r2, r3, ic0, ic1,
             s00, s01, s02, s03, s10, s11, s12, s13,
             semi0, semi1, semo0, semo1):
    rows = (r0, r1, r2, r3)
    invc = (ic0, ic1)
    scr = ((s00, s01, s02, s03), (s10, s11, s12, s13))
    sem_inv = (semi0, semi1)
    sem_out = (semo0, semo1)

    cid = lax.axis_index("c")
    sid = lax.axis_index("s")
    lo = sid * CELLS_PER_TILE
    iota = lax.iota(jnp.int32, 16)

    for bi in range(2):
        b = 2 * cid + bi

        @plsc.parallel_loop(0, CELLS_PER_TILE // 16, 1, unroll=8)
        def fill(i):
            inv_v[pl.ds(i * 16, 16)] = jnp.full((16,), SENTINEL, jnp.int32)

        for ch in range(P // PILLAR_CHUNK):
            base = b * P + ch * PILLAR_CHUNK
            pltpu.sync_copy(y_hbm.at[pl.ds(base, PILLAR_CHUNK)], y_v)
            pltpu.sync_copy(x_hbm.at[pl.ds(base, PILLAR_CHUNK)], x_v)

            def scan(g, _):
                yy = y_v[pl.ds(g * 16, 16)]
                xx = x_v[pl.ds(g * 16, 16)]
                cell = yy * NX + xx
                m = (cell >= lo) & (cell < lo + CELLS_PER_TILE)
                loc = jnp.where(m, cell - lo, 0)
                pid = ch * PILLAR_CHUNK + g * 16 + iota
                plsc.store_scatter(inv_v, [loc], pid, mask=m)
                return 0
            lax.fori_loop(0, PILLAR_CHUNK // 16, scan, 0)

        pltpu.sync_copy(inv_v, inv_hbm.at[pl.ds(b * TOT + lo, CELLS_PER_TILE)])

    plsc.subcore_barrier()

    for bi in range(2):
        b = 2 * cid + bi
        for q in range(CH_PER_TILE):
            ch_off = (b * C + CH_PER_TILE * sid + q) * CPAD
            pltpu.sync_copy(feat_hbm.at[pl.ds(ch_off, CPAD)], rows[q])

        pltpu.async_copy(inv_hbm.at[pl.ds(b * TOT, BLK_CELLS)],
                         invc[0], sem_inv[0])

        def pair(kk, _):
            for par in range(2):
                k = 2 * kk + par
                pltpu.make_async_copy(
                    inv_hbm.at[pl.ds(b * TOT, BLK_CELLS)],
                    invc[par], sem_inv[par]).wait()

                @pl.when(k < NBLK - 1)
                def _():
                    pltpu.async_copy(
                        inv_hbm.at[pl.ds(b * TOT + (k + 1) * BLK_CELLS,
                                         BLK_CELLS)],
                        invc[1 - par], sem_inv[1 - par])

                @pl.when(kk >= 1)
                def _():
                    for q in range(CH_PER_TILE):
                        pltpu.make_async_copy(
                            scr[par][q],
                            out_hbm.at[0, 0, pl.ds(0, ROWS_BLK), :],
                            sem_out[par]).wait()

                def row(ys, _):
                    @plsc.parallel_loop(0, GRP_PER_ROW, 1, unroll=5)
                    def grp(j):
                        ivec = invc[par][pl.ds(ys * NX + j * 16, 16)]
                        m = ivec < SENTINEL
                        for q in range(CH_PER_TILE):
                            vals = plsc.load_gather(rows[q], [ivec], mask=m)
                            scr[par][q][ys, pl.ds(j * 16, 16)] = (
                                jnp.where(m, vals, 0.0))
                    return 0
                lax.fori_loop(0, ROWS_BLK, row, 0)

                for q in range(CH_PER_TILE):
                    pltpu.async_copy(
                        scr[par][q],
                        out_hbm.at[b, CH_PER_TILE * sid + q,
                                   pl.ds(k * ROWS_BLK, ROWS_BLK), :],
                        sem_out[par])
            return 0
        lax.fori_loop(0, NBLK // 2, pair, 0)

        for par in range(2):
            for q in range(CH_PER_TILE):
                pltpu.make_async_copy(
                    scr[par][q],
                    out_hbm.at[0, 0, pl.ds(0, ROWS_BLK), :],
                    sem_out[par]).wait()


@jax.jit
def _run(voxel_features, y, x):
    feat = _feature_tables(voxel_features)
    sc = pl.kernel(
        _sc_body,
        out_type=(jax.ShapeDtypeStruct((B, C, NY, NX), jnp.float32),
                  jax.ShapeDtypeStruct((B * TOT,), jnp.int32)),
        mesh=plsc.VectorSubcoreMesh(core_axis_name="c", subcore_axis_name="s"),
        compiler_params=pltpu.CompilerParams(needs_layout_passes=False),
        scratch_types=[
            pltpu.VMEM((CELLS_PER_TILE,), jnp.int32),
            pltpu.VMEM((PILLAR_CHUNK,), jnp.int32),
            pltpu.VMEM((PILLAR_CHUNK,), jnp.int32),
            pltpu.VMEM((CPAD,), jnp.float32),
            pltpu.VMEM((CPAD,), jnp.float32),
            pltpu.VMEM((CPAD,), jnp.float32),
            pltpu.VMEM((CPAD,), jnp.float32),
            pltpu.VMEM((BLK_CELLS,), jnp.int32),
            pltpu.VMEM((BLK_CELLS,), jnp.int32),
            pltpu.VMEM((ROWS_BLK, NX), jnp.float32),
            pltpu.VMEM((ROWS_BLK, NX), jnp.float32),
            pltpu.VMEM((ROWS_BLK, NX), jnp.float32),
            pltpu.VMEM((ROWS_BLK, NX), jnp.float32),
            pltpu.VMEM((ROWS_BLK, NX), jnp.float32),
            pltpu.VMEM((ROWS_BLK, NX), jnp.float32),
            pltpu.VMEM((ROWS_BLK, NX), jnp.float32),
            pltpu.VMEM((ROWS_BLK, NX), jnp.float32),
            pltpu.SemaphoreType.DMA,
            pltpu.SemaphoreType.DMA,
            pltpu.SemaphoreType.DMA,
            pltpu.SemaphoreType.DMA,
        ],
    )
    return sc(feat, y, x)[0]


def kernel(voxel_features, coords, batch_size):
    y = jnp.asarray(coords[:, 2], jnp.int32)
    x = jnp.asarray(coords[:, 3], jnp.int32)
    return _run(voxel_features, y, x)

# --- scband reference (transcript-rebuilt; emitter-appended) ---
"""Pipeline reference for scband-point-pillars-scatter-38534446580425 (READ-ONLY COPY).

The authoritative reference and input builder live on the scoring server;
editing this copy changes nothing except your own understanding.
"""

import jax, jax.numpy as jnp
import numpy as np

NY, NX = 400, 400

def setup_inputs(seed: int = 0) -> dict:
    key = jax.random.key(seed)
    batch_size = 4
    pillars_per = 16000
    C = 64
    voxel_features = jax.random.normal(key, (batch_size * pillars_per, C), dtype=jnp.float32)
    rng = np.random.default_rng(0)
    coords_list = []
    for b in range(batch_size):
        cells = rng.choice(NY * NX, size=pillars_per, replace=False)
        y = cells // NX
        x = cells % NX
        coords_list.append(np.stack([np.full(pillars_per, b, dtype=np.int64),
                                     np.zeros(pillars_per, dtype=np.int64),
                                     y.astype(np.int64),
                                     x.astype(np.int64)], axis=1))
    coords = jnp.asarray(np.concatenate(coords_list, axis=0).astype(np.int32))
    return {"voxel_features": voxel_features, "coords": coords, "batch_size": batch_size}

def reference(voxel_features, coords, batch_size):
    # Faithful translation of PointPillarsScatter.forward:
    # per-batch scatter-overwrite of pillar features into a (C, ny*nx) canvas.
    C = voxel_features.shape[1]
    total = NY * NX
    idx_all = coords[:, 2].astype(jnp.int32) * NX + coords[:, 3].astype(jnp.int32)
    canvases = []
    for b in range(4):
        mask = (coords[:, 0] == b) & (coords[:, 0] < batch_size)
        idx = jnp.where(mask, idx_all, total)
        # torch: canvas[:, indices] = voxels.t()  -> scatter-overwrite along spatial dim
        canvas = jnp.zeros((total, C), dtype=voxel_features.dtype).at[idx].set(voxel_features, mode="drop")
        canvases.append(canvas.T)
    out = jnp.stack(canvases, axis=0).reshape(4, C, NY, NX)
    return out

if __name__ == "__main__":
    import jax
    _d = setup_inputs()
    print(jax.jit(kernel)(*tuple(_d.values())))

</pallas_src>

<mosaic_0001>
#map = affine_map<(d0, d1) -> (0)>
#map1 = affine_map<(d0, d1) -> (0, 0, 0, 0)>
module attributes {stable_mosaic.version = 14 : i64} {
  func.func @_sc_body(%arg0: i32, %arg1: i32, %arg2: memref<4128768xf32, #tpu.memory_space<hbm>>, %arg3: memref<64000xi32, #tpu.memory_space<hbm>>, %arg4: memref<64000xi32, #tpu.memory_space<hbm>>, %arg5: memref<4x64x400x400xf32, #tpu.memory_space<hbm>>, %arg6: memref<640000xi32, #tpu.memory_space<hbm>>, %arg7: memref<10000xi32, #tpu.memory_space<vmem>>, %arg8: memref<2000xi32, #tpu.memory_space<vmem>>, %arg9: memref<2000xi32, #tpu.memory_space<vmem>>, %arg10: memref<16128xf32, #tpu.memory_space<vmem>>, %arg11: memref<16128xf32, #tpu.memory_space<vmem>>, %arg12: memref<16128xf32, #tpu.memory_space<vmem>>, %arg13: memref<16128xf32, #tpu.memory_space<vmem>>, %arg14: memref<3200xi32, #tpu.memory_space<vmem>>, %arg15: memref<3200xi32, #tpu.memory_space<vmem>>, %arg16: memref<8x400xf32, #tpu.memory_space<vmem>>, %arg17: memref<8x400xf32, #tpu.memory_space<vmem>>, %arg18: memref<8x400xf32, #tpu.memory_space<vmem>>, %arg19: memref<8x400xf32, #tpu.memory_space<vmem>>, %arg20: memref<8x400xf32, #tpu.memory_space<vmem>>, %arg21: memref<8x400xf32, #tpu.memory_space<vmem>>, %arg22: memref<8x400xf32, #tpu.memory_space<vmem>>, %arg23: memref<8x400xf32, #tpu.memory_space<vmem>>, %arg24: memref<!tpu.dma_semaphore, #tpu.memory_space<semaphore_mem>>, %arg25: memref<!tpu.dma_semaphore, #tpu.memory_space<semaphore_mem>>, %arg26: memref<!tpu.dma_semaphore, #tpu.memory_space<semaphore_mem>>, %arg27: memref<!tpu.dma_semaphore, #tpu.memory_space<semaphore_mem>>) attributes {dimension_semantics = [#tpu.dimension_semantics<core_parallel>, #tpu.dimension_semantics<subcore_parallel>], iteration_bounds = array<i64: 2, 16>, scalar_prefetch = 0 : i64, scratch_operands = 21 : i64, tpu.core_type = #tpu.core_type<sc_vector_subcore>, window_params = [{transform_indices = #map}, {transform_indices = #map}, {transform_indices = #map}, {transform_indices = #map1}, {transform_indices = #map}]} {
    %mul3A = arith.constant 10000 : i32
    %mul3A_0 = arith.muli %arg1, %mul3A : i32
    %iota3A = tpu.iota {dimensions = array<i32: 0>} : vector<16xi32>
    %mul3A_1 = arith.constant 2 : i32
    %mul3A_2 = arith.muli %mul3A_1, %arg0 : i32
    %add3A = arith.constant 0 : i32
    %add3A_3 = arith.addi %mul3A_2, %add3A : i32
    %parallel_loop3A = arith.constant 0 : i32
    %parallel_loop3A_4 = arith.constant 625 : i32
    %parallel_loop3A_5 = arith.constant 1 : i32
    scf.for %parallel_loop3A_454 = %parallel_loop3A to %parallel_loop3A_4 step %parallel_loop3A_5  : i32 {
      %parallel_loop3A_455 = arith.constant 16000 : i32
      %parallel_loop3A_456 = vector.broadcast %parallel_loop3A_455 : i32 to vector<16xi32>
      %parallel_loop3A_457 = arith.constant 16 : i32
      %parallel_loop3A_458 = arith.muli %parallel_loop3A_454, %parallel_loop3A_457 : i32
      %parallel_loop3A_459 = arith.index_cast %parallel_loop3A_458 : i32 to index
      %parallel_loop3A_460 = tpu.vector_load %arg7[%parallel_loop3A_459] {strides = array<i32>} : memref<10000xi32, #tpu.memory_space<vmem>>, vector<16xi32>,
      tpu.vector_store %arg7[%parallel_loop3A_459], %parallel_loop3A_456 {strides = array<i32>} : memref<10000xi32, #tpu.memory_space<vmem>>, vector<16xi32>,
    } {sc.loop_unroll_factor = 8 : i64, sc.parallel_access}
    %mul3A_6 = arith.constant 16000 : i32
    %mul3A_7 = arith.muli %add3A_3, %mul3A_6 : i32
    %add3A_8 = arith.constant 0 : i32
    %add3A_9 = arith.addi %mul3A_7, %add3A_8 : i32
    "tpu.region"() ({
      %run_scoped3A = tpu.sem_alloc : memref<!tpu.dma_semaphore, #tpu.memory_space<semaphore_mem>>
      %dma_start3A_454 = tpu.memref_slice %arg3[%add3A_9] : memref<64000xi32, #tpu.memory_space<hbm>> -> memref<2000xi32, #tpu.memory_space<hbm>>
      %dma_start3A_455 = tpu.memref_slice %arg3[%add3A_9] : memref<64000xi32, #tpu.memory_space<hbm>> -> memref<2000xi32, #tpu.memory_space<hbm>>
      tpu.enqueue_dma source(%dma_start3A_455 : memref<2000xi32, #tpu.memory_space<hbm>>) target(%arg8 : memref<2000xi32, #tpu.memory_space<vmem>>) target_semaphore(%run_scoped3A : memref<!tpu.dma_semaphore, #tpu.memory_space<semaphore_mem>>)
      %dma_wait3A_456 = tpu.memref_slice %arg3[%add3A_9] : memref<64000xi32, #tpu.memory_space<hbm>> -> memref<2000xi32, #tpu.memory_space<hbm>>
      %dma_wait3A_457 = tpu.memref_slice %arg3[%add3A_9] : memref<64000xi32, #tpu.memory_space<hbm>> -> memref<2000xi32, #tpu.memory_space<hbm>>
      tpu.wait_dma2 semaphore(%run_scoped3A : memref<!tpu.dma_semaphore, #tpu.memory_space<semaphore_mem>>) src(%dma_wait3A_457 : memref<2000xi32, #tpu.memory_space<hbm>>) dst(%arg8 : memref<2000xi32, #tpu.memory_space<vmem>>)
      tpu.yield
    }) : () -> ()
    "tpu.region"() ({
      %run_scoped3A = tpu.sem_alloc : memref<!tpu.dma_semaphore, #tpu.memory_space<semaphore_mem>>
      %dma_start3A_454 = tpu.memref_slice %arg4[%add3A_9] : memref<64000xi32, #tpu.memory_space<hbm>> -> memref<2000xi32, #tpu.memory_space<hbm>>
      %dma_start3A_455 = tpu.memref_slice %arg4[%add3A_9] : memref<64000xi32, #tpu.memory_space<hbm>> -> memref<2000xi32, #tpu.memory_space<hbm>>
      tpu.enqueue_dma source(%dma_start3A_455 : memref<2000xi32, #tpu.memory_space<hbm>>) target(%arg9 : memref<2000xi32, #tpu.memory_space<vmem>>) target_semaphore(%run_scoped3A : memref<!tpu.dma_semaphore, #tpu.memory_space<semaphore_mem>>)
      %dma_wait3A_456 = tpu.memref_slice %arg4[%add3A_9] : memref<64000xi32, #tpu.memory_space<hbm>> -> memref<2000xi32, #tpu.memory_space<hbm>>
      %dma_wait3A_457 = tpu.memref_slice %arg4[%add3A_9] : memref<64000xi32, #tpu.memory_space<hbm>> -> memref<2000xi32, #tpu.memory_space<hbm>>
      tpu.wait_dma2 semaphore(%run_scoped3A : memref<!tpu.dma_semaphore, #tpu.memory_space<semaphore_mem>>) src(%dma_wait3A_457 : memref<2000xi32, #tpu.memory_space<hbm>>) dst(%arg9 : memref<2000xi32, #tpu.memory_space<vmem>>)
      tpu.yield
    }) : () -> ()
    %scan3A = arith.constant 0 : i32
    %scan3A_10 = arith.constant 0 : i32
    %scan3A_11 = arith.constant 125 : i32
    %scan3A_12 = arith.addi %scan3A_10, %scan3A_11 : i32
    %scan3A_13 = arith.constant 1 : i32
    %scan3A_14 = scf.for %scan3A_454 = %scan3A_10 to %scan3A_12 step %scan3A_13 iter_args(%scan3A_455 = %scan3A) -> (i32)  : i32 {
      %mul3A_456 = arith.constant 16 : i32
      %mul3A_457 = arith.muli %scan3A_454, %mul3A_456 : i32
      %get3A = arith.index_cast %mul3A_457 : i32 to index
      %get3A_458 = tpu.vector_load %arg8[%get3A] {strides = array<i32>} : memref<2000xi32, #tpu.memory_space<vmem>>, vector<16xi32>,
      %mul3A_459 = arith.constant 16 : i32
      %mul3A_460 = arith.muli %scan3A_454, %mul3A_459 : i32
      %get3A_461 = arith.index_cast %mul3A_460 : i32 to index
      %get3A_462 = tpu.vector_load %arg9[%get3A_461] {strides = array<i32>} : memref<2000xi32, #tpu.memory_space<vmem>>, vector<16xi32>,
      %mul3A_463 = arith.constant 400 : i32
      %mul3A_464 = vector.broadcast %mul3A_463 : i32 to vector<16xi32>
      %mul3A_465 = arith.muli %get3A_458, %mul3A_464 : vector<16xi32>
      %add3A_466 = arith.addi %mul3A_465, %get3A_462 : vector<16xi32>
      %ge3A = vector.broadcast %mul3A_0 : i32 to vector<16xi32>
      %ge3A_467 = arith.cmpi sge, %add3A_466, %ge3A : vector<16xi32>
      %add3A_468 = arith.constant 10000 : i32
      %add3A_469 = arith.addi %mul3A_0, %add3A_468 : i32
      %lt3A = vector.broadcast %add3A_469 : i32 to vector<16xi32>
      %lt3A_470 = arith.cmpi slt, %add3A_466, %lt3A : vector<16xi32>
      %and3A = arith.andi %ge3A_467, %lt3A_470 : vector<16xi1>
      %sub3A = vector.broadcast %mul3A_0 : i32 to vector<16xi32>
      %sub3A_471 = arith.subi %add3A_466, %sub3A : vector<16xi32>
      %jit3A = arith.constant 0 : i32
      %broadcast_in_dim3A = vector.broadcast %jit3A : i32 to vector<16xi32>
      %select_n3A = arith.select %and3A, %sub3A_471, %broadcast_in_dim3A : vector<16xi1>, vector<16xi32>
      %mul3A_472 = arith.constant 16 : i32
      %mul3A_473 = arith.muli %scan3A_454, %mul3A_472 : i32
      %add3A_474 = arith.constant 0 : i32
      %add3A_475 = arith.addi %add3A_474, %mul3A_473 : i32
      %add3A_476 = vector.broadcast %add3A_475 : i32 to vector<16xi32>
      %add3A_477 = arith.addi %add3A_476, %iota3A : vector<16xi32>
      tpu.vector_store_idx %arg7[%select_n3A], %add3A_477 masked %and3A : memref<10000xi32, #tpu.memory_space<vmem>>[vector<16xi32>], vector<16xi32>, vector<16xi1>
      %scan3A_478 = arith.constant 0 : i32
      scf.yield %scan3A_478 : i32
    }
    %scan3A_15 = arith.constant 125 : i32
    %mul3A_16 = arith.constant 16000 : i32
    %mul3A_17 = arith.muli %add3A_3, %mul3A_16 : i32
    %add3A_18 = arith.constant 2000 : i32
    %add3A_19 = arith.addi %mul3A_17, %add3A_18 : i32
    "tpu.region"() ({
      %run_scoped3A = tpu.sem_alloc : memref<!tpu.dma_semaphore, #tpu.memory_space<semaphore_mem>>
      %dma_start3A_454 = tpu.memref_slice %arg3[%add3A_19] : memref<64000xi32, #tpu.memory_space<hbm>> -> memref<2000xi32, #tpu.memory_space<hbm>>
      %dma_start3A_455 = tpu.memref_slice %arg3[%add3A_19] : memref<64000xi32, #tpu.memory_space<hbm>> -> memref<2000xi32, #tpu.memory_space<hbm>>
      tpu.enqueue_dma source(%dma_start3A_455 : memref<2000xi32, #tpu.memory_space<hbm>>) target(%arg8 : memref<2000xi32, #tpu.memory_space<vmem>>) target_semaphore(%run_scoped3A : memref<!tpu.dma_semaphore, #tpu.memory_space<semaphore_mem>>)
      %dma_wait3A_456 = tpu.memref_slice %arg3[%add3A_19] : memref<64000xi32, #tpu.memory_space<hbm>> -> memref<2000xi32, #tpu.memory_space<hbm>>
      %dma_wait3A_457 = tpu.memref_slice %arg3[%add3A_19] : memref<64000xi32, #tpu.memory_space<hbm>> -> memref<2000xi32, #tpu.memory_space<hbm>>
      tpu.wait_dma2 semaphore(%run_scoped3A : memref<!tpu.dma_semaphore, #tpu.memory_space<semaphore_mem>>) src(%dma_wait3A_457 : memref<2000xi32, #tpu.memory_space<hbm>>) dst(%arg8 : memref<2000xi32, #tpu.memory_space<vmem>>)
      tpu.yield
    }) : () -> ()
    "tpu.region"() ({
      %run_scoped3A = tpu.sem_alloc : memref<!tpu.dma_semaphore, #tpu.memory_space<semaphore_mem>>
      %dma_start3A_454 = tpu.memref_slice %arg4[%add3A_19] : memref<64000xi32, #tpu.memory_space<hbm>> -> memref<2000xi32, #tpu.memory_space<hbm>>
      %dma_start3A_455 = tpu.memref_slice %arg4[%add3A_19] : memref<64000xi32, #tpu.memory_space<hbm>> -> memref<2000xi32, #tpu.memory_space<hbm>>
      tpu.enqueue_dma source(%dma_start3A_455 : memref<2000xi32, #tpu.memory_space<hbm>>) target(%arg9 : memref<2000xi32, #tpu.memory_space<vmem>>) target_semaphore(%run_scoped3A : memref<!tpu.dma_semaphore, #tpu.memory_space<semaphore_mem>>)
      %dma_wait3A_456 = tpu.memref_slice %arg4[%add3A_19] : memref<64000xi32, #tpu.memory_space<hbm>> -> memref<2000xi32, #tpu.memory_space<hbm>>
      %dma_wait3A_457 = tpu.memref_slice %arg4[%add3A_19] : memref<64000xi32, #tpu.memory_space<hbm>> -> memref<2000xi32, #tpu.memory_space<hbm>>
      tpu.wait_dma2 semaphore(%run_scoped3A : memref<!tpu.dma_semaphore, #tpu.memory_space<semaphore_mem>>) src(%dma_wait3A_457 : memref<2000xi32, #tpu.memory_space<hbm>>) dst(%arg9 : memref<2000xi32, #tpu.memory_space<vmem>>)
      tpu.yield
    }) : () -> ()
    %scan3A_20 = arith.constant 0 : i32
    %scan3A_21 = arith.constant 0 : i32
    %scan3A_22 = arith.constant 125 : i32
    %scan3A_23 = arith.addi %scan3A_21, %scan3A_22 : i32
    %scan3A_24 = arith.constant 1 : i32
    %scan3A_25 = scf.for %scan3A_454 = %scan3A_21 to %scan3A_23 step %scan3A_24 iter_args(%scan3A_455 = %scan3A_20) -> (i32)  : i32 {
      %mul3A_456 = arith.constant 16 : i32
      %mul3A_457 = arith.muli %scan3A_454, %mul3A_456 : i32
      %get3A = arith.index_cast %mul3A_457 : i32 to index
      %get3A_458 = tpu.vector_load %arg8[%get3A] {strides = array<i32>} : memref<2000xi32, #tpu.memory_space<vmem>>, vector<16xi32>,
      %mul3A_459 = arith.constant 16 : i32
      %mul3A_460 = arith.muli %scan3A_454, %mul3A_459 : i32
      %get3A_461 = arith.index_cast %mul3A_460 : i32 to index
      %get3A_462 = tpu.vector_load %arg9[%get3A_461] {strides = array<i32>} : memref<2000xi32, #tpu.memory_space<vmem>>, vector<16xi32>,
      %mul3A_463 = arith.constant 400 : i32
      %mul3A_464 = vector.broadcast %mul3A_463 : i32 to vector<16xi32>
      %mul3A_465 = arith.muli %get3A_458, %mul3A_464 : vector<16xi32>
      %add3A_466 = arith.addi %mul3A_465, %get3A_462 : vector<16xi32>
      %ge3A = vector.broadcast %mul3A_0 : i32 to vector<16xi32>
      %ge3A_467 = arith.cmpi sge, %add3A_466, %ge3A : vector<16xi32>
      %add3A_468 = arith.constant 10000 : i32
      %add3A_469 = arith.addi %mul3A_0, %add3A_468 : i32
      %lt3A = vector.broadcast %add3A_469 : i32 to vector<16xi32>
      %lt3A_470 = arith.cmpi slt, %add3A_466, %lt3A : vector<16xi32>
      %and3A = arith.andi %ge3A_467, %lt3A_470 : vector<16xi1>
      %sub3A = vector.broadcast %mul3A_0 : i32 to vector<16xi32>
      %sub3A_471 = arith.subi %add3A_466, %sub3A : vector<16xi32>
      %jit3A = arith.constant 0 : i32
      %broadcast_in_dim3A = vector.broadcast %jit3A : i32 to vector<16xi32>
      %select_n3A = arith.select %and3A, %sub3A_471, %broadcast_in_dim3A : vector<16xi1>, vector<16xi32>
      %mul3A_472 = arith.constant 16 : i32
      %mul3A_473 = arith.muli %scan3A_454, %mul3A_472 : i32
      %add3A_474 = arith.constant 2000 : i32
      %add3A_475 = arith.addi %add3A_474, %mul3A_473 : i32
      %add3A_476 = vector.broadcast %add3A_475 : i32 to vector<16xi32>
      %add3A_477 = arith.addi %add3A_476, %iota3A : vector<16xi32>
      tpu.vector_store_idx %arg7[%select_n3A], %add3A_477 masked %and3A : memref<10000xi32, #tpu.memory_space<vmem>>[vector<16xi32>], vector<16xi32>, vector<16xi1>
      %scan3A_478 = arith.constant 0 : i32
      scf.yield %scan3A_478 : i32
    }
    %scan3A_26 = arith.constant 125 : i32
    %mul3A_27 = arith.constant 16000 : i32
    %mul3A_28 = arith.muli %add3A_3, %mul3A_27 : i32
    %add3A_29 = arith.constant 4000 : i32
    %add3A_30 = arith.addi %mul3A_28, %add3A_29 : i32
    "tpu.region"() ({
      %run_scoped3A = tpu.sem_alloc : memref<!tpu.dma_semaphore, #tpu.memory_space<semaphore_mem>>
      %dma_start3A_454 = tpu.memref_slice %arg3[%add3A_30] : memref<64000xi32, #tpu.memory_space<hbm>> -> memref<2000xi32, #tpu.memory_space<hbm>>
      %dma_start3A_455 = tpu.memref_slice %arg3[%add3A_30] : memref<64000xi32, #tpu.memory_space<hbm>> -> memref<2000xi32, #tpu.memory_space<hbm>>
      tpu.enqueue_dma source(%dma_start3A_455 : memref<2000xi32, #tpu.memory_space<hbm>>) target(%arg8 : memref<2000xi32, #tpu.memory_space<vmem>>) target_semaphore(%run_scoped3A : memref<!tpu.dma_semaphore, #tpu.memory_space<semaphore_mem>>)
      %dma_wait3A_456 = tpu.memref_slice %arg3[%add3A_30] : memref<64000xi32, #tpu.memory_space<hbm>> -> memref<2000xi32, #tpu.memory_space<hbm>>
      %dma_wait3A_457 = tpu.memref_slice %arg3[%add3A_30] : memref<64000xi32, #tpu.memory_space<hbm>> -> memref<2000xi32, #tpu.memory_space<hbm>>
      tpu.wait_dma2 semaphore(%run_scoped3A : memref<!tpu.dma_semaphore, #tpu.memory_space<semaphore_mem>>) src(%dma_wait3A_457 : memref<2000xi32, #tpu.memory_space<hbm>>) dst(%arg8 : memref<2000xi32, #tpu.memory_space<vmem>>)
      tpu.yield
    }) : () -> ()
    "tpu.region"() ({
      %run_scoped3A = tpu.sem_alloc : memref<!tpu.dma_semaphore, #tpu.memory_space<semaphore_mem>>
      %dma_start3A_454 = tpu.memref_slice %arg4[%add3A_30] : memref<64000xi32, #tpu.memory_space<hbm>> -> memref<2000xi32, #tpu.memory_space<hbm>>
      %dma_start3A_455 = tpu.memref_slice %arg4[%add3A_30] : memref<64000xi32, #tpu.memory_space<hbm>> -> memref<2000xi32, #tpu.memory_space<hbm>>
      tpu.enqueue_dma source(%dma_start3A_455 : memref<2000xi32, #tpu.memory_space<hbm>>) target(%arg9 : memref<2000xi32, #tpu.memory_space<vmem>>) target_semaphore(%run_scoped3A : memref<!tpu.dma_semaphore, #tpu.memory_space<semaphore_mem>>)
      %dma_wait3A_456 = tpu.memref_slice %arg4[%add3A_30] : memref<64000xi32, #tpu.memory_space<hbm>> -> memref<2000xi32, #tpu.memory_space<hbm>>
      %dma_wait3A_457 = tpu.memref_slice %arg4[%add3A_30] : memref<64000xi32, #tpu.memory_space<hbm>> -> memref<2000xi32, #tpu.memory_space<hbm>>
      tpu.wait_dma2 semaphore(%run_scoped3A : memref<!tpu.dma_semaphore, #tpu.memory_space<semaphore_mem>>) src(%dma_wait3A_457 : memref<2000xi32, #tpu.memory_space<hbm>>) dst(%arg9 : memref<2000xi32, #tpu.memory_space<vmem>>)
      tpu.yield
    }) : () -> ()
    %scan3A_31 = arith.constant 0 : i32
    %scan3A_32 = arith.constant 0 : i32
    %scan3A_33 = arith.constant 125 : i32
    %scan3A_34 = arith.addi %scan3A_32, %scan3A_33 : i32
    %scan3A_35 = arith.constant 1 : i32
    %scan3A_36 = scf.for %scan3A_454 = %scan3A_32 to %scan3A_34 step %scan3A_35 iter_args(%scan3A_455 = %scan3A_31) -> (i32)  : i32 {
      %mul3A_456 = arith.constant 16 : i32
      %mul3A_457 = arith.muli %scan3A_454, %mul3A_456 : i32
      %get3A = arith.index_cast %mul3A_457 : i32 to index
      %get3A_458 = tpu.vector_load %arg8[%get3A] {strides = array<i32>} : memref<2000xi32, #tpu.memory_space<vmem>>, vector<16xi32>,
      %mul3A_459 = arith.constant 16 : i32
      %mul3A_460 = arith.muli %scan3A_454, %mul3A_459 : i32
      %get3A_461 = arith.index_cast %mul3A_460 : i32 to index
      %get3A_462 = tpu.vector_load %arg9[%get3A_461] {strides = array<i32>} : memref<2000xi32, #tpu.memory_space<vmem>>, vector<16xi32>,
      %mul3A_463 = arith.constant 400 : i32
      %mul3A_464 = vector.broadcast %mul3A_463 : i32 to vector<16xi32>
      %mul3A_465 = arith.muli %get3A_458, %mul3A_464 : vector<16xi32>
      %add3A_466 = arith.addi %mul3A_465, %get3A_462 : vector<16xi32>
      %ge3A = vector.broadcast %mul3A_0 : i32 to vector<16xi32>
      %ge3A_467 = arith.cmpi sge, %add3A_466, %ge3A : vector<16xi32>
      %add3A_468 = arith.constant 10000 : i32
      %add3A_469 = arith.addi %mul3A_0, %add3A_468 : i32
      %lt3A = vector.broadcast %add3A_469 : i32 to vector<16xi32>
      %lt3A_470 = arith.cmpi slt, %add3A_466, %lt3A : vector<16xi32>
      %and3A = arith.andi %ge3A_467, %lt3A_470 : vector<16xi1>
      %sub3A = vector.broadcast %mul3A_0 : i32 to vector<16xi32>
      %sub3A_471 = arith.subi %add3A_466, %sub3A : vector<16xi32>
      %jit3A = arith.constant 0 : i32
      %broadcast_in_dim3A = vector.broadcast %jit3A : i32 to vector<16xi32>
      %select_n3A = arith.select %and3A, %sub3A_471, %broadcast_in_dim3A : vector<16xi1>, vector<16xi32>
      %mul3A_472 = arith.constant 16 : i32
      %mul3A_473 = arith.muli %scan3A_454, %mul3A_472 : i32
      %add3A_474 = arith.constant 4000 : i32
      %add3A_475 = arith.addi %add3A_474, %mul3A_473 : i32
      %add3A_476 = vector.broadcast %add3A_475 : i32 to vector<16xi32>
      %add3A_477 = arith.addi %add3A_476, %iota3A : vector<16xi32>
      tpu.vector_store_idx %arg7[%select_n3A], %add3A_477 masked %and3A : memref<10000xi32, #tpu.memory_space<vmem>>[vector<16xi32>], vector<16xi32>, vector<16xi1>
      %scan3A_478 = arith.constant 0 : i32
      scf.yield %scan3A_478 : i32
    }
    %scan3A_37 = arith.constant 125 : i32
    %mul3A_38 = arith.constant 16000 : i32
    %mul3A_39 = arith.muli %add3A_3, %mul3A_38 : i32
    %add3A_40 = arith.constant 6000 : i32
    %add3A_41 = arith.addi %mul3A_39, %add3A_40 : i32
    "tpu.region"() ({
      %run_scoped3A = tpu.sem_alloc : memref<!tpu.dma_semaphore, #tpu.memory_space<semaphore_mem>>
      %dma_start3A_454 = tpu.memref_slice %arg3[%add3A_41] : memref<64000xi32, #tpu.memory_space<hbm>> -> memref<2000xi32, #tpu.memory_space<hbm>>
      %dma_start3A_455 = tpu.memref_slice %arg3[%add3A_41] : memref<64000xi32, #tpu.memory_space<hbm>> -> memref<2000xi32, #tpu.memory_space<hbm>>
      tpu.enqueue_dma source(%dma_start3A_455 : memref<2000xi32, #tpu.memory_space<hbm>>) target(%arg8 : memref<2000xi32, #tpu.memory_space<vmem>>) target_semaphore(%run_scoped3A : memref<!tpu.dma_semaphore, #tpu.memory_space<semaphore_mem>>)
      %dma_wait3A_456 = tpu.memref_slice %arg3[%add3A_41] : memref<64000xi32, #tpu.memory_space<hbm>> -> memref<2000xi32, #tpu.memory_space<hbm>>
      %dma_wait3A_457 = tpu.memref_slice %arg3[%add3A_41] : memref<64000xi32, #tpu.memory_space<hbm>> -> memref<2000xi32, #tpu.memory_space<hbm>>
      tpu.wait_dma2 semaphore(%run_scoped3A : memref<!tpu.dma_semaphore, #tpu.memory_space<semaphore_mem>>) src(%dma_wait3A_457 : memref<2000xi32, #tpu.memory_space<hbm>>) dst(%arg8 : memref<2000xi32, #tpu.memory_space<vmem>>)
      tpu.yield
    }) : () -> ()
    "tpu.region"() ({
      %run_scoped3A = tpu.sem_alloc : memref<!tpu.dma_semaphore, #tpu.memory_space<semaphore_mem>>
      %dma_start3A_454 = tpu.memref_slice %arg4[%add3A_41] : memref<64000xi32, #tpu.memory_space<hbm>> -> memref<2000xi32, #tpu.memory_space<hbm>>
      %dma_start3A_455 = tpu.memref_slice %arg4[%add3A_41] : memref<64000xi32, #tpu.memory_space<hbm>> -> memref<2000xi32, #tpu.memory_space<hbm>>
      tpu.enqueue_dma source(%dma_start3A_455 : memref<2000xi32, #tpu.memory_space<hbm>>) target(%arg9 : memref<2000xi32, #tpu.memory_space<vmem>>) target_semaphore(%run_scoped3A : memref<!tpu.dma_semaphore, #tpu.memory_space<semaphore_mem>>)
      %dma_wait3A_456 = tpu.memref_slice %arg4[%add3A_41] : memref<64000xi32, #tpu.memory_space<hbm>> -> memref<2000xi32, #tpu.memory_space<hbm>>
      %dma_wait3A_457 = tpu.memref_slice %arg4[%add3A_41] : memref<64000xi32, #tpu.memory_space<hbm>> -> memref<2000xi32, #tpu.memory_space<hbm>>
      tpu.wait_dma2 semaphore(%run_scoped3A : memref<!tpu.dma_semaphore, #tpu.memory_space<semaphore_mem>>) src(%dma_wait3A_457 : memref<2000xi32, #tpu.memory_space<hbm>>) dst(%arg9 : memref<2000xi32, #tpu.memory_space<vmem>>)
      tpu.yield
    }) : () -> ()
    %scan3A_42 = arith.constant 0 : i32
    %scan3A_43 = arith.constant 0 : i32
    %scan3A_44 = arith.constant 125 : i32
    %scan3A_45 = arith.addi %scan3A_43, %scan3A_44 : i32
    %scan3A_46 = arith.constant 1 : i32
    %scan3A_47 = scf.for %scan3A_454 = %scan3A_43 to %scan3A_45 step %scan3A_46 iter_args(%scan3A_455 = %scan3A_42) -> (i32)  : i32 {
      %mul3A_456 = arith.constant 16 : i32
      %mul3A_457 = arith.muli %scan3A_454, %mul3A_456 : i32
      %get3A = arith.index_cast %mul3A_457 : i32 to index
      %get3A_458 = tpu.vector_load %arg8[%get3A] {strides = array<i32>} : memref<2000xi32, #tpu.memory_space<vmem>>, vector<16xi32>,
      %mul3A_459 = arith.constant 16 : i32
      %mul3A_460 = arith.muli %scan3A_454, %mul3A_459 : i32
      %get3A_461 = arith.index_cast %mul3A_460 : i32 to index
      %get3A_462 = tpu.vector_load %arg9[%get3A_461] {strides = array<i32>} : memref<2000xi32, #tpu.memory_space<vmem>>, vector<16xi32>,
      %mul3A_463 = arith.constant 400 : i32
      %mul3A_464 = vector.broadcast %mul3A_463 : i32 to vector<16xi32>
      %mul3A_465 = arith.muli %get3A_458, %mul3A_464 : vector<16xi32>
      %add3A_466 = arith.addi %mul3A_465, %get3A_462 : vector<16xi32>
      %ge3A = vector.broadcast %mul3A_0 : i32 to vector<16xi32>
      %ge3A_467 = arith.cmpi sge, %add3A_466, %ge3A : vector<16xi32>
      %add3A_468 = arith.constant 10000 : i32
      %add3A_469 = arith.addi %mul3A_0, %add3A_468 : i32
      %lt3A = vector.broadcast %add3A_469 : i32 to vector<16xi32>
      %lt3A_470 = arith.cmpi slt, %add3A_466, %lt3A : vector<16xi32>
      %and3A = arith.andi %ge3A_467, %lt3A_470 : vector<16xi1>
      %sub3A = vector.broadcast %mul3A_0 : i32 to vector<16xi32>
      %sub3A_471 = arith.subi %add3A_466, %sub3A : vector<16xi32>
      %jit3A = arith.constant 0 : i32
      %broadcast_in_dim3A = vector.broadcast %jit3A : i32 to vector<16xi32>
      %select_n3A = arith.select %and3A, %sub3A_471, %broadcast_in_dim3A : vector<16xi1>, vector<16xi32>
      %mul3A_472 = arith.constant 16 : i32
      %mul3A_473 = arith.muli %scan3A_454, %mul3A_472 : i32
      %add3A_474 = arith.constant 6000 : i32
      %add3A_475 = arith.addi %add3A_474, %mul3A_473 : i32
      %add3A_476 = vector.broadcast %add3A_475 : i32 to vector<16xi32>
      %add3A_477 = arith.addi %add3A_476, %iota3A : vector<16xi32>
      tpu.vector_store_idx %arg7[%select_n3A], %add3A_477 masked %and3A : memref<10000xi32, #tpu.memory_space<vmem>>[vector<16xi32>], vector<16xi32>, vector<16xi1>
      %scan3A_478 = arith.constant 0 : i32
      scf.yield %scan3A_478 : i32
    }
    %scan3A_48 = arith.constant 125 : i32
    %mul3A_49 = arith.constant 16000 : i32
    %mul3A_50 = arith.muli %add3A_3, %mul3A_49 : i32
    %add3A_51 = arith.constant 8000 : i32
    %add3A_52 = arith.addi %mul3A_50, %add3A_51 : i32
    "tpu.region"() ({
      %run_scoped3A = tpu.sem_alloc : memref<!tpu.dma_semaphore, #tpu.memory_space<semaphore_mem>>
      %dma_start3A_454 = tpu.memref_slice %arg3[%add3A_52] : memref<64000xi32, #tpu.memory_space<hbm>> -> memref<2000xi32, #tpu.memory_space<hbm>>
      %dma_start3A_455 = tpu.memref_slice %arg3[%add3A_52] : memref<64000xi32, #tpu.memory_space<hbm>> -> memref<2000xi32, #tpu.memory_space<hbm>>
      tpu.enqueue_dma source(%dma_start3A_455 : memref<2000xi32, #tpu.memory_space<hbm>>) target(%arg8 : memref<2000xi32, #tpu.memory_space<vmem>>) target_semaphore(%run_scoped3A : memref<!tpu.dma_semaphore, #tpu.memory_space<semaphore_mem>>)
      %dma_wait3A_456 = tpu.memref_slice %arg3[%add3A_52] : memref<64000xi32, #tpu.memory_space<hbm>> -> memref<2000xi32, #tpu.memory_space<hbm>>
      %dma_wait3A_457 = tpu.memref_slice %arg3[%add3A_52] : memref<64000xi32, #tpu.memory_space<hbm>> -> memref<2000xi32, #tpu.memory_space<hbm>>
      tpu.wait_dma2 semaphore(%run_scoped3A : memref<!tpu.dma_semaphore, #tpu.memory_space<semaphore_mem>>) src(%dma_wait3A_457 : memref<2000xi32, #tpu.memory_space<hbm>>) dst(%arg8 : memref<2000xi32, #tpu.memory_space<vmem>>)
      tpu.yield
    }) : () -> ()
    "tpu.region"() ({
      %run_scoped3A = tpu.sem_alloc : memref<!tpu.dma_semaphore, #tpu.memory_space<semaphore_mem>>
      %dma_start3A_454 = tpu.memref_slice %arg4[%add3A_52] : memref<64000xi32, #tpu.memory_space<hbm>> -> memref<2000xi32, #tpu.memory_space<hbm>>
      %dma_start3A_455 = tpu.memref_slice %arg4[%add3A_52] : memref<64000xi32, #tpu.memory_space<hbm>> -> memref<2000xi32, #tpu.memory_space<hbm>>
      tpu.enqueue_dma source(%dma_start3A_455 : memref<2000xi32, #tpu.memory_space<hbm>>) target(%arg9 : memref<2000xi32, #tpu.memory_space<vmem>>) target_semaphore(%run_scoped3A : memref<!tpu.dma_semaphore, #tpu.memory_space<semaphore_mem>>)
      %dma_wait3A_456 = tpu.memref_slice %arg4[%add3A_52] : memref<64000xi32, #tpu.memory_space<hbm>> -> memref<2000xi32, #tpu.memory_space<hbm>>
      %dma_wait3A_457 = tpu.memref_slice %arg4[%add3A_52] : memref<64000xi32, #tpu.memory_space<hbm>> -> memref<2000xi32, #tpu.memory_space<hbm>>
      tpu.wait_dma2 semaphore(%run_scoped3A : memref<!tpu.dma_semaphore, #tpu.memory_space<semaphore_mem>>) src(%dma_wait3A_457 : memref<2000xi32, #tpu.memory_space<hbm>>) dst(%arg9 : memref<2000xi32, #tpu.memory_space<vmem>>)
      tpu.yield
    }) : () -> ()
    %scan3A_53 = arith.constant 0 : i32
    %scan3A_54 = arith.constant 0 : i32
    %scan3A_55 = arith.constant 125 : i32
    %scan3A_56 = arith.addi %scan3A_54, %scan3A_55 : i32
    %scan3A_57 = arith.constant 1 : i32
    %scan3A_58 = scf.for %scan3A_454 = %scan3A_54 to %scan3A_56 step %scan3A_57 iter_args(%scan3A_455 = %scan3A_53) -> (i32)  : i32 {
      %mul3A_456 = arith.constant 16 : i32
      %mul3A_457 = arith.muli %scan3A_454, %mul3A_456 : i32
      %get3A = arith.index_cast %mul3A_457 : i32 to index
      %get3A_458 = tpu.vector_load %arg8[%get3A] {strides = array<i32>} : memref<2000xi32, #tpu.memory_space<vmem>>, vector<16xi32>,
      %mul3A_459 = arith.constant 16 : i32
      %mul3A_460 = arith.muli %scan3A_454, %mul3A_459 : i32
      %get3A_461 = arith.index_cast %mul3A_460 : i32 to index
      %get3A_462 = tpu.vector_load %arg9[%get3A_461] {strides = array<i32>} : memref<2000xi32, #tpu.memory_space<vmem>>, vector<16xi32>,
      %mul3A_463 = arith.constant 400 : i32
      %mul3A_464 = vector.broadcast %mul3A_463 : i32 to vector<16xi32>
      %mul3A_465 = arith.muli %get3A_458, %mul3A_464 : vector<16xi32>
      %add3A_466 = arith.addi %mul3A_465, %get3A_462 : vector<16xi32>
      %ge3A = vector.broadcast %mul3A_0 : i32 to vector<16xi32>
      %ge3A_467 = arith.cmpi sge, %add3A_466, %ge3A : vector<16xi32>
      %add3A_468 = arith.constant 10000 : i32
      %add3A_469 = arith.addi %mul3A_0, %add3A_468 : i32
      %lt3A = vector.broadcast %add3A_469 : i32 to vector<16xi32>
      %lt3A_470 = arith.cmpi slt, %add3A_466, %lt3A : vector<16xi32>
      %and3A = arith.andi %ge3A_467, %lt3A_470 : vector<16xi1>
      %sub3A = vector.broadcast %mul3A_0 : i32 to vector<16xi32>
      %sub3A_471 = arith.subi %add3A_466, %sub3A : vector<16xi32>
      %jit3A = arith.constant 0 : i32
      %broadcast_in_dim3A = vector.broadcast %jit3A : i32 to vector<16xi32>
      %select_n3A = arith.select %and3A, %sub3A_471, %broadcast_in_dim3A : vector<16xi1>, vector<16xi32>
      %mul3A_472 = arith.constant 16 : i32
      %mul3A_473 = arith.muli %scan3A_454, %mul3A_472 : i32
      %add3A_474 = arith.constant 8000 : i32
      %add3A_475 = arith.addi %add3A_474, %mul3A_473 : i32
      %add3A_476 = vector.broadcast %add3A_475 : i32 to vector<16xi32>
      %add3A_477 = arith.addi %add3A_476, %iota3A : vector<16xi32>
      tpu.vector_store_idx %arg7[%select_n3A], %add3A_477 masked %and3A : memref<10000xi32, #tpu.memory_space<vmem>>[vector<16xi32>], vector<16xi32>, vector<16xi1>
      %scan3A_478 = arith.constant 0 : i32
      scf.yield %scan3A_478 : i32
    }
    %scan3A_59 = arith.constant 125 : i32
    %mul3A_60 = arith.constant 16000 : i32
    %mul3A_61 = arith.muli %add3A_3, %mul3A_60 : i32
    %add3A_62 = arith.constant 10000 : i32
    %add3A_63 = arith.addi %mul3A_61, %add3A_62 : i32
    "tpu.region"() ({
      %run_scoped3A = tpu.sem_alloc : memref<!tpu.dma_semaphore, #tpu.memory_space<semaphore_mem>>
      %dma_start3A_454 = tpu.memref_slice %arg3[%add3A_63] : memref<64000xi32, #tpu.memory_space<hbm>> -> memref<2000xi32, #tpu.memory_space<hbm>>
      %dma_start3A_455 = tpu.memref_slice %arg3[%add3A_63] : memref<64000xi32, #tpu.memory_space<hbm>> -> memref<2000xi32, #tpu.memory_space<hbm>>
      tpu.enqueue_dma source(%dma_start3A_455 : memref<2000xi32, #tpu.memory_space<hbm>>) target(%arg8 : memref<2000xi32, #tpu.memory_space<vmem>>) target_semaphore(%run_scoped3A : memref<!tpu.dma_semaphore, #tpu.memory_space<semaphore_mem>>)
      %dma_wait3A_456 = tpu.memref_slice %arg3[%add3A_63] : memref<64000xi32, #tpu.memory_space<hbm>> -> memref<2000xi32, #tpu.memory_space<hbm>>
      %dma_wait3A_457 = tpu.memref_slice %arg3[%add3A_63] : memref<64000xi32, #tpu.memory_space<hbm>> -> memref<2000xi32, #tpu.memory_space<hbm>>
      tpu.wait_dma2 semaphore(%run_scoped3A : memref<!tpu.dma_semaphore, #tpu.memory_space<semaphore_mem>>) src(%dma_wait3A_457 : memref<2000xi32, #tpu.memory_space<hbm>>) dst(%arg8 : memref<2000xi32, #tpu.memory_space<vmem>>)
      tpu.yield
    }) : () -> ()
    "tpu.region"() ({
      %run_scoped3A = tpu.sem_alloc : memref<!tpu.dma_semaphore, #tpu.memory_space<semaphore_mem>>
      %dma_start3A_454 = tpu.memref_slice %arg4[%add3A_63] : memref<64000xi32, #tpu.memory_space<hbm>> -> memref<2000xi32, #tpu.memory_space<hbm>>
      %dma_start3A_455 = tpu.memref_slice %arg4[%add3A_63] : memref<64000xi32, #tpu.memory_space<hbm>> -> memref<2000xi32, #tpu.memory_space<hbm>>
      tpu.enqueue_dma source(%dma_start3A_455 : memref<2000xi32, #tpu.memory_space<hbm>>) target(%arg9 : memref<2000xi32, #tpu.memory_space<vmem>>) target_semaphore(%run_scoped3A : memref<!tpu.dma_semaphore, #tpu.memory_space<semaphore_mem>>)
      %dma_wait3A_456 = tpu.memref_slice %arg4[%add3A_63] : memref<64000xi32, #tpu.memory_space<hbm>> -> memref<2000xi32, #tpu.memory_space<hbm>>
      %dma_wait3A_457 = tpu.memref_slice %arg4[%add3A_63] : memref<64000xi32, #tpu.memory_space<hbm>> -> memref<2000xi32, #tpu.memory_space<hbm>>
      tpu.wait_dma2 semaphore(%run_scoped3A : memref<!tpu.dma_semaphore, #tpu.memory_space<semaphore_mem>>) src(%dma_wait3A_457 : memref<2000xi32, #tpu.memory_space<hbm>>) dst(%arg9 : memref<2000xi32, #tpu.memory_space<vmem>>)
      tpu.yield
    }) : () -> ()
    %scan3A_64 = arith.constant 0 : i32
    %scan3A_65 = arith.constant 0 : i32
    %scan3A_66 = arith.constant 125 : i32
    %scan3A_67 = arith.addi %scan3A_65, %scan3A_66 : i32
    %scan3A_68 = arith.constant 1 : i32
    %scan3A_69 = scf.for %scan3A_454 = %scan3A_65 to %scan3A_67 step %scan3A_68 iter_args(%scan3A_455 = %scan3A_64) -> (i32)  : i32 {
      %mul3A_456 = arith.constant 16 : i32
      %mul3A_457 = arith.muli %scan3A_454, %mul3A_456 : i32
      %get3A = arith.index_cast %mul3A_457 : i32 to index
      %get3A_458 = tpu.vector_load %arg8[%get3A] {strides = array<i32>} : memref<2000xi32, #tpu.memory_space<vmem>>, vector<16xi32>,
      %mul3A_459 = arith.constant 16 : i32
      %mul3A_460 = arith.muli %scan3A_454, %mul3A_459 : i32
      %get3A_461 = arith.index_cast %mul3A_460 : i32 to index
      %get3A_462 = tpu.vector_load %arg9[%get3A_461] {strides = array<i32>} : memref<2000xi32, #tpu.memory_space<vmem>>, vector<16xi32>,
      %mul3A_463 = arith.constant 400 : i32
      %mul3A_464 = vector.broadcast %mul3A_463 : i32 to vector<16xi32>
      %mul3A_465 = arith.muli %get3A_458, %mul3A_464 : vector<16xi32>
      %add3A_466 = arith.addi %mul3A_465, %get3A_462 : vector<16xi32>
      %ge3A = vector.broadcast %mul3A_0 : i32 to vector<16xi32>
      %ge3A_467 = arith.cmpi sge, %add3A_466, %ge3A : vector<16xi32>
      %add3A_468 = arith.constant 10000 : i32
      %add3A_469 = arith.addi %mul3A_0, %add3A_468 : i32
      %lt3A = vector.broadcast %add3A_469 : i32 to vector<16xi32>
      %lt3A_470 = arith.cmpi slt, %add3A_466, %lt3A : vector<16xi32>
      %and3A = arith.andi %ge3A_467, %lt3A_470 : vector<16xi1>
      %sub3A = vector.broadcast %mul3A_0 : i32 to vector<16xi32>
      %sub3A_471 = arith.subi %add3A_466, %sub3A : vector<16xi32>
      %jit3A = arith.constant 0 : i32
      %broadcast_in_dim3A = vector.broadcast %jit3A : i32 to vector<16xi32>
      %select_n3A = arith.select %and3A, %sub3A_471, %broadcast_in_dim3A : vector<16xi1>, vector<16xi32>
      %mul3A_472 = arith.constant 16 : i32
      %mul3A_473 = arith.muli %scan3A_454, %mul3A_472 : i32
      %add3A_474 = arith.constant 10000 : i32
      %add3A_475 = arith.addi %add3A_474, %mul3A_473 : i32
      %add3A_476 = vector.broadcast %add3A_475 : i32 to vector<16xi32>
      %add3A_477 = arith.addi %add3A_476, %iota3A : vector<16xi32>
      tpu.vector_store_idx %arg7[%select_n3A], %add3A_477 masked %and3A : memref<10000xi32, #tpu.memory_space<vmem>>[vector<16xi32>], vector<16xi32>, vector<16xi1>
      %scan3A_478 = arith.constant 0 : i32
      scf.yield %scan3A_478 : i32
    }
    %scan3A_70 = arith.constant 125 : i32
    %mul3A_71 = arith.constant 16000 : i32
    %mul3A_72 = arith.muli %add3A_3, %mul3A_71 : i32
    %add3A_73 = arith.constant 12000 : i32
    %add3A_74 = arith.addi %mul3A_72, %add3A_73 : i32
    "tpu.region"() ({
      %run_scoped3A = tpu.sem_alloc : memref<!tpu.dma_semaphore, #tpu.memory_space<semaphore_mem>>
      %dma_start3A_454 = tpu.memref_slice %arg3[%add3A_74] : memref<64000xi32, #tpu.memory_space<hbm>> -> memref<2000xi32, #tpu.memory_space<hbm>>
      %dma_start3A_455 = tpu.memref_slice %arg3[%add3A_74] : memref<64000xi32, #tpu.memory_space<hbm>> -> memref<2000xi32, #tpu.memory_space<hbm>>
      tpu.enqueue_dma source(%dma_start3A_455 : memref<2000xi32, #tpu.memory_space<hbm>>) target(%arg8 : memref<2000xi32, #tpu.memory_space<vmem>>) target_semaphore(%run_scoped3A : memref<!tpu.dma_semaphore, #tpu.memory_space<semaphore_mem>>)
      %dma_wait3A_456 = tpu.memref_slice %arg3[%add3A_74] : memref<64000xi32, #tpu.memory_space<hbm>> -> memref<2000xi32, #tpu.memory_space<hbm>>
      %dma_wait3A_457 = tpu.memref_slice %arg3[%add3A_74] : memref<64000xi32, #tpu.memory_space<hbm>> -> memref<2000xi32, #tpu.memory_space<hbm>>
      tpu.wait_dma2 semaphore(%run_scoped3A : memref<!tpu.dma_semaphore, #tpu.memory_space<semaphore_mem>>) src(%dma_wait3A_457 : memref<2000xi32, #tpu.memory_space<hbm>>) dst(%arg8 : memref<2000xi32, #tpu.memory_space<vmem>>)
      tpu.yield
    }) : () -> ()
    "tpu.region"() ({
      %run_scoped3A = tpu.sem_alloc : memref<!tpu.dma_semaphore, #tpu.memory_space<semaphore_mem>>
      %dma_start3A_454 = tpu.memref_slice %arg4[%add3A_74] : memref<64000xi32, #tpu.memory_space<hbm>> -> memref<2000xi32, #tpu.memory_space<hbm>>
      %dma_start3A_455 = tpu.memref_slice %arg4[%add3A_74] : memref<64000xi32, #tpu.memory_space<hbm>> -> memref<2000xi32, #tpu.memory_space<hbm>>
      tpu.enqueue_dma source(%dma_start3A_455 : memref<2000xi32, #tpu.memory_space<hbm>>) target(%arg9 : memref<2000xi32, #tpu.memory_space<vmem>>) target_semaphore(%run_scoped3A : memref<!tpu.dma_semaphore, #tpu.memory_space<semaphore_mem>>)
      %dma_wait3A_456 = tpu.memref_slice %arg4[%add3A_74] : memref<64000xi32, #tpu.memory_space<hbm>> -> memref<2000xi32, #tpu.memory_space<hbm>>
      %dma_wait3A_457 = tpu.memref_slice %arg4[%add3A_74] : memref<64000xi32, #tpu.memory_space<hbm>> -> memref<2000xi32, #tpu.memory_space<hbm>>
      tpu.wait_dma2 semaphore(%run_scoped3A : memref<!tpu.dma_semaphore, #tpu.memory_space<semaphore_mem>>) src(%dma_wait3A_457 : memref<2000xi32, #tpu.memory_space<hbm>>) dst(%arg9 : memref<2000xi32, #tpu.memory_space<vmem>>)
      tpu.yield
    }) : () -> ()
    %scan3A_75 = arith.constant 0 : i32
    %scan3A_76 = arith.constant 0 : i32
    %scan3A_77 = arith.constant 125 : i32
    %scan3A_78 = arith.addi %scan3A_76, %scan3A_77 : i32
    %scan3A_79 = arith.constant 1 : i32
    %scan3A_80 = scf.for %scan3A_454 = %scan3A_76 to %scan3A_78 step %scan3A_79 iter_args(%scan3A_455 = %scan3A_75) -> (i32)  : i32 {
      %mul3A_456 = arith.constant 16 : i32
      %mul3A_457 = arith.muli %scan3A_454, %mul3A_456 : i32
      %get3A = arith.index_cast %mul3A_457 : i32 to index
      %get3A_458 = tpu.vector_load %arg8[%get3A] {strides = array<i32>} : memref<2000xi32, #tpu.memory_space<vmem>>, vector<16xi32>,
      %mul3A_459 = arith.constant 16 : i32
      %mul3A_460 = arith.muli %scan3A_454, %mul3A_459 : i32
      %get3A_461 = arith.index_cast %mul3A_460 : i32 to index
      %get3A_462 = tpu.vector_load %arg9[%get3A_461] {strides = array<i32>} : memref<2000xi32, #tpu.memory_space<vmem>>, vector<16xi32>,
      %mul3A_463 = arith.constant 400 : i32
      %mul3A_464 = vector.broadcast %mul3A_463 : i32 to vector<16xi32>
      %mul3A_465 = arith.muli %get3A_458, %mul3A_464 : vector<16xi32>
      %add3A_466 = arith.addi %mul3A_465, %get3A_462 : vector<16xi32>
      %ge3A = vector.broadcast %mul3A_0 : i32 to vector<16xi32>
      %ge3A_467 = arith.cmpi sge, %add3A_466, %ge3A : vector<16xi32>
      %add3A_468 = arith.constant 10000 : i32
      %add3A_469 = arith.addi %mul3A_0, %add3A_468 : i32
      %lt3A = vector.broadcast %add3A_469 : i32 to vector<16xi32>
      %lt3A_470 = arith.cmpi slt, %add3A_466, %lt3A : vector<16xi32>
      %and3A = arith.andi %ge3A_467, %lt3A_470 : vector<16xi1>
      %sub3A = vector.broadcast %mul3A_0 : i32 to vector<16xi32>
      %sub3A_471 = arith.subi %add3A_466, %sub3A : vector<16xi32>
      %jit3A = arith.constant 0 : i32
      %broadcast_in_dim3A = vector.broadcast %jit3A : i32 to vector<16xi32>
      %select_n3A = arith.select %and3A, %sub3A_471, %broadcast_in_dim3A : vector<16xi1>, vector<16xi32>
      %mul3A_472 = arith.constant 16 : i32
      %mul3A_473 = arith.muli %scan3A_454, %mul3A_472 : i32
      %add3A_474 = arith.constant 12000 : i32
      %add3A_475 = arith.addi %add3A_474, %mul3A_473 : i32
      %add3A_476 = vector.broadcast %add3A_475 : i32 to vector<16xi32>
      %add3A_477 = arith.addi %add3A_476, %iota3A : vector<16xi32>
      tpu.vector_store_idx %arg7[%select_n3A], %add3A_477 masked %and3A : memref<10000xi32, #tpu.memory_space<vmem>>[vector<16xi32>], vector<16xi32>, vector<16xi1>
      %scan3A_478 = arith.constant 0 : i32
      scf.yield %scan3A_478 : i32
    }
    %scan3A_81 = arith.constant 125 : i32
    %mul3A_82 = arith.constant 16000 : i32
    %mul3A_83 = arith.muli %add3A_3, %mul3A_82 : i32
    %add3A_84 = arith.constant 14000 : i32
    %add3A_85 = arith.addi %mul3A_83, %add3A_84 : i32
    "tpu.region"() ({
      %run_scoped3A = tpu.sem_alloc : memref<!tpu.dma_semaphore, #tpu.memory_space<semaphore_mem>>
      %dma_start3A_454 = tpu.memref_slice %arg3[%add3A_85] : memref<64000xi32, #tpu.memory_space<hbm>> -> memref<2000xi32, #tpu.memory_space<hbm>>
      %dma_start3A_455 = tpu.memref_slice %arg3[%add3A_85] : memref<64000xi32, #tpu.memory_space<hbm>> -> memref<2000xi32, #tpu.memory_space<hbm>>
      tpu.enqueue_dma source(%dma_start3A_455 : memref<2000xi32, #tpu.memory_space<hbm>>) target(%arg8 : memref<2000xi32, #tpu.memory_space<vmem>>) target_semaphore(%run_scoped3A : memref<!tpu.dma_semaphore, #tpu.memory_space<semaphore_mem>>)
      %dma_wait3A_456 = tpu.memref_slice %arg3[%add3A_85] : memref<64000xi32, #tpu.memory_space<hbm>> -> memref<2000xi32, #tpu.memory_space<hbm>>
      %dma_wait3A_457 = tpu.memref_slice %arg3[%add3A_85] : memref<64000xi32, #tpu.memory_space<hbm>> -> memref<2000xi32, #tpu.memory_space<hbm>>
      tpu.wait_dma2 semaphore(%run_scoped3A : memref<!tpu.dma_semaphore, #tpu.memory_space<semaphore_mem>>) src(%dma_wait3A_457 : memref<2000xi32, #tpu.memory_space<hbm>>) dst(%arg8 : memref<2000xi32, #tpu.memory_space<vmem>>)
      tpu.yield
    }) : () -> ()
    "tpu.region"() ({
      %run_scoped3A = tpu.sem_alloc : memref<!tpu.dma_semaphore, #tpu.memory_space<semaphore_mem>>
      %dma_start3A_454 = tpu.memref_slice %arg4[%add3A_85] : memref<64000xi32, #tpu.memory_space<hbm>> -> memref<2000xi32, #tpu.memory_space<hbm>>
      %dma_start3A_455 = tpu.memref_slice %arg4[%add3A_85] : memref<64000xi32, #tpu.memory_space<hbm>> -> memref<2000xi32, #tpu.memory_space<hbm>>
      tpu.enqueue_dma source(%dma_start3A_455 : memref<2000xi32, #tpu.memory_space<hbm>>) target(%arg9 : memref<2000xi32, #tpu.memory_space<vmem>>) target_semaphore(%run_scoped3A : memref<!tpu.dma_semaphore, #tpu.memory_space<semaphore_mem>>)
      %dma_wait3A_456 = tpu.memref_slice %arg4[%add3A_85] : memref<64000xi32, #tpu.memory_space<hbm>> -> memref<2000xi32, #tpu.memory_space<hbm>>
      %dma_wait3A_457 = tpu.memref_slice %arg4[%add3A_85] : memref<64000xi32, #tpu.memory_space<hbm>> -> memref<2000xi32, #tpu.memory_space<hbm>>
      tpu.wait_dma2 semaphore(%run_scoped3A : memref<!tpu.dma_semaphore, #tpu.memory_space<semaphore_mem>>) src(%dma_wait3A_457 : memref<2000xi32, #tpu.memory_space<hbm>>) dst(%arg9 : memref<2000xi32, #tpu.memory_space<vmem>>)
      tpu.yield
    }) : () -> ()
    %scan3A_86 = arith.constant 0 : i32
    %scan3A_87 = arith.constant 0 : i32
    %scan3A_88 = arith.constant 125 : i32
    %scan3A_89 = arith.addi %scan3A_87, %scan3A_88 : i32
    %scan3A_90 = arith.constant 1 : i32
    %scan3A_91 = scf.for %scan3A_454 = %scan3A_87 to %scan3A_89 step %scan3A_90 iter_args(%scan3A_455 = %scan3A_86) -> (i32)  : i32 {
      %mul3A_456 = arith.constant 16 : i32
      %mul3A_457 = arith.muli %scan3A_454, %mul3A_456 : i32
      %get3A = arith.index_cast %mul3A_457 : i32 to index
      %get3A_458 = tpu.vector_load %arg8[%get3A] {strides = array<i32>} : memref<2000xi32, #tpu.memory_space<vmem>>, vector<16xi32>,
      %mul3A_459 = arith.constant 16 : i32
      %mul3A_460 = arith.muli %scan3A_454, %mul3A_459 : i32
      %get3A_461 = arith.index_cast %mul3A_460 : i32 to index
      %get3A_462 = tpu.vector_load %arg9[%get3A_461] {strides = array<i32>} : memref<2000xi32, #tpu.memory_space<vmem>>, vector<16xi32>,
      %mul3A_463 = arith.constant 400 : i32
      %mul3A_464 = vector.broadcast %mul3A_463 : i32 to vector<16xi32>
      %mul3A_465 = arith.muli %get3A_458, %mul3A_464 : vector<16xi32>
      %add3A_466 = arith.addi %mul3A_465, %get3A_462 : vector<16xi32>
      %ge3A = vector.broadcast %mul3A_0 : i32 to vector<16xi32>
      %ge3A_467 = arith.cmpi sge, %add3A_466, %ge3A : vector<16xi32>
      %add3A_468 = arith.constant 10000 : i32
      %add3A_469 = arith.addi %mul3A_0, %add3A_468 : i32
      %lt3A = vector.broadcast %add3A_469 : i32 to vector<16xi32>
      %lt3A_470 = arith.cmpi slt, %add3A_466, %lt3A : vector<16xi32>
      %and3A = arith.andi %ge3A_467, %lt3A_470 : vector<16xi1>
      %sub3A = vector.broadcast %mul3A_0 : i32 to vector<16xi32>
      %sub3A_471 = arith.subi %add3A_466, %sub3A : vector<16xi32>
      %jit3A = arith.constant 0 : i32
      %broadcast_in_dim3A = vector.broadcast %jit3A : i32 to vector<16xi32>
      %select_n3A = arith.select %and3A, %sub3A_471, %broadcast_in_dim3A : vector<16xi1>, vector<16xi32>
      %mul3A_472 = arith.constant 16 : i32
      %mul3A_473 = arith.muli %scan3A_454, %mul3A_472 : i32
      %add3A_474 = arith.constant 14000 : i32
      %add3A_475 = arith.addi %add3A_474, %mul3A_473 : i32
      %add3A_476 = vector.broadcast %add3A_475 : i32 to vector<16xi32>
      %add3A_477 = arith.addi %add3A_476, %iota3A : vector<16xi32>
      tpu.vector_store_idx %arg7[%select_n3A], %add3A_477 masked %and3A : memref<10000xi32, #tpu.memory_space<vmem>>[vector<16xi32>], vector<16xi32>, vector<16xi1>
      %scan3A_478 = arith.constant 0 : i32
      scf.yield %scan3A_478 : i32
    }
    %scan3A_92 = arith.constant 125 : i32
    %mul3A_93 = arith.constant 160000 : i32
    %mul3A_94 = arith.muli %add3A_3, %mul3A_93 : i32
    %add3A_95 = arith.addi %mul3A_94, %mul3A_0 : i32
    "tpu.region"() ({
      %run_scoped3A = tpu.sem_alloc : memref<!tpu.dma_semaphore, #tpu.memory_space<semaphore_mem>>
      %dma_start3A_454 = tpu.memref_slice %arg6[%add3A_95] : memref<640000xi32, #tpu.memory_space<hbm>> -> memref<10000xi32, #tpu.memory_space<hbm>>
      %dma_start3A_455 = tpu.memref_slice %arg6[%add3A_95] : memref<640000xi32, #tpu.memory_space<hbm>> -> memref<10000xi32, #tpu.memory_space<hbm>>
      tpu.enqueue_dma source(%arg7 : memref<10000xi32, #tpu.memory_space<vmem>>) target(%dma_start3A_455 : memref<10000xi32, #tpu.memory_space<hbm>>) target_semaphore(%run_scoped3A : memref<!tpu.dma_semaphore, #tpu.memory_space<semaphore_mem>>)
      %dma_wait3A_456 = tpu.memref_slice %arg6[%add3A_95] : memref<640000xi32, #tpu.memory_space<hbm>> -> memref<10000xi32, #tpu.memory_space<hbm>>
      %dma_wait3A_457 = tpu.memref_slice %arg6[%add3A_95] : memref<640000xi32, #tpu.memory_space<hbm>> -> memref<10000xi32, #tpu.memory_space<hbm>>
      tpu.wait_dma2 semaphore(%run_scoped3A : memref<!tpu.dma_semaphore, #tpu.memory_space<semaphore_mem>>) src(%arg7 : memref<10000xi32, #tpu.memory_space<vmem>>) dst(%dma_wait3A_457 : memref<10000xi32, #tpu.memory_space<hbm>>)
      tpu.yield
    }) : () -> ()
    %mul3A_96 = arith.constant 2 : i32
    %mul3A_97 = arith.muli %mul3A_96, %arg0 : i32
    %add3A_98 = arith.constant 1 : i32
    %add3A_99 = arith.addi %mul3A_97, %add3A_98 : i32
    %parallel_loop3A_100 = arith.constant 0 : i32
    %parallel_loop3A_101 = arith.constant 625 : i32
    %parallel_loop3A_102 = arith.constant 1 : i32
    scf.for %parallel_loop3A_454 = %parallel_loop3A_100 to %parallel_loop3A_101 step %parallel_loop3A_102  : i32 {
      %parallel_loop3A_455 = arith.constant 16000 : i32
      %parallel_loop3A_456 = vector.broadcast %parallel_loop3A_455 : i32 to vector<16xi32>
      %parallel_loop3A_457 = arith.constant 16 : i32
      %parallel_loop3A_458 = arith.muli %parallel_loop3A_454, %parallel_loop3A_457 : i32
      %parallel_loop3A_459 = arith.index_cast %parallel_loop3A_458 : i32 to index
      %parallel_loop3A_460 = tpu.vector_load %arg7[%parallel_loop3A_459] {strides = array<i32>} : memref<10000xi32, #tpu.memory_space<vmem>>, vector<16xi32>,
      tpu.vector_store %arg7[%parallel_loop3A_459], %parallel_loop3A_456 {strides = array<i32>} : memref<10000xi32, #tpu.memory_space<vmem>>, vector<16xi32>,
    } {sc.loop_unroll_factor = 8 : i64, sc.parallel_access}
    %mul3A_103 = arith.constant 16000 : i32
    %mul3A_104 = arith.muli %add3A_99, %mul3A_103 : i32
    %add3A_105 = arith.constant 0 : i32
    %add3A_106 = arith.addi %mul3A_104, %add3A_105 : i32
    "tpu.region"() ({
      %run_scoped3A = tpu.sem_alloc : memref<!tpu.dma_semaphore, #tpu.memory_space<semaphore_mem>>
      %dma_start3A_454 = tpu.memref_slice %arg3[%add3A_106] : memref<64000xi32, #tpu.memory_space<hbm>> -> memref<2000xi32, #tpu.memory_space<hbm>>
      %dma_start3A_455 = tpu.memref_slice %arg3[%add3A_106] : memref<64000xi32, #tpu.memory_space<hbm>> -> memref<2000xi32, #tpu.memory_space<hbm>>
      tpu.enqueue_dma source(%dma_start3A_455 : memref<2000xi32, #tpu.memory_space<hbm>>) target(%arg8 : memref<2000xi32, #tpu.memory_space<vmem>>) target_semaphore(%run_scoped3A : memref<!tpu.dma_semaphore, #tpu.memory_space<semaphore_mem>>)
      %dma_wait3A_456 = tpu.memref_slice %arg3[%add3A_106] : memref<64000xi32, #tpu.memory_space<hbm>> -> memref<2000xi32, #tpu.memory_space<hbm>>
      %dma_wait3A_457 = tpu.memref_slice %arg3[%add3A_106] : memref<64000xi32, #tpu.memory_space<hbm>> -> memref<2000xi32, #tpu.memory_space<hbm>>
      tpu.wait_dma2 semaphore(%run_scoped3A : memref<!tpu.dma_semaphore, #tpu.memory_space<semaphore_mem>>) src(%dma_wait3A_457 : memref<2000xi32, #tpu.memory_space<hbm>>) dst(%arg8 : memref<2000xi32, #tpu.memory_space<vmem>>)
      tpu.yield
    }) : () -> ()
    "tpu.region"() ({
      %run_scoped3A = tpu.sem_alloc : memref<!tpu.dma_semaphore, #tpu.memory_space<semaphore_mem>>
      %dma_start3A_454 = tpu.memref_slice %arg4[%add3A_106] : memref<64000xi32, #tpu.memory_space<hbm>> -> memref<2000xi32, #tpu.memory_space<hbm>>
      %dma_start3A_455 = tpu.memref_slice %arg4[%add3A_106] : memref<64000xi32, #tpu.memory_space<hbm>> -> memref<2000xi32, #tpu.memory_space<hbm>>
      tpu.enqueue_dma source(%dma_start3A_455 : memref<2000xi32, #tpu.memory_space<hbm>>) target(%arg9 : memref<2000xi32, #tpu.memory_space<vmem>>) target_semaphore(%run_scoped3A : memref<!tpu.dma_semaphore, #tpu.memory_space<semaphore_mem>>)
      %dma_wait3A_456 = tpu.memref_slice %arg4[%add3A_106] : memref<64000xi32, #tpu.memory_space<hbm>> -> memref<2000xi32, #tpu.memory_space<hbm>>
      %dma_wait3A_457 = tpu.memref_slice %arg4[%add3A_106] : memref<64000xi32, #tpu.memory_space<hbm>> -> memref<2000xi32, #tpu.memory_space<hbm>>
      tpu.wait_dma2 semaphore(%run_scoped3A : memref<!tpu.dma_semaphore, #tpu.memory_space<semaphore_mem>>) src(%dma_wait3A_457 : memref<2000xi32, #tpu.memory_space<hbm>>) dst(%arg9 : memref<2000xi32, #tpu.memory_space<vmem>>)
      tpu.yield
    }) : () -> ()
    %scan3A_107 = arith.constant 0 : i32
    %scan3A_108 = arith.constant 0 : i32
    %scan3A_109 = arith.constant 125 : i32
    %scan3A_110 = arith.addi %scan3A_108, %scan3A_109 : i32
    %scan3A_111 = arith.constant 1 : i32
    %scan3A_112 = scf.for %scan3A_454 = %scan3A_108 to %scan3A_110 step %scan3A_111 iter_args(%scan3A_455 = %scan3A_107) -> (i32)  : i32 {
      %mul3A_456 = arith.constant 16 : i32
      %mul3A_457 = arith.muli %scan3A_454, %mul3A_456 : i32
      %get3A = arith.index_cast %mul3A_457 : i32 to index
      %get3A_458 = tpu.vector_load %arg8[%get3A] {strides = array<i32>} : memref<2000xi32, #tpu.memory_space<vmem>>, vector<16xi32>,
      %mul3A_459 = arith.constant 16 : i32
      %mul3A_460 = arith.muli %scan3A_454, %mul3A_459 : i32
      %get3A_461 = arith.index_cast %mul3A_460 : i32 to index
      %get3A_462 = tpu.vector_load %arg9[%get3A_461] {strides = array<i32>} : memref<2000xi32, #tpu.memory_space<vmem>>, vector<16xi32>,
      %mul3A_463 = arith.constant 400 : i32
      %mul3A_464 = vector.broadcast %mul3A_463 : i32 to vector<16xi32>
      %mul3A_465 = arith.muli %get3A_458, %mul3A_464 : vector<16xi32>
      %add3A_466 = arith.addi %mul3A_465, %get3A_462 : vector<16xi32>
      %ge3A = vector.broadcast %mul3A_0 : i32 to vector<16xi32>
      %ge3A_467 = arith.cmpi sge, %add3A_466, %ge3A : vector<16xi32>
      %add3A_468 = arith.constant 10000 : i32
      %add3A_469 = arith.addi %mul3A_0, %add3A_468 : i32
      %lt3A = vector.broadcast %add3A_469 : i32 to vector<16xi32>
      %lt3A_470 = arith.cmpi slt, %add3A_466, %lt3A : vector<16xi32>
      %and3A = arith.andi %ge3A_467, %lt3A_470 : vector<16xi1>
      %sub3A = vector.broadcast %mul3A_0 : i32 to vector<16xi32>
      %sub3A_471 = arith.subi %add3A_466, %sub3A : vector<16xi32>
      %jit3A = arith.constant 0 : i32
      %broadcast_in_dim3A = vector.broadcast %jit3A : i32 to vector<16xi32>
      %select_n3A = arith.select %and3A, %sub3A_471, %broadcast_in_dim3A : vector<16xi1>, vector<16xi32>
      %mul3A_472 = arith.constant 16 : i32
      %mul3A_473 = arith.muli %scan3A_454, %mul3A_472 : i32
      %add3A_474 = arith.constant 0 : i32
      %add3A_475 = arith.addi %add3A_474, %mul3A_473 : i32
      %add3A_476 = vector.broadcast %add3A_475 : i32 to vector<16xi32>
      %add3A_477 = arith.addi %add3A_476, %iota3A : vector<16xi32>
      tpu.vector_store_idx %arg7[%select_n3A], %add3A_477 masked %and3A : memref<10000xi32, #tpu.memory_space<vmem>>[vector<16xi32>], vector<16xi32>, vector<16xi1>
      %scan3A_478 = arith.constant 0 : i32
      scf.yield %scan3A_478 : i32
    }
    %scan3A_113 = arith.constant 125 : i32
    %mul3A_114 = arith.constant 16000 : i32
    %mul3A_115 = arith.muli %add3A_99, %mul3A_114 : i32
    %add3A_116 = arith.constant 2000 : i32
    %add3A_117 = arith.addi %mul3A_115, %add3A_116 : i32
    "tpu.region"() ({
      %run_scoped3A = tpu.sem_alloc : memref<!tpu.dma_semaphore, #tpu.memory_space<semaphore_mem>>
      %dma_start3A_454 = tpu.memref_slice %arg3[%add3A_117] : memref<64000xi32, #tpu.memory_space<hbm>> -> memref<2000xi32, #tpu.memory_space<hbm>>
      %dma_start3A_455 = tpu.memref_slice %arg3[%add3A_117] : memref<64000xi32, #tpu.memory_space<hbm>> -> memref<2000xi32, #tpu.memory_space<hbm>>
      tpu.enqueue_dma source(%dma_start3A_455 : memref<2000xi32, #tpu.memory_space<hbm>>) target(%arg8 : memref<2000xi32, #tpu.memory_space<vmem>>) target_semaphore(%run_scoped3A : memref<!tpu.dma_semaphore, #tpu.memory_space<semaphore_mem>>)
      %dma_wait3A_456 = tpu.memref_slice %arg3[%add3A_117] : memref<64000xi32, #tpu.memory_space<hbm>> -> memref<2000xi32, #tpu.memory_space<hbm>>
      %dma_wait3A_457 = tpu.memref_slice %arg3[%add3A_117] : memref<64000xi32, #tpu.memory_space<hbm>> -> memref<2000xi32, #tpu.memory_space<hbm>>
      tpu.wait_dma2 semaphore(%run_scoped3A : memref<!tpu.dma_semaphore, #tpu.memory_space<semaphore_mem>>) src(%dma_wait3A_457 : memref<2000xi32, #tpu.memory_space<hbm>>) dst(%arg8 : memref<2000xi32, #tpu.memory_space<vmem>>)
      tpu.yield
    }) : () -> ()
    "tpu.region"() ({
      %run_scoped3A = tpu.sem_alloc : memref<!tpu.dma_semaphore, #tpu.memory_space<semaphore_mem>>
      %dma_start3A_454 = tpu.memref_slice %arg4[%add3A_117] : memref<64000xi32, #tpu.memory_space<hbm>> -> memref<2000xi32, #tpu.memory_space<hbm>>
      %dma_start3A_455 = tpu.memref_slice %arg4[%add3A_117] : memref<64000xi32, #tpu.memory_space<hbm>> -> memref<2000xi32, #tpu.memory_space<hbm>>
      tpu.enqueue_dma source(%dma_start3A_455 : memref<2000xi32, #tpu.memory_space<hbm>>) target(%arg9 : memref<2000xi32, #tpu.memory_space<vmem>>) target_semaphore(%run_scoped3A : memref<!tpu.dma_semaphore, #tpu.memory_space<semaphore_mem>>)
      %dma_wait3A_456 = tpu.memref_slice %arg4[%add3A_117] : memref<64000xi32, #tpu.memory_space<hbm>> -> memref<2000xi32, #tpu.memory_space<hbm>>
      %dma_wait3A_457 = tpu.memref_slice %arg4[%add3A_117] : memref<64000xi32, #tpu.memory_space<hbm>> -> memref<2000xi32, #tpu.memory_space<hbm>>
      tpu.wait_dma2 semaphore(%run_scoped3A : memref<!tpu.dma_semaphore, #tpu.memory_space<semaphore_mem>>) src(%dma_wait3A_457 : memref<2000xi32, #tpu.memory_space<hbm>>) dst(%arg9 : memref<2000xi32, #tpu.memory_space<vmem>>)
      tpu.yield
    }) : () -> ()
    %scan3A_118 = arith.constant 0 : i32
    %scan3A_119 = arith.constant 0 : i32
    %scan3A_120 = arith.constant 125 : i32
    %scan3A_121 = arith.addi %scan3A_119, %scan3A_120 : i32
    %scan3A_122 = arith.constant 1 : i32
    %scan3A_123 = scf.for %scan3A_454 = %scan3A_119 to %scan3A_121 step %scan3A_122 iter_args(%scan3A_455 = %scan3A_118) -> (i32)  : i32 {
      %mul3A_456 = arith.constant 16 : i32
      %mul3A_457 = arith.muli %scan3A_454, %mul3A_456 : i32
      %get3A = arith.index_cast %mul3A_457 : i32 to index
      %get3A_458 = tpu.vector_load %arg8[%get3A] {strides = array<i32>} : memref<2000xi32, #tpu.memory_space<vmem>>, vector<16xi32>,
      %mul3A_459 = arith.constant 16 : i32
      %mul3A_460 = arith.muli %scan3A_454, %mul3A_459 : i32
      %get3A_461 = arith.index_cast %mul3A_460 : i32 to index
      %get3A_462 = tpu.vector_load %arg9[%get3A_461] {strides = array<i32>} : memref<2000xi32, #tpu.memory_space<vmem>>, vector<16xi32>,
      %mul3A_463 = arith.constant 400 : i32
      %mul3A_464 = vector.broadcast %mul3A_463 : i32 to vector<16xi32>
      %mul3A_465 = arith.muli %get3A_458, %mul3A_464 : vector<16xi32>
      %add3A_466 = arith.addi %mul3A_465, %get3A_462 : vector<16xi32>
      %ge3A = vector.broadcast %mul3A_0 : i32 to vector<16xi32>
      %ge3A_467 = arith.cmpi sge, %add3A_466, %ge3A : vector<16xi32>
      %add3A_468 = arith.constant 10000 : i32
      %add3A_469 = arith.addi %mul3A_0, %add3A_468 : i32
      %lt3A = vector.broadcast %add3A_469 : i32 to vector<16xi32>
      %lt3A_470 = arith.cmpi slt, %add3A_466, %lt3A : vector<16xi32>
      %and3A = arith.andi %ge3A_467, %lt3A_470 : vector<16xi1>
      %sub3A = vector.broadcast %mul3A_0 : i32 to vector<16xi32>
      %sub3A_471 = arith.subi %add3A_466, %sub3A : vector<16xi32>
      %jit3A = arith.constant 0 : i32
      %broadcast_in_dim3A = vector.broadcast %jit3A : i32 to vector<16xi32>
      %select_n3A = arith.select %and3A, %sub3A_471, %broadcast_in_dim3A : vector<16xi1>, vector<16xi32>
      %mul3A_472 = arith.constant 16 : i32
      %mul3A_473 = arith.muli %scan3A_454, %mul3A_472 : i32
      %add3A_474 = arith.constant 2000 : i32
      %add3A_475 = arith.addi %add3A_474, %mul3A_473 : i32
      %add3A_476 = vector.broadcast %add3A_475 : i32 to vector<16xi32>
      %add3A_477 = arith.addi %add3A_476, %iota3A : vector<16xi32>
      tpu.vector_store_idx %arg7[%select_n3A], %add3A_477 masked %and3A : memref<10000xi32, #tpu.memory_space<vmem>>[vector<16xi32>], vector<16xi32>, vector<16xi1>
      %scan3A_478 = arith.constant 0 : i32
      scf.yield %scan3A_478 : i32
    }
    %scan3A_124 = arith.constant 125 : i32
    %mul3A_125 = arith.constant 16000 : i32
    %mul3A_126 = arith.muli %add3A_99, %mul3A_125 : i32
    %add3A_127 = arith.constant 4000 : i32
    %add3A_128 = arith.addi %mul3A_126, %add3A_127 : i32
    "tpu.region"() ({
      %run_scoped3A = tpu.sem_alloc : memref<!tpu.dma_semaphore, #tpu.memory_space<semaphore_mem>>
      %dma_start3A_454 = tpu.memref_slice %arg3[%add3A_128] : memref<64000xi32, #tpu.memory_space<hbm>> -> memref<2000xi32, #tpu.memory_space<hbm>>
      %dma_start3A_455 = tpu.memref_slice %arg3[%add3A_128] : memref<64000xi32, #tpu.memory_space<hbm>> -> memref<2000xi32, #tpu.memory_space<hbm>>
      tpu.enqueue_dma source(%dma_start3A_455 : memref<2000xi32, #tpu.memory_space<hbm>>) target(%arg8 : memref<2000xi32, #tpu.memory_space<vmem>>) target_semaphore(%run_scoped3A : memref<!tpu.dma_semaphore, #tpu.memory_space<semaphore_mem>>)
      %dma_wait3A_456 = tpu.memref_slice %arg3[%add3A_128] : memref<64000xi32, #tpu.memory_space<hbm>> -> memref<2000xi32, #tpu.memory_space<hbm>>
      %dma_wait3A_457 = tpu.memref_slice %arg3[%add3A_128] : memref<64000xi32, #tpu.memory_space<hbm>> -> memref<2000xi32, #tpu.memory_space<hbm>>
      tpu.wait_dma2 semaphore(%run_scoped3A : memref<!tpu.dma_semaphore, #tpu.memory_space<semaphore_mem>>) src(%dma_wait3A_457 : memref<2000xi32, #tpu.memory_space<hbm>>) dst(%arg8 : memref<2000xi32, #tpu.memory_space<vmem>>)
      tpu.yield
    }) : () -> ()
    "tpu.region"() ({
      %run_scoped3A = tpu.sem_alloc : memref<!tpu.dma_semaphore, #tpu.memory_space<semaphore_mem>>
      %dma_start3A_454 = tpu.memref_slice %arg4[%add3A_128] : memref<64000xi32, #tpu.memory_space<hbm>> -> memref<2000xi32, #tpu.memory_space<hbm>>
      %dma_start3A_455 = tpu.memref_slice %arg4[%add3A_128] : memref<64000xi32, #tpu.memory_space<hbm>> -> memref<2000xi32, #tpu.memory_space<hbm>>
      tpu.enqueue_dma source(%dma_start3A_455 : memref<2000xi32, #tpu.memory_space<hbm>>) target(%arg9 : memref<2000xi32, #tpu.memory_space<vmem>>) target_semaphore(%run_scoped3A : memref<!tpu.dma_semaphore, #tpu.memory_space<semaphore_mem>>)
      %dma_wait3A_456 = tpu.memref_slice %arg4[%add3A_128] : memref<64000xi32, #tpu.memory_space<hbm>> -> memref<2000xi32, #tpu.memory_space<hbm>>
      %dma_wait3A_457 = tpu.memref_slice %arg4[%add3A_128] : memref<64000xi32, #tpu.memory_space<hbm>> -> memref<2000xi32, #tpu.memory_space<hbm>>
      tpu.wait_dma2 semaphore(%run_scoped3A : memref<!tpu.dma_semaphore, #tpu.memory_space<semaphore_mem>>) src(%dma_wait3A_457 : memref<2000xi32, #tpu.memory_space<hbm>>) dst(%arg9 : memref<2000xi32, #tpu.memory_space<vmem>>)
      tpu.yield
    }) : () -> ()
    %scan3A_129 = arith.constant 0 : i32
    %scan3A_130 = arith.constant 0 : i32
    %scan3A_131 = arith.constant 125 : i32
    %scan3A_132 = arith.addi %scan3A_130, %scan3A_131 : i32
    %scan3A_133 = arith.constant 1 : i32
    %scan3A_134 = scf.for %scan3A_454 = %scan3A_130 to %scan3A_132 step %scan3A_133 iter_args(%scan3A_455 = %scan3A_129) -> (i32)  : i32 {
      %mul3A_456 = arith.constant 16 : i32
      %mul3A_457 = arith.muli %scan3A_454, %mul3A_456 : i32
      %get3A = arith.index_cast %mul3A_457 : i32 to index
      %get3A_458 = tpu.vector_load %arg8[%get3A] {strides = array<i32>} : memref<2000xi32, #tpu.memory_space<vmem>>, vector<16xi32>,
      %mul3A_459 = arith.constant 16 : i32
      %mul3A_460 = arith.muli %scan3A_454, %mul3A_459 : i32
      %get3A_461 = arith.index_cast %mul3A_460 : i32 to index
      %get3A_462 = tpu.vector_load %arg9[%get3A_461] {strides = array<i32>} : memref<2000xi32, #tpu.memory_space<vmem>>, vector<16xi32>,
      %mul3A_463 = arith.constant 400 : i32
      %mul3A_464 = vector.broadcast %mul3A_463 : i32 to vector<16xi32>
      %mul3A_465 = arith.muli %get3A_458, %mul3A_464 : vector<16xi32>
      %add3A_466 = arith.addi %mul3A_465, %get3A_462 : vector<16xi32>
      %ge3A = vector.broadcast %mul3A_0 : i32 to vector<16xi32>
      %ge3A_467 = arith.cmpi sge, %add3A_466, %ge3A : vector<16xi32>
      %add3A_468 = arith.constant 10000 : i32
      %add3A_469 = arith.addi %mul3A_0, %add3A_468 : i32
      %lt3A = vector.broadcast %add3A_469 : i32 to vector<16xi32>
      %lt3A_470 = arith.cmpi slt, %add3A_466, %lt3A : vector<16xi32>
      %and3A = arith.andi %ge3A_467, %lt3A_470 : vector<16xi1>
      %sub3A = vector.broadcast %mul3A_0 : i32 to vector<16xi32>
      %sub3A_471 = arith.subi %add3A_466, %sub3A : vector<16xi32>
      %jit3A = arith.constant 0 : i32
      %broadcast_in_dim3A = vector.broadcast %jit3A : i32 to vector<16xi32>
      %select_n3A = arith.select %and3A, %sub3A_471, %broadcast_in_dim3A : vector<16xi1>, vector<16xi32>
      %mul3A_472 = arith.constant 16 : i32
      %mul3A_473 = arith.muli %scan3A_454, %mul3A_472 : i32
      %add3A_474 = arith.constant 4000 : i32
      %add3A_475 = arith.addi %add3A_474, %mul3A_473 : i32
      %add3A_476 = vector.broadcast %add3A_475 : i32 to vector<16xi32>
      %add3A_477 = arith.addi %add3A_476, %iota3A : vector<16xi32>
      tpu.vector_store_idx %arg7[%select_n3A], %add3A_477 masked %and3A : memref<10000xi32, #tpu.memory_space<vmem>>[vector<16xi32>], vector<16xi32>, vector<16xi1>
      %scan3A_478 = arith.constant 0 : i32
      scf.yield %scan3A_478 : i32
    }
    %scan3A_135 = arith.constant 125 : i32
    %mul3A_136 = arith.constant 16000 : i32
    %mul3A_137 = arith.muli %add3A_99, %mul3A_136 : i32
    %add3A_138 = arith.constant 6000 : i32
    %add3A_139 = arith.addi %mul3A_137, %add3A_138 : i32
    "tpu.region"() ({
      %run_scoped3A = tpu.sem_alloc : memref<!tpu.dma_semaphore, #tpu.memory_space<semaphore_mem>>
      %dma_start3A_454 = tpu.memref_slice %arg3[%add3A_139] : memref<64000xi32, #tpu.memory_space<hbm>> -> memref<2000xi32, #tpu.memory_space<hbm>>
      %dma_start3A_455 = tpu.memref_slice %arg3[%add3A_139] : memref<64000xi32, #tpu.memory_space<hbm>> -> memref<2000xi32, #tpu.memory_space<hbm>>
      tpu.enqueue_dma source(%dma_start3A_455 : memref<2000xi32, #tpu.memory_space<hbm>>) target(%arg8 : memref<2000xi32, #tpu.memory_space<vmem>>) target_semaphore(%run_scoped3A : memref<!tpu.dma_semaphore, #tpu.memory_space<semaphore_mem>>)
      %dma_wait3A_456 = tpu.memref_slice %arg3[%add3A_139] : memref<64000xi32, #tpu.memory_space<hbm>> -> memref<2000xi32, #tpu.memory_space<hbm>>
      %dma_wait3A_457 = tpu.memref_slice %arg3[%add3A_139] : memref<64000xi32, #tpu.memory_space<hbm>> -> memref<2000xi32, #tpu.memory_space<hbm>>
      tpu.wait_dma2 semaphore(%run_scoped3A : memref<!tpu.dma_semaphore, #tpu.memory_space<semaphore_mem>>) src(%dma_wait3A_457 : memref<2000xi32, #tpu.memory_space<hbm>>) dst(%arg8 : memref<2000xi32, #tpu.memory_space<vmem>>)
      tpu.yield
    }) : () -> ()
    "tpu.region"() ({
      %run_scoped3A = tpu.sem_alloc : memref<!tpu.dma_semaphore, #tpu.memory_space<semaphore_mem>>
      %dma_start3A_454 = tpu.memref_slice %arg4[%add3A_139] : memref<64000xi32, #tpu.memory_space<hbm>> -> memref<2000xi32, #tpu.memory_space<hbm>>
      %dma_start3A_455 = tpu.memref_slice %arg4[%add3A_139] : memref<64000xi32, #tpu.memory_space<hbm>> -> memref<2000xi32, #tpu.memory_space<hbm>>
      tpu.enqueue_dma source(%dma_start3A_455 : memref<2000xi32, #tpu.memory_space<hbm>>) target(%arg9 : memref<2000xi32, #tpu.memory_space<vmem>>) target_semaphore(%run_scoped3A : memref<!tpu.dma_semaphore, #tpu.memory_space<semaphore_mem>>)
      %dma_wait3A_456 = tpu.memref_slice %arg4[%add3A_139] : memref<64000xi32, #tpu.memory_space<hbm>> -> memref<2000xi32, #tpu.memory_space<hbm>>
      %dma_wait3A_457 = tpu.memref_slice %arg4[%add3A_139] : memref<64000xi32, #tpu.memory_space<hbm>> -> memref<2000xi32, #tpu.memory_space<hbm>>
      tpu.wait_dma2 semaphore(%run_scoped3A : memref<!tpu.dma_semaphore, #tpu.memory_space<semaphore_mem>>) src(%dma_wait3A_457 : memref<2000xi32, #tpu.memory_space<hbm>>) dst(%arg9 : memref<2000xi32, #tpu.memory_space<vmem>>)
      tpu.yield
    }) : () -> ()
    %scan3A_140 = arith.constant 0 : i32
    %scan3A_141 = arith.constant 0 : i32
    %scan3A_142 = arith.constant 125 : i32
    %scan3A_143 = arith.addi %scan3A_141, %scan3A_142 : i32
    %scan3A_144 = arith.constant 1 : i32
    %scan3A_145 = scf.for %scan3A_454 = %scan3A_141 to %scan3A_143 step %scan3A_144 iter_args(%scan3A_455 = %scan3A_140) -> (i32)  : i32 {
      %mul3A_456 = arith.constant 16 : i32
      %mul3A_457 = arith.muli %scan3A_454, %mul3A_456 : i32
      %get3A = arith.index_cast %mul3A_457 : i32 to index
      %get3A_458 = tpu.vector_load %arg8[%get3A] {strides = array<i32>} : memref<2000xi32, #tpu.memory_space<vmem>>, vector<16xi32>,
      %mul3A_459 = arith.constant 16 : i32
      %mul3A_460 = arith.muli %scan3A_454, %mul3A_459 : i32
      %get3A_461 = arith.index_cast %mul3A_460 : i32 to index
      %get3A_462 = tpu.vector_load %arg9[%get3A_461] {strides = array<i32>} : memref<2000xi32, #tpu.memory_space<vmem>>, vector<16xi32>,
      %mul3A_463 = arith.constant 400 : i32
      %mul3A_464 = vector.broadcast %mul3A_463 : i32 to vector<16xi32>
      %mul3A_465 = arith.muli %get3A_458, %mul3A_464 : vector<16xi32>
      %add3A_466 = arith.addi %mul3A_465, %get3A_462 : vector<16xi32>
      %ge3A = vector.broadcast %mul3A_0 : i32 to vector<16xi32>
      %ge3A_467 = arith.cmpi sge, %add3A_466, %ge3A : vector<16xi32>
      %add3A_468 = arith.constant 10000 : i32
      %add3A_469 = arith.addi %mul3A_0, %add3A_468 : i32
      %lt3A = vector.broadcast %add3A_469 : i32 to vector<16xi32>
      %lt3A_470 = arith.cmpi slt, %add3A_466, %lt3A : vector<16xi32>
      %and3A = arith.andi %ge3A_467, %lt3A_470 : vector<16xi1>
      %sub3A = vector.broadcast %mul3A_0 : i32 to vector<16xi32>
      %sub3A_471 = arith.subi %add3A_466, %sub3A : vector<16xi32>
      %jit3A = arith.constant 0 : i32
      %broadcast_in_dim3A = vector.broadcast %jit3A : i32 to vector<16xi32>
      %select_n3A = arith.select %and3A, %sub3A_471, %broadcast_in_dim3A : vector<16xi1>, vector<16xi32>
      %mul3A_472 = arith.constant 16 : i32
      %mul3A_473 = arith.muli %scan3A_454, %mul3A_472 : i32
      %add3A_474 = arith.constant 6000 : i32
      %add3A_475 = arith.addi %add3A_474, %mul3A_473 : i32
      %add3A_476 = vector.broadcast %add3A_475 : i32 to vector<16xi32>
      %add3A_477 = arith.addi %add3A_476, %iota3A : vector<16xi32>
      tpu.vector_store_idx %arg7[%select_n3A], %add3A_477 masked %and3A : memref<10000xi32, #tpu.memory_space<vmem>>[vector<16xi32>], vector<16xi32>, vector<16xi1>
      %scan3A_478 = arith.constant 0 : i32
      scf.yield %scan3A_478 : i32
    }
    %scan3A_146 = arith.constant 125 : i32
    %mul3A_147 = arith.constant 16000 : i32
    %mul3A_148 = arith.muli %add3A_99, %mul3A_147 : i32
    %add3A_149 = arith.constant 8000 : i32
    %add3A_150 = arith.addi %mul3A_148, %add3A_149 : i32
    "tpu.region"() ({
      %run_scoped3A = tpu.sem_alloc : memref<!tpu.dma_semaphore, #tpu.memory_space<semaphore_mem>>
      %dma_start3A_454 = tpu.memref_slice %arg3[%add3A_150] : memref<64000xi32, #tpu.memory_space<hbm>> -> memref<2000xi32, #tpu.memory_space<hbm>>
      %dma_start3A_455 = tpu.memref_slice %arg3[%add3A_150] : memref<64000xi32, #tpu.memory_space<hbm>> -> memref<2000xi32, #tpu.memory_space<hbm>>
      tpu.enqueue_dma source(%dma_start3A_455 : memref<2000xi32, #tpu.memory_space<hbm>>) target(%arg8 : memref<2000xi32, #tpu.memory_space<vmem>>) target_semaphore(%run_scoped3A : memref<!tpu.dma_semaphore, #tpu.memory_space<semaphore_mem>>)
      %dma_wait3A_456 = tpu.memref_slice %arg3[%add3A_150] : memref<64000xi32, #tpu.memory_space<hbm>> -> memref<2000xi32, #tpu.memory_space<hbm>>
      %dma_wait3A_457 = tpu.memref_slice %arg3[%add3A_150] : memref<64000xi32, #tpu.memory_space<hbm>> -> memref<2000xi32, #tpu.memory_space<hbm>>
      tpu.wait_dma2 semaphore(%run_scoped3A : memref<!tpu.dma_semaphore, #tpu.memory_space<semaphore_mem>>) src(%dma_wait3A_457 : memref<2000xi32, #tpu.memory_space<hbm>>) dst(%arg8 : memref<2000xi32, #tpu.memory_space<vmem>>)
      tpu.yield
    }) : () -> ()
    "tpu.region"() ({
      %run_scoped3A = tpu.sem_alloc : memref<!tpu.dma_semaphore, #tpu.memory_space<semaphore_mem>>
      %dma_start3A_454 = tpu.memref_slice %arg4[%add3A_150] : memref<64000xi32, #tpu.memory_space<hbm>> -> memref<2000xi32, #tpu.memory_space<hbm>>
      %dma_start3A_455 = tpu.memref_slice %arg4[%add3A_150] : memref<64000xi32, #tpu.memory_space<hbm>> -> memref<2000xi32, #tpu.memory_space<hbm>>
      tpu.enqueue_dma source(%dma_start3A_455 : memref<2000xi32, #tpu.memory_space<hbm>>) target(%arg9 : memref<2000xi32, #tpu.memory_space<vmem>>) target_semaphore(%run_scoped3A : memref<!tpu.dma_semaphore, #tpu.memory_space<semaphore_mem>>)
      %dma_wait3A_456 = tpu.memref_slice %arg4[%add3A_150] : memref<64000xi32, #tpu.memory_space<hbm>> -> memref<2000xi32, #tpu.memory_space<hbm>>
      %dma_wait3A_457 = tpu.memref_slice %arg4[%add3A_150] : memref<64000xi32, #tpu.memory_space<hbm>> -> memref<2000xi32, #tpu.memory_space<hbm>>
      tpu.wait_dma2 semaphore(%run_scoped3A : memref<!tpu.dma_semaphore, #tpu.memory_space<semaphore_mem>>) src(%dma_wait3A_457 : memref<2000xi32, #tpu.memory_space<hbm>>) dst(%arg9 : memref<2000xi32, #tpu.memory_space<vmem>>)
      tpu.yield
    }) : () -> ()
    %scan3A_151 = arith.constant 0 : i32
    %scan3A_152 = arith.constant 0 : i32
    %scan3A_153 = arith.constant 125 : i32
    %scan3A_154 = arith.addi %scan3A_152, %scan3A_153 : i32
    %scan3A_155 = arith.constant 1 : i32
    %scan3A_156 = scf.for %scan3A_454 = %scan3A_152 to %scan3A_154 step %scan3A_155 iter_args(%scan3A_455 = %scan3A_151) -> (i32)  : i32 {
      %mul3A_456 = arith.constant 16 : i32
      %mul3A_457 = arith.muli %scan3A_454, %mul3A_456 : i32
      %get3A = arith.index_cast %mul3A_457 : i32 to index
      %get3A_458 = tpu.vector_load %arg8[%get3A] {strides = array<i32>} : memref<2000xi32, #tpu.memory_space<vmem>>, vector<16xi32>,
      %mul3A_459 = arith.constant 16 : i32
      %mul3A_460 = arith.muli %scan3A_454, %mul3A_459 : i32
      %get3A_461 = arith.index_cast %mul3A_460 : i32 to index
      %get3A_462 = tpu.vector_load %arg9[%get3A_461] {strides = array<i32>} : memref<2000xi32, #tpu.memory_space<vmem>>, vector<16xi32>,
      %mul3A_463 = arith.constant 400 : i32
      %mul3A_464 = vector.broadcast %mul3A_463 : i32 to vector<16xi32>
      %mul3A_465 = arith.muli %get3A_458, %mul3A_464 : vector<16xi32>
      %add3A_466 = arith.addi %mul3A_465, %get3A_462 : vector<16xi32>
      %ge3A = vector.broadcast %mul3A_0 : i32 to vector<16xi32>
      %ge3A_467 = arith.cmpi sge, %add3A_466, %ge3A : vector<16xi32>
      %add3A_468 = arith.constant 10000 : i32
      %add3A_469 = arith.addi %mul3A_0, %add3A_468 : i32
      %lt3A = vector.broadcast %add3A_469 : i32 to vector<16xi32>
      %lt3A_470 = arith.cmpi slt, %add3A_466, %lt3A : vector<16xi32>
      %and3A = arith.andi %ge3A_467, %lt3A_470 : vector<16xi1>
      %sub3A = vector.broadcast %mul3A_0 : i32 to vector<16xi32>
      %sub3A_471 = arith.subi %add3A_466, %sub3A : vector<16xi32>
      %jit3A = arith.constant 0 : i32
      %broadcast_in_dim3A = vector.broadcast %jit3A : i32 to vector<16xi32>
      %select_n3A = arith.select %and3A, %sub3A_471, %broadcast_in_dim3A : vector<16xi1>, vector<16xi32>
      %mul3A_472 = arith.constant 16 : i32
      %mul3A_473 = arith.muli %scan3A_454, %mul3A_472 : i32
      %add3A_474 = arith.constant 8000 : i32
      %add3A_475 = arith.addi %add3A_474, %mul3A_473 : i32
      %add3A_476 = vector.broadcast %add3A_475 : i32 to vector<16xi32>
      %add3A_477 = arith.addi %add3A_476, %iota3A : vector<16xi32>
      tpu.vector_store_idx %arg7[%select_n3A], %add3A_477 masked %and3A : memref<10000xi32, #tpu.memory_space<vmem>>[vector<16xi32>], vector<16xi32>, vector<16xi1>
      %scan3A_478 = arith.constant 0 : i32
      scf.yield %scan3A_478 : i32
    }
    %scan3A_157 = arith.constant 125 : i32
    %mul3A_158 = arith.constant 16000 : i32
    %mul3A_159 = arith.muli %add3A_99, %mul3A_158 : i32
    %add3A_160 = arith.constant 10000 : i32
    %add3A_161 = arith.addi %mul3A_159, %add3A_160 : i32
    "tpu.region"() ({
      %run_scoped3A = tpu.sem_alloc : memref<!tpu.dma_semaphore, #tpu.memory_space<semaphore_mem>>
      %dma_start3A_454 = tpu.memref_slice %arg3[%add3A_161] : memref<64000xi32, #tpu.memory_space<hbm>> -> memref<2000xi32, #tpu.memory_space<hbm>>
      %dma_start3A_455 = tpu.memref_slice %arg3[%add3A_161] : memref<64000xi32, #tpu.memory_space<hbm>> -> memref<2000xi32, #tpu.memory_space<hbm>>
      tpu.enqueue_dma source(%dma_start3A_455 : memref<2000xi32, #tpu.memory_space<hbm>>) target(%arg8 : memref<2000xi32, #tpu.memory_space<vmem>>) target_semaphore(%run_scoped3A : memref<!tpu.dma_semaphore, #tpu.memory_space<semaphore_mem>>)
      %dma_wait3A_456 = tpu.memref_slice %arg3[%add3A_161] : memref<64000xi32, #tpu.memory_space<hbm>> -> memref<2000xi32, #tpu.memory_space<hbm>>
      %dma_wait3A_457 = tpu.memref_slice %arg3[%add3A_161] : memref<64000xi32, #tpu.memory_space<hbm>> -> memref<2000xi32, #tpu.memory_space<hbm>>
      tpu.wait_dma2 semaphore(%run_scoped3A : memref<!tpu.dma_semaphore, #tpu.memory_space<semaphore_mem>>) src(%dma_wait3A_457 : memref<2000xi32, #tpu.memory_space<hbm>>) dst(%arg8 : memref<2000xi32, #tpu.memory_space<vmem>>)
      tpu.yield
    }) : () -> ()
    "tpu.region"() ({
      %run_scoped3A = tpu.sem_alloc : memref<!tpu.dma_semaphore, #tpu.memory_space<semaphore_mem>>
      %dma_start3A_454 = tpu.memref_slice %arg4[%add3A_161] : memref<64000xi32, #tpu.memory_space<hbm>> -> memref<2000xi32, #tpu.memory_space<hbm>>
      %dma_start3A_455 = tpu.memref_slice %arg4[%add3A_161] : memref<64000xi32, #tpu.memory_space<hbm>> -> memref<2000xi32, #tpu.memory_space<hbm>>
      tpu.enqueue_dma source(%dma_start3A_455 : memref<2000xi32, #tpu.memory_space<hbm>>) target(%arg9 : memref<2000xi32, #tpu.memory_space<vmem>>) target_semaphore(%run_scoped3A : memref<!tpu.dma_semaphore, #tpu.memory_space<semaphore_mem>>)
      %dma_wait3A_456 = tpu.memref_slice %arg4[%add3A_161] : memref<64000xi32, #tpu.memory_space<hbm>> -> memref<2000xi32, #tpu.memory_space<hbm>>
      %dma_wait3A_457 = tpu.memref_slice %arg4[%add3A_161] : memref<64000xi32, #tpu.memory_space<hbm>> -> memref<2000xi32, #tpu.memory_space<hbm>>
      tpu.wait_dma2 semaphore(%run_scoped3A : memref<!tpu.dma_semaphore, #tpu.memory_space<semaphore_mem>>) src(%dma_wait3A_457 : memref<2000xi32, #tpu.memory_space<hbm>>) dst(%arg9 : memref<2000xi32, #tpu.memory_space<vmem>>)
      tpu.yield
    }) : () -> ()
    %scan3A_162 = arith.constant 0 : i32
    %scan3A_163 = arith.constant 0 : i32
    %scan3A_164 = arith.constant 125 : i32
    %scan3A_165 = arith.addi %scan3A_163, %scan3A_164 : i32
    %scan3A_166 = arith.constant 1 : i32
    %scan3A_167 = scf.for %scan3A_454 = %scan3A_163 to %scan3A_165 step %scan3A_166 iter_args(%scan3A_455 = %scan3A_162) -> (i32)  : i32 {
      %mul3A_456 = arith.constant 16 : i32
      %mul3A_457 = arith.muli %scan3A_454, %mul3A_456 : i32
      %get3A = arith.index_cast %mul3A_457 : i32 to index
      %get3A_458 = tpu.vector_load %arg8[%get3A] {strides = array<i32>} : memref<2000xi32, #tpu.memory_space<vmem>>, vector<16xi32>,
      %mul3A_459 = arith.constant 16 : i32
      %mul3A_460 = arith.muli %scan3A_454, %mul3A_459 : i32
      %get3A_461 = arith.index_cast %mul3A_460 : i32 to index
      %get3A_462 = tpu.vector_load %arg9[%get3A_461] {strides = array<i32>} : memref<2000xi32, #tpu.memory_space<vmem>>, vector<16xi32>,
      %mul3A_463 = arith.constant 400 : i32
      %mul3A_464 = vector.broadcast %mul3A_463 : i32 to vector<16xi32>
      %mul3A_465 = arith.muli %get3A_458, %mul3A_464 : vector<16xi32>
      %add3A_466 = arith.addi %mul3A_465, %get3A_462 : vector<16xi32>
      %ge3A = vector.broadcast %mul3A_0 : i32 to vector<16xi32>
      %ge3A_467 = arith.cmpi sge, %add3A_466, %ge3A : vector<16xi32>
      %add3A_468 = arith.constant 10000 : i32
      %add3A_469 = arith.addi %mul3A_0, %add3A_468 : i32
      %lt3A = vector.broadcast %add3A_469 : i32 to vector<16xi32>
      %lt3A_470 = arith.cmpi slt, %add3A_466, %lt3A : vector<16xi32>
      %and3A = arith.andi %ge3A_467, %lt3A_470 : vector<16xi1>
      %sub3A = vector.broadcast %mul3A_0 : i32 to vector<16xi32>
      %sub3A_471 = arith.subi %add3A_466, %sub3A : vector<16xi32>
      %jit3A = arith.constant 0 : i32
      %broadcast_in_dim3A = vector.broadcast %jit3A : i32 to vector<16xi32>
      %select_n3A = arith.select %and3A, %sub3A_471, %broadcast_in_dim3A : vector<16xi1>, vector<16xi32>
      %mul3A_472 = arith.constant 16 : i32
      %mul3A_473 = arith.muli %scan3A_454, %mul3A_472 : i32
      %add3A_474 = arith.constant 10000 : i32
      %add3A_475 = arith.addi %add3A_474, %mul3A_473 : i32
      %add3A_476 = vector.broadcast %add3A_475 : i32 to vector<16xi32>
      %add3A_477 = arith.addi %add3A_476, %iota3A : vector<16xi32>
      tpu.vector_store_idx %arg7[%select_n3A], %add3A_477 masked %and3A : memref<10000xi32, #tpu.memory_space<vmem>>[vector<16xi32>], vector<16xi32>, vector<16xi1>
      %scan3A_478 = arith.constant 0 : i32
      scf.yield %scan3A_478 : i32
    }
    %scan3A_168 = arith.constant 125 : i32
    %mul3A_169 = arith.constant 16000 : i32
    %mul3A_170 = arith.muli %add3A_99, %mul3A_169 : i32
    %add3A_171 = arith.constant 12000 : i32
    %add3A_172 = arith.addi %mul3A_170, %add3A_171 : i32
    "tpu.region"() ({
      %run_scoped3A = tpu.sem_alloc : memref<!tpu.dma_semaphore, #tpu.memory_space<semaphore_mem>>
      %dma_start3A_454 = tpu.memref_slice %arg3[%add3A_172] : memref<64000xi32, #tpu.memory_space<hbm>> -> memref<2000xi32, #tpu.memory_space<hbm>>
      %dma_start3A_455 = tpu.memref_slice %arg3[%add3A_172] : memref<64000xi32, #tpu.memory_space<hbm>> -> memref<2000xi32, #tpu.memory_space<hbm>>
      tpu.enqueue_dma source(%dma_start3A_455 : memref<2000xi32, #tpu.memory_space<hbm>>) target(%arg8 : memref<2000xi32, #tpu.memory_space<vmem>>) target_semaphore(%run_scoped3A : memref<!tpu.dma_semaphore, #tpu.memory_space<semaphore_mem>>)
      %dma_wait3A_456 = tpu.memref_slice %arg3[%add3A_172] : memref<64000xi32, #tpu.memory_space<hbm>> -> memref<2000xi32, #tpu.memory_space<hbm>>
      %dma_wait3A_457 = tpu.memref_slice %arg3[%add3A_172] : memref<64000xi32, #tpu.memory_space<hbm>> -> memref<2000xi32, #tpu.memory_space<hbm>>
      tpu.wait_dma2 semaphore(%run_scoped3A : memref<!tpu.dma_semaphore, #tpu.memory_space<semaphore_mem>>) src(%dma_wait3A_457 : memref<2000xi32, #tpu.memory_space<hbm>>) dst(%arg8 : memref<2000xi32, #tpu.memory_space<vmem>>)
      tpu.yield
    }) : () -> ()
    "tpu.region"() ({
      %run_scoped3A = tpu.sem_alloc : memref<!tpu.dma_semaphore, #tpu.memory_space<semaphore_mem>>
      %dma_start3A_454 = tpu.memref_slice %arg4[%add3A_172] : memref<64000xi32, #tpu.memory_space<hbm>> -> memref<2000xi32, #tpu.memory_space<hbm>>
      %dma_start3A_455 = tpu.memref_slice %arg4[%add3A_172] : memref<64000xi32, #tpu.memory_space<hbm>> -> memref<2000xi32, #tpu.memory_space<hbm>>
      tpu.enqueue_dma source(%dma_start3A_455 : memref<2000xi32, #tpu.memory_space<hbm>>) target(%arg9 : memref<2000xi32, #tpu.memory_space<vmem>>) target_semaphore(%run_scoped3A : memref<!tpu.dma_semaphore, #tpu.memory_space<semaphore_mem>>)
      %dma_wait3A_456 = tpu.memref_slice %arg4[%add3A_172] : memref<64000xi32, #tpu.memory_space<hbm>> -> memref<2000xi32, #tpu.memory_space<hbm>>
      %dma_wait3A_457 = tpu.memref_slice %arg4[%add3A_172] : memref<64000xi32, #tpu.memory_space<hbm>> -> memref<2000xi32, #tpu.memory_space<hbm>>
      tpu.wait_dma2 semaphore(%run_scoped3A : memref<!tpu.dma_semaphore, #tpu.memory_space<semaphore_mem>>) src(%dma_wait3A_457 : memref<2000xi32, #tpu.memory_space<hbm>>) dst(%arg9 : memref<2000xi32, #tpu.memory_space<vmem>>)
      tpu.yield
    }) : () -> ()
    %scan3A_173 = arith.constant 0 : i32
    %scan3A_174 = arith.constant 0 : i32
    %scan3A_175 = arith.constant 125 : i32
    %scan3A_176 = arith.addi %scan3A_174, %scan3A_175 : i32
    %scan3A_177 = arith.constant 1 : i32
    %scan3A_178 = scf.for %scan3A_454 = %scan3A_174 to %scan3A_176 step %scan3A_177 iter_args(%scan3A_455 = %scan3A_173) -> (i32)  : i32 {
      %mul3A_456 = arith.constant 16 : i32
      %mul3A_457 = arith.muli %scan3A_454, %mul3A_456 : i32
      %get3A = arith.index_cast %mul3A_457 : i32 to index
      %get3A_458 = tpu.vector_load %arg8[%get3A] {strides = array<i32>} : memref<2000xi32, #tpu.memory_space<vmem>>, vector<16xi32>,
      %mul3A_459 = arith.constant 16 : i32
      %mul3A_460 = arith.muli %scan3A_454, %mul3A_459 : i32
      %get3A_461 = arith.index_cast %mul3A_460 : i32 to index
      %get3A_462 = tpu.vector_load %arg9[%get3A_461] {strides = array<i32>} : memref<2000xi32, #tpu.memory_space<vmem>>, vector<16xi32>,
      %mul3A_463 = arith.constant 400 : i32
      %mul3A_464 = vector.broadcast %mul3A_463 : i32 to vector<16xi32>
      %mul3A_465 = arith.muli %get3A_458, %mul3A_464 : vector<16xi32>
      %add3A_466 = arith.addi %mul3A_465, %get3A_462 : vector<16xi32>
      %ge3A = vector.broadcast %mul3A_0 : i32 to vector<16xi32>
      %ge3A_467 = arith.cmpi sge, %add3A_466, %ge3A : vector<16xi32>
      %add3A_468 = arith.constant 10000 : i32
      %add3A_469 = arith.addi %mul3A_0, %add3A_468 : i32
      %lt3A = vector.broadcast %add3A_469 : i32 to vector<16xi32>
      %lt3A_470 = arith.cmpi slt, %add3A_466, %lt3A : vector<16xi32>
      %and3A = arith.andi %ge3A_467, %lt3A_470 : vector<16xi1>
      %sub3A = vector.broadcast %mul3A_0 : i32 to vector<16xi32>
      %sub3A_471 = arith.subi %add3A_466, %sub3A : vector<16xi32>
      %jit3A = arith.constant 0 : i32
      %broadcast_in_dim3A = vector.broadcast %jit3A : i32 to vector<16xi32>
      %select_n3A = arith.select %and3A, %sub3A_471, %broadcast_in_dim3A : vector<16xi1>, vector<16xi32>
      %mul3A_472 = arith.constant 16 : i32
      %mul3A_473 = arith.muli %scan3A_454, %mul3A_472 : i32
      %add3A_474 = arith.constant 12000 : i32
      %add3A_475 = arith.addi %add3A_474, %mul3A_473 : i32
      %add3A_476 = vector.broadcast %add3A_475 : i32 to vector<16xi32>
      %add3A_477 = arith.addi %add3A_476, %iota3A : vector<16xi32>
      tpu.vector_store_idx %arg7[%select_n3A], %add3A_477 masked %and3A : memref<10000xi32, #tpu.memory_space<vmem>>[vector<16xi32>], vector<16xi32>, vector<16xi1>
      %scan3A_478 = arith.constant 0 : i32
      scf.yield %scan3A_478 : i32
    }
    %scan3A_179 = arith.constant 125 : i32
    %mul3A_180 = arith.constant 16000 : i32
    %mul3A_181 = arith.muli %add3A_99, %mul3A_180 : i32
    %add3A_182 = arith.constant 14000 : i32
    %add3A_183 = arith.addi %mul3A_181, %add3A_182 : i32
    "tpu.region"() ({
      %run_scoped3A = tpu.sem_alloc : memref<!tpu.dma_semaphore, #tpu.memory_space<semaphore_mem>>
      %dma_start3A_454 = tpu.memref_slice %arg3[%add3A_183] : memref<64000xi32, #tpu.memory_space<hbm>> -> memref<2000xi32, #tpu.memory_space<hbm>>
      %dma_start3A_455 = tpu.memref_slice %arg3[%add3A_183] : memref<64000xi32, #tpu.memory_space<hbm>> -> memref<2000xi32, #tpu.memory_space<hbm>>
      tpu.enqueue_dma source(%dma_start3A_455 : memref<2000xi32, #tpu.memory_space<hbm>>) target(%arg8 : memref<2000xi32, #tpu.memory_space<vmem>>) target_semaphore(%run_scoped3A : memref<!tpu.dma_semaphore, #tpu.memory_space<semaphore_mem>>)
      %dma_wait3A_456 = tpu.memref_slice %arg3[%add3A_183] : memref<64000xi32, #tpu.memory_space<hbm>> -> memref<2000xi32, #tpu.memory_space<hbm>>
      %dma_wait3A_457 = tpu.memref_slice %arg3[%add3A_183] : memref<64000xi32, #tpu.memory_space<hbm>> -> memref<2000xi32, #tpu.memory_space<hbm>>
      tpu.wait_dma2 semaphore(%run_scoped3A : memref<!tpu.dma_semaphore, #tpu.memory_space<semaphore_mem>>) src(%dma_wait3A_457 : memref<2000xi32, #tpu.memory_space<hbm>>) dst(%arg8 : memref<2000xi32, #tpu.memory_space<vmem>>)
      tpu.yield
    }) : () -> ()
    "tpu.region"() ({
      %run_scoped3A = tpu.sem_alloc : memref<!tpu.dma_semaphore, #tpu.memory_space<semaphore_mem>>
      %dma_start3A_454 = tpu.memref_slice %arg4[%add3A_183] : memref<64000xi32, #tpu.memory_space<hbm>> -> memref<2000xi32, #tpu.memory_space<hbm>>
      %dma_start3A_455 = tpu.memref_slice %arg4[%add3A_183] : memref<64000xi32, #tpu.memory_space<hbm>> -> memref<2000xi32, #tpu.memory_space<hbm>>
      tpu.enqueue_dma source(%dma_start3A_455 : memref<2000xi32, #tpu.memory_space<hbm>>) target(%arg9 : memref<2000xi32, #tpu.memory_space<vmem>>) target_semaphore(%run_scoped3A : memref<!tpu.dma_semaphore, #tpu.memory_space<semaphore_mem>>)
      %dma_wait3A_456 = tpu.memref_slice %arg4[%add3A_183] : memref<64000xi32, #tpu.memory_space<hbm>> -> memref<2000xi32, #tpu.memory_space<hbm>>
      %dma_wait3A_457 = tpu.memref_slice %arg4[%add3A_183] : memref<64000xi32, #tpu.memory_space<hbm>> -> memref<2000xi32, #tpu.memory_space<hbm>>
      tpu.wait_dma2 semaphore(%run_scoped3A : memref<!tpu.dma_semaphore, #tpu.memory_space<semaphore_mem>>) src(%dma_wait3A_457 : memref<2000xi32, #tpu.memory_space<hbm>>) dst(%arg9 : memref<2000xi32, #tpu.memory_space<vmem>>)
      tpu.yield
    }) : () -> ()
    %scan3A_184 = arith.constant 0 : i32
    %scan3A_185 = arith.constant 0 : i32
    %scan3A_186 = arith.constant 125 : i32
    %scan3A_187 = arith.addi %scan3A_185, %scan3A_186 : i32
    %scan3A_188 = arith.constant 1 : i32
    %scan3A_189 = scf.for %scan3A_454 = %scan3A_185 to %scan3A_187 step %scan3A_188 iter_args(%scan3A_455 = %scan3A_184) -> (i32)  : i32 {
      %mul3A_456 = arith.constant 16 : i32
      %mul3A_457 = arith.muli %scan3A_454, %mul3A_456 : i32
      %get3A = arith.index_cast %mul3A_457 : i32 to index
      %get3A_458 = tpu.vector_load %arg8[%get3A] {strides = array<i32>} : memref<2000xi32, #tpu.memory_space<vmem>>, vector<16xi32>,
      %mul3A_459 = arith.constant 16 : i32
      %mul3A_460 = arith.muli %scan3A_454, %mul3A_459 : i32
      %get3A_461 = arith.index_cast %mul3A_460 : i32 to index
      %get3A_462 = tpu.vector_load %arg9[%get3A_461] {strides = array<i32>} : memref<2000xi32, #tpu.memory_space<vmem>>, vector<16xi32>,
      %mul3A_463 = arith.constant 400 : i32
      %mul3A_464 = vector.broadcast %mul3A_463 : i32 to vector<16xi32>
      %mul3A_465 = arith.muli %get3A_458, %mul3A_464 : vector<16xi32>
      %add3A_466 = arith.addi %mul3A_465, %get3A_462 : vector<16xi32>
      %ge3A = vector.broadcast %mul3A_0 : i32 to vector<16xi32>
      %ge3A_467 = arith.cmpi sge, %add3A_466, %ge3A : vector<16xi32>
      %add3A_468 = arith.constant 10000 : i32
      %add3A_469 = arith.addi %mul3A_0, %add3A_468 : i32
      %lt3A = vector.broadcast %add3A_469 : i32 to vector<16xi32>
      %lt3A_470 = arith.cmpi slt, %add3A_466, %lt3A : vector<16xi32>
      %and3A = arith.andi %ge3A_467, %lt3A_470 : vector<16xi1>
      %sub3A = vector.broadcast %mul3A_0 : i32 to vector<16xi32>
      %sub3A_471 = arith.subi %add3A_466, %sub3A : vector<16xi32>
      %jit3A = arith.constant 0 : i32
      %broadcast_in_dim3A = vector.broadcast %jit3A : i32 to vector<16xi32>
      %select_n3A = arith.select %and3A, %sub3A_471, %broadcast_in_dim3A : vector<16xi1>, vector<16xi32>
      %mul3A_472 = arith.constant 16 : i32
      %mul3A_473 = arith.muli %scan3A_454, %mul3A_472 : i32
      %add3A_474 = arith.constant 14000 : i32
      %add3A_475 = arith.addi %add3A_474, %mul3A_473 : i32
      %add3A_476 = vector.broadcast %add3A_475 : i32 to vector<16xi32>
      %add3A_477 = arith.addi %add3A_476, %iota3A : vector<16xi32>
      tpu.vector_store_idx %arg7[%select_n3A], %add3A_477 masked %and3A : memref<10000xi32, #tpu.memory_space<vmem>>[vector<16xi32>], vector<16xi32>, vector<16xi1>
      %scan3A_478 = arith.constant 0 : i32
      scf.yield %scan3A_478 : i32
    }
    %scan3A_190 = arith.constant 125 : i32
    %mul3A_191 = arith.constant 160000 : i32
    %mul3A_192 = arith.muli %add3A_99, %mul3A_191 : i32
    %add3A_193 = arith.addi %mul3A_192, %mul3A_0 : i32
    "tpu.region"() ({
      %run_scoped3A = tpu.sem_alloc : memref<!tpu.dma_semaphore, #tpu.memory_space<semaphore_mem>>
      %dma_start3A_454 = tpu.memref_slice %arg6[%add3A_193] : memref<640000xi32, #tpu.memory_space<hbm>> -> memref<10000xi32, #tpu.memory_space<hbm>>
      %dma_start3A_455 = tpu.memref_slice %arg6[%add3A_193] : memref<640000xi32, #tpu.memory_space<hbm>> -> memref<10000xi32, #tpu.memory_space<hbm>>
      tpu.enqueue_dma source(%arg7 : memref<10000xi32, #tpu.memory_space<vmem>>) target(%dma_start3A_455 : memref<10000xi32, #tpu.memory_space<hbm>>) target_semaphore(%run_scoped3A : memref<!tpu.dma_semaphore, #tpu.memory_space<semaphore_mem>>)
      %dma_wait3A_456 = tpu.memref_slice %arg6[%add3A_193] : memref<640000xi32, #tpu.memory_space<hbm>> -> memref<10000xi32, #tpu.memory_space<hbm>>
      %dma_wait3A_457 = tpu.memref_slice %arg6[%add3A_193] : memref<640000xi32, #tpu.memory_space<hbm>> -> memref<10000xi32, #tpu.memory_space<hbm>>
      tpu.wait_dma2 semaphore(%run_scoped3A : memref<!tpu.dma_semaphore, #tpu.memory_space<semaphore_mem>>) src(%arg7 : memref<10000xi32, #tpu.memory_space<vmem>>) dst(%dma_wait3A_457 : memref<10000xi32, #tpu.memory_space<hbm>>)
      tpu.yield
    }) : () -> ()
    %barrier3A = arith.constant 0 : index
    tpu.barrier barrier_id(%barrier3A)
    %mul3A_194 = arith.constant 2 : i32
    %mul3A_195 = arith.muli %mul3A_194, %arg0 : i32
    %add3A_196 = arith.constant 0 : i32
    %add3A_197 = arith.addi %mul3A_195, %add3A_196 : i32
    %mul3A_198 = arith.constant 64 : i32
    %mul3A_199 = arith.muli %add3A_197, %mul3A_198 : i32
    %mul3A_200 = arith.constant 4 : i32
    %mul3A_201 = arith.muli %mul3A_200, %arg1 : i32
    %add3A_202 = arith.addi %mul3A_199, %mul3A_201 : i32
    %add3A_203 = arith.constant 0 : i32
    %add3A_204 = arith.addi %add3A_202, %add3A_203 : i32
    %mul3A_205 = arith.constant 16128 : i32
    %mul3A_206 = arith.muli %add3A_204, %mul3A_205 : i32
    "tpu.region"() ({
      %run_scoped3A = tpu.sem_alloc : memref<!tpu.dma_semaphore, #tpu.memory_space<semaphore_mem>>
      %dma_start3A_454 = tpu.memref_slice %arg2[%mul3A_206] : memref<4128768xf32, #tpu.memory_space<hbm>> -> memref<16128xf32, #tpu.memory_space<hbm>>
      %dma_start3A_455 = tpu.memref_slice %arg2[%mul3A_206] : memref<4128768xf32, #tpu.memory_space<hbm>> -> memref<16128xf32, #tpu.memory_space<hbm>>
      tpu.enqueue_dma source(%dma_start3A_455 : memref<16128xf32, #tpu.memory_space<hbm>>) target(%arg10 : memref<16128xf32, #tpu.memory_space<vmem>>) target_semaphore(%run_scoped3A : memref<!tpu.dma_semaphore, #tpu.memory_space<semaphore_mem>>)
      %dma_wait3A_456 = tpu.memref_slice %arg2[%mul3A_206] : memref<4128768xf32, #tpu.memory_space<hbm>> -> memref<16128xf32, #tpu.memory_space<hbm>>
      %dma_wait3A_457 = tpu.memref_slice %arg2[%mul3A_206] : memref<4128768xf32, #tpu.memory_space<hbm>> -> memref<16128xf32, #tpu.memory_space<hbm>>
      tpu.wait_dma2 semaphore(%run_scoped3A : memref<!tpu.dma_semaphore, #tpu.memory_space<semaphore_mem>>) src(%dma_wait3A_457 : memref<16128xf32, #tpu.memory_space<hbm>>) dst(%arg10 : memref<16128xf32, #tpu.memory_space<vmem>>)
      tpu.yield
    }) : () -> ()
    %mul3A_207 = arith.constant 64 : i32
    %mul3A_208 = arith.muli %add3A_197, %mul3A_207 : i32
    %mul3A_209 = arith.constant 4 : i32
    %mul3A_210 = arith.muli %mul3A_209, %arg1 : i32
    %add3A_211 = arith.addi %mul3A_208, %mul3A_210 : i32
    %add3A_212 = arith.constant 1 : i32
    %add3A_213 = arith.addi %add3A_211, %add3A_212 : i32
    %mul3A_214 = arith.constant 16128 : i32
    %mul3A_215 = arith.muli %add3A_213, %mul3A_214 : i32
    "tpu.region"() ({
      %run_scoped3A = tpu.sem_alloc : memref<!tpu.dma_semaphore, #tpu.memory_space<semaphore_mem>>
      %dma_start3A_454 = tpu.memref_slice %arg2[%mul3A_215] : memref<4128768xf32, #tpu.memory_space<hbm>> -> memref<16128xf32, #tpu.memory_space<hbm>>
      %dma_start3A_455 = tpu.memref_slice %arg2[%mul3A_215] : memref<4128768xf32, #tpu.memory_space<hbm>> -> memref<16128xf32, #tpu.memory_space<hbm>>
      tpu.enqueue_dma source(%dma_start3A_455 : memref<16128xf32, #tpu.memory_space<hbm>>) target(%arg11 : memref<16128xf32, #tpu.memory_space<vmem>>) target_semaphore(%run_scoped3A : memref<!tpu.dma_semaphore, #tpu.memory_space<semaphore_mem>>)
      %dma_wait3A_456 = tpu.memref_slice %arg2[%mul3A_215] : memref<4128768xf32, #tpu.memory_space<hbm>> -> memref<16128xf32, #tpu.memory_space<hbm>>
      %dma_wait3A_457 = tpu.memref_slice %arg2[%mul3A_215] : memref<4128768xf32, #tpu.memory_space<hbm>> -> memref<16128xf32, #tpu.memory_space<hbm>>
      tpu.wait_dma2 semaphore(%run_scoped3A : memref<!tpu.dma_semaphore, #tpu.memory_space<semaphore_mem>>) src(%dma_wait3A_457 : memref<16128xf32, #tpu.memory_space<hbm>>) dst(%arg11 : memref<16128xf32, #tpu.memory_space<vmem>>)
      tpu.yield
    }) : () -> ()
    %mul3A_216 = arith.constant 64 : i32
    %mul3A_217 = arith.muli %add3A_197, %mul3A_216 : i32
    %mul3A_218 = arith.constant 4 : i32
    %mul3A_219 = arith.muli %mul3A_218, %arg1 : i32
    %add3A_220 = arith.addi %mul3A_217, %mul3A_219 : i32
    %add3A_221 = arith.constant 2 : i32
    %add3A_222 = arith.addi %add3A_220, %add3A_221 : i32
    %mul3A_223 = arith.constant 16128 : i32
    %mul3A_224 = arith.muli %add3A_222, %mul3A_223 : i32
    "tpu.region"() ({
      %run_scoped3A = tpu.sem_alloc : memref<!tpu.dma_semaphore, #tpu.memory_space<semaphore_mem>>
      %dma_start3A_454 = tpu.memref_slice %arg2[%mul3A_224] : memref<4128768xf32, #tpu.memory_space<hbm>> -> memref<16128xf32, #tpu.memory_space<hbm>>
      %dma_start3A_455 = tpu.memref_slice %arg2[%mul3A_224] : memref<4128768xf32, #tpu.memory_space<hbm>> -> memref<16128xf32, #tpu.memory_space<hbm>>
      tpu.enqueue_dma source(%dma_start3A_455 : memref<16128xf32, #tpu.memory_space<hbm>>) target(%arg12 : memref<16128xf32, #tpu.memory_space<vmem>>) target_semaphore(%run_scoped3A : memref<!tpu.dma_semaphore, #tpu.memory_space<semaphore_mem>>)
      %dma_wait3A_456 = tpu.memref_slice %arg2[%mul3A_224] : memref<4128768xf32, #tpu.memory_space<hbm>> -> memref<16128xf32, #tpu.memory_space<hbm>>
      %dma_wait3A_457 = tpu.memref_slice %arg2[%mul3A_224] : memref<4128768xf32, #tpu.memory_space<hbm>> -> memref<16128xf32, #tpu.memory_space<hbm>>
      tpu.wait_dma2 semaphore(%run_scoped3A : memref<!tpu.dma_semaphore, #tpu.memory_space<semaphore_mem>>) src(%dma_wait3A_457 : memref<16128xf32, #tpu.memory_space<hbm>>) dst(%arg12 : memref<16128xf32, #tpu.memory_space<vmem>>)
      tpu.yield
    }) : () -> ()
    %mul3A_225 = arith.constant 64 : i32
    %mul3A_226 = arith.muli %add3A_197, %mul3A_225 : i32
    %mul3A_227 = arith.constant 4 : i32
    %mul3A_228 = arith.muli %mul3A_227, %arg1 : i32
    %add3A_229 = arith.addi %mul3A_226, %mul3A_228 : i32
    %add3A_230 = arith.constant 3 : i32
    %add3A_231 = arith.addi %add3A_229, %add3A_230 : i32
    %mul3A_232 = arith.constant 16128 : i32
    %mul3A_233 = arith.muli %add3A_231, %mul3A_232 : i32
    "tpu.region"() ({
      %run_scoped3A = tpu.sem_alloc : memref<!tpu.dma_semaphore, #tpu.memory_space<semaphore_mem>>
      %dma_start3A_454 = tpu.memref_slice %arg2[%mul3A_233] : memref<4128768xf32, #tpu.memory_space<hbm>> -> memref<16128xf32, #tpu.memory_space<hbm>>
      %dma_start3A_455 = tpu.memref_slice %arg2[%mul3A_233] : memref<4128768xf32, #tpu.memory_space<hbm>> -> memref<16128xf32, #tpu.memory_space<hbm>>
      tpu.enqueue_dma source(%dma_start3A_455 : memref<16128xf32, #tpu.memory_space<hbm>>) target(%arg13 : memref<16128xf32, #tpu.memory_space<vmem>>) target_semaphore(%run_scoped3A : memref<!tpu.dma_semaphore, #tpu.memory_space<semaphore_mem>>)
      %dma_wait3A_456 = tpu.memref_slice %arg2[%mul3A_233] : memref<4128768xf32, #tpu.memory_space<hbm>> -> memref<16128xf32, #tpu.memory_space<hbm>>
      %dma_wait3A_457 = tpu.memref_slice %arg2[%mul3A_233] : memref<4128768xf32, #tpu.memory_space<hbm>> -> memref<16128xf32, #tpu.memory_space<hbm>>
      tpu.wait_dma2 semaphore(%run_scoped3A : memref<!tpu.dma_semaphore, #tpu.memory_space<semaphore_mem>>) src(%dma_wait3A_457 : memref<16128xf32, #tpu.memory_space<hbm>>) dst(%arg13 : memref<16128xf32, #tpu.memory_space<vmem>>)
      tpu.yield
    }) : () -> ()
    %mul3A_234 = arith.constant 160000 : i32
    %mul3A_235 = arith.muli %add3A_197, %mul3A_234 : i32
    %dma_start3A = tpu.memref_slice %arg6[%mul3A_235] : memref<640000xi32, #tpu.memory_space<hbm>> -> memref<3200xi32, #tpu.memory_space<hbm>>
    %dma_start3A_236 = tpu.memref_slice %arg6[%mul3A_235] : memref<640000xi32, #tpu.memory_space<hbm>> -> memref<3200xi32, #tpu.memory_space<hbm>>
    tpu.enqueue_dma source(%dma_start3A_236 : memref<3200xi32, #tpu.memory_space<hbm>>) target(%arg14 : memref<3200xi32, #tpu.memory_space<vmem>>) target_semaphore(%arg24 : memref<!tpu.dma_semaphore, #tpu.memory_space<semaphore_mem>>)
    %scan3A_237 = arith.constant 0 : i32
    %scan3A_238 = arith.constant 0 : i32
    %scan3A_239 = arith.constant 25 : i32
    %scan3A_240 = arith.addi %scan3A_238, %scan3A_239 : i32
    %scan3A_241 = arith.constant 1 : i32
    %scan3A_242 = scf.for %scan3A_454 = %scan3A_238 to %scan3A_240 step %scan3A_241 iter_args(%scan3A_455 = %scan3A_237) -> (i32)  : i32 {
      %mul3A_456 = arith.constant 2 : i32
      %mul3A_457 = arith.muli %mul3A_456, %scan3A_454 : i32
      %add3A_458 = arith.constant 0 : i32
      %add3A_459 = arith.addi %mul3A_457, %add3A_458 : i32
      %mul3A_460 = arith.constant 160000 : i32
      %mul3A_461 = arith.muli %add3A_197, %mul3A_460 : i32
      %dma_wait3A_462 = tpu.memref_slice %arg6[%mul3A_461] : memref<640000xi32, #tpu.memory_space<hbm>> -> memref<3200xi32, #tpu.memory_space<hbm>>
      %dma_wait3A_463 = tpu.memref_slice %arg6[%mul3A_461] : memref<640000xi32, #tpu.memory_space<hbm>> -> memref<3200xi32, #tpu.memory_space<hbm>>
      tpu.wait_dma2 semaphore(%arg24 : memref<!tpu.dma_semaphore, #tpu.memory_space<semaphore_mem>>) src(%dma_wait3A_463 : memref<3200xi32, #tpu.memory_space<hbm>>) dst(%arg14 : memref<3200xi32, #tpu.memory_space<vmem>>)
      %lt3A = arith.constant 49 : i32
      %lt3A_464 = arith.cmpi slt, %add3A_459, %lt3A : i32
      %convert_element_type3A = arith.extui %lt3A_464 : i1 to i32
      %cond3A = arith.constant 0 : i32
      %cond3A_465 = arith.cmpi ne, %convert_element_type3A, %cond3A : i32
      scf.if %cond3A_465 {
        %mul3A_599 = arith.constant 160000 : i32
        %mul3A_600 = arith.muli %add3A_197, %mul3A_599 : i32
        %add3A_601 = arith.constant 1 : i32
        %add3A_602 = arith.addi %add3A_459, %add3A_601 : i32
        %mul3A_603 = arith.constant 3200 : i32
        %mul3A_604 = arith.muli %add3A_602, %mul3A_603 : i32
        %add3A_605 = arith.addi %mul3A_600, %mul3A_604 : i32
        %dma_start3A_606 = tpu.memref_slice %arg6[%add3A_605] : memref<640000xi32, #tpu.memory_space<hbm>> -> memref<3200xi32, #tpu.memory_space<hbm>>
        %dma_start3A_607 = tpu.memref_slice %arg6[%add3A_605] : memref<640000xi32, #tpu.memory_space<hbm>> -> memref<3200xi32, #tpu.memory_space<hbm>>
        tpu.enqueue_dma source(%dma_start3A_607 : memref<3200xi32, #tpu.memory_space<hbm>>) target(%arg15 : memref<3200xi32, #tpu.memory_space<vmem>>) target_semaphore(%arg25 : memref<!tpu.dma_semaphore, #tpu.memory_space<semaphore_mem>>)
      } else {
      }
      %ge3A = arith.constant 1 : i32
      %ge3A_466 = arith.cmpi sge, %scan3A_454, %ge3A : i32
      %convert_element_type3A_467 = arith.extui %ge3A_466 : i1 to i32
      %cond3A_468 = arith.constant 0 : i32
      %cond3A_469 = arith.cmpi ne, %convert_element_type3A_467, %cond3A_468 : i32
      scf.if %cond3A_469 {
        %dma_wait3A_599 = arith.constant 0 : i32
        %dma_wait3A_600 = arith.constant 0 : i32
        %dma_wait3A_601 = arith.constant 0 : i32
        %dma_wait3A_602 = arith.constant 0 : i32
        %dma_wait3A_603 = tpu.memref_slice %arg5[%dma_wait3A_599, %dma_wait3A_600, %dma_wait3A_601, %dma_wait3A_602] : memref<4x64x400x400xf32, #tpu.memory_space<hbm>> -> memref<1x1x8x400xf32, #tpu.memory_space<hbm>>
        %dma_wait3A_604 = tpu.memref_squeeze %dma_wait3A_603 : memref<1x1x8x400xf32, #tpu.memory_space<hbm>> -> memref<8x400xf32, #tpu.memory_space<hbm>>
        %dma_wait3A_605 = arith.constant 0 : i32
        %dma_wait3A_606 = arith.constant 0 : i32
        %dma_wait3A_607 = tpu.memref_slice %arg5[%dma_wait3A_599, %dma_wait3A_600, %dma_wait3A_605, %dma_wait3A_606] : memref<4x64x400x400xf32, #tpu.memory_space<hbm>> -> memref<1x1x8x400xf32, #tpu.memory_space<hbm>>
        %dma_wait3A_608 = tpu.memref_squeeze %dma_wait3A_607 : memref<1x1x8x400xf32, #tpu.memory_space<hbm>> -> memref<8x400xf32, #tpu.memory_space<hbm>>
        tpu.wait_dma2 semaphore(%arg26 : memref<!tpu.dma_semaphore, #tpu.memory_space<semaphore_mem>>) src(%arg16 : memref<8x400xf32, #tpu.memory_space<vmem>>) dst(%dma_wait3A_608 : memref<8x400xf32, #tpu.memory_space<hbm>>)
        %dma_wait3A_609 = arith.constant 0 : i32
        %dma_wait3A_610 = arith.constant 0 : i32
        %dma_wait3A_611 = arith.constant 0 : i32
        %dma_wait3A_612 = arith.constant 0 : i32
        %dma_wait3A_613 = tpu.memref_slice %arg5[%dma_wait3A_609, %dma_wait3A_610, %dma_wait3A_611, %dma_wait3A_612] : memref<4x64x400x400xf32, #tpu.memory_space<hbm>> -> memref<1x1x8x400xf32, #tpu.memory_space<hbm>>
        %dma_wait3A_614 = tpu.memref_squeeze %dma_wait3A_613 : memref<1x1x8x400xf32, #tpu.memory_space<hbm>> -> memref<8x400xf32, #tpu.memory_space<hbm>>
        %dma_wait3A_615 = arith.constant 0 : i32
        %dma_wait3A_616 = arith.constant 0 : i32
        %dma_wait3A_617 = tpu.memref_slice %arg5[%dma_wait3A_609, %dma_wait3A_610, %dma_wait3A_615, %dma_wait3A_616] : memref<4x64x400x400xf32, #tpu.memory_space<hbm>> -> memref<1x1x8x400xf32, #tpu.memory_space<hbm>>
        %dma_wait3A_618 = tpu.memref_squeeze %dma_wait3A_617 : memref<1x1x8x400xf32, #tpu.memory_space<hbm>> -> memref<8x400xf32, #tpu.memory_space<hbm>>
        tpu.wait_dma2 semaphore(%arg26 : memref<!tpu.dma_semaphore, #tpu.memory_space<semaphore_mem>>) src(%arg17 : memref<8x400xf32, #tpu.memory_space<vmem>>) dst(%dma_wait3A_618 : memref<8x400xf32, #tpu.memory_space<hbm>>)
        %dma_wait3A_619 = arith.constant 0 : i32
        %dma_wait3A_620 = arith.constant 0 : i32
        %dma_wait3A_621 = arith.constant 0 : i32
        %dma_wait3A_622 = arith.constant 0 : i32
        %dma_wait3A_623 = tpu.memref_slice %arg5[%dma_wait3A_619, %dma_wait3A_620, %dma_wait3A_621, %dma_wait3A_622] : memref<4x64x400x400xf32, #tpu.memory_space<hbm>> -> memref<1x1x8x400xf32, #tpu.memory_space<hbm>>
        %dma_wait3A_624 = tpu.memref_squeeze %dma_wait3A_623 : memref<1x1x8x400xf32, #tpu.memory_space<hbm>> -> memref<8x400xf32, #tpu.memory_space<hbm>>
        %dma_wait3A_625 = arith.constant 0 : i32
        %dma_wait3A_626 = arith.constant 0 : i32
        %dma_wait3A_627 = tpu.memref_slice %arg5[%dma_wait3A_619, %dma_wait3A_620, %dma_wait3A_625, %dma_wait3A_626] : memref<4x64x400x400xf32, #tpu.memory_space<hbm>> -> memref<1x1x8x400xf32, #tpu.memory_space<hbm>>
        %dma_wait3A_628 = tpu.memref_squeeze %dma_wait3A_627 : memref<1x1x8x400xf32, #tpu.memory_space<hbm>> -> memref<8x400xf32, #tpu.memory_space<hbm>>
        tpu.wait_dma2 semaphore(%arg26 : memref<!tpu.dma_semaphore, #tpu.memory_space<semaphore_mem>>) src(%arg18 : memref<8x400xf32, #tpu.memory_space<vmem>>) dst(%dma_wait3A_628 : memref<8x400xf32, #tpu.memory_space<hbm>>)
        %dma_wait3A_629 = arith.constant 0 : i32
        %dma_wait3A_630 = arith.constant 0 : i32
        %dma_wait3A_631 = arith.constant 0 : i32
        %dma_wait3A_632 = arith.constant 0 : i32
        %dma_wait3A_633 = tpu.memref_slice %arg5[%dma_wait3A_629, %dma_wait3A_630, %dma_wait3A_631, %dma_wait3A_632] : memref<4x64x400x400xf32, #tpu.memory_space<hbm>> -> memref<1x1x8x400xf32, #tpu.memory_space<hbm>>
        %dma_wait3A_634 = tpu.memref_squeeze %dma_wait3A_633 : memref<1x1x8x400xf32, #tpu.memory_space<hbm>> -> memref<8x400xf32, #tpu.memory_space<hbm>>
        %dma_wait3A_635 = arith.constant 0 : i32
        %dma_wait3A_636 = arith.constant 0 : i32
        %dma_wait3A_637 = tpu.memref_slice %arg5[%dma_wait3A_629, %dma_wait3A_630, %dma_wait3A_635, %dma_wait3A_636] : memref<4x64x400x400xf32, #tpu.memory_space<hbm>> -> memref<1x1x8x400xf32, #tpu.memory_space<hbm>>
        %dma_wait3A_638 = tpu.memref_squeeze %dma_wait3A_637 : memref<1x1x8x400xf32, #tpu.memory_space<hbm>> -> memref<8x400xf32, #tpu.memory_space<hbm>>
        tpu.wait_dma2 semaphore(%arg26 : memref<!tpu.dma_semaphore, #tpu.memory_space<semaphore_mem>>) src(%arg19 : memref<8x400xf32, #tpu.memory_space<vmem>>) dst(%dma_wait3A_638 : memref<8x400xf32, #tpu.memory_space<hbm>>)
      } else {
      }
      %scan3A_470 = arith.constant 0 : i32
      %scan3A_471 = arith.constant 0 : i32
      %scan3A_472 = arith.constant 8 : i32
      %scan3A_473 = arith.addi %scan3A_471, %scan3A_472 : i32
      %scan3A_474 = arith.constant 1 : i32
      %scan3A_475 = scf.for %scan3A_599 = %scan3A_471 to %scan3A_473 step %scan3A_474 iter_args(%scan3A_600 = %scan3A_470) -> (i32)  : i32 {
        %parallel_loop3A_601 = arith.constant 0 : i32
        %parallel_loop3A_602 = arith.constant 25 : i32
        %parallel_loop3A_603 = arith.constant 1 : i32
        scf.for %parallel_loop3A_605 = %parallel_loop3A_601 to %parallel_loop3A_602 step %parallel_loop3A_603  : i32 {
          %parallel_loop3A_606 = arith.constant 400 : i32
          %parallel_loop3A_607 = arith.muli %scan3A_599, %parallel_loop3A_606 : i32
          %parallel_loop3A_608 = arith.constant 16 : i32
          %parallel_loop3A_609 = arith.muli %parallel_loop3A_605, %parallel_loop3A_608 : i32
          %parallel_loop3A_610 = arith.addi %parallel_loop3A_607, %parallel_loop3A_609 : i32
          %parallel_loop3A_611 = arith.index_cast %parallel_loop3A_610 : i32 to index
          %parallel_loop3A_612 = tpu.vector_load %arg14[%parallel_loop3A_611] {strides = array<i32>} : memref<3200xi32, #tpu.memory_space<vmem>>, vector<16xi32>,
          %parallel_loop3A_613 = arith.constant 16000 : i32
          %parallel_loop3A_614 = vector.broadcast %parallel_loop3A_613 : i32 to vector<16xi32>
          %parallel_loop3A_615 = arith.cmpi slt, %parallel_loop3A_612, %parallel_loop3A_614 : vector<16xi32>
          %parallel_loop3A_616 = tpu.vector_load_idx %arg10[%parallel_loop3A_612] masked %parallel_loop3A_615 : memref<16128xf32, #tpu.memory_space<vmem>>[vector<16xi32>], vector<16xf32>, vector<16xi1>
          %parallel_loop3A_617 = arith.constant 0.000000e+00 : f32
          %parallel_loop3A_618 = vector.broadcast %parallel_loop3A_617 : f32 to vector<16xf32>
          %parallel_loop3A_619 = arith.select %parallel_loop3A_615, %parallel_loop3A_616, %parallel_loop3A_618 : vector<16xi1>, vector<16xf32>
          %parallel_loop3A_620 = arith.constant 16 : i32
          %parallel_loop3A_621 = arith.muli %parallel_loop3A_605, %parallel_loop3A_620 : i32
          %parallel_loop3A_622 = arith.index_cast %scan3A_599 : i32 to index
          %parallel_loop3A_623 = arith.index_cast %parallel_loop3A_621 : i32 to index
          %parallel_loop3A_624 = tpu.vector_load %arg16[%parallel_loop3A_622, %parallel_loop3A_623] {strides = array<i32>} : memref<8x400xf32, #tpu.memory_space<vmem>>, vector<16xf32>,
          tpu.vector_store %arg16[%parallel_loop3A_622, %parallel_loop3A_623], %parallel_loop3A_619 {strides = array<i32>} : memref<8x400xf32, #tpu.memory_space<vmem>>, vector<16xf32>,
          %parallel_loop3A_625 = tpu.vector_load_idx %arg11[%parallel_loop3A_612] masked %parallel_loop3A_615 : memref<16128xf32, #tpu.memory_space<vmem>>[vector<16xi32>], vector<16xf32>, vector<16xi1>
          %parallel_loop3A_626 = arith.constant 0.000000e+00 : f32
          %parallel_loop3A_627 = vector.broadcast %parallel_loop3A_626 : f32 to vector<16xf32>
          %parallel_loop3A_628 = arith.select %parallel_loop3A_615, %parallel_loop3A_625, %parallel_loop3A_627 : vector<16xi1>, vector<16xf32>
          %parallel_loop3A_629 = arith.constant 16 : i32
          %parallel_loop3A_630 = arith.muli %parallel_loop3A_605, %parallel_loop3A_629 : i32
          %parallel_loop3A_631 = arith.index_cast %scan3A_599 : i32 to index
          %parallel_loop3A_632 = arith.index_cast %parallel_loop3A_630 : i32 to index
          %parallel_loop3A_633 = tpu.vector_load %arg17[%parallel_loop3A_631, %parallel_loop3A_632] {strides = array<i32>} : memref<8x400xf32, #tpu.memory_space<vmem>>, vector<16xf32>,
          tpu.vector_store %arg17[%parallel_loop3A_631, %parallel_loop3A_632], %parallel_loop3A_628 {strides = array<i32>} : memref<8x400xf32, #tpu.memory_space<vmem>>, vector<16xf32>,
          %parallel_loop3A_634 = tpu.vector_load_idx %arg12[%parallel_loop3A_612] masked %parallel_loop3A_615 : memref<16128xf32, #tpu.memory_space<vmem>>[vector<16xi32>], vector<16xf32>, vector<16xi1>
          %parallel_loop3A_635 = arith.constant 0.000000e+00 : f32
          %parallel_loop3A_636 = vector.broadcast %parallel_loop3A_635 : f32 to vector<16xf32>
          %parallel_loop3A_637 = arith.select %parallel_loop3A_615, %parallel_loop3A_634, %parallel_loop3A_636 : vector<16xi1>, vector<16xf32>
          %parallel_loop3A_638 = arith.constant 16 : i32
          %parallel_loop3A_639 = arith.muli %parallel_loop3A_605, %parallel_loop3A_638 : i32
          %parallel_loop3A_640 = arith.index_cast %scan3A_599 : i32 to index
          %parallel_loop3A_641 = arith.index_cast %parallel_loop3A_639 : i32 to index
          %parallel_loop3A_642 = tpu.vector_load %arg18[%parallel_loop3A_640, %parallel_loop3A_641] {strides = array<i32>} : memref<8x400xf32, #tpu.memory_space<vmem>>, vector<16xf32>,
          tpu.vector_store %arg18[%parallel_loop3A_640, %parallel_loop3A_641], %parallel_loop3A_637 {strides = array<i32>} : memref<8x400xf32, #tpu.memory_space<vmem>>, vector<16xf32>,
          %parallel_loop3A_643 = tpu.vector_load_idx %arg13[%parallel_loop3A_612] masked %parallel_loop3A_615 : memref<16128xf32, #tpu.memory_space<vmem>>[vector<16xi32>], vector<16xf32>, vector<16xi1>
          %parallel_loop3A_644 = arith.constant 0.000000e+00 : f32
          %parallel_loop3A_645 = vector.broadcast %parallel_loop3A_644 : f32 to vector<16xf32>
          %parallel_loop3A_646 = arith.select %parallel_loop3A_615, %parallel_loop3A_643, %parallel_loop3A_645 : vector<16xi1>, vector<16xf32>
          %parallel_loop3A_647 = arith.constant 16 : i32
          %parallel_loop3A_648 = arith.muli %parallel_loop3A_605, %parallel_loop3A_647 : i32
          %parallel_loop3A_649 = arith.index_cast %scan3A_599 : i32 to index
          %parallel_loop3A_650 = arith.index_cast %parallel_loop3A_648 : i32 to index
          %parallel_loop3A_651 = tpu.vector_load %arg19[%parallel_loop3A_649, %parallel_loop3A_650] {strides = array<i32>} : memref<8x400xf32, #tpu.memory_space<vmem>>, vector<16xf32>,
          tpu.vector_store %arg19[%parallel_loop3A_649, %parallel_loop3A_650], %parallel_loop3A_646 {strides = array<i32>} : memref<8x400xf32, #tpu.memory_space<vmem>>, vector<16xf32>,
        } {sc.loop_unroll_factor = 5 : i64, sc.parallel_access}
        %scan3A_604 = arith.constant 0 : i32
        scf.yield %scan3A_604 : i32
      }
      %scan3A_476 = arith.constant 8 : i32
      %mul3A_477 = arith.constant 4 : i32
      %mul3A_478 = arith.muli %mul3A_477, %arg1 : i32
      %add3A_479 = arith.constant 0 : i32
      %add3A_480 = arith.addi %mul3A_478, %add3A_479 : i32
      %mul3A_481 = arith.constant 8 : i32
      %mul3A_482 = arith.muli %add3A_459, %mul3A_481 : i32
      %dma_start3A_483 = arith.constant 0 : i32
      %dma_start3A_484 = tpu.memref_slice %arg5[%add3A_197, %add3A_480, %mul3A_482, %dma_start3A_483] : memref<4x64x400x400xf32, #tpu.memory_space<hbm>> -> memref<1x1x8x400xf32, #tpu.memory_space<hbm>>
      %dma_start3A_485 = tpu.memref_squeeze %dma_start3A_484 : memref<1x1x8x400xf32, #tpu.memory_space<hbm>> -> memref<8x400xf32, #tpu.memory_space<hbm>>
      %dma_start3A_486 = arith.constant 0 : i32
      %dma_start3A_487 = tpu.memref_slice %arg5[%add3A_197, %add3A_480, %mul3A_482, %dma_start3A_486] : memref<4x64x400x400xf32, #tpu.memory_space<hbm>> -> memref<1x1x8x400xf32, #tpu.memory_space<hbm>>
      %dma_start3A_488 = tpu.memref_squeeze %dma_start3A_487 : memref<1x1x8x400xf32, #tpu.memory_space<hbm>> -> memref<8x400xf32, #tpu.memory_space<hbm>>
      tpu.enqueue_dma source(%arg16 : memref<8x400xf32, #tpu.memory_space<vmem>>) target(%dma_start3A_488 : memref<8x400xf32, #tpu.memory_space<hbm>>) target_semaphore(%arg26 : memref<!tpu.dma_semaphore, #tpu.memory_space<semaphore_mem>>)
      %mul3A_489 = arith.constant 4 : i32
      %mul3A_490 = arith.muli %mul3A_489, %arg1 : i32
      %add3A_491 = arith.constant 1 : i32
      %add3A_492 = arith.addi %mul3A_490, %add3A_491 : i32
      %mul3A_493 = arith.constant 8 : i32
      %mul3A_494 = arith.muli %add3A_459, %mul3A_493 : i32
      %dma_start3A_495 = arith.constant 0 : i32
      %dma_start3A_496 = tpu.memref_slice %arg5[%add3A_197, %add3A_492, %mul3A_494, %dma_start3A_495] : memref<4x64x400x400xf32, #tpu.memory_space<hbm>> -> memref<1x1x8x400xf32, #tpu.memory_space<hbm>>
      %dma_start3A_497 = tpu.memref_squeeze %dma_start3A_496 : memref<1x1x8x400xf32, #tpu.memory_space<hbm>> -> memref<8x400xf32, #tpu.memory_space<hbm>>
      %dma_start3A_498 = arith.constant 0 : i32
      %dma_start3A_499 = tpu.memref_slice %arg5[%add3A_197, %add3A_492, %mul3A_494, %dma_start3A_498] : memref<4x64x400x400xf32, #tpu.memory_space<hbm>> -> memref<1x1x8x400xf32, #tpu.memory_space<hbm>>
      %dma_start3A_500 = tpu.memref_squeeze %dma_start3A_499 : memref<1x1x8x400xf32, #tpu.memory_space<hbm>> -> memref<8x400xf32, #tpu.memory_space<hbm>>
      tpu.enqueue_dma source(%arg17 : memref<8x400xf32, #tpu.memory_space<vmem>>) target(%dma_start3A_500 : memref<8x400xf32, #tpu.memory_space<hbm>>) target_semaphore(%arg26 : memref<!tpu.dma_semaphore, #tpu.memory_space<semaphore_mem>>)
      %mul3A_501 = arith.constant 4 : i32
      %mul3A_502 = arith.muli %mul3A_501, %arg1 : i32
      %add3A_503 = arith.constant 2 : i32
      %add3A_504 = arith.addi %mul3A_502, %add3A_503 : i32
      %mul3A_505 = arith.constant 8 : i32
      %mul3A_506 = arith.muli %add3A_459, %mul3A_505 : i32
      %dma_start3A_507 = arith.constant 0 : i32
      %dma_start3A_508 = tpu.memref_slice %arg5[%add3A_197, %add3A_504, %mul3A_506, %dma_start3A_507] : memref<4x64x400x400xf32, #tpu.memory_space<hbm>> -> memref<1x1x8x400xf32, #tpu.memory_space<hbm>>
      %dma_start3A_509 = tpu.memref_squeeze %dma_start3A_508 : memref<1x1x8x400xf32, #tpu.memory_space<hbm>> -> memref<8x400xf32, #tpu.memory_space<hbm>>
      %dma_start3A_510 = arith.constant 0 : i32
      %dma_start3A_511 = tpu.memref_slice %arg5[%add3A_197, %add3A_504, %mul3A_506, %dma_start3A_510] : memref<4x64x400x400xf32, #tpu.memory_space<hbm>> -> memref<1x1x8x400xf32, #tpu.memory_space<hbm>>
      %dma_start3A_512 = tpu.memref_squeeze %dma_start3A_511 : memref<1x1x8x400xf32, #tpu.memory_space<hbm>> -> memref<8x400xf32, #tpu.memory_space<hbm>>
      tpu.enqueue_dma source(%arg18 : memref<8x400xf32, #tpu.memory_space<vmem>>) target(%dma_start3A_512 : memref<8x400xf32, #tpu.memory_space<hbm>>) target_semaphore(%arg26 : memref<!tpu.dma_semaphore, #tpu.memory_space<semaphore_mem>>)
      %mul3A_513 = arith.constant 4 : i32
      %mul3A_514 = arith.muli %mul3A_513, %arg1 : i32
      %add3A_515 = arith.constant 3 : i32
      %add3A_516 = arith.addi %mul3A_514, %add3A_515 : i32
      %mul3A_517 = arith.constant 8 : i32
      %mul3A_518 = arith.muli %add3A_459, %mul3A_517 : i32
      %dma_start3A_519 = arith.constant 0 : i32
      %dma_start3A_520 = tpu.memref_slice %arg5[%add3A_197, %add3A_516, %mul3A_518, %dma_start3A_519] : memref<4x64x400x400xf32, #tpu.memory_space<hbm>> -> memref<1x1x8x400xf32, #tpu.memory_space<hbm>>
      %dma_start3A_521 = tpu.memref_squeeze %dma_start3A_520 : memref<1x1x8x400xf32, #tpu.memory_space<hbm>> -> memref<8x400xf32, #tpu.memory_space<hbm>>
      %dma_start3A_522 = arith.constant 0 : i32
      %dma_start3A_523 = tpu.memref_slice %arg5[%add3A_197, %add3A_516, %mul3A_518, %dma_start3A_522] : memref<4x64x400x400xf32, #tpu.memory_space<hbm>> -> memref<1x1x8x400xf32, #tpu.memory_space<hbm>>
      %dma_start3A_524 = tpu.memref_squeeze %dma_start3A_523 : memref<1x1x8x400xf32, #tpu.memory_space<hbm>> -> memref<8x400xf32, #tpu.memory_space<hbm>>
      tpu.enqueue_dma source(%arg19 : memref<8x400xf32, #tpu.memory_space<vmem>>) target(%dma_start3A_524 : memref<8x400xf32, #tpu.memory_space<hbm>>) target_semaphore(%arg26 : memref<!tpu.dma_semaphore, #tpu.memory_space<semaphore_mem>>)
      %mul3A_525 = arith.constant 2 : i32
      %mul3A_526 = arith.muli %mul3A_525, %scan3A_454 : i32
      %add3A_527 = arith.constant 1 : i32
      %add3A_528 = arith.addi %mul3A_526, %add3A_527 : i32
      %mul3A_529 = arith.constant 160000 : i32
      %mul3A_530 = arith.muli %add3A_197, %mul3A_529 : i32
      %dma_wait3A_531 = tpu.memref_slice %arg6[%mul3A_530] : memref<640000xi32, #tpu.memory_space<hbm>> -> memref<3200xi32, #tpu.memory_space<hbm>>
      %dma_wait3A_532 = tpu.memref_slice %arg6[%mul3A_530] : memref<640000xi32, #tpu.memory_space<hbm>> -> memref<3200xi32, #tpu.memory_space<hbm>>
      tpu.wait_dma2 semaphore(%arg25 : memref<!tpu.dma_semaphore, #tpu.memory_space<semaphore_mem>>) src(%dma_wait3A_532 : memref<3200xi32, #tpu.memory_space<hbm>>) dst(%arg15 : memref<3200xi32, #tpu.memory_space<vmem>>)
      %lt3A_533 = arith.constant 49 : i32
      %lt3A_534 = arith.cmpi slt, %add3A_528, %lt3A_533 : i32
      %convert_element_type3A_535 = arith.extui %lt3A_534 : i1 to i32
      %cond3A_536 = arith.constant 0 : i32
      %cond3A_537 = arith.cmpi ne, %convert_element_type3A_535, %cond3A_536 : i32
      scf.if %cond3A_537 {
        %mul3A_599 = arith.constant 160000 : i32
        %mul3A_600 = arith.muli %add3A_197, %mul3A_599 : i32
        %add3A_601 = arith.constant 1 : i32
        %add3A_602 = arith.addi %add3A_528, %add3A_601 : i32
        %mul3A_603 = arith.constant 3200 : i32
        %mul3A_604 = arith.muli %add3A_602, %mul3A_603 : i32
        %add3A_605 = arith.addi %mul3A_600, %mul3A_604 : i32
        %dma_start3A_606 = tpu.memref_slice %arg6[%add3A_605] : memref<640000xi32, #tpu.memory_space<hbm>> -> memref<3200xi32, #tpu.memory_space<hbm>>
        %dma_start3A_607 = tpu.memref_slice %arg6[%add3A_605] : memref<640000xi32, #tpu.memory_space<hbm>> -> memref<3200xi32, #tpu.memory_space<hbm>>
        tpu.enqueue_dma source(%dma_start3A_607 : memref<3200xi32, #tpu.memory_space<hbm>>) target(%arg14 : memref<3200xi32, #tpu.memory_space<vmem>>) target_semaphore(%arg24 : memref<!tpu.dma_semaphore, #tpu.memory_space<semaphore_mem>>)
      } else {
      }
      %ge3A_538 = arith.constant 1 : i32
      %ge3A_539 = arith.cmpi sge, %scan3A_454, %ge3A_538 : i32
      %convert_element_type3A_540 = arith.extui %ge3A_539 : i1 to i32
      %cond3A_541 = arith.constant 0 : i32
      %cond3A_542 = arith.cmpi ne, %convert_element_type3A_540, %cond3A_541 : i32
      scf.if %cond3A_542 {
        %dma_wait3A_599 = arith.constant 0 : i32
        %dma_wait3A_600 = arith.constant 0 : i32
        %dma_wait3A_601 = arith.constant 0 : i32
        %dma_wait3A_602 = arith.constant 0 : i32
        %dma_wait3A_603 = tpu.memref_slice %arg5[%dma_wait3A_599, %dma_wait3A_600, %dma_wait3A_601, %dma_wait3A_602] : memref<4x64x400x400xf32, #tpu.memory_space<hbm>> -> memref<1x1x8x400xf32, #tpu.memory_space<hbm>>
        %dma_wait3A_604 = tpu.memref_squeeze %dma_wait3A_603 : memref<1x1x8x400xf32, #tpu.memory_space<hbm>> -> memref<8x400xf32, #tpu.memory_space<hbm>>
        %dma_wait3A_605 = arith.constant 0 : i32
        %dma_wait3A_606 = arith.constant 0 : i32
        %dma_wait3A_607 = tpu.memref_slice %arg5[%dma_wait3A_599, %dma_wait3A_600, %dma_wait3A_605, %dma_wait3A_606] : memref<4x64x400x400xf32, #tpu.memory_space<hbm>> -> memref<1x1x8x400xf32, #tpu.memory_space<hbm>>
        %dma_wait3A_608 = tpu.memref_squeeze %dma_wait3A_607 : memref<1x1x8x400xf32, #tpu.memory_space<hbm>> -> memref<8x400xf32, #tpu.memory_space<hbm>>
        tpu.wait_dma2 semaphore(%arg27 : memref<!tpu.dma_semaphore, #tpu.memory_space<semaphore_mem>>) src(%arg20 : memref<8x400xf32, #tpu.memory_space<vmem>>) dst(%dma_wait3A_608 : memref<8x400xf32, #tpu.memory_space<hbm>>)
        %dma_wait3A_609 = arith.constant 0 : i32
        %dma_wait3A_610 = arith.constant 0 : i32
        %dma_wait3A_611 = arith.constant 0 : i32
        %dma_wait3A_612 = arith.constant 0 : i32
        %dma_wait3A_613 = tpu.memref_slice %arg5[%dma_wait3A_609, %dma_wait3A_610, %dma_wait3A_611, %dma_wait3A_612] : memref<4x64x400x400xf32, #tpu.memory_space<hbm>> -> memref<1x1x8x400xf32, #tpu.memory_space<hbm>>
        %dma_wait3A_614 = tpu.memref_squeeze %dma_wait3A_613 : memref<1x1x8x400xf32, #tpu.memory_space<hbm>> -> memref<8x400xf32, #tpu.memory_space<hbm>>
        %dma_wait3A_615 = arith.constant 0 : i32
        %dma_wait3A_616 = arith.constant 0 : i32
        %dma_wait3A_617 = tpu.memref_slice %arg5[%dma_wait3A_609, %dma_wait3A_610, %dma_wait3A_615, %dma_wait3A_616] : memref<4x64x400x400xf32, #tpu.memory_space<hbm>> -> memref<1x1x8x400xf32, #tpu.memory_space<hbm>>
        %dma_wait3A_618 = tpu.memref_squeeze %dma_wait3A_617 : memref<1x1x8x400xf32, #tpu.memory_space<hbm>> -> memref<8x400xf32, #tpu.memory_space<hbm>>
        tpu.wait_dma2 semaphore(%arg27 : memref<!tpu.dma_semaphore, #tpu.memory_space<semaphore_mem>>) src(%arg21 : memref<8x400xf32, #tpu.memory_space<vmem>>) dst(%dma_wait3A_618 : memref<8x400xf32, #tpu.memory_space<hbm>>)
        %dma_wait3A_619 = arith.constant 0 : i32
        %dma_wait3A_620 = arith.constant 0 : i32
        %dma_wait3A_621 = arith.constant 0 : i32
        %dma_wait3A_622 = arith.constant 0 : i32
        %dma_wait3A_623 = tpu.memref_slice %arg5[%dma_wait3A_619, %dma_wait3A_620, %dma_wait3A_621, %dma_wait3A_622] : memref<4x64x400x400xf32, #tpu.memory_space<hbm>> -> memref<1x1x8x400xf32, #tpu.memory_space<hbm>>
        %dma_wait3A_624 = tpu.memref_squeeze %dma_wait3A_623 : memref<1x1x8x400xf32, #tpu.memory_space<hbm>> -> memref<8x400xf32, #tpu.memory_space<hbm>>
        %dma_wait3A_625 = arith.constant 0 : i32
        %dma_wait3A_626 = arith.constant 0 : i32
        %dma_wait3A_627 = tpu.memref_slice %arg5[%dma_wait3A_619, %dma_wait3A_620, %dma_wait3A_625, %dma_wait3A_626] : memref<4x64x400x400xf32, #tpu.memory_space<hbm>> -> memref<1x1x8x400xf32, #tpu.memory_space<hbm>>
        %dma_wait3A_628 = tpu.memref_squeeze %dma_wait3A_627 : memref<1x1x8x400xf32, #tpu.memory_space<hbm>> -> memref<8x400xf32, #tpu.memory_space<hbm>>
        tpu.wait_dma2 semaphore(%arg27 : memref<!tpu.dma_semaphore, #tpu.memory_space<semaphore_mem>>) src(%arg22 : memref<8x400xf32, #tpu.memory_space<vmem>>) dst(%dma_wait3A_628 : memref<8x400xf32, #tpu.memory_space<hbm>>)
        %dma_wait3A_629 = arith.constant 0 : i32
        %dma_wait3A_630 = arith.constant 0 : i32
        %dma_wait3A_631 = arith.constant 0 : i32
        %dma_wait3A_632 = arith.constant 0 : i32
        %dma_wait3A_633 = tpu.memref_slice %arg5[%dma_wait3A_629, %dma_wait3A_630, %dma_wait3A_631, %dma_wait3A_632] : memref<4x64x400x400xf32, #tpu.memory_space<hbm>> -> memref<1x1x8x400xf32, #tpu.memory_space<hbm>>
        %dma_wait3A_634 = tpu.memref_squeeze %dma_wait3A_633 : memref<1x1x8x400xf32, #tpu.memory_space<hbm>> -> memref<8x400xf32, #tpu.memory_space<hbm>>
        %dma_wait3A_635 = arith.constant 0 : i32
        %dma_wait3A_636 = arith.constant 0 : i32
        %dma_wait3A_637 = tpu.memref_slice %arg5[%dma_wait3A_629, %dma_wait3A_630, %dma_wait3A_635, %dma_wait3A_636] : memref<4x64x400x400xf32, #tpu.memory_space<hbm>> -> memref<1x1x8x400xf32, #tpu.memory_space<hbm>>
        %dma_wait3A_638 = tpu.memref_squeeze %dma_wait3A_637 : memref<1x1x8x400xf32, #tpu.memory_space<hbm>> -> memref<8x400xf32, #tpu.memory_space<hbm>>
        tpu.wait_dma2 semaphore(%arg27 : memref<!tpu.dma_semaphore, #tpu.memory_space<semaphore_mem>>) src(%arg23 : memref<8x400xf32, #tpu.memory_space<vmem>>) dst(%dma_wait3A_638 : memref<8x400xf32, #tpu.memory_space<hbm>>)
      } else {
      }
      %scan3A_543 = arith.constant 0 : i32
      %scan3A_544 = arith.constant 0 : i32
      %scan3A_545 = arith.constant 8 : i32
      %scan3A_546 = arith.addi %scan3A_544, %scan3A_545 : i32
      %scan3A_547 = arith.constant 1 : i32
      %scan3A_548 = scf.for %scan3A_599 = %scan3A_544 to %scan3A_546 step %scan3A_547 iter_args(%scan3A_600 = %scan3A_543) -> (i32)  : i32 {
        %parallel_loop3A_601 = arith.constant 0 : i32
        %parallel_loop3A_602 = arith.constant 25 : i32
        %parallel_loop3A_603 = arith.constant 1 : i32
        scf.for %parallel_loop3A_605 = %parallel_loop3A_601 to %parallel_loop3A_602 step %parallel_loop3A_603  : i32 {
          %parallel_loop3A_606 = arith.constant 400 : i32
          %parallel_loop3A_607 = arith.muli %scan3A_599, %parallel_loop3A_606 : i32
          %parallel_loop3A_608 = arith.constant 16 : i32
          %parallel_loop3A_609 = arith.muli %parallel_loop3A_605, %parallel_loop3A_608 : i32
          %parallel_loop3A_610 = arith.addi %parallel_loop3A_607, %parallel_loop3A_609 : i32
          %parallel_loop3A_611 = arith.index_cast %parallel_loop3A_610 : i32 to index
          %parallel_loop3A_612 = tpu.vector_load %arg15[%parallel_loop3A_611] {strides = array<i32>} : memref<3200xi32, #tpu.memory_space<vmem>>, vector<16xi32>,
          %parallel_loop3A_613 = arith.constant 16000 : i32
          %parallel_loop3A_614 = vector.broadcast %parallel_loop3A_613 : i32 to vector<16xi32>
          %parallel_loop3A_615 = arith.cmpi slt, %parallel_loop3A_612, %parallel_loop3A_614 : vector<16xi32>
          %parallel_loop3A_616 = tpu.vector_load_idx %arg10[%parallel_loop3A_612] masked %parallel_loop3A_615 : memref<16128xf32, #tpu.memory_space<vmem>>[vector<16xi32>], vector<16xf32>, vector<16xi1>
          %parallel_loop3A_617 = arith.constant 0.000000e+00 : f32
          %parallel_loop3A_618 = vector.broadcast %parallel_loop3A_617 : f32 to vector<16xf32>
          %parallel_loop3A_619 = arith.select %parallel_loop3A_615, %parallel_loop3A_616, %parallel_loop3A_618 : vector<16xi1>, vector<16xf32>
          %parallel_loop3A_620 = arith.constant 16 : i32
          %parallel_loop3A_621 = arith.muli %parallel_loop3A_605, %parallel_loop3A_620 : i32
          %parallel_loop3A_622 = arith.index_cast %scan3A_599 : i32 to index
          %parallel_loop3A_623 = arith.index_cast %parallel_loop3A_621 : i32 to index
          %parallel_loop3A_624 = tpu.vector_load %arg20[%parallel_loop3A_622, %parallel_loop3A_623] {strides = array<i32>} : memref<8x400xf32, #tpu.memory_space<vmem>>, vector<16xf32>,
          tpu.vector_store %arg20[%parallel_loop3A_622, %parallel_loop3A_623], %parallel_loop3A_619 {strides = array<i32>} : memref<8x400xf32, #tpu.memory_space<vmem>>, vector<16xf32>,
          %parallel_loop3A_625 = tpu.vector_load_idx %arg11[%parallel_loop3A_612] masked %parallel_loop3A_615 : memref<16128xf32, #tpu.memory_space<vmem>>[vector<16xi32>], vector<16xf32>, vector<16xi1>
          %parallel_loop3A_626 = arith.constant 0.000000e+00 : f32
          %parallel_loop3A_627 = vector.broadcast %parallel_loop3A_626 : f32 to vector<16xf32>
          %parallel_loop3A_628 = arith.select %parallel_loop3A_615, %parallel_loop3A_625, %parallel_loop3A_627 : vector<16xi1>, vector<16xf32>
          %parallel_loop3A_629 = arith.constant 16 : i32
          %parallel_loop3A_630 = arith.muli %parallel_loop3A_605, %parallel_loop3A_629 : i32
          %parallel_loop3A_631 = arith.index_cast %scan3A_599 : i32 to index
          %parallel_loop3A_632 = arith.index_cast %parallel_loop3A_630 : i32 to index
          %parallel_loop3A_633 = tpu.vector_load %arg21[%parallel_loop3A_631, %parallel_loop3A_632] {strides = array<i32>} : memref<8x400xf32, #tpu.memory_space<vmem>>, vector<16xf32>,
          tpu.vector_store %arg21[%parallel_loop3A_631, %parallel_loop3A_632], %parallel_loop3A_628 {strides = array<i32>} : memref<8x400xf32, #tpu.memory_space<vmem>>, vector<16xf32>,
          %parallel_loop3A_634 = tpu.vector_load_idx %arg12[%parallel_loop3A_612] masked %parallel_loop3A_615 : memref<16128xf32, #tpu.memory_space<vmem>>[vector<16xi32>], vector<16xf32>, vector<16xi1>
          %parallel_loop3A_635 = arith.constant 0.000000e+00 : f32
          %parallel_loop3A_636 = vector.broadcast %parallel_loop3A_635 : f32 to vector<16xf32>
          %parallel_loop3A_637 = arith.select %parallel_loop3A_615, %parallel_loop3A_634, %parallel_loop3A_636 : vector<16xi1>, vector<16xf32>
          %parallel_loop3A_638 = arith.constant 16 : i32
          %parallel_loop3A_639 = arith.muli %parallel_loop3A_605, %parallel_loop3A_638 : i32
          %parallel_loop3A_640 = arith.index_cast %scan3A_599 : i32 to index
          %parallel_loop3A_641 = arith.index_cast %parallel_loop3A_639 : i32 to index
          %parallel_loop3A_642 = tpu.vector_load %arg22[%parallel_loop3A_640, %parallel_loop3A_641] {strides = array<i32>} : memref<8x400xf32, #tpu.memory_space<vmem>>, vector<16xf32>,
          tpu.vector_store %arg22[%parallel_loop3A_640, %parallel_loop3A_641], %parallel_loop3A_637 {strides = array<i32>} : memref<8x400xf32, #tpu.memory_space<vmem>>, vector<16xf32>,
          %parallel_loop3A_643 = tpu.vector_load_idx %arg13[%parallel_loop3A_612] masked %parallel_loop3A_615 : memref<16128xf32, #tpu.memory_space<vmem>>[vector<16xi32>], vector<16xf32>, vector<16xi1>
          %parallel_loop3A_644 = arith.constant 0.000000e+00 : f32
          %parallel_loop3A_645 = vector.broadcast %parallel_loop3A_644 : f32 to vector<16xf32>
          %parallel_loop3A_646 = arith.select %parallel_loop3A_615, %parallel_loop3A_643, %parallel_loop3A_645 : vector<16xi1>, vector<16xf32>
          %parallel_loop3A_647 = arith.constant 16 : i32
          %parallel_loop3A_648 = arith.muli %parallel_loop3A_605, %parallel_loop3A_647 : i32
          %parallel_loop3A_649 = arith.index_cast %scan3A_599 : i32 to index
          %parallel_loop3A_650 = arith.index_cast %parallel_loop3A_648 : i32 to index
          %parallel_loop3A_651 = tpu.vector_load %arg23[%parallel_loop3A_649, %parallel_loop3A_650] {strides = array<i32>} : memref<8x400xf32, #tpu.memory_space<vmem>>, vector<16xf32>,
          tpu.vector_store %arg23[%parallel_loop3A_649, %parallel_loop3A_650], %parallel_loop3A_646 {strides = array<i32>} : memref<8x400xf32, #tpu.memory_space<vmem>>, vector<16xf32>,
        } {sc.loop_unroll_factor = 5 : i64, sc.parallel_access}
        %scan3A_604 = arith.constant 0 : i32
        scf.yield %scan3A_604 : i32
      }
      %scan3A_549 = arith.constant 8 : i32
      %mul3A_550 = arith.constant 4 : i32
      %mul3A_551 = arith.muli %mul3A_550, %arg1 : i32
      %add3A_552 = arith.constant 0 : i32
      %add3A_553 = arith.addi %mul3A_551, %add3A_552 : i32
      %mul3A_554 = arith.constant 8 : i32
      %mul3A_555 = arith.muli %add3A_528, %mul3A_554 : i32
      %dma_start3A_556 = arith.constant 0 : i32
      %dma_start3A_557 = tpu.memref_slice %arg5[%add3A_197, %add3A_553, %mul3A_555, %dma_start3A_556] : memref<4x64x400x400xf32, #tpu.memory_space<hbm>> -> memref<1x1x8x400xf32, #tpu.memory_space<hbm>>
      %dma_start3A_558 = tpu.memref_squeeze %dma_start3A_557 : memref<1x1x8x400xf32, #tpu.memory_space<hbm>> -> memref<8x400xf32, #tpu.memory_space<hbm>>
      %dma_start3A_559 = arith.constant 0 : i32
      %dma_start3A_560 = tpu.memref_slice %arg5[%add3A_197, %add3A_553, %mul3A_555, %dma_start3A_559] : memref<4x64x400x400xf32, #tpu.memory_space<hbm>> -> memref<1x1x8x400xf32, #tpu.memory_space<hbm>>
      %dma_start3A_561 = tpu.memref_squeeze %dma_start3A_560 : memref<1x1x8x400xf32, #tpu.memory_space<hbm>> -> memref<8x400xf32, #tpu.memory_space<hbm>>
      tpu.enqueue_dma source(%arg20 : memref<8x400xf32, #tpu.memory_space<vmem>>) target(%dma_start3A_561 : memref<8x400xf32, #tpu.memory_space<hbm>>) target_semaphore(%arg27 : memref<!tpu.dma_semaphore, #tpu.memory_space<semaphore_mem>>)
      %mul3A_562 = arith.constant 4 : i32
      %mul3A_563 = arith.muli %mul3A_562, %arg1 : i32
      %add3A_564 = arith.constant 1 : i32
      %add3A_565 = arith.addi %mul3A_563, %add3A_564 : i32
      %mul3A_566 = arith.constant 8 : i32
      %mul3A_567 = arith.muli %add3A_528, %mul3A_566 : i32
      %dma_start3A_568 = arith.constant 0 : i32
      %dma_start3A_569 = tpu.memref_slice %arg5[%add3A_197, %add3A_565, %mul3A_567, %dma_start3A_568] : memref<4x64x400x400xf32, #tpu.memory_space<hbm>> -> memref<1x1x8x400xf32, #tpu.memory_space<hbm>>
      %dma_start3A_570 = tpu.memref_squeeze %dma_start3A_569 : memref<1x1x8x400xf32, #tpu.memory_space<hbm>> -> memref<8x400xf32, #tpu.memory_space<hbm>>
      %dma_start3A_571 = arith.constant 0 : i32
      %dma_start3A_572 = tpu.memref_slice %arg5[%add3A_197, %add3A_565, %mul3A_567, %dma_start3A_571] : memref<4x64x400x400xf32, #tpu.memory_space<hbm>> -> memref<1x1x8x400xf32, #tpu.memory_space<hbm>>
      %dma_start3A_573 = tpu.memref_squeeze %dma_start3A_572 : memref<1x1x8x400xf32, #tpu.memory_space<hbm>> -> memref<8x400xf32, #tpu.memory_space<hbm>>
      tpu.enqueue_dma source(%arg21 : memref<8x400xf32, #tpu.memory_space<vmem>>) target(%dma_start3A_573 : memref<8x400xf32, #tpu.memory_space<hbm>>) target_semaphore(%arg27 : memref<!tpu.dma_semaphore, #tpu.memory_space<semaphore_mem>>)
      %mul3A_574 = arith.constant 4 : i32
      %mul3A_575 = arith.muli %mul3A_574, %arg1 : i32
      %add3A_576 = arith.constant 2 : i32
      %add3A_577 = arith.addi %mul3A_575, %add3A_576 : i32
      %mul3A_578 = arith.constant 8 : i32
      %mul3A_579 = arith.muli %add3A_528, %mul3A_578 : i32
      %dma_start3A_580 = arith.constant 0 : i32
      %dma_start3A_581 = tpu.memref_slice %arg5[%add3A_197, %add3A_577, %mul3A_579, %dma_start3A_580] : memref<4x64x400x400xf32, #tpu.memory_space<hbm>> -> memref<1x1x8x400xf32, #tpu.memory_space<hbm>>
      %dma_start3A_582 = tpu.memref_squeeze %dma_start3A_581 : memref<1x1x8x400xf32, #tpu.memory_space<hbm>> -> memref<8x400xf32, #tpu.memory_space<hbm>>
      %dma_start3A_583 = arith.constant 0 : i32
      %dma_start3A_584 = tpu.memref_slice %arg5[%add3A_197, %add3A_577, %mul3A_579, %dma_start3A_583] : memref<4x64x400x400xf32, #tpu.memory_space<hbm>> -> memref<1x1x8x400xf32, #tpu.memory_space<hbm>>
      %dma_start3A_585 = tpu.memref_squeeze %dma_start3A_584 : memref<1x1x8x400xf32, #tpu.memory_space<hbm>> -> memref<8x400xf32, #tpu.memory_space<hbm>>
      tpu.enqueue_dma source(%arg22 : memref<8x400xf32, #tpu.memory_space<vmem>>) target(%dma_start3A_585 : memref<8x400xf32, #tpu.memory_space<hbm>>) target_semaphore(%arg27 : memref<!tpu.dma_semaphore, #tpu.memory_space<semaphore_mem>>)
      %mul3A_586 = arith.constant 4 : i32
      %mul3A_587 = arith.muli %mul3A_586, %arg1 : i32
      %add3A_588 = arith.constant 3 : i32
      %add3A_589 = arith.addi %mul3A_587, %add3A_588 : i32
      %mul3A_590 = arith.constant 8 : i32
      %mul3A_591 = arith.muli %add3A_528, %mul3A_590 : i32
      %dma_start3A_592 = arith.constant 0 : i32
      %dma_start3A_593 = tpu.memref_slice %arg5[%add3A_197, %add3A_589, %mul3A_591, %dma_start3A_592] : memref<4x64x400x400xf32, #tpu.memory_space<hbm>> -> memref<1x1x8x400xf32, #tpu.memory_space<hbm>>
      %dma_start3A_594 = tpu.memref_squeeze %dma_start3A_593 : memref<1x1x8x400xf32, #tpu.memory_space<hbm>> -> memref<8x400xf32, #tpu.memory_space<hbm>>
      %dma_start3A_595 = arith.constant 0 : i32
      %dma_start3A_596 = tpu.memref_slice %arg5[%add3A_197, %add3A_589, %mul3A_591, %dma_start3A_595] : memref<4x64x400x400xf32, #tpu.memory_space<hbm>> -> memref<1x1x8x400xf32, #tpu.memory_space<hbm>>
      %dma_start3A_597 = tpu.memref_squeeze %dma_start3A_596 : memref<1x1x8x400xf32, #tpu.memory_space<hbm>> -> memref<8x400xf32, #tpu.memory_space<hbm>>
      tpu.enqueue_dma source(%arg23 : memref<8x400xf32, #tpu.memory_space<vmem>>) target(%dma_start3A_597 : memref<8x400xf32, #tpu.memory_space<hbm>>) target_semaphore(%arg27 : memref<!tpu.dma_semaphore, #tpu.memory_space<semaphore_mem>>)
      %scan3A_598 = arith.constant 0 : i32
      scf.yield %scan3A_598 : i32
    }
    %scan3A_243 = arith.constant 25 : i32
    %dma_wait3A = arith.constant 0 : i32
    %dma_wait3A_244 = arith.constant 0 : i32
    %dma_wait3A_245 = arith.constant 0 : i32
    %dma_wait3A_246 = arith.constant 0 : i32
    %dma_wait3A_247 = tpu.memref_slice %arg5[%dma_wait3A, %dma_wait3A_244, %dma_wait3A_245, %dma_wait3A_246] : memref<4x64x400x400xf32, #tpu.memory_space<hbm>> -> memref<1x1x8x400xf32, #tpu.memory_space<hbm>>
    %dma_wait3A_248 = tpu.memref_squeeze %dma_wait3A_247 : memref<1x1x8x400xf32, #tpu.memory_space<hbm>> -> memref<8x400xf32, #tpu.memory_space<hbm>>
    %dma_wait3A_249 = arith.constant 0 : i32
    %dma_wait3A_250 = arith.constant 0 : i32
    %dma_wait3A_251 = tpu.memref_slice %arg5[%dma_wait3A, %dma_wait3A_244, %dma_wait3A_249, %dma_wait3A_250] : memref<4x64x400x400xf32, #tpu.memory_space<hbm>> -> memref<1x1x8x400xf32, #tpu.memory_space<hbm>>
    %dma_wait3A_252 = tpu.memref_squeeze %dma_wait3A_251 : memref<1x1x8x400xf32, #tpu.memory_space<hbm>> -> memref<8x400xf32, #tpu.memory_space<hbm>>
    tpu.wait_dma2 semaphore(%arg26 : memref<!tpu.dma_semaphore, #tpu.memory_space<semaphore_mem>>) src(%arg16 : memref<8x400xf32, #tpu.memory_space<vmem>>) dst(%dma_wait3A_252 : memref<8x400xf32, #tpu.memory_space<hbm>>)
    %dma_wait3A_253 = arith.constant 0 : i32
    %dma_wait3A_254 = arith.constant 0 : i32
    %dma_wait3A_255 = arith.constant 0 : i32
    %dma_wait3A_256 = arith.constant 0 : i32
    %dma_wait3A_257 = tpu.memref_slice %arg5[%dma_wait3A_253, %dma_wait3A_254, %dma_wait3A_255, %dma_wait3A_256] : memref<4x64x400x400xf32, #tpu.memory_space<hbm>> -> memref<1x1x8x400xf32, #tpu.memory_space<hbm>>
    %dma_wait3A_258 = tpu.memref_squeeze %dma_wait3A_257 : memref<1x1x8x400xf32, #tpu.memory_space<hbm>> -> memref<8x400xf32, #tpu.memory_space<hbm>>
    %dma_wait3A_259 = arith.constant 0 : i32
    %dma_wait3A_260 = arith.constant 0 : i32
    %dma_wait3A_261 = tpu.memref_slice %arg5[%dma_wait3A_253, %dma_wait3A_254, %dma_wait3A_259, %dma_wait3A_260] : memref<4x64x400x400xf32, #tpu.memory_space<hbm>> -> memref<1x1x8x400xf32, #tpu.memory_space<hbm>>
    %dma_wait3A_262 = tpu.memref_squeeze %dma_wait3A_261 : memref<1x1x8x400xf32, #tpu.memory_space<hbm>> -> memref<8x400xf32, #tpu.memory_space<hbm>>
    tpu.wait_dma2 semaphore(%arg26 : memref<!tpu.dma_semaphore, #tpu.memory_space<semaphore_mem>>) src(%arg17 : memref<8x400xf32, #tpu.memory_space<vmem>>) dst(%dma_wait3A_262 : memref<8x400xf32, #tpu.memory_space<hbm>>)
    %dma_wait3A_263 = arith.constant 0 : i32
    %dma_wait3A_264 = arith.constant 0 : i32
    %dma_wait3A_265 = arith.constant 0 : i32
    %dma_wait3A_266 = arith.constant 0 : i32
    %dma_wait3A_267 = tpu.memref_slice %arg5[%dma_wait3A_263, %dma_wait3A_264, %dma_wait3A_265, %dma_wait3A_266] : memref<4x64x400x400xf32, #tpu.memory_space<hbm>> -> memref<1x1x8x400xf32, #tpu.memory_space<hbm>>
    %dma_wait3A_268 = tpu.memref_squeeze %dma_wait3A_267 : memref<1x1x8x400xf32, #tpu.memory_space<hbm>> -> memref<8x400xf32, #tpu.memory_space<hbm>>
    %dma_wait3A_269 = arith.constant 0 : i32
    %dma_wait3A_270 = arith.constant 0 : i32
    %dma_wait3A_271 = tpu.memref_slice %arg5[%dma_wait3A_263, %dma_wait3A_264, %dma_wait3A_269, %dma_wait3A_270] : memref<4x64x400x400xf32, #tpu.memory_space<hbm>> -> memref<1x1x8x400xf32, #tpu.memory_space<hbm>>
    %dma_wait3A_272 = tpu.memref_squeeze %dma_wait3A_271 : memref<1x1x8x400xf32, #tpu.memory_space<hbm>> -> memref<8x400xf32, #tpu.memory_space<hbm>>
    tpu.wait_dma2 semaphore(%arg26 : memref<!tpu.dma_semaphore, #tpu.memory_space<semaphore_mem>>) src(%arg18 : memref<8x400xf32, #tpu.memory_space<vmem>>) dst(%dma_wait3A_272 : memref<8x400xf32, #tpu.memory_space<hbm>>)
    %dma_wait3A_273 = arith.constant 0 : i32
    %dma_wait3A_274 = arith.constant 0 : i32
    %dma_wait3A_275 = arith.constant 0 : i32
    %dma_wait3A_276 = arith.constant 0 : i32
    %dma_wait3A_277 = tpu.memref_slice %arg5[%dma_wait3A_273, %dma_wait3A_274, %dma_wait3A_275, %dma_wait3A_276] : memref<4x64x400x400xf32, #tpu.memory_space<hbm>> -> memref<1x1x8x400xf32, #tpu.memory_space<hbm>>
    %dma_wait3A_278 = tpu.memref_squeeze %dma_wait3A_277 : memref<1x1x8x400xf32, #tpu.memory_space<hbm>> -> memref<8x400xf32, #tpu.memory_space<hbm>>
    %dma_wait3A_279 = arith.constant 0 : i32
    %dma_wait3A_280 = arith.constant 0 : i32
    %dma_wait3A_281 = tpu.memref_slice %arg5[%dma_wait3A_273, %dma_wait3A_274, %dma_wait3A_279, %dma_wait3A_280] : memref<4x64x400x400xf32, #tpu.memory_space<hbm>> -> memref<1x1x8x400xf32, #tpu.memory_space<hbm>>
    %dma_wait3A_282 = tpu.memref_squeeze %dma_wait3A_281 : memref<1x1x8x400xf32, #tpu.memory_space<hbm>> -> memref<8x400xf32, #tpu.memory_space<hbm>>
    tpu.wait_dma2 semaphore(%arg26 : memref<!tpu.dma_semaphore, #tpu.memory_space<semaphore_mem>>) src(%arg19 : memref<8x400xf32, #tpu.memory_space<vmem>>) dst(%dma_wait3A_282 : memref<8x400xf32, #tpu.memory_space<hbm>>)
    %dma_wait3A_283 = arith.constant 0 : i32
    %dma_wait3A_284 = arith.constant 0 : i32
    %dma_wait3A_285 = arith.constant 0 : i32
    %dma_wait3A_286 = arith.constant 0 : i32
    %dma_wait3A_287 = tpu.memref_slice %arg5[%dma_wait3A_283, %dma_wait3A_284, %dma_wait3A_285, %dma_wait3A_286] : memref<4x64x400x400xf32, #tpu.memory_space<hbm>> -> memref<1x1x8x400xf32, #tpu.memory_space<hbm>>
    %dma_wait3A_288 = tpu.memref_squeeze %dma_wait3A_287 : memref<1x1x8x400xf32, #tpu.memory_space<hbm>> -> memref<8x400xf32, #tpu.memory_space<hbm>>
    %dma_wait3A_289 = arith.constant 0 : i32
    %dma_wait3A_290 = arith.constant 0 : i32
    %dma_wait3A_291 = tpu.memref_slice %arg5[%dma_wait3A_283, %dma_wait3A_284, %dma_wait3A_289, %dma_wait3A_290] : memref<4x64x400x400xf32, #tpu.memory_space<hbm>> -> memref<1x1x8x400xf32, #tpu.memory_space<hbm>>
    %dma_wait3A_292 = tpu.memref_squeeze %dma_wait3A_291 : memref<1x1x8x400xf32, #tpu.memory_space<hbm>> -> memref<8x400xf32, #tpu.memory_space<hbm>>
    tpu.wait_dma2 semaphore(%arg27 : memref<!tpu.dma_semaphore, #tpu.memory_space<semaphore_mem>>) src(%arg20 : memref<8x400xf32, #tpu.memory_space<vmem>>) dst(%dma_wait3A_292 : memref<8x400xf32, #tpu.memory_space<hbm>>)
    %dma_wait3A_293 = arith.constant 0 : i32
    %dma_wait3A_294 = arith.constant 0 : i32
    %dma_wait3A_295 = arith.constant 0 : i32
    %dma_wait3A_296 = arith.constant 0 : i32
    %dma_wait3A_297 = tpu.memref_slice %arg5[%dma_wait3A_293, %dma_wait3A_294, %dma_wait3A_295, %dma_wait3A_296] : memref<4x64x400x400xf32, #tpu.memory_space<hbm>> -> memref<1x1x8x400xf32, #tpu.memory_space<hbm>>
    %dma_wait3A_298 = tpu.memref_squeeze %dma_wait3A_297 : memref<1x1x8x400xf32, #tpu.memory_space<hbm>> -> memref<8x400xf32, #tpu.memory_space<hbm>>
    %dma_wait3A_299 = arith.constant 0 : i32
    %dma_wait3A_300 = arith.constant 0 : i32
    %dma_wait3A_301 = tpu.memref_slice %arg5[%dma_wait3A_293, %dma_wait3A_294, %dma_wait3A_299, %dma_wait3A_300] : memref<4x64x400x400xf32, #tpu.memory_space<hbm>> -> memref<1x1x8x400xf32, #tpu.memory_space<hbm>>
    %dma_wait3A_302 = tpu.memref_squeeze %dma_wait3A_301 : memref<1x1x8x400xf32, #tpu.memory_space<hbm>> -> memref<8x400xf32, #tpu.memory_space<hbm>>
    tpu.wait_dma2 semaphore(%arg27 : memref<!tpu.dma_semaphore, #tpu.memory_space<semaphore_mem>>) src(%arg21 : memref<8x400xf32, #tpu.memory_space<vmem>>) dst(%dma_wait3A_302 : memref<8x400xf32, #tpu.memory_space<hbm>>)
    %dma_wait3A_303 = arith.constant 0 : i32
    %dma_wait3A_304 = arith.constant 0 : i32
    %dma_wait3A_305 = arith.constant 0 : i32
    %dma_wait3A_306 = arith.constant 0 : i32
    %dma_wait3A_307 = tpu.memref_slice %arg5[%dma_wait3A_303, %dma_wait3A_304, %dma_wait3A_305, %dma_wait3A_306] : memref<4x64x400x400xf32, #tpu.memory_space<hbm>> -> memref<1x1x8x400xf32, #tpu.memory_space<hbm>>
    %dma_wait3A_308 = tpu.memref_squeeze %dma_wait3A_307 : memref<1x1x8x400xf32, #tpu.memory_space<hbm>> -> memref<8x400xf32, #tpu.memory_space<hbm>>
    %dma_wait3A_309 = arith.constant 0 : i32
    %dma_wait3A_310 = arith.constant 0 : i32
    %dma_wait3A_311 = tpu.memref_slice %arg5[%dma_wait3A_303, %dma_wait3A_304, %dma_wait3A_309, %dma_wait3A_310] : memref<4x64x400x400xf32, #tpu.memory_space<hbm>> -> memref<1x1x8x400xf32, #tpu.memory_space<hbm>>
    %dma_wait3A_312 = tpu.memref_squeeze %dma_wait3A_311 : memref<1x1x8x400xf32, #tpu.memory_space<hbm>> -> memref<8x400xf32, #tpu.memory_space<hbm>>
    tpu.wait_dma2 semaphore(%arg27 : memref<!tpu.dma_semaphore, #tpu.memory_space<semaphore_mem>>) src(%arg22 : memref<8x400xf32, #tpu.memory_space<vmem>>) dst(%dma_wait3A_312 : memref<8x400xf32, #tpu.memory_space<hbm>>)
    %dma_wait3A_313 = arith.constant 0 : i32
    %dma_wait3A_314 = arith.constant 0 : i32
    %dma_wait3A_315 = arith.constant 0 : i32
    %dma_wait3A_316 = arith.constant 0 : i32
    %dma_wait3A_317 = tpu.memref_slice %arg5[%dma_wait3A_313, %dma_wait3A_314, %dma_wait3A_315, %dma_wait3A_316] : memref<4x64x400x400xf32, #tpu.memory_space<hbm>> -> memref<1x1x8x400xf32, #tpu.memory_space<hbm>>
    %dma_wait3A_318 = tpu.memref_squeeze %dma_wait3A_317 : memref<1x1x8x400xf32, #tpu.memory_space<hbm>> -> memref<8x400xf32, #tpu.memory_space<hbm>>
    %dma_wait3A_319 = arith.constant 0 : i32
    %dma_wait3A_320 = arith.constant 0 : i32
    %dma_wait3A_321 = tpu.memref_slice %arg5[%dma_wait3A_313, %dma_wait3A_314, %dma_wait3A_319, %dma_wait3A_320] : memref<4x64x400x400xf32, #tpu.memory_space<hbm>> -> memref<1x1x8x400xf32, #tpu.memory_space<hbm>>
    %dma_wait3A_322 = tpu.memref_squeeze %dma_wait3A_321 : memref<1x1x8x400xf32, #tpu.memory_space<hbm>> -> memref<8x400xf32, #tpu.memory_space<hbm>>
    tpu.wait_dma2 semaphore(%arg27 : memref<!tpu.dma_semaphore, #tpu.memory_space<semaphore_mem>>) src(%arg23 : memref<8x400xf32, #tpu.memory_space<vmem>>) dst(%dma_wait3A_322 : memref<8x400xf32, #tpu.memory_space<hbm>>)
    %mul3A_323 = arith.constant 2 : i32
    %mul3A_324 = arith.muli %mul3A_323, %arg0 : i32
    %add3A_325 = arith.constant 1 : i32
    %add3A_326 = arith.addi %mul3A_324, %add3A_325 : i32
    %mul3A_327 = arith.constant 64 : i32
    %mul3A_328 = arith.muli %add3A_326, %mul3A_327 : i32
    %mul3A_329 = arith.constant 4 : i32
    %mul3A_330 = arith.muli %mul3A_329, %arg1 : i32
    %add3A_331 = arith.addi %mul3A_328, %mul3A_330 : i32
    %add3A_332 = arith.constant 0 : i32
    %add3A_333 = arith.addi %add3A_331, %add3A_332 : i32
    %mul3A_334 = arith.constant 16128 : i32
    %mul3A_335 = arith.muli %add3A_333, %mul3A_334 : i32
    "tpu.region"() ({
      %run_scoped3A = tpu.sem_alloc : memref<!tpu.dma_semaphore, #tpu.memory_space<semaphore_mem>>
      %dma_start3A_454 = tpu.memref_slice %arg2[%mul3A_335] : memref<4128768xf32, #tpu.memory_space<hbm>> -> memref<16128xf32, #tpu.memory_space<hbm>>
      %dma_start3A_455 = tpu.memref_slice %arg2[%mul3A_335] : memref<4128768xf32, #tpu.memory_space<hbm>> -> memref<16128xf32, #tpu.memory_space<hbm>>
      tpu.enqueue_dma source(%dma_start3A_455 : memref<16128xf32, #tpu.memory_space<hbm>>) target(%arg10 : memref<16128xf32, #tpu.memory_space<vmem>>) target_semaphore(%run_scoped3A : memref<!tpu.dma_semaphore, #tpu.memory_space<semaphore_mem>>)
      %dma_wait3A_456 = tpu.memref_slice %arg2[%mul3A_335] : memref<4128768xf32, #tpu.memory_space<hbm>> -> memref<16128xf32, #tpu.memory_space<hbm>>
      %dma_wait3A_457 = tpu.memref_slice %arg2[%mul3A_335] : memref<4128768xf32, #tpu.memory_space<hbm>> -> memref<16128xf32, #tpu.memory_space<hbm>>
      tpu.wait_dma2 semaphore(%run_scoped3A : memref<!tpu.dma_semaphore, #tpu.memory_space<semaphore_mem>>) src(%dma_wait3A_457 : memref<16128xf32, #tpu.memory_space<hbm>>) dst(%arg10 : memref<16128xf32, #tpu.memory_space<vmem>>)
      tpu.yield
    }) : () -> ()
    %mul3A_336 = arith.constant 64 : i32
    %mul3A_337 = arith.muli %add3A_326, %mul3A_336 : i32
    %mul3A_338 = arith.constant 4 : i32
    %mul3A_339 = arith.muli %mul3A_338, %arg1 : i32
    %add3A_340 = arith.addi %mul3A_337, %mul3A_339 : i32
    %add3A_341 = arith.constant 1 : i32
    %add3A_342 = arith.addi %add3A_340, %add3A_341 : i32
    %mul3A_343 = arith.constant 16128 : i32
    %mul3A_344 = arith.muli %add3A_342, %mul3A_343 : i32
    "tpu.region"() ({
      %run_scoped3A = tpu.sem_alloc : memref<!tpu.dma_semaphore, #tpu.memory_space<semaphore_mem>>
      %dma_start3A_454 = tpu.memref_slice %arg2[%mul3A_344] : memref<4128768xf32, #tpu.memory_space<hbm>> -> memref<16128xf32, #tpu.memory_space<hbm>>
      %dma_start3A_455 = tpu.memref_slice %arg2[%mul3A_344] : memref<4128768xf32, #tpu.memory_space<hbm>> -> memref<16128xf32, #tpu.memory_space<hbm>>
      tpu.enqueue_dma source(%dma_start3A_455 : memref<16128xf32, #tpu.memory_space<hbm>>) target(%arg11 : memref<16128xf32, #tpu.memory_space<vmem>>) target_semaphore(%run_scoped3A : memref<!tpu.dma_semaphore, #tpu.memory_space<semaphore_mem>>)
      %dma_wait3A_456 = tpu.memref_slice %arg2[%mul3A_344] : memref<4128768xf32, #tpu.memory_space<hbm>> -> memref<16128xf32, #tpu.memory_space<hbm>>
      %dma_wait3A_457 = tpu.memref_slice %arg2[%mul3A_344] : memref<4128768xf32, #tpu.memory_space<hbm>> -> memref<16128xf32, #tpu.memory_space<hbm>>
      tpu.wait_dma2 semaphore(%run_scoped3A : memref<!tpu.dma_semaphore, #tpu.memory_space<semaphore_mem>>) src(%dma_wait3A_457 : memref<16128xf32, #tpu.memory_space<hbm>>) dst(%arg11 : memref<16128xf32, #tpu.memory_space<vmem>>)
      tpu.yield
    }) : () -> ()
    %mul3A_345 = arith.constant 64 : i32
    %mul3A_346 = arith.muli %add3A_326, %mul3A_345 : i32
    %mul3A_347 = arith.constant 4 : i32
    %mul3A_348 = arith.muli %mul3A_347, %arg1 : i32
    %add3A_349 = arith.addi %mul3A_346, %mul3A_348 : i32
    %add3A_350 = arith.constant 2 : i32
    %add3A_351 = arith.addi %add3A_349, %add3A_350 : i32
    %mul3A_352 = arith.constant 16128 : i32
    %mul3A_353 = arith.muli %add3A_351, %mul3A_352 : i32
    "tpu.region"() ({
      %run_scoped3A = tpu.sem_alloc : memref<!tpu.dma_semaphore, #tpu.memory_space<semaphore_mem>>
      %dma_start3A_454 = tpu.memref_slice %arg2[%mul3A_353] : memref<4128768xf32, #tpu.memory_space<hbm>> -> memref<16128xf32, #tpu.memory_space<hbm>>
      %dma_start3A_455 = tpu.memref_slice %arg2[%mul3A_353] : memref<4128768xf32, #tpu.memory_space<hbm>> -> memref<16128xf32, #tpu.memory_space<hbm>>
      tpu.enqueue_dma source(%dma_start3A_455 : memref<16128xf32, #tpu.memory_space<hbm>>) target(%arg12 : memref<16128xf32, #tpu.memory_space<vmem>>) target_semaphore(%run_scoped3A : memref<!tpu.dma_semaphore, #tpu.memory_space<semaphore_mem>>)
      %dma_wait3A_456 = tpu.memref_slice %arg2[%mul3A_353] : memref<4128768xf32, #tpu.memory_space<hbm>> -> memref<16128xf32, #tpu.memory_space<hbm>>
      %dma_wait3A_457 = tpu.memref_slice %arg2[%mul3A_353] : memref<4128768xf32, #tpu.memory_space<hbm>> -> memref<16128xf32, #tpu.memory_space<hbm>>
      tpu.wait_dma2 semaphore(%run_scoped3A : memref<!tpu.dma_semaphore, #tpu.memory_space<semaphore_mem>>) src(%dma_wait3A_457 : memref<16128xf32, #tpu.memory_space<hbm>>) dst(%arg12 : memref<16128xf32, #tpu.memory_space<vmem>>)
      tpu.yield
    }) : () -> ()
    %mul3A_354 = arith.constant 64 : i32
    %mul3A_355 = arith.muli %add3A_326, %mul3A_354 : i32
    %mul3A_356 = arith.constant 4 : i32
    %mul3A_357 = arith.muli %mul3A_356, %arg1 : i32
    %add3A_358 = arith.addi %mul3A_355, %mul3A_357 : i32
    %add3A_359 = arith.constant 3 : i32
    %add3A_360 = arith.addi %add3A_358, %add3A_359 : i32
    %mul3A_361 = arith.constant 16128 : i32
    %mul3A_362 = arith.muli %add3A_360, %mul3A_361 : i32
    "tpu.region"() ({
      %run_scoped3A = tpu.sem_alloc : memref<!tpu.dma_semaphore, #tpu.memory_space<semaphore_mem>>
      %dma_start3A_454 = tpu.memref_slice %arg2[%mul3A_362] : memref<4128768xf32, #tpu.memory_space<hbm>> -> memref<16128xf32, #tpu.memory_space<hbm>>
      %dma_start3A_455 = tpu.memref_slice %arg2[%mul3A_362] : memref<4128768xf32, #tpu.memory_space<hbm>> -> memref<16128xf32, #tpu.memory_space<hbm>>
      tpu.enqueue_dma source(%dma_start3A_455 : memref<16128xf32, #tpu.memory_space<hbm>>) target(%arg13 : memref<16128xf32, #tpu.memory_space<vmem>>) target_semaphore(%run_scoped3A : memref<!tpu.dma_semaphore, #tpu.memory_space<semaphore_mem>>)
      %dma_wait3A_456 = tpu.memref_slice %arg2[%mul3A_362] : memref<4128768xf32, #tpu.memory_space<hbm>> -> memref<16128xf32, #tpu.memory_space<hbm>>
      %dma_wait3A_457 = tpu.memref_slice %arg2[%mul3A_362] : memref<4128768xf32, #tpu.memory_space<hbm>> -> memref<16128xf32, #tpu.memory_space<hbm>>
      tpu.wait_dma2 semaphore(%run_scoped3A : memref<!tpu.dma_semaphore, #tpu.memory_space<semaphore_mem>>) src(%dma_wait3A_457 : memref<16128xf32, #tpu.memory_space<hbm>>) dst(%arg13 : memref<16128xf32, #tpu.memory_space<vmem>>)
      tpu.yield
    }) : () -> ()
    %mul3A_363 = arith.constant 160000 : i32
    %mul3A_364 = arith.muli %add3A_326, %mul3A_363 : i32
    %dma_start3A_365 = tpu.memref_slice %arg6[%mul3A_364] : memref<640000xi32, #tpu.memory_space<hbm>> -> memref<3200xi32, #tpu.memory_space<hbm>>
    %dma_start3A_366 = tpu.memref_slice %arg6[%mul3A_364] : memref<640000xi32, #tpu.memory_space<hbm>> -> memref<3200xi32, #tpu.memory_space<hbm>>
    tpu.enqueue_dma source(%dma_start3A_366 : memref<3200xi32, #tpu.memory_space<hbm>>) target(%arg14 : memref<3200xi32, #tpu.memory_space<vmem>>) target_semaphore(%arg24 : memref<!tpu.dma_semaphore, #tpu.memory_space<semaphore_mem>>)
    %scan3A_367 = arith.constant 0 : i32
    %scan3A_368 = arith.constant 0 : i32
    %scan3A_369 = arith.constant 25 : i32
    %scan3A_370 = arith.addi %scan3A_368, %scan3A_369 : i32
    %scan3A_371 = arith.constant 1 : i32
    %scan3A_372 = scf.for %scan3A_454 = %scan3A_368 to %scan3A_370 step %scan3A_371 iter_args(%scan3A_455 = %scan3A_367) -> (i32)  : i32 {
      %mul3A_456 = arith.constant 2 : i32
      %mul3A_457 = arith.muli %mul3A_456, %scan3A_454 : i32
      %add3A_458 = arith.constant 0 : i32
      %add3A_459 = arith.addi %mul3A_457, %add3A_458 : i32
      %mul3A_460 = arith.constant 160000 : i32
      %mul3A_461 = arith.muli %add3A_326, %mul3A_460 : i32
      %dma_wait3A_462 = tpu.memref_slice %arg6[%mul3A_461] : memref<640000xi32, #tpu.memory_space<hbm>> -> memref<3200xi32, #tpu.memory_space<hbm>>
      %dma_wait3A_463 = tpu.memref_slice %arg6[%mul3A_461] : memref<640000xi32, #tpu.memory_space<hbm>> -> memref<3200xi32, #tpu.memory_space<hbm>>
      tpu.wait_dma2 semaphore(%arg24 : memref<!tpu.dma_semaphore, #tpu.memory_space<semaphore_mem>>) src(%dma_wait3A_463 : memref<3200xi32, #tpu.memory_space<hbm>>) dst(%arg14 : memref<3200xi32, #tpu.memory_space<vmem>>)
      %lt3A = arith.constant 49 : i32
      %lt3A_464 = arith.cmpi slt, %add3A_459, %lt3A : i32
      %convert_element_type3A = arith.extui %lt3A_464 : i1 to i32
      %cond3A = arith.constant 0 : i32
      %cond3A_465 = arith.cmpi ne, %convert_element_type3A, %cond3A : i32
      scf.if %cond3A_465 {
        %mul3A_599 = arith.constant 160000 : i32
        %mul3A_600 = arith.muli %add3A_326, %mul3A_599 : i32
        %add3A_601 = arith.constant 1 : i32
        %add3A_602 = arith.addi %add3A_459, %add3A_601 : i32
        %mul3A_603 = arith.constant 3200 : i32
        %mul3A_604 = arith.muli %add3A_602, %mul3A_603 : i32
        %add3A_605 = arith.addi %mul3A_600, %mul3A_604 : i32
        %dma_start3A_606 = tpu.memref_slice %arg6[%add3A_605] : memref<640000xi32, #tpu.memory_space<hbm>> -> memref<3200xi32, #tpu.memory_space<hbm>>
        %dma_start3A_607 = tpu.memref_slice %arg6[%add3A_605] : memref<640000xi32, #tpu.memory_space<hbm>> -> memref<3200xi32, #tpu.memory_space<hbm>>
        tpu.enqueue_dma source(%dma_start3A_607 : memref<3200xi32, #tpu.memory_space<hbm>>) target(%arg15 : memref<3200xi32, #tpu.memory_space<vmem>>) target_semaphore(%arg25 : memref<!tpu.dma_semaphore, #tpu.memory_space<semaphore_mem>>)
      } else {
      }
      %ge3A = arith.constant 1 : i32
      %ge3A_466 = arith.cmpi sge, %scan3A_454, %ge3A : i32
      %convert_element_type3A_467 = arith.extui %ge3A_466 : i1 to i32
      %cond3A_468 = arith.constant 0 : i32
      %cond3A_469 = arith.cmpi ne, %convert_element_type3A_467, %cond3A_468 : i32
      scf.if %cond3A_469 {
        %dma_wait3A_599 = arith.constant 0 : i32
        %dma_wait3A_600 = arith.constant 0 : i32
        %dma_wait3A_601 = arith.constant 0 : i32
        %dma_wait3A_602 = arith.constant 0 : i32
        %dma_wait3A_603 = tpu.memref_slice %arg5[%dma_wait3A_599, %dma_wait3A_600, %dma_wait3A_601, %dma_wait3A_602] : memref<4x64x400x400xf32, #tpu.memory_space<hbm>> -> memref<1x1x8x400xf32, #tpu.memory_space<hbm>>
        %dma_wait3A_604 = tpu.memref_squeeze %dma_wait3A_603 : memref<1x1x8x400xf32, #tpu.memory_space<hbm>> -> memref<8x400xf32, #tpu.memory_space<hbm>>
        %dma_wait3A_605 = arith.constant 0 : i32
        %dma_wait3A_606 = arith.constant 0 : i32
        %dma_wait3A_607 = tpu.memref_slice %arg5[%dma_wait3A_599, %dma_wait3A_600, %dma_wait3A_605, %dma_wait3A_606] : memref<4x64x400x400xf32, #tpu.memory_space<hbm>> -> memref<1x1x8x400xf32, #tpu.memory_space<hbm>>
        %dma_wait3A_608 = tpu.memref_squeeze %dma_wait3A_607 : memref<1x1x8x400xf32, #tpu.memory_space<hbm>> -> memref<8x400xf32, #tpu.memory_space<hbm>>
        tpu.wait_dma2 semaphore(%arg26 : memref<!tpu.dma_semaphore, #tpu.memory_space<semaphore_mem>>) src(%arg16 : memref<8x400xf32, #tpu.memory_space<vmem>>) dst(%dma_wait3A_608 : memref<8x400xf32, #tpu.memory_space<hbm>>)
        %dma_wait3A_609 = arith.constant 0 : i32
        %dma_wait3A_610 = arith.constant 0 : i32
        %dma_wait3A_611 = arith.constant 0 : i32
        %dma_wait3A_612 = arith.constant 0 : i32
        %dma_wait3A_613 = tpu.memref_slice %arg5[%dma_wait3A_609, %dma_wait3A_610, %dma_wait3A_611, %dma_wait3A_612] : memref<4x64x400x400xf32, #tpu.memory_space<hbm>> -> memref<1x1x8x400xf32, #tpu.memory_space<hbm>>
        %dma_wait3A_614 = tpu.memref_squeeze %dma_wait3A_613 : memref<1x1x8x400xf32, #tpu.memory_space<hbm>> -> memref<8x400xf32, #tpu.memory_space<hbm>>
        %dma_wait3A_615 = arith.constant 0 : i32
        %dma_wait3A_616 = arith.constant 0 : i32
        %dma_wait3A_617 = tpu.memref_slice %arg5[%dma_wait3A_609, %dma_wait3A_610, %dma_wait3A_615, %dma_wait3A_616] : memref<4x64x400x400xf32, #tpu.memory_space<hbm>> -> memref<1x1x8x400xf32, #tpu.memory_space<hbm>>
        %dma_wait3A_618 = tpu.memref_squeeze %dma_wait3A_617 : memref<1x1x8x400xf32, #tpu.memory_space<hbm>> -> memref<8x400xf32, #tpu.memory_space<hbm>>
        tpu.wait_dma2 semaphore(%arg26 : memref<!tpu.dma_semaphore, #tpu.memory_space<semaphore_mem>>) src(%arg17 : memref<8x400xf32, #tpu.memory_space<vmem>>) dst(%dma_wait3A_618 : memref<8x400xf32, #tpu.memory_space<hbm>>)
        %dma_wait3A_619 = arith.constant 0 : i32
        %dma_wait3A_620 = arith.constant 0 : i32
        %dma_wait3A_621 = arith.constant 0 : i32
        %dma_wait3A_622 = arith.constant 0 : i32
        %dma_wait3A_623 = tpu.memref_slice %arg5[%dma_wait3A_619, %dma_wait3A_620, %dma_wait3A_621, %dma_wait3A_622] : memref<4x64x400x400xf32, #tpu.memory_space<hbm>> -> memref<1x1x8x400xf32, #tpu.memory_space<hbm>>
        %dma_wait3A_624 = tpu.memref_squeeze %dma_wait3A_623 : memref<1x1x8x400xf32, #tpu.memory_space<hbm>> -> memref<8x400xf32, #tpu.memory_space<hbm>>
        %dma_wait3A_625 = arith.constant 0 : i32
        %dma_wait3A_626 = arith.constant 0 : i32
        %dma_wait3A_627 = tpu.memref_slice %arg5[%dma_wait3A_619, %dma_wait3A_620, %dma_wait3A_625, %dma_wait3A_626] : memref<4x64x400x400xf32, #tpu.memory_space<hbm>> -> memref<1x1x8x400xf32, #tpu.memory_space<hbm>>
        %dma_wait3A_628 = tpu.memref_squeeze %dma_wait3A_627 : memref<1x1x8x400xf32, #tpu.memory_space<hbm>> -> memref<8x400xf32, #tpu.memory_space<hbm>>
        tpu.wait_dma2 semaphore(%arg26 : memref<!tpu.dma_semaphore, #tpu.memory_space<semaphore_mem>>) src(%arg18 : memref<8x400xf32, #tpu.memory_space<vmem>>) dst(%dma_wait3A_628 : memref<8x400xf32, #tpu.memory_space<hbm>>)
        %dma_wait3A_629 = arith.constant 0 : i32
        %dma_wait3A_630 = arith.constant 0 : i32
        %dma_wait3A_631 = arith.constant 0 : i32
        %dma_wait3A_632 = arith.constant 0 : i32
        %dma_wait3A_633 = tpu.memref_slice %arg5[%dma_wait3A_629, %dma_wait3A_630, %dma_wait3A_631, %dma_wait3A_632] : memref<4x64x400x400xf32, #tpu.memory_space<hbm>> -> memref<1x1x8x400xf32, #tpu.memory_space<hbm>>
        %dma_wait3A_634 = tpu.memref_squeeze %dma_wait3A_633 : memref<1x1x8x400xf32, #tpu.memory_space<hbm>> -> memref<8x400xf32, #tpu.memory_space<hbm>>
        %dma_wait3A_635 = arith.constant 0 : i32
        %dma_wait3A_636 = arith.constant 0 : i32
        %dma_wait3A_637 = tpu.memref_slice %arg5[%dma_wait3A_629, %dma_wait3A_630, %dma_wait3A_635, %dma_wait3A_636] : memref<4x64x400x400xf32, #tpu.memory_space<hbm>> -> memref<1x1x8x400xf32, #tpu.memory_space<hbm>>
        %dma_wait3A_638 = tpu.memref_squeeze %dma_wait3A_637 : memref<1x1x8x400xf32, #tpu.memory_space<hbm>> -> memref<8x400xf32, #tpu.memory_space<hbm>>
        tpu.wait_dma2 semaphore(%arg26 : memref<!tpu.dma_semaphore, #tpu.memory_space<semaphore_mem>>) src(%arg19 : memref<8x400xf32, #tpu.memory_space<vmem>>) dst(%dma_wait3A_638 : memref<8x400xf32, #tpu.memory_space<hbm>>)
      } else {
      }
      %scan3A_470 = arith.constant 0 : i32
      %scan3A_471 = arith.constant 0 : i32
      %scan3A_472 = arith.constant 8 : i32
      %scan3A_473 = arith.addi %scan3A_471, %scan3A_472 : i32
      %scan3A_474 = arith.constant 1 : i32
      %scan3A_475 = scf.for %scan3A_599 = %scan3A_471 to %scan3A_473 step %scan3A_474 iter_args(%scan3A_600 = %scan3A_470) -> (i32)  : i32 {
        %parallel_loop3A_601 = arith.constant 0 : i32
        %parallel_loop3A_602 = arith.constant 25 : i32
        %parallel_loop3A_603 = arith.constant 1 : i32
        scf.for %parallel_loop3A_605 = %parallel_loop3A_601 to %parallel_loop3A_602 step %parallel_loop3A_603  : i32 {
          %parallel_loop3A_606 = arith.constant 400 : i32
          %parallel_loop3A_607 = arith.muli %scan3A_599, %parallel_loop3A_606 : i32
          %parallel_loop3A_608 = arith.constant 16 : i32
          %parallel_loop3A_609 = arith.muli %parallel_loop3A_605, %parallel_loop3A_608 : i32
          %parallel_loop3A_610 = arith.addi %parallel_loop3A_607, %parallel_loop3A_609 : i32
          %parallel_loop3A_611 = arith.index_cast %parallel_loop3A_610 : i32 to index
          %parallel_loop3A_612 = tpu.vector_load %arg14[%parallel_loop3A_611] {strides = array<i32>} : memref<3200xi32, #tpu.memory_space<vmem>>, vector<16xi32>,
          %parallel_loop3A_613 = arith.constant 16000 : i32
          %parallel_loop3A_614 = vector.broadcast %parallel_loop3A_613 : i32 to vector<16xi32>
          %parallel_loop3A_615 = arith.cmpi slt, %parallel_loop3A_612, %parallel_loop3A_614 : vector<16xi32>
          %parallel_loop3A_616 = tpu.vector_load_idx %arg10[%parallel_loop3A_612] masked %parallel_loop3A_615 : memref<16128xf32, #tpu.memory_space<vmem>>[vector<16xi32>], vector<16xf32>, vector<16xi1>
          %parallel_loop3A_617 = arith.constant 0.000000e+00 : f32
          %parallel_loop3A_618 = vector.broadcast %parallel_loop3A_617 : f32 to vector<16xf32>
          %parallel_loop3A_619 = arith.select %parallel_loop3A_615, %parallel_loop3A_616, %parallel_loop3A_618 : vector<16xi1>, vector<16xf32>
          %parallel_loop3A_620 = arith.constant 16 : i32
          %parallel_loop3A_621 = arith.muli %parallel_loop3A_605, %parallel_loop3A_620 : i32
          %parallel_loop3A_622 = arith.index_cast %scan3A_599 : i32 to index
          %parallel_loop3A_623 = arith.index_cast %parallel_loop3A_621 : i32 to index
          %parallel_loop3A_624 = tpu.vector_load %arg16[%parallel_loop3A_622, %parallel_loop3A_623] {strides = array<i32>} : memref<8x400xf32, #tpu.memory_space<vmem>>, vector<16xf32>,
          tpu.vector_store %arg16[%parallel_loop3A_622, %parallel_loop3A_623], %parallel_loop3A_619 {strides = array<i32>} : memref<8x400xf32, #tpu.memory_space<vmem>>, vector<16xf32>,
          %parallel_loop3A_625 = tpu.vector_load_idx %arg11[%parallel_loop3A_612] masked %parallel_loop3A_615 : memref<16128xf32, #tpu.memory_space<vmem>>[vector<16xi32>], vector<16xf32>, vector<16xi1>
          %parallel_loop3A_626 = arith.constant 0.000000e+00 : f32
          %parallel_loop3A_627 = vector.broadcast %parallel_loop3A_626 : f32 to vector<16xf32>
          %parallel_loop3A_628 = arith.select %parallel_loop3A_615, %parallel_loop3A_625, %parallel_loop3A_627 : vector<16xi1>, vector<16xf32>
          %parallel_loop3A_629 = arith.constant 16 : i32
          %parallel_loop3A_630 = arith.muli %parallel_loop3A_605, %parallel_loop3A_629 : i32
          %parallel_loop3A_631 = arith.index_cast %scan3A_599 : i32 to index
          %parallel_loop3A_632 = arith.index_cast %parallel_loop3A_630 : i32 to index
          %parallel_loop3A_633 = tpu.vector_load %arg17[%parallel_loop3A_631, %parallel_loop3A_632] {strides = array<i32>} : memref<8x400xf32, #tpu.memory_space<vmem>>, vector<16xf32>,
          tpu.vector_store %arg17[%parallel_loop3A_631, %parallel_loop3A_632], %parallel_loop3A_628 {strides = array<i32>} : memref<8x400xf32, #tpu.memory_space<vmem>>, vector<16xf32>,
          %parallel_loop3A_634 = tpu.vector_load_idx %arg12[%parallel_loop3A_612] masked %parallel_loop3A_615 : memref<16128xf32, #tpu.memory_space<vmem>>[vector<16xi32>], vector<16xf32>, vector<16xi1>
          %parallel_loop3A_635 = arith.constant 0.000000e+00 : f32
          %parallel_loop3A_636 = vector.broadcast %parallel_loop3A_635 : f32 to vector<16xf32>
          %parallel_loop3A_637 = arith.select %parallel_loop3A_615, %parallel_loop3A_634, %parallel_loop3A_636 : vector<16xi1>, vector<16xf32>
          %parallel_loop3A_638 = arith.constant 16 : i32
          %parallel_loop3A_639 = arith.muli %parallel_loop3A_605, %parallel_loop3A_638 : i32
          %parallel_loop3A_640 = arith.index_cast %scan3A_599 : i32 to index
          %parallel_loop3A_641 = arith.index_cast %parallel_loop3A_639 : i32 to index
          %parallel_loop3A_642 = tpu.vector_load %arg18[%parallel_loop3A_640, %parallel_loop3A_641] {strides = array<i32>} : memref<8x400xf32, #tpu.memory_space<vmem>>, vector<16xf32>,
          tpu.vector_store %arg18[%parallel_loop3A_640, %parallel_loop3A_641], %parallel_loop3A_637 {strides = array<i32>} : memref<8x400xf32, #tpu.memory_space<vmem>>, vector<16xf32>,
          %parallel_loop3A_643 = tpu.vector_load_idx %arg13[%parallel_loop3A_612] masked %parallel_loop3A_615 : memref<16128xf32, #tpu.memory_space<vmem>>[vector<16xi32>], vector<16xf32>, vector<16xi1>
          %parallel_loop3A_644 = arith.constant 0.000000e+00 : f32
          %parallel_loop3A_645 = vector.broadcast %parallel_loop3A_644 : f32 to vector<16xf32>
          %parallel_loop3A_646 = arith.select %parallel_loop3A_615, %parallel_loop3A_643, %parallel_loop3A_645 : vector<16xi1>, vector<16xf32>
          %parallel_loop3A_647 = arith.constant 16 : i32
          %parallel_loop3A_648 = arith.muli %parallel_loop3A_605, %parallel_loop3A_647 : i32
          %parallel_loop3A_649 = arith.index_cast %scan3A_599 : i32 to index
          %parallel_loop3A_650 = arith.index_cast %parallel_loop3A_648 : i32 to index
          %parallel_loop3A_651 = tpu.vector_load %arg19[%parallel_loop3A_649, %parallel_loop3A_650] {strides = array<i32>} : memref<8x400xf32, #tpu.memory_space<vmem>>, vector<16xf32>,
          tpu.vector_store %arg19[%parallel_loop3A_649, %parallel_loop3A_650], %parallel_loop3A_646 {strides = array<i32>} : memref<8x400xf32, #tpu.memory_space<vmem>>, vector<16xf32>,
        } {sc.loop_unroll_factor = 5 : i64, sc.parallel_access}
        %scan3A_604 = arith.constant 0 : i32
        scf.yield %scan3A_604 : i32
      }
      %scan3A_476 = arith.constant 8 : i32
      %mul3A_477 = arith.constant 4 : i32
      %mul3A_478 = arith.muli %mul3A_477, %arg1 : i32
      %add3A_479 = arith.constant 0 : i32
      %add3A_480 = arith.addi %mul3A_478, %add3A_479 : i32
      %mul3A_481 = arith.constant 8 : i32
      %mul3A_482 = arith.muli %add3A_459, %mul3A_481 : i32
      %dma_start3A_483 = arith.constant 0 : i32
      %dma_start3A_484 = tpu.memref_slice %arg5[%add3A_326, %add3A_480, %mul3A_482, %dma_start3A_483] : memref<4x64x400x400xf32, #tpu.memory_space<hbm>> -> memref<1x1x8x400xf32, #tpu.memory_space<hbm>>
      %dma_start3A_485 = tpu.memref_squeeze %dma_start3A_484 : memref<1x1x8x400xf32, #tpu.memory_space<hbm>> -> memref<8x400xf32, #tpu.memory_space<hbm>>
      %dma_start3A_486 = arith.constant 0 : i32
      %dma_start3A_487 = tpu.memref_slice %arg5[%add3A_326, %add3A_480, %mul3A_482, %dma_start3A_486] : memref<4x64x400x400xf32, #tpu.memory_space<hbm>> -> memref<1x1x8x400xf32, #tpu.memory_space<hbm>>
      %dma_start3A_488 = tpu.memref_squeeze %dma_start3A_487 : memref<1x1x8x400xf32, #tpu.memory_space<hbm>> -> memref<8x400xf32, #tpu.memory_space<hbm>>
      tpu.enqueue_dma source(%arg16 : memref<8x400xf32, #tpu.memory_space<vmem>>) target(%dma_start3A_488 : memref<8x400xf32, #tpu.memory_space<hbm>>) target_semaphore(%arg26 : memref<!tpu.dma_semaphore, #tpu.memory_space<semaphore_mem>>)
      %mul3A_489 = arith.constant 4 : i32
      %mul3A_490 = arith.muli %mul3A_489, %arg1 : i32
      %add3A_491 = arith.constant 1 : i32
      %add3A_492 = arith.addi %mul3A_490, %add3A_491 : i32
      %mul3A_493 = arith.constant 8 : i32
      %mul3A_494 = arith.muli %add3A_459, %mul3A_493 : i32
      %dma_start3A_495 = arith.constant 0 : i32
      %dma_start3A_496 = tpu.memref_slice %arg5[%add3A_326, %add3A_492, %mul3A_494, %dma_start3A_495] : memref<4x64x400x400xf32, #tpu.memory_space<hbm>> -> memref<1x1x8x400xf32, #tpu.memory_space<hbm>>
      %dma_start3A_497 = tpu.memref_squeeze %dma_start3A_496 : memref<1x1x8x400xf32, #tpu.memory_space<hbm>> -> memref<8x400xf32, #tpu.memory_space<hbm>>
      %dma_start3A_498 = arith.constant 0 : i32
      %dma_start3A_499 = tpu.memref_slice %arg5[%add3A_326, %add3A_492, %mul3A_494, %dma_start3A_498] : memref<4x64x400x400xf32, #tpu.memory_space<hbm>> -> memref<1x1x8x400xf32, #tpu.memory_space<hbm>>
      %dma_start3A_500 = tpu.memref_squeeze %dma_start3A_499 : memref<1x1x8x400xf32, #tpu.memory_space<hbm>> -> memref<8x400xf32, #tpu.memory_space<hbm>>
      tpu.enqueue_dma source(%arg17 : memref<8x400xf32, #tpu.memory_space<vmem>>) target(%dma_start3A_500 : memref<8x400xf32, #tpu.memory_space<hbm>>) target_semaphore(%arg26 : memref<!tpu.dma_semaphore, #tpu.memory_space<semaphore_mem>>)
      %mul3A_501 = arith.constant 4 : i32
      %mul3A_502 = arith.muli %mul3A_501, %arg1 : i32
      %add3A_503 = arith.constant 2 : i32
      %add3A_504 = arith.addi %mul3A_502, %add3A_503 : i32
      %mul3A_505 = arith.constant 8 : i32
      %mul3A_506 = arith.muli %add3A_459, %mul3A_505 : i32
      %dma_start3A_507 = arith.constant 0 : i32
      %dma_start3A_508 = tpu.memref_slice %arg5[%add3A_326, %add3A_504, %mul3A_506, %dma_start3A_507] : memref<4x64x400x400xf32, #tpu.memory_space<hbm>> -> memref<1x1x8x400xf32, #tpu.memory_space<hbm>>
      %dma_start3A_509 = tpu.memref_squeeze %dma_start3A_508 : memref<1x1x8x400xf32, #tpu.memory_space<hbm>> -> memref<8x400xf32, #tpu.memory_space<hbm>>
      %dma_start3A_510 = arith.constant 0 : i32
      %dma_start3A_511 = tpu.memref_slice %arg5[%add3A_326, %add3A_504, %mul3A_506, %dma_start3A_510] : memref<4x64x400x400xf32, #tpu.memory_space<hbm>> -> memref<1x1x8x400xf32, #tpu.memory_space<hbm>>
      %dma_start3A_512 = tpu.memref_squeeze %dma_start3A_511 : memref<1x1x8x400xf32, #tpu.memory_space<hbm>> -> memref<8x400xf32, #tpu.memory_space<hbm>>
      tpu.enqueue_dma source(%arg18 : memref<8x400xf32, #tpu.memory_space<vmem>>) target(%dma_start3A_512 : memref<8x400xf32, #tpu.memory_space<hbm>>) target_semaphore(%arg26 : memref<!tpu.dma_semaphore, #tpu.memory_space<semaphore_mem>>)
      %mul3A_513 = arith.constant 4 : i32
      %mul3A_514 = arith.muli %mul3A_513, %arg1 : i32
      %add3A_515 = arith.constant 3 : i32
      %add3A_516 = arith.addi %mul3A_514, %add3A_515 : i32
      %mul3A_517 = arith.constant 8 : i32
      %mul3A_518 = arith.muli %add3A_459, %mul3A_517 : i32
      %dma_start3A_519 = arith.constant 0 : i32
      %dma_start3A_520 = tpu.memref_slice %arg5[%add3A_326, %add3A_516, %mul3A_518, %dma_start3A_519] : memref<4x64x400x400xf32, #tpu.memory_space<hbm>> -> memref<1x1x8x400xf32, #tpu.memory_space<hbm>>
      %dma_start3A_521 = tpu.memref_squeeze %dma_start3A_520 : memref<1x1x8x400xf32, #tpu.memory_space<hbm>> -> memref<8x400xf32, #tpu.memory_space<hbm>>
      %dma_start3A_522 = arith.constant 0 : i32
      %dma_start3A_523 = tpu.memref_slice %arg5[%add3A_326, %add3A_516, %mul3A_518, %dma_start3A_522] : memref<4x64x400x400xf32, #tpu.memory_space<hbm>> -> memref<1x1x8x400xf32, #tpu.memory_space<hbm>>
      %dma_start3A_524 = tpu.memref_squeeze %dma_start3A_523 : memref<1x1x8x400xf32, #tpu.memory_space<hbm>> -> memref<8x400xf32, #tpu.memory_space<hbm>>
      tpu.enqueue_dma source(%arg19 : memref<8x400xf32, #tpu.memory_space<vmem>>) target(%dma_start3A_524 : memref<8x400xf32, #tpu.memory_space<hbm>>) target_semaphore(%arg26 : memref<!tpu.dma_semaphore, #tpu.memory_space<semaphore_mem>>)
      %mul3A_525 = arith.constant 2 : i32
      %mul3A_526 = arith.muli %mul3A_525, %scan3A_454 : i32
      %add3A_527 = arith.constant 1 : i32
      %add3A_528 = arith.addi %mul3A_526, %add3A_527 : i32
      %mul3A_529 = arith.constant 160000 : i32
      %mul3A_530 = arith.muli %add3A_326, %mul3A_529 : i32
      %dma_wait3A_531 = tpu.memref_slice %arg6[%mul3A_530] : memref<640000xi32, #tpu.memory_space<hbm>> -> memref<3200xi32, #tpu.memory_space<hbm>>
      %dma_wait3A_532 = tpu.memref_slice %arg6[%mul3A_530] : memref<640000xi32, #tpu.memory_space<hbm>> -> memref<3200xi32, #tpu.memory_space<hbm>>
      tpu.wait_dma2 semaphore(%arg25 : memref<!tpu.dma_semaphore, #tpu.memory_space<semaphore_mem>>) src(%dma_wait3A_532 : memref<3200xi32, #tpu.memory_space<hbm>>) dst(%arg15 : memref<3200xi32, #tpu.memory_space<vmem>>)
      %lt3A_533 = arith.constant 49 : i32
      %lt3A_534 = arith.cmpi slt, %add3A_528, %lt3A_533 : i32
      %convert_element_type3A_535 = arith.extui %lt3A_534 : i1 to i32
      %cond3A_536 = arith.constant 0 : i32
      %cond3A_537 = arith.cmpi ne, %convert_element_type3A_535, %cond3A_536 : i32
      scf.if %cond3A_537 {
        %mul3A_599 = arith.constant 160000 : i32
        %mul3A_600 = arith.muli %add3A_326, %mul3A_599 : i32
        %add3A_601 = arith.constant 1 : i32
        %add3A_602 = arith.addi %add3A_528, %add3A_601 : i32
        %mul3A_603 = arith.constant 3200 : i32
        %mul3A_604 = arith.muli %add3A_602, %mul3A_603 : i32
        %add3A_605 = arith.addi %mul3A_600, %mul3A_604 : i32
        %dma_start3A_606 = tpu.memref_slice %arg6[%add3A_605] : memref<640000xi32, #tpu.memory_space<hbm>> -> memref<3200xi32, #tpu.memory_space<hbm>>
        %dma_start3A_607 = tpu.memref_slice %arg6[%add3A_605] : memref<640000xi32, #tpu.memory_space<hbm>> -> memref<3200xi32, #tpu.memory_space<hbm>>
        tpu.enqueue_dma source(%dma_start3A_607 : memref<3200xi32, #tpu.memory_space<hbm>>) target(%arg14 : memref<3200xi32, #tpu.memory_space<vmem>>) target_semaphore(%arg24 : memref<!tpu.dma_semaphore, #tpu.memory_space<semaphore_mem>>)
      } else {
      }
      %ge3A_538 = arith.constant 1 : i32
      %ge3A_539 = arith.cmpi sge, %scan3A_454, %ge3A_538 : i32
      %convert_element_type3A_540 = arith.extui %ge3A_539 : i1 to i32
      %cond3A_541 = arith.constant 0 : i32
      %cond3A_542 = arith.cmpi ne, %convert_element_type3A_540, %cond3A_541 : i32
      scf.if %cond3A_542 {
        %dma_wait3A_599 = arith.constant 0 : i32
        %dma_wait3A_600 = arith.constant 0 : i32
        %dma_wait3A_601 = arith.constant 0 : i32
        %dma_wait3A_602 = arith.constant 0 : i32
        %dma_wait3A_603 = tpu.memref_slice %arg5[%dma_wait3A_599, %dma_wait3A_600, %dma_wait3A_601, %dma_wait3A_602] : memref<4x64x400x400xf32, #tpu.memory_space<hbm>> -> memref<1x1x8x400xf32, #tpu.memory_space<hbm>>
        %dma_wait3A_604 = tpu.memref_squeeze %dma_wait3A_603 : memref<1x1x8x400xf32, #tpu.memory_space<hbm>> -> memref<8x400xf32, #tpu.memory_space<hbm>>
        %dma_wait3A_605 = arith.constant 0 : i32
        %dma_wait3A_606 = arith.constant 0 : i32
        %dma_wait3A_607 = tpu.memref_slice %arg5[%dma_wait3A_599, %dma_wait3A_600, %dma_wait3A_605, %dma_wait3A_606] : memref<4x64x400x400xf32, #tpu.memory_space<hbm>> -> memref<1x1x8x400xf32, #tpu.memory_space<hbm>>
        %dma_wait3A_608 = tpu.memref_squeeze %dma_wait3A_607 : memref<1x1x8x400xf32, #tpu.memory_space<hbm>> -> memref<8x400xf32, #tpu.memory_space<hbm>>
        tpu.wait_dma2 semaphore(%arg27 : memref<!tpu.dma_semaphore, #tpu.memory_space<semaphore_mem>>) src(%arg20 : memref<8x400xf32, #tpu.memory_space<vmem>>) dst(%dma_wait3A_608 : memref<8x400xf32, #tpu.memory_space<hbm>>)
        %dma_wait3A_609 = arith.constant 0 : i32
        %dma_wait3A_610 = arith.constant 0 : i32
        %dma_wait3A_611 = arith.constant 0 : i32
        %dma_wait3A_612 = arith.constant 0 : i32
        %dma_wait3A_613 = tpu.memref_slice %arg5[%dma_wait3A_609, %dma_wait3A_610, %dma_wait3A_611, %dma_wait3A_612] : memref<4x64x400x400xf32, #tpu.memory_space<hbm>> -> memref<1x1x8x400xf32, #tpu.memory_space<hbm>>
        %dma_wait3A_614 = tpu.memref_squeeze %dma_wait3A_613 : memref<1x1x8x400xf32, #tpu.memory_space<hbm>> -> memref<8x400xf32, #tpu.memory_space<hbm>>
        %dma_wait3A_615 = arith.constant 0 : i32
        %dma_wait3A_616 = arith.constant 0 : i32
        %dma_wait3A_617 = tpu.memref_slice %arg5[%dma_wait3A_609, %dma_wait3A_610, %dma_wait3A_615, %dma_wait3A_616] : memref<4x64x400x400xf32, #tpu.memory_space<hbm>> -> memref<1x1x8x400xf32, #tpu.memory_space<hbm>>
        %dma_wait3A_618 = tpu.memref_squeeze %dma_wait3A_617 : memref<1x1x8x400xf32, #tpu.memory_space<hbm>> -> memref<8x400xf32, #tpu.memory_space<hbm>>
        tpu.wait_dma2 semaphore(%arg27 : memref<!tpu.dma_semaphore, #tpu.memory_space<semaphore_mem>>) src(%arg21 : memref<8x400xf32, #tpu.memory_space<vmem>>) dst(%dma_wait3A_618 : memref<8x400xf32, #tpu.memory_space<hbm>>)
        %dma_wait3A_619 = arith.constant 0 : i32
        %dma_wait3A_620 = arith.constant 0 : i32
        %dma_wait3A_621 = arith.constant 0 : i32
        %dma_wait3A_622 = arith.constant 0 : i32
        %dma_wait3A_623 = tpu.memref_slice %arg5[%dma_wait3A_619, %dma_wait3A_620, %dma_wait3A_621, %dma_wait3A_622] : memref<4x64x400x400xf32, #tpu.memory_space<hbm>> -> memref<1x1x8x400xf32, #tpu.memory_space<hbm>>
        %dma_wait3A_624 = tpu.memref_squeeze %dma_wait3A_623 : memref<1x1x8x400xf32, #tpu.memory_space<hbm>> -> memref<8x400xf32, #tpu.memory_space<hbm>>
        %dma_wait3A_625 = arith.constant 0 : i32
        %dma_wait3A_626 = arith.constant 0 : i32
        %dma_wait3A_627 = tpu.memref_slice %arg5[%dma_wait3A_619, %dma_wait3A_620, %dma_wait3A_625, %dma_wait3A_626] : memref<4x64x400x400xf32, #tpu.memory_space<hbm>> -> memref<1x1x8x400xf32, #tpu.memory_space<hbm>>
        %dma_wait3A_628 = tpu.memref_squeeze %dma_wait3A_627 : memref<1x1x8x400xf32, #tpu.memory_space<hbm>> -> memref<8x400xf32, #tpu.memory_space<hbm>>
        tpu.wait_dma2 semaphore(%arg27 : memref<!tpu.dma_semaphore, #tpu.memory_space<semaphore_mem>>) src(%arg22 : memref<8x400xf32, #tpu.memory_space<vmem>>) dst(%dma_wait3A_628 : memref<8x400xf32, #tpu.memory_space<hbm>>)
        %dma_wait3A_629 = arith.constant 0 : i32
        %dma_wait3A_630 = arith.constant 0 : i32
        %dma_wait3A_631 = arith.constant 0 : i32
        %dma_wait3A_632 = arith.constant 0 : i32
        %dma_wait3A_633 = tpu.memref_slice %arg5[%dma_wait3A_629, %dma_wait3A_630, %dma_wait3A_631, %dma_wait3A_632] : memref<4x64x400x400xf32, #tpu.memory_space<hbm>> -> memref<1x1x8x400xf32, #tpu.memory_space<hbm>>
        %dma_wait3A_634 = tpu.memref_squeeze %dma_wait3A_633 : memref<1x1x8x400xf32, #tpu.memory_space<hbm>> -> memref<8x400xf32, #tpu.memory_space<hbm>>
        %dma_wait3A_635 = arith.constant 0 : i32
        %dma_wait3A_636 = arith.constant 0 : i32
        %dma_wait3A_637 = tpu.memref_slice %arg5[%dma_wait3A_629, %dma_wait3A_630, %dma_wait3A_635, %dma_wait3A_636] : memref<4x64x400x400xf32, #tpu.memory_space<hbm>> -> memref<1x1x8x400xf32, #tpu.memory_space<hbm>>
        %dma_wait3A_638 = tpu.memref_squeeze %dma_wait3A_637 : memref<1x1x8x400xf32, #tpu.memory_space<hbm>> -> memref<8x400xf32, #tpu.memory_space<hbm>>
        tpu.wait_dma2 semaphore(%arg27 : memref<!tpu.dma_semaphore, #tpu.memory_space<semaphore_mem>>) src(%arg23 : memref<8x400xf32, #tpu.memory_space<vmem>>) dst(%dma_wait3A_638 : memref<8x400xf32, #tpu.memory_space<hbm>>)
      } else {
      }
      %scan3A_543 = arith.constant 0 : i32
      %scan3A_544 = arith.constant 0 : i32
      %scan3A_545 = arith.constant 8 : i32
      %scan3A_546 = arith.addi %scan3A_544, %scan3A_545 : i32
      %scan3A_547 = arith.constant 1 : i32
      %scan3A_548 = scf.for %scan3A_599 = %scan3A_544 to %scan3A_546 step %scan3A_547 iter_args(%scan3A_600 = %scan3A_543) -> (i32)  : i32 {
        %parallel_loop3A_601 = arith.constant 0 : i32
        %parallel_loop3A_602 = arith.constant 25 : i32
        %parallel_loop3A_603 = arith.constant 1 : i32
        scf.for %parallel_loop3A_605 = %parallel_loop3A_601 to %parallel_loop3A_602 step %parallel_loop3A_603  : i32 {
          %parallel_loop3A_606 = arith.constant 400 : i32
          %parallel_loop3A_607 = arith.muli %scan3A_599, %parallel_loop3A_606 : i32
          %parallel_loop3A_608 = arith.constant 16 : i32
          %parallel_loop3A_609 = arith.muli %parallel_loop3A_605, %parallel_loop3A_608 : i32
          %parallel_loop3A_610 = arith.addi %parallel_loop3A_607, %parallel_loop3A_609 : i32
          %parallel_loop3A_611 = arith.index_cast %parallel_loop3A_610 : i32 to index
          %parallel_loop3A_612 = tpu.vector_load %arg15[%parallel_loop3A_611] {strides = array<i32>} : memref<3200xi32, #tpu.memory_space<vmem>>, vector<16xi32>,
          %parallel_loop3A_613 = arith.constant 16000 : i32
          %parallel_loop3A_614 = vector.broadcast %parallel_loop3A_613 : i32 to vector<16xi32>
          %parallel_loop3A_615 = arith.cmpi slt, %parallel_loop3A_612, %parallel_loop3A_614 : vector<16xi32>
          %parallel_loop3A_616 = tpu.vector_load_idx %arg10[%parallel_loop3A_612] masked %parallel_loop3A_615 : memref<16128xf32, #tpu.memory_space<vmem>>[vector<16xi32>], vector<16xf32>, vector<16xi1>
          %parallel_loop3A_617 = arith.constant 0.000000e+00 : f32
          %parallel_loop3A_618 = vector.broadcast %parallel_loop3A_617 : f32 to vector<16xf32>
          %parallel_loop3A_619 = arith.select %parallel_loop3A_615, %parallel_loop3A_616, %parallel_loop3A_618 : vector<16xi1>, vector<16xf32>
          %parallel_loop3A_620 = arith.constant 16 : i32
          %parallel_loop3A_621 = arith.muli %parallel_loop3A_605, %parallel_loop3A_620 : i32
          %parallel_loop3A_622 = arith.index_cast %scan3A_599 : i32 to index
          %parallel_loop3A_623 = arith.index_cast %parallel_loop3A_621 : i32 to index
          %parallel_loop3A_624 = tpu.vector_load %arg20[%parallel_loop3A_622, %parallel_loop3A_623] {strides = array<i32>} : memref<8x400xf32, #tpu.memory_space<vmem>>, vector<16xf32>,
          tpu.vector_store %arg20[%parallel_loop3A_622, %parallel_loop3A_623], %parallel_loop3A_619 {strides = array<i32>} : memref<8x400xf32, #tpu.memory_space<vmem>>, vector<16xf32>,
          %parallel_loop3A_625 = tpu.vector_load_idx %arg11[%parallel_loop3A_612] masked %parallel_loop3A_615 : memref<16128xf32, #tpu.memory_space<vmem>>[vector<16xi32>], vector<16xf32>, vector<16xi1>
          %parallel_loop3A_626 = arith.constant 0.000000e+00 : f32
          %parallel_loop3A_627 = vector.broadcast %parallel_loop3A_626 : f32 to vector<16xf32>
          %parallel_loop3A_628 = arith.select %parallel_loop3A_615, %parallel_loop3A_625, %parallel_loop3A_627 : vector<16xi1>, vector<16xf32>
          %parallel_loop3A_629 = arith.constant 16 : i32
          %parallel_loop3A_630 = arith.muli %parallel_loop3A_605, %parallel_loop3A_629 : i32
          %parallel_loop3A_631 = arith.index_cast %scan3A_599 : i32 to index
          %parallel_loop3A_632 = arith.index_cast %parallel_loop3A_630 : i32 to index
          %parallel_loop3A_633 = tpu.vector_load %arg21[%parallel_loop3A_631, %parallel_loop3A_632] {strides = array<i32>} : memref<8x400xf32, #tpu.memory_space<vmem>>, vector<16xf32>,
          tpu.vector_store %arg21[%parallel_loop3A_631, %parallel_loop3A_632], %parallel_loop3A_628 {strides = array<i32>} : memref<8x400xf32, #tpu.memory_space<vmem>>, vector<16xf32>,
          %parallel_loop3A_634 = tpu.vector_load_idx %arg12[%parallel_loop3A_612] masked %parallel_loop3A_615 : memref<16128xf32, #tpu.memory_space<vmem>>[vector<16xi32>], vector<16xf32>, vector<16xi1>
          %parallel_loop3A_635 = arith.constant 0.000000e+00 : f32
          %parallel_loop3A_636 = vector.broadcast %parallel_loop3A_635 : f32 to vector<16xf32>
          %parallel_loop3A_637 = arith.select %parallel_loop3A_615, %parallel_loop3A_634, %parallel_loop3A_636 : vector<16xi1>, vector<16xf32>
          %parallel_loop3A_638 = arith.constant 16 : i32
          %parallel_loop3A_639 = arith.muli %parallel_loop3A_605, %parallel_loop3A_638 : i32
          %parallel_loop3A_640 = arith.index_cast %scan3A_599 : i32 to index
          %parallel_loop3A_641 = arith.index_cast %parallel_loop3A_639 : i32 to index
          %parallel_loop3A_642 = tpu.vector_load %arg22[%parallel_loop3A_640, %parallel_loop3A_641] {strides = array<i32>} : memref<8x400xf32, #tpu.memory_space<vmem>>, vector<16xf32>,
          tpu.vector_store %arg22[%parallel_loop3A_640, %parallel_loop3A_641], %parallel_loop3A_637 {strides = array<i32>} : memref<8x400xf32, #tpu.memory_space<vmem>>, vector<16xf32>,
          %parallel_loop3A_643 = tpu.vector_load_idx %arg13[%parallel_loop3A_612] masked %parallel_loop3A_615 : memref<16128xf32, #tpu.memory_space<vmem>>[vector<16xi32>], vector<16xf32>, vector<16xi1>
          %parallel_loop3A_644 = arith.constant 0.000000e+00 : f32
          %parallel_loop3A_645 = vector.broadcast %parallel_loop3A_644 : f32 to vector<16xf32>
          %parallel_loop3A_646 = arith.select %parallel_loop3A_615, %parallel_loop3A_643, %parallel_loop3A_645 : vector<16xi1>, vector<16xf32>
          %parallel_loop3A_647 = arith.constant 16 : i32
          %parallel_loop3A_648 = arith.muli %parallel_loop3A_605, %parallel_loop3A_647 : i32
          %parallel_loop3A_649 = arith.index_cast %scan3A_599 : i32 to index
          %parallel_loop3A_650 = arith.index_cast %parallel_loop3A_648 : i32 to index
          %parallel_loop3A_651 = tpu.vector_load %arg23[%parallel_loop3A_649, %parallel_loop3A_650] {strides = array<i32>} : memref<8x400xf32, #tpu.memory_space<vmem>>, vector<16xf32>,
          tpu.vector_store %arg23[%parallel_loop3A_649, %parallel_loop3A_650], %parallel_loop3A_646 {strides = array<i32>} : memref<8x400xf32, #tpu.memory_space<vmem>>, vector<16xf32>,
        } {sc.loop_unroll_factor = 5 : i64, sc.parallel_access}
        %scan3A_604 = arith.constant 0 : i32
        scf.yield %scan3A_604 : i32
      }
      %scan3A_549 = arith.constant 8 : i32
      %mul3A_550 = arith.constant 4 : i32
      %mul3A_551 = arith.muli %mul3A_550, %arg1 : i32
      %add3A_552 = arith.constant 0 : i32
      %add3A_553 = arith.addi %mul3A_551, %add3A_552 : i32
      %mul3A_554 = arith.constant 8 : i32
      %mul3A_555 = arith.muli %add3A_528, %mul3A_554 : i32
      %dma_start3A_556 = arith.constant 0 : i32
      %dma_start3A_557 = tpu.memref_slice %arg5[%add3A_326, %add3A_553, %mul3A_555, %dma_start3A_556] : memref<4x64x400x400xf32, #tpu.memory_space<hbm>> -> memref<1x1x8x400xf32, #tpu.memory_space<hbm>>
      %dma_start3A_558 = tpu.memref_squeeze %dma_start3A_557 : memref<1x1x8x400xf32, #tpu.memory_space<hbm>> -> memref<8x400xf32, #tpu.memory_space<hbm>>
      %dma_start3A_559 = arith.constant 0 : i32
      %dma_start3A_560 = tpu.memref_slice %arg5[%add3A_326, %add3A_553, %mul3A_555, %dma_start3A_559] : memref<4x64x400x400xf32, #tpu.memory_space<hbm>> -> memref<1x1x8x400xf32, #tpu.memory_space<hbm>>
      %dma_start3A_561 = tpu.memref_squeeze %dma_start3A_560 : memref<1x1x8x400xf32, #tpu.memory_space<hbm>> -> memref<8x400xf32, #tpu.memory_space<hbm>>
      tpu.enqueue_dma source(%arg20 : memref<8x400xf32, #tpu.memory_space<vmem>>) target(%dma_start3A_561 : memref<8x400xf32, #tpu.memory_space<hbm>>) target_semaphore(%arg27 : memref<!tpu.dma_semaphore, #tpu.memory_space<semaphore_mem>>)
      %mul3A_562 = arith.constant 4 : i32
      %mul3A_563 = arith.muli %mul3A_562, %arg1 : i32
      %add3A_564 = arith.constant 1 : i32
      %add3A_565 = arith.addi %mul3A_563, %add3A_564 : i32
      %mul3A_566 = arith.constant 8 : i32
      %mul3A_567 = arith.muli %add3A_528, %mul3A_566 : i32
      %dma_start3A_568 = arith.constant 0 : i32
      %dma_start3A_569 = tpu.memref_slice %arg5[%add3A_326, %add3A_565, %mul3A_567, %dma_start3A_568] : memref<4x64x400x400xf32, #tpu.memory_space<hbm>> -> memref<1x1x8x400xf32, #tpu.memory_space<hbm>>
      %dma_start3A_570 = tpu.memref_squeeze %dma_start3A_569 : memref<1x1x8x400xf32, #tpu.memory_space<hbm>> -> memref<8x400xf32, #tpu.memory_space<hbm>>
      %dma_start3A_571 = arith.constant 0 : i32
      %dma_start3A_572 = tpu.memref_slice %arg5[%add3A_326, %add3A_565, %mul3A_567, %dma_start3A_571] : memref<4x64x400x400xf32, #tpu.memory_space<hbm>> -> memref<1x1x8x400xf32, #tpu.memory_space<hbm>>
      %dma_start3A_573 = tpu.memref_squeeze %dma_start3A_572 : memref<1x1x8x400xf32, #tpu.memory_space<hbm>> -> memref<8x400xf32, #tpu.memory_space<hbm>>
      tpu.enqueue_dma source(%arg21 : memref<8x400xf32, #tpu.memory_space<vmem>>) target(%dma_start3A_573 : memref<8x400xf32, #tpu.memory_space<hbm>>) target_semaphore(%arg27 : memref<!tpu.dma_semaphore, #tpu.memory_space<semaphore_mem>>)
      %mul3A_574 = arith.constant 4 : i32
      %mul3A_575 = arith.muli %mul3A_574, %arg1 : i32
      %add3A_576 = arith.constant 2 : i32
      %add3A_577 = arith.addi %mul3A_575, %add3A_576 : i32
      %mul3A_578 = arith.constant 8 : i32
      %mul3A_579 = arith.muli %add3A_528, %mul3A_578 : i32
      %dma_start3A_580 = arith.constant 0 : i32
      %dma_start3A_581 = tpu.memref_slice %arg5[%add3A_326, %add3A_577, %mul3A_579, %dma_start3A_580] : memref<4x64x400x400xf32, #tpu.memory_space<hbm>> -> memref<1x1x8x400xf32, #tpu.memory_space<hbm>>
      %dma_start3A_582 = tpu.memref_squeeze %dma_start3A_581 : memref<1x1x8x400xf32, #tpu.memory_space<hbm>> -> memref<8x400xf32, #tpu.memory_space<hbm>>
      %dma_start3A_583 = arith.constant 0 : i32
      %dma_start3A_584 = tpu.memref_slice %arg5[%add3A_326, %add3A_577, %mul3A_579, %dma_start3A_583] : memref<4x64x400x400xf32, #tpu.memory_space<hbm>> -> memref<1x1x8x400xf32, #tpu.memory_space<hbm>>
      %dma_start3A_585 = tpu.memref_squeeze %dma_start3A_584 : memref<1x1x8x400xf32, #tpu.memory_space<hbm>> -> memref<8x400xf32, #tpu.memory_space<hbm>>
      tpu.enqueue_dma source(%arg22 : memref<8x400xf32, #tpu.memory_space<vmem>>) target(%dma_start3A_585 : memref<8x400xf32, #tpu.memory_space<hbm>>) target_semaphore(%arg27 : memref<!tpu.dma_semaphore, #tpu.memory_space<semaphore_mem>>)
      %mul3A_586 = arith.constant 4 : i32
      %mul3A_587 = arith.muli %mul3A_586, %arg1 : i32
      %add3A_588 = arith.constant 3 : i32
      %add3A_589 = arith.addi %mul3A_587, %add3A_588 : i32
      %mul3A_590 = arith.constant 8 : i32
      %mul3A_591 = arith.muli %add3A_528, %mul3A_590 : i32
      %dma_start3A_592 = arith.constant 0 : i32
      %dma_start3A_593 = tpu.memref_slice %arg5[%add3A_326, %add3A_589, %mul3A_591, %dma_start3A_592] : memref<4x64x400x400xf32, #tpu.memory_space<hbm>> -> memref<1x1x8x400xf32, #tpu.memory_space<hbm>>
      %dma_start3A_594 = tpu.memref_squeeze %dma_start3A_593 : memref<1x1x8x400xf32, #tpu.memory_space<hbm>> -> memref<8x400xf32, #tpu.memory_space<hbm>>
      %dma_start3A_595 = arith.constant 0 : i32
      %dma_start3A_596 = tpu.memref_slice %arg5[%add3A_326, %add3A_589, %mul3A_591, %dma_start3A_595] : memref<4x64x400x400xf32, #tpu.memory_space<hbm>> -> memref<1x1x8x400xf32, #tpu.memory_space<hbm>>
      %dma_start3A_597 = tpu.memref_squeeze %dma_start3A_596 : memref<1x1x8x400xf32, #tpu.memory_space<hbm>> -> memref<8x400xf32, #tpu.memory_space<hbm>>
      tpu.enqueue_dma source(%arg23 : memref<8x400xf32, #tpu.memory_space<vmem>>) target(%dma_start3A_597 : memref<8x400xf32, #tpu.memory_space<hbm>>) target_semaphore(%arg27 : memref<!tpu.dma_semaphore, #tpu.memory_space<semaphore_mem>>)
      %scan3A_598 = arith.constant 0 : i32
      scf.yield %scan3A_598 : i32
    }
    %scan3A_373 = arith.constant 25 : i32
    %dma_wait3A_374 = arith.constant 0 : i32
    %dma_wait3A_375 = arith.constant 0 : i32
    %dma_wait3A_376 = arith.constant 0 : i32
    %dma_wait3A_377 = arith.constant 0 : i32
    %dma_wait3A_378 = tpu.memref_slice %arg5[%dma_wait3A_374, %dma_wait3A_375, %dma_wait3A_376, %dma_wait3A_377] : memref<4x64x400x400xf32, #tpu.memory_space<hbm>> -> memref<1x1x8x400xf32, #tpu.memory_space<hbm>>
    %dma_wait3A_379 = tpu.memref_squeeze %dma_wait3A_378 : memref<1x1x8x400xf32, #tpu.memory_space<hbm>> -> memref<8x400xf32, #tpu.memory_space<hbm>>
    %dma_wait3A_380 = arith.constant 0 : i32
    %dma_wait3A_381 = arith.constant 0 : i32
    %dma_wait3A_382 = tpu.memref_slice %arg5[%dma_wait3A_374, %dma_wait3A_375, %dma_wait3A_380, %dma_wait3A_381] : memref<4x64x400x400xf32, #tpu.memory_space<hbm>> -> memref<1x1x8x400xf32, #tpu.memory_space<hbm>>
    %dma_wait3A_383 = tpu.memref_squeeze %dma_wait3A_382 : memref<1x1x8x400xf32, #tpu.memory_space<hbm>> -> memref<8x400xf32, #tpu.memory_space<hbm>>
    tpu.wait_dma2 semaphore(%arg26 : memref<!tpu.dma_semaphore, #tpu.memory_space<semaphore_mem>>) src(%arg16 : memref<8x400xf32, #tpu.memory_space<vmem>>) dst(%dma_wait3A_383 : memref<8x400xf32, #tpu.memory_space<hbm>>)
    %dma_wait3A_384 = arith.constant 0 : i32
    %dma_wait3A_385 = arith.constant 0 : i32
    %dma_wait3A_386 = arith.constant 0 : i32
    %dma_wait3A_387 = arith.constant 0 : i32
    %dma_wait3A_388 = tpu.memref_slice %arg5[%dma_wait3A_384, %dma_wait3A_385, %dma_wait3A_386, %dma_wait3A_387] : memref<4x64x400x400xf32, #tpu.memory_space<hbm>> -> memref<1x1x8x400xf32, #tpu.memory_space<hbm>>
    %dma_wait3A_389 = tpu.memref_squeeze %dma_wait3A_388 : memref<1x1x8x400xf32, #tpu.memory_space<hbm>> -> memref<8x400xf32, #tpu.memory_space<hbm>>
    %dma_wait3A_390 = arith.constant 0 : i32
    %dma_wait3A_391 = arith.constant 0 : i32
    %dma_wait3A_392 = tpu.memref_slice %arg5[%dma_wait3A_384, %dma_wait3A_385, %dma_wait3A_390, %dma_wait3A_391] : memref<4x64x400x400xf32, #tpu.memory_space<hbm>> -> memref<1x1x8x400xf32, #tpu.memory_space<hbm>>
    %dma_wait3A_393 = tpu.memref_squeeze %dma_wait3A_392 : memref<1x1x8x400xf32, #tpu.memory_space<hbm>> -> memref<8x400xf32, #tpu.memory_space<hbm>>
    tpu.wait_dma2 semaphore(%arg26 : memref<!tpu.dma_semaphore, #tpu.memory_space<semaphore_mem>>) src(%arg17 : memref<8x400xf32, #tpu.memory_space<vmem>>) dst(%dma_wait3A_393 : memref<8x400xf32, #tpu.memory_space<hbm>>)
    %dma_wait3A_394 = arith.constant 0 : i32
    %dma_wait3A_395 = arith.constant 0 : i32
    %dma_wait3A_396 = arith.constant 0 : i32
    %dma_wait3A_397 = arith.constant 0 : i32
    %dma_wait3A_398 = tpu.memref_slice %arg5[%dma_wait3A_394, %dma_wait3A_395, %dma_wait3A_396, %dma_wait3A_397] : memref<4x64x400x400xf32, #tpu.memory_space<hbm>> -> memref<1x1x8x400xf32, #tpu.memory_space<hbm>>
    %dma_wait3A_399 = tpu.memref_squeeze %dma_wait3A_398 : memref<1x1x8x400xf32, #tpu.memory_space<hbm>> -> memref<8x400xf32, #tpu.memory_space<hbm>>
    %dma_wait3A_400 = arith.constant 0 : i32
    %dma_wait3A_401 = arith.constant 0 : i32
    %dma_wait3A_402 = tpu.memref_slice %arg5[%dma_wait3A_394, %dma_wait3A_395, %dma_wait3A_400, %dma_wait3A_401] : memref<4x64x400x400xf32, #tpu.memory_space<hbm>> -> memref<1x1x8x400xf32, #tpu.memory_space<hbm>>
    %dma_wait3A_403 = tpu.memref_squeeze %dma_wait3A_402 : memref<1x1x8x400xf32, #tpu.memory_space<hbm>> -> memref<8x400xf32, #tpu.memory_space<hbm>>
    tpu.wait_dma2 semaphore(%arg26 : memref<!tpu.dma_semaphore, #tpu.memory_space<semaphore_mem>>) src(%arg18 : memref<8x400xf32, #tpu.memory_space<vmem>>) dst(%dma_wait3A_403 : memref<8x400xf32, #tpu.memory_space<hbm>>)
    %dma_wait3A_404 = arith.constant 0 : i32
    %dma_wait3A_405 = arith.constant 0 : i32
    %dma_wait3A_406 = arith.constant 0 : i32
    %dma_wait3A_407 = arith.constant 0 : i32
    %dma_wait3A_408 = tpu.memref_slice %arg5[%dma_wait3A_404, %dma_wait3A_405, %dma_wait3A_406, %dma_wait3A_407] : memref<4x64x400x400xf32, #tpu.memory_space<hbm>> -> memref<1x1x8x400xf32, #tpu.memory_space<hbm>>
    %dma_wait3A_409 = tpu.memref_squeeze %dma_wait3A_408 : memref<1x1x8x400xf32, #tpu.memory_space<hbm>> -> memref<8x400xf32, #tpu.memory_space<hbm>>
    %dma_wait3A_410 = arith.constant 0 : i32
    %dma_wait3A_411 = arith.constant 0 : i32
    %dma_wait3A_412 = tpu.memref_slice %arg5[%dma_wait3A_404, %dma_wait3A_405, %dma_wait3A_410, %dma_wait3A_411] : memref<4x64x400x400xf32, #tpu.memory_space<hbm>> -> memref<1x1x8x400xf32, #tpu.memory_space<hbm>>
    %dma_wait3A_413 = tpu.memref_squeeze %dma_wait3A_412 : memref<1x1x8x400xf32, #tpu.memory_space<hbm>> -> memref<8x400xf32, #tpu.memory_space<hbm>>
    tpu.wait_dma2 semaphore(%arg26 : memref<!tpu.dma_semaphore, #tpu.memory_space<semaphore_mem>>) src(%arg19 : memref<8x400xf32, #tpu.memory_space<vmem>>) dst(%dma_wait3A_413 : memref<8x400xf32, #tpu.memory_space<hbm>>)
    %dma_wait3A_414 = arith.constant 0 : i32
    %dma_wait3A_415 = arith.constant 0 : i32
    %dma_wait3A_416 = arith.constant 0 : i32
    %dma_wait3A_417 = arith.constant 0 : i32
    %dma_wait3A_418 = tpu.memref_slice %arg5[%dma_wait3A_414, %dma_wait3A_415, %dma_wait3A_416, %dma_wait3A_417] : memref<4x64x400x400xf32, #tpu.memory_space<hbm>> -> memref<1x1x8x400xf32, #tpu.memory_space<hbm>>
    %dma_wait3A_419 = tpu.memref_squeeze %dma_wait3A_418 : memref<1x1x8x400xf32, #tpu.memory_space<hbm>> -> memref<8x400xf32, #tpu.memory_space<hbm>>
    %dma_wait3A_420 = arith.constant 0 : i32
    %dma_wait3A_421 = arith.constant 0 : i32
    %dma_wait3A_422 = tpu.memref_slice %arg5[%dma_wait3A_414, %dma_wait3A_415, %dma_wait3A_420, %dma_wait3A_421] : memref<4x64x400x400xf32, #tpu.memory_space<hbm>> -> memref<1x1x8x400xf32, #tpu.memory_space<hbm>>
    %dma_wait3A_423 = tpu.memref_squeeze %dma_wait3A_422 : memref<1x1x8x400xf32, #tpu.memory_space<hbm>> -> memref<8x400xf32, #tpu.memory_space<hbm>>
    tpu.wait_dma2 semaphore(%arg27 : memref<!tpu.dma_semaphore, #tpu.memory_space<semaphore_mem>>) src(%arg20 : memref<8x400xf32, #tpu.memory_space<vmem>>) dst(%dma_wait3A_423 : memref<8x400xf32, #tpu.memory_space<hbm>>)
    %dma_wait3A_424 = arith.constant 0 : i32
    %dma_wait3A_425 = arith.constant 0 : i32
    %dma_wait3A_426 = arith.constant 0 : i32
    %dma_wait3A_427 = arith.constant 0 : i32
    %dma_wait3A_428 = tpu.memref_slice %arg5[%dma_wait3A_424, %dma_wait3A_425, %dma_wait3A_426, %dma_wait3A_427] : memref<4x64x400x400xf32, #tpu.memory_space<hbm>> -> memref<1x1x8x400xf32, #tpu.memory_space<hbm>>
    %dma_wait3A_429 = tpu.memref_squeeze %dma_wait3A_428 : memref<1x1x8x400xf32, #tpu.memory_space<hbm>> -> memref<8x400xf32, #tpu.memory_space<hbm>>
    %dma_wait3A_430 = arith.constant 0 : i32
    %dma_wait3A_431 = arith.constant 0 : i32
    %dma_wait3A_432 = tpu.memref_slice %arg5[%dma_wait3A_424, %dma_wait3A_425, %dma_wait3A_430, %dma_wait3A_431] : memref<4x64x400x400xf32, #tpu.memory_space<hbm>> -> memref<1x1x8x400xf32, #tpu.memory_space<hbm>>
    %dma_wait3A_433 = tpu.memref_squeeze %dma_wait3A_432 : memref<1x1x8x400xf32, #tpu.memory_space<hbm>> -> memref<8x400xf32, #tpu.memory_space<hbm>>
    tpu.wait_dma2 semaphore(%arg27 : memref<!tpu.dma_semaphore, #tpu.memory_space<semaphore_mem>>) src(%arg21 : memref<8x400xf32, #tpu.memory_space<vmem>>) dst(%dma_wait3A_433 : memref<8x400xf32, #tpu.memory_space<hbm>>)
    %dma_wait3A_434 = arith.constant 0 : i32
    %dma_wait3A_435 = arith.constant 0 : i32
    %dma_wait3A_436 = arith.constant 0 : i32
    %dma_wait3A_437 = arith.constant 0 : i32
    %dma_wait3A_438 = tpu.memref_slice %arg5[%dma_wait3A_434, %dma_wait3A_435, %dma_wait3A_436, %dma_wait3A_437] : memref<4x64x400x400xf32, #tpu.memory_space<hbm>> -> memref<1x1x8x400xf32, #tpu.memory_space<hbm>>
    %dma_wait3A_439 = tpu.memref_squeeze %dma_wait3A_438 : memref<1x1x8x400xf32, #tpu.memory_space<hbm>> -> memref<8x400xf32, #tpu.memory_space<hbm>>
    %dma_wait3A_440 = arith.constant 0 : i32
    %dma_wait3A_441 = arith.constant 0 : i32
    %dma_wait3A_442 = tpu.memref_slice %arg5[%dma_wait3A_434, %dma_wait3A_435, %dma_wait3A_440, %dma_wait3A_441] : memref<4x64x400x400xf32, #tpu.memory_space<hbm>> -> memref<1x1x8x400xf32, #tpu.memory_space<hbm>>
    %dma_wait3A_443 = tpu.memref_squeeze %dma_wait3A_442 : memref<1x1x8x400xf32, #tpu.memory_space<hbm>> -> memref<8x400xf32, #tpu.memory_space<hbm>>
    tpu.wait_dma2 semaphore(%arg27 : memref<!tpu.dma_semaphore, #tpu.memory_space<semaphore_mem>>) src(%arg22 : memref<8x400xf32, #tpu.memory_space<vmem>>) dst(%dma_wait3A_443 : memref<8x400xf32, #tpu.memory_space<hbm>>)
    %dma_wait3A_444 = arith.constant 0 : i32
    %dma_wait3A_445 = arith.constant 0 : i32
    %dma_wait3A_446 = arith.constant 0 : i32
    %dma_wait3A_447 = arith.constant 0 : i32
    %dma_wait3A_448 = tpu.memref_slice %arg5[%dma_wait3A_444, %dma_wait3A_445, %dma_wait3A_446, %dma_wait3A_447] : memref<4x64x400x400xf32, #tpu.memory_space<hbm>> -> memref<1x1x8x400xf32, #tpu.memory_space<hbm>>
    %dma_wait3A_449 = tpu.memref_squeeze %dma_wait3A_448 : memref<1x1x8x400xf32, #tpu.memory_space<hbm>> -> memref<8x400xf32, #tpu.memory_space<hbm>>
    %dma_wait3A_450 = arith.constant 0 : i32
    %dma_wait3A_451 = arith.constant 0 : i32
    %dma_wait3A_452 = tpu.memref_slice %arg5[%dma_wait3A_444, %dma_wait3A_445, %dma_wait3A_450, %dma_wait3A_451] : memref<4x64x400x400xf32, #tpu.memory_space<hbm>> -> memref<1x1x8x400xf32, #tpu.memory_space<hbm>>
    %dma_wait3A_453 = tpu.memref_squeeze %dma_wait3A_452 : memref<1x1x8x400xf32, #tpu.memory_space<hbm>> -> memref<8x400xf32, #tpu.memory_space<hbm>>
    tpu.wait_dma2 semaphore(%arg27 : memref<!tpu.dma_semaphore, #tpu.memory_space<semaphore_mem>>) src(%arg23 : memref<8x400xf32, #tpu.memory_space<vmem>>) dst(%dma_wait3A_453 : memref<8x400xf32, #tpu.memory_space<hbm>>)
    return
  }
}

</mosaic_0001>

<sc_bundles>
// kernel: _run.3.cloned.1.call-start
scs
__scs_entry_jumppad:
0x0: {  	(pc) =	sbr.rel $0x88, $3  }
0x1: {  	(tag) =	ssettag $0x0;
	lr =	simm.s32 $0x1  }
0x2: {  	[smem:$0x3F9E] =	sst lr;
	_ =	strace $0xD0000000  }
0x3: {  	_ = 	snop  }
0x4: {  	_ = 	snop  }
0x5: {  	_ = 	snop  }
0x6: {  	_ = 	snop  }
0x7: {  	_ = 	snop  }
__scs_overlays_trampoline_lowered:
0x8: {  	[smem:$0x3FAD] =	sst s0  }
0x9: {  	[smem:$0x3FAE] =	sst s1  }
0xa: {  	[smem:$0x3FAF] =	sst s2  }
0xb: {  	[smem:$0x3FB0] =	sst s3  }
0xc: {  	[smem:$0x3FB1] =	sst s4  }
0xd: {  	[smem:$0x3FB2] =	sst s5  }
0xe: {  	[smem:$0x3FB3] =	sst s6  }
0xf: {  	[smem:$0x3FB4] =	sst s7  }
0x10: {  	[smem:$0x3FB5] =	sst s8  }
0x11: {  	[smem:$0x3FB6] =	sst s9;
	s0 =	simm.s32 @!p0 $0x0  }
0x12: {  	s1 =	sld [smem:$0x3F9C];
	s0 =	simm.s32 @p0 $0x1  }
0x13: {  	[smem:$0x3FB7] =	sst s0;
	s0 =	simm.s32 @!p1 $0x0  }
0x14: {  	s2 =	sld [smem:$0x3F9B];
	s0 =	simm.s32 @p1 $0x1  }
0x15: {  	[smem:$0x3FB8] =	sst s0;
	s0 =	simm.s32 @!p2 $0x0  }
0x16: {  	s3 =	sld [smem:$0x3FDB];
	s0 =	simm.s32 @p2 $0x1  }
0x17: {  	s4 =	simm.s32 $0x1BF5;
	[smem:$0x3FBA] =	sst s0  }
0x18: {  	s0 =	sld [smem:$0x3F9D];
	_ =	swait.ge [sflag:s4], $0x0  }
0x19: {  	s7 =	sld [smem:$0x3F9E]  }
0x1a: {  	s8 =	sadd.s32 $0xFFFFE003, lr  }
0x1b: {  	s9 =	sadd.s32 $0xFFFFFEF7, lr;
	s5 =	simm.s32 $0xFFFFFFFF;
	p2 =	slt.u32 s8, $0xFFFFF086  }
0x1c: {  	p1 =	slt.u32 s9, $0xF7A;
	s5 =	simm.s32 @!p2 $0x0  }
0x1d: {  	s5 =	simm.s32 @p1 $0x1;
	p0 =	seq.s32 s7, s2  }
0x1e: {  	s7 =	smul.u32 @!p0 $0xF7A, s2;
	p2 =	seq.s32 @!p0 s5, $0x0  }
0x1f: {  	s9 =	smul.u32 $0xF7A, s1;
	s8 =	simm.s32 @!p0 $0x1BF5;
	p2 =	por !p2, p0  }
0x20: {  	[sflag:s8] =	ssyncset.s32 @!p0 $0xFFFFF086;
	s6 =	sadd.s32 @!p0 s3, s7;
	s7 =	simm.s32 @!p0 $0x108  }
0x21: {  	s3 =	sadd.s32 s3, s9;
	s6 =	sadd.s32 @!p0 $0x88, s6;
	s7 =	simm.s32 @p2 $0x1082  }
0x22: {  	[simem:s7], [sflag:s8] =	dma.local @!p0 [hbm:s6], $0xF7A  }
0x23: {  	s9 =	sor.u32 $0xD0000000, s2;
	s6 =	simm.s32 $0x108;
	_ =	swait.ge @!p0 [sflag:s8], $0x0  }
0x24: {  	s3 =	sadd.s32 $0x88, s3;
	s6 =	simm.s32 @!p1 $0x1082;
	[sflag:s4] =	ssyncset.s32 $0xFFFFF086  }
0x25: {  	[simem:s6], [sflag:s4] =	dma.local [hbm:s3], $0xF7A  }
0x26: {  	[smem:$0x3F9E] =	sst s1;
	(tag) =	ssettag s2;
	_ =	strace s9  }
0x27: {  	s1 =	sld [smem:$0x3FAE]  }
0x28: {  	s2 =	sld [smem:$0x3FAF]  }
0x29: {  	s4 =	sld [smem:$0x3FB1]  }
0x2a: {  	p0 =	seq.s32 s5, $0x0;
	s5 =	sld [smem:$0x3FB2]  }
0x2b: {  	s6 =	sld [smem:$0x3FB3]  }
0x2c: {  	s7 =	sld [smem:$0x3FB4]  }
0x2d: {  	s3 =	simm.s32 $0x108;
	s8 =	sld [smem:$0x3FB5]  }
0x2e: {  	s3 =	simm.s32 @!p0 $0x1082;
	s9 =	sld [smem:$0x3FB6]  }
0x2f: {  	lr =	sadd.s32 s0, s3;
	s0 =	sld [smem:$0x3FAD]  }
0x30: {  	s3 =	sld [smem:$0x3FB0]  }
0x31: {  	[smem:$0x3FB9] =	sst s10  }
0x32: {  	s10 =	sld [smem:$0x3FB7];
	_ =	sdelay $0x3  }
0x33: {  	p0 =	seq.s32 s10, $0x1;
	s10 =	sld [smem:$0x3FB9];
	_ =	sdelay $0x3  }
0x34: {  	[smem:$0x3FB9] =	sst s10  }
0x35: {  	s10 =	sld [smem:$0x3FB8];
	_ =	sdelay $0x3  }
0x36: {  	p1 =	seq.s32 s10, $0x1;
	s10 =	sld [smem:$0x3FB9];
	_ =	sdelay $0x3  }
0x37: {  	[smem:$0x3FB9] =	sst s10  }
0x38: {  	s10 =	sld [smem:$0x3FBA]  }
0x39: {  	_ = 	snop;
	(pc) =	sbr.ind lr, $3  }
0x3a: {  	_ = 	snop  }
0x3b: {  	_ = 	snop  }
0x3c: {  	p2 =	seq.s32 s10, $0x1;
	s10 =	sld [smem:$0x3FB9]  }
0x3d: {  	_ =	shalt  }
0x3e: {  	_ =	shalt  }
0x3f: {  	_ =	shalt  }
0x40: {  	_ =	shalt  }
0x41: {  	_ =	shalt  }
0x42: {  	_ =	shalt  }
0x43: {  	_ =	shalt  }
0x44: {  	_ =	shalt  }
0x45: {  	_ =	shalt  }
0x46: {  	_ =	shalt  }
0x47: {  	_ =	shalt  }
0x48: {  	_ =	shalt  }
0x49: {  	_ =	shalt  }
0x4a: {  	_ =	shalt  }
0x4b: {  	_ =	shalt  }
0x4c: {  	_ =	shalt  }
0x4d: {  	_ =	shalt  }
0x4e: {  	_ =	shalt  }
0x4f: {  	_ =	shalt  }
0x50: {  	_ =	shalt  }
0x51: {  	_ =	shalt  }
0x52: {  	_ =	shalt  }
0x53: {  	_ =	shalt  }
0x54: {  	_ =	shalt  }
0x55: {  	_ =	shalt  }
0x56: {  	_ =	shalt  }
0x57: {  	_ =	shalt  }
0x58: {  	_ =	shalt  }
0x59: {  	_ =	shalt  }
0x5a: {  	_ =	shalt  }
0x5b: {  	_ =	shalt  }
0x5c: {  	_ =	shalt  }
0x5d: {  	_ =	shalt  }
0x5e: {  	_ =	shalt  }
0x5f: {  	_ =	shalt  }
0x60: {  	_ =	shalt  }
0x61: {  	_ =	shalt  }
0x62: {  	_ =	shalt  }
0x63: {  	_ =	shalt  }
0x64: {  	_ =	shalt  }
0x65: {  	_ =	shalt  }
0x66: {  	_ =	shalt  }
0x67: {  	_ =	shalt  }
0x68: {  	_ =	shalt  }
0x69: {  	_ =	shalt  }
0x6a: {  	_ =	shalt  }
0x6b: {  	_ =	shalt  }
0x6c: {  	_ =	shalt  }
0x6d: {  	_ =	shalt  }
0x6e: {  	_ =	shalt  }
0x6f: {  	_ =	shalt  }
0x70: {  	_ =	shalt  }
0x71: {  	_ =	shalt  }
0x72: {  	_ =	shalt  }
0x73: {  	_ =	shalt  }
0x74: {  	_ =	shalt  }
0x75: {  	_ =	shalt  }
0x76: {  	_ =	shalt  }
0x77: {  	_ =	shalt  }
0x78: {  	_ =	shalt  }
0x79: {  	_ =	shalt  }
0x7a: {  	_ =	shalt  }
0x7b: {  	_ =	shalt  }
0x7c: {  	_ =	shalt  }
0x7d: {  	_ =	shalt  }
0x7e: {  	_ =	shalt  }
0x7f: {  	_ =	shalt  }
0x80: {  	_ =	shalt  }
0x81: {  	_ =	shalt  }
0x82: {  	_ =	shalt  }
0x83: {  	_ =	shalt  }
0x84: {  	_ =	shalt  }
0x85: {  	_ =	shalt  }
0x86: {  	_ =	shalt  }
0x87: {  	_ =	shalt  }
.Lfunc_end0:
.L_simem_size_0:
called_computation_lowered:
.L_overlay_start_0:
0x88: {  	s2 =	sld [smem:$0x3FD9]  }
0x89: {  	s3 =	sld [smem:$0x3FFE];
	_ =	sdelay $0x1  }
0x8a: {  	s1 =	srdreg.scid  }
0x8b: {  	s0 =	sand.u32 $0x1, s1  }
0x8c: {  	s17 =	sshll.u32 s0, $0xA;
	s2 =	sadd.s32 s3, s2  }
0x8d: {  	s2 =	sadd.s32 s2, s17  }
0x8e: {  	[smem:$0x3FC5] =	sst s2  }
0x8f: {  	_ = 	snop  }
0x90: {  	s2 =	sld [smem:$0x3FC8]  }
0x91: {  	s18 =	sld [smem:$0x3FC7]  }
0x92: {  	s4 =	sld [smem:$0x3FD0];
	(tm) =	ssettm $0x1  }
0x93: {  	s5 =	sld [smem:$0x3FFB];
	_ =	sdelay $0x3  }
0x94: {  	_ =	strace s5  }
0x95: {  	s5 =	sld [smem:$0x3FFC];
	_ =	sdelay $0x3  }
0x96: {  	_ =	strace s5  }
0x97: {  	s5 =	sld [smem:$0x3FFD];
	_ =	sdelay $0x3  }
0x98: {  	_ =	strace s5  }
0x99: {  	_ =	strace $0x8FFFFFFF  }
0x9a: {  	s19 =	sld [smem:$0x3FDB];
	_ =	sdelay $0x1  }
0x9b: {  	s6 =	simm.s32 $_scs_section_size  }
0x9c: {  	s7 =	simm.s32 $_size__tile_overlayer_lowered;
	s8 =	simm.s32 $_tile_overlayer_lowered  }
0x9d: {  	s22 =	simm.s32 $0x1BFF;
	s21 =	sshll.u32 s8, $0x1;
	s5 =	sadd.s32 s6, s19  }
0x9e: {  	s9 =	simm.s32 $0x0;
	s20 =	sshll.u32 s7, $0x1;
	s7 =	sadd.s32 s21, s5  }
0x9f: {  	[timem:s9], [sflag:s22] =	dma.local [hbm:s7], s20  }
0xa0: {  	_ =	swait.ge [sflag:s22], s20  }
0xa1: {  	s6 =	ssub.s32 $0x0, s20;
	[sflag:s22] =	ssyncset.done $0x0  }
0xa2: {  	[sflag:s22] =	ssyncadd.s32 s6;
	_ =	sdelay $0x1  }
0xa3: {  	s23 =	simm.s32 $0x1B8B  }
0xa4: {  	_ =	swait.ge [sflag:s23], $0x1  }
0xa5: {  	[sflag:s23] =	ssyncset.done $0x0  }
0xa6: {  	s25 =	simm.s32 $0x1B8E;
	s24 =	sld [smem:$0x3FFE];
	[sflag:s23] =	ssyncadd.s32 $0xFFFFFFFF  }
0xa7: {  	s26 =	simm.s32 $execute0_lowered;
	[smem:$0x3FD2] =	sst s25  }
0xa8: {  	s7 =	sshll.u32 s26, $0x1;
	_ =	strace $0x80000046;
	[dreg:$0x1] =	wrdreg $0xFFFFFFFF  }
0xa9: {  	s28 =	simm.s32 $_size_execute0_lowered;
	s5 =	sadd.s32 s5, s7;
	[dreg:$0x0] =	wrdreg $0x0  }
0xaa: {  	s7 =	sshll.u32 s28, $0x1;
	[dreg:$0x2] =	wrdreg s5  }
0xab: {  	[dreg:$0x3] =	wrdreg s7  }
0xac: {  	[dreg:$0x4] =	wrdreg $0xC0  }
0xad: {  	_ =	task [dreg:s9], $0x5FFFF  }
0xae: {  	[dreg:$0x1] =	wrdreg $0xFFFFFFFF  }
0xaf: {  	[dreg:$0x0] =	wrdreg $0x60  }
0xb0: {  	[dreg:$0x2] =	wrdreg s24  }
0xb1: {  	[dreg:$0x3] =	wrdreg s2  }
0xb2: {  	[dreg:$0x4] =	wrdreg s18  }
0xb3: {  	[dreg:$0x5] =	wrdreg s4  }
0xb4: {  	[dreg:$0x6] =	wrdreg $0x9  }
0xb5: {  	_ =	task.clear_ibuf [dreg:s9], $0x7FFFF;
	_ =	strace $0x90000046  }
0xb6: {  	s29 =	simm.s32 $0x9;
	_ =	strace $0x80000048  }
0xb7: {  	_ =	swait.ge [sflag:s29], $0x1  }
0xb8: {  	[sflag:s29] =	ssyncadd.s32 $0xFFFFFFFF  }
0xb9: {  	_ =	strace $0x90000048  }
0xba: {  	_ =	sfence  }
0xbb: {  	s30 =	sld [smem:$0x0];
	_ =	sdelay $0x2  }
0xbc: {  	s31 =	sshll.u32 s1, $0xD;
	s1 =	sshrl.u32 s1, $0x2  }
0xbd: {  	s3 =	sand.u32 $0x4000, s31;
	s1 =	sadd.s32 s1, s30  }
0xbe: {  	s0 =	sor.u32 s3, s0;
	s1 =	sshll.u32 s1, $0x11  }
0xbf: {  	s0 =	sor.u32 s1, s0  }
0xc0: {  	s0 =	sadd.s32 $0x8F2B, s0  }
0xc1: {  	[sflag:s0] =	ssyncadd.remote.s32 $0x1  }
0xc2: {  	_ =	sfence.sel $0xFFFF  }
0xc3: {  	[dreg:$0x0] =	wrdreg $0xFFFFFFFF;
	(pc) =	sbr.abs _section_cstart, $3  }
0xc4: {  	[dreg:$0x1] =	wrdreg $0xFFFFFFFF  }
0xc5: {  	_ =	task.clear_ibuf [dreg:s9], $0x2FFFF;
	_ =	strace $0x9FFFFFFF  }
0xc6: {  	(tm) =	ssettm $0x7FFFFFFF  }
0xc7: {  	_ =	shalt  }
tec
execute0_lowered:
.L_overlay_start_1:
0x0: {  	(tag) =	ssettag $0x1  }
0x1: {  	s0 =	srdreg.scid  }
0x2: {  	s3 =	sand.u32 $0x1, s0  }
0x3: {  	s0 =	smul.u32 $0x7D00, s3  }
0x4: {  	s4 =	ssub.s32 $0x2, s3  }
0x5: {  	s2 =	rddreg [dreg:$0x1];
	s5 =	sshrl.u32 s4, $0x1;
	s6 =	sshrl.u32 s0, $0x3  }
0x6: {  	s1 =	rddreg [dreg:$0x2];
	s0 =	ssub.s32 s4, s5;
	s5 =	sadd.s32 s2, s6  }
0x7: {  	s7 =	sadd.s32 $0xFA, s6;
	s8 =	sadd.s32 s1, s6;
	[dreg:$0x5] =	wrdreg s5  }
0x8: {  	[dreg:$0x6] =	wrdreg s8;
	s9 =	sadd.s32 s2, s7  }
0x9: {  	s10 =	sadd.s32 $0x1F4, s6;
	s4 =	sadd.s32 s1, s7;
	[dreg:$0x7] =	wrdreg s9  }
0xa: {  	s12 =	sadd.s32 s2, s10;
	[dreg:$0x8] =	wrdreg s4  }
0xb: {  	s13 =	sadd.s32 $0x2EE, s6;
	s5 =	sadd.s32 s1, s10;
	[dreg:$0x9] =	wrdreg s12  }
0xc: {  	s15 =	sadd.s32 $0x3E8, s6;
	s14 =	sadd.s32 s2, s13;
	[dreg:$0xa] =	wrdreg s5  }
0xd: {  	s17 =	sadd.s32 $0x4E2, s6;
	s16 =	sadd.s32 s2, s15;
	[dreg:$0xb] =	wrdreg s14  }
0xe: {  	s19 =	sadd.s32 $0x5DC, s6;
	s18 =	sadd.s32 s2, s17;
	[dreg:$0xd] =	wrdreg s16  }
0xf: {  	s20 =	sadd.s32 $0x6D6, s6;
	s8 =	sadd.s32 s2, s19;
	[dreg:$0xf] =	wrdreg s18  }
0x10: {  	s11 =	stileid.u32;
	s6 =	sadd.s32 s2, s20;
	[dreg:$0x11] =	wrdreg s8  }
0x11: {  	s23 =	sshll.u32 s11, $0x2;
	s4 =	sadd.s32 s1, s13;
	[dreg:$0x13] =	wrdreg s6  }
0x12: {  	s22 =	sshll.u32 s3, $0x7;
	s5 =	sadd.s32 s1, s15;
	[dreg:$0xc] =	wrdreg s4  }
0x13: {  	[dreg:$0xe] =	wrdreg s5;
	s5 =	sshllo.u32 s3, $0x1;
	s4 =	sadd.s32 s1, s17  }
0x14: {  	s6 =	sor.u32 s23, s22;
	[dreg:$0x10] =	wrdreg s4;
	s7 =	smul.u32 $0x3E80, s5  }
0x15: {  	s4 =	sadd.s32 s1, s19;
	s24 =	sshll.u32 s5, $0x6;
	s19 =	rddreg [dreg:$0x0]  }
0x16: {  	[dreg:$0x12] =	wrdreg s4;
	s4 =	sadd.s32 s1, s20;
	s22 =	sadd.s32 $0x800, s19  }
0x17: {  	[dreg:$0x14] =	wrdreg s4;
	s21 =	sshrl.u32 s7, $0x3;
	s7 =	sor.u32 s23, s24  }
0x18: {  	s24 =	smul.u32 $0x27100, s5;
	s25 =	sadd.s32 $0xFA, s21;
	s17 =	sadd.s32 s2, s21  }
0x19: {  	s26 =	sadd.s32 $0x1F4, s21;
	s18 =	sadd.s32 s1, s21;
	[smem:$0x7E0] =	sst s17  }
0x1a: {  	s29 =	sadd.s32 $0x2EE, s21;
	s9 =	sadd.s32 s2, s25;
	[smem:$0x7E1] =	sst s18  }
0x1b: {  	s31 =	sadd.s32 $0x3E8, s21;
	s8 =	sadd.s32 s1, s25;
	[dreg:$0x15] =	wrdreg s9  }
0x1c: {  	s12 =	sadd.s32 $0x4E2, s21;
	s28 =	sadd.s32 s2, s26;
	[dreg:$0x16] =	wrdreg s8  }
0x1d: {  	s14 =	sadd.s32 $0x5DC, s21;
	s30 =	sadd.s32 s2, s29;
	[dreg:$0x17] =	wrdreg s28  }
0x1e: {  	s4 =	sadd.s32 $0x6D6, s21;
	s10 =	sadd.s32 s2, s31;
	[dreg:$0x19] =	wrdreg s30  }
0x1f: {  	s20 =	smul.u32 $0x7E0, s7;
	s13 =	sadd.s32 s2, s12;
	[dreg:$0x1b] =	wrdreg s10  }
0x20: {  	s15 =	sadd.s32 s2, s14;
	s25 =	smul.u32 $0xC8000, s11;
	[dreg:$0x1d] =	wrdreg s13  }
0x21: {  	s16 =	sadd.s32 s1, s14;
	s11 =	smul.u32 $0x2710, s11;
	[dreg:$0x1f] =	wrdreg s15  }
0x22: {  	s2 =	sadd.s32 s2, s4;
	s10 =	smul.u32 $0x7E0, s6;
	[smem:$0x7DF] =	sst s16  }
0x23: {  	s8 =	sadd.s32 s1, s26;
	s6 =	smul.u32 $0x3F00, s6;
	[smem:$0x7E2] =	sst s2  }
0x24: {  	s26 =	smul.u32 $0xC80000, s5;
	s5 =	simm.s32 $0x0;
	[dreg:$0x18] =	wrdreg s8  }
0x25: {  	s9 =	smul.u32 $0x4E200, s3;
	s8 =	sadd.s32 s1, s29;
	[smem:$0x7FF] =	sst s5  }
0x26: {  	s3 =	smul.u32 $0x1900000, s3;
	s29 =	sadd.s32 $0x7E800, s19;
	[dreg:$0x1a] =	wrdreg s8  }
0x27: {  	s8 =	sadd.s32 s1, s31;
	s23 =	sadd.s32 s22, s10;
	s6 =	sshrl.u32 s6, $0x3  }
0x28: {  	s28 =	sadd.s32 s25, s3;
	s30 =	sadd.s32 s11, s9;
	[dreg:$0x1c] =	wrdreg s8  }
0x29: {  	s31 =	sadd.s32 s11, s24;
	s8 =	sadd.s32 s1, s12;
	[smem:$0x7E4] =	sst s23  }
0x2a: {  	s1 =	sadd.s32 s1, s4;
	s6 =	sadd.s32 s22, s6;
	[dreg:$0x1e] =	wrdreg s8  }
0x2b: {  	s2 =	sshrl.u32 s30, $0x3;
	[smem:$0x7E3] =	sst s1;
	s8 =	sadd.s32 s22, s20  }
0x2c: {  	s3 =	sshrl.u32 s31, $0x3;
	s2 =	sadd.s32 s29, s2;
	[smem:$0x7E5] =	sst s8  }
0x2d: {  	s3 =	sadd.s32 s29, s3;
	_ =	strace $0x80000047;
	[smem:$0x7E6] =	sst s2  }
0x2e: {  	s12 =	sadd.s32 $0x7E0, s6;
	[smem:$0x7E7] =	sst s3  }
0x2f: {  	s13 =	sadd.s32 $0xFC0, s6;
	[smem:$0x7E8] =	sst s12  }
0x30: {  	s15 =	sadd.s32 $0x17A0, s6;
	[smem:$0x7E9] =	sst s13  }
0x31: {  	s16 =	sadd.s32 $0xC80, s9;
	[smem:$0x7EA] =	sst s15  }
0x32: {  	s21 =	smul.u32 $0x3F00, s7;
	s17 =	sadd.s32 $0x1900, s9;
	[smem:$0x7EC] =	sst s16  }
0x33: {  	s19 =	sshrl.u32 s24, $0x3;
	[smem:$0x7ED] =	sst s17  }
0x34: {  	s1 =	sshrl.u32 s21, $0x3;
	s21 =	sadd.s32 s29, s19;
	[smem:$0x7F1] =	sst s29  }
0x35: {  	s1 =	sadd.s32 s22, s1;
	s22 =	sadd.s32 $0xC80, s24;
	[smem:$0x7F2] =	sst s21  }
0x36: {  	s23 =	sadd.s32 $0x1900, s24;
	[smem:$0x7F3] =	sst s22  }
0x37: {  	s0 =	smax.u32 s0, $0x1;
	[smem:$0x7F4] =	sst s23  }
0x38: {  	s7 =	sadd.s32 s25, s26;
	s25 =	sadd.s32 $0x32000, s28;
	[smem:$0x7F5] =	sst s0  }
0x39: {  	s26 =	sadd.s32 $0x64000, s28;
	[smem:$0x7F6] =	sst s25  }
0x3a: {  	[smem:$0x7F7] =	sst s26  }
0x3b: {  	s30 =	sadd.s32 $0x64000, s7;
	[smem:$0x7F8] =	sst s28  }
0x3c: {  	[smem:$0x7FB] =	sst s30  }
0x3d: {  	s14 =	sshrl.u32 s9, $0x3;
	s31 =	sadd.s32 $0x96000, s7;
	[smem:$0x7FC] =	sst s7  }
0x3e: {  	s2 =	sadd.s32 s29, s14;
	[smem:$0x7FD] =	sst s31  }
0x3f: {  	s24 =	sadd.s32 $0x2710, s11;
	s18 =	sadd.s32 $0x7E0, s1;
	[smem:$0x7EB] =	sst s2  }
0x40: {  	s8 =	simm.s32 $0x5;
	s20 =	sadd.s32 $0xFC0, s1;
	[smem:$0x7EE] =	sst s18  }
0x41: {  	s1 =	sadd.s32 $0x17A0, s1;
	s28 =	sadd.s32 $0x96000, s28;
	[smem:$0x7EF] =	sst s20  }
0x42: {  	s29 =	sadd.s32 $0x32000, s7;
	s0 =	simm.s32 $0x3780;
	[smem:$0x7F0] =	sst s1  }
0x43: {  	v2 =	vimm.s32 $0x3E80;
	s3 =	simm.s32 $0xF480;
	s7 =	simm.s32 $0x0;
	[smem:$0x7F9] =	sst s28  }
0x44: {  	v3 =	vlaneseq.u32;
	v0 =	vmov s11;
	v1 =	vmov s24;
	[smem:$0x7FA] =	sst s29;
	s1 =	simm.s32 $0x7680;
	s2 =	simm.s32 $0xB580  }
.LBB2_1:
0x45: {  	[smem:$0x7DE] =	sst s7;
	s4 =	simm.s32 $0x40  }
0x46: {  	[tilespmem:s4+$0xFFFFFFC0] =	vst v2  }
0x47: {  	[tilespmem:s4+$0x30] =	vst v2  }
0x48: {  	[tilespmem:s4+$0x20] =	vst v2  }
0x49: {  	[tilespmem:s4+$0x10] =	vst v2  }
0x4a: {  	[tilespmem:s4+$0x0] =	vst v2  }
0x4b: {  	[tilespmem:s4+$0xFFFFFFF0] =	vst v2  }
0x4c: {  	s6 =	simm.s32 $0x0;
	[tilespmem:s4+$0xFFFFFFE0] =	vst v2  }
.LBB2_2:
0x4d: {  	s6 =	sadd.s32 $0x8, s6;
	[tilespmem:s4+$0xFFFFFFD0] =	vst v2;
	s4 =	sadd.s32 $0x80, s4  }
0x4e: {  	[tilespmem:s4+$0xFFFFFFC0] =	vst v2;
	p0 =	slt.u32 s6, $0x268  }
0x4f: {  	[tilespmem:s4+$0x30] =	vst v2  }
.Ltmp0:
0x50: {  	[tilespmem:s4+$0x20] =	vst v2;
	(pc) =	sbr.rel @p0 .LBB2_2-.Ltmp0, $4  }
0x51: {  	[tilespmem:s4+$0x10] =	vst v2  }
0x52: {  	[tilespmem:s4+$0x0] =	vst v2  }
0x53: {  	[tilespmem:s4+$0xFFFFFFF0] =	vst v2  }
0x54: {  	[tilespmem:s4+$0xFFFFFFE0] =	vst v2  }
0x55: {  	[tilespmem:s4+$0xFFFFFFD0] =	vst v2  }
0x56: {  	s6 =	simm.s32 $0x0;
	s10 =	simm.s32 $0x2780;
	[tilespmem:$0x2700] =	vst v2;
	s4 =	rddreg [dreg:$0x5]  }
0x57: {  	[tilespmem:s10], [sflag:$0x5] =	stream.linear.gather [hbm4b:s4+s6], $0x7D0, $0x38;
	[tilespmem:$0x1CC80] =	vst v63  }
0x58: {  	_ =	swait.ge [sflag:s8], $0x7D0  }
0x59: {  	[sflag:s8] =	ssyncset.done $0x0  }
0x5a: {  	s4 =	simm.s32 $0x2F80;
	s7 =	rddreg [dreg:$0x6];
	[sflag:s8] =	ssyncadd.s32 $0xFFFFF830  }
0x5b: {  	[tilespmem:s4], [sflag:$0x5] =	stream.linear.gather [hbm4b:s7+s6], $0x7D0, $0x38;
	[tilespmem:$0x1CC80] =	vst v63  }
0x5c: {  	_ =	swait.ge [sflag:s8], $0x7D0  }
0x5d: {  	[sflag:s8] =	ssyncset.done $0x0  }
0x5e: {  	[sflag:s8] =	ssyncadd.s32 $0xFFFFF830  }
0x5f: {  	v4 =	vld [tilespmem:s10+$0x0];
	_ =	sdelay $0x1  }
0x60: {  	v5 =	vld [tilespmem:s4+$0x0];
	_ =	sdelay $0x2  }
0x61: {  	v4 =	vmul.u32 $0x190, v4;
	_ =	sdelay $0x1  }
0x62: {  	v4 =	vadd.s32 v5, v4  }
0x63: {  	vm0 =	vge.s32 v4, v0;
	vm1 =	vlt.s32 v4, v1  }
0x64: {  	v4 =	vsub.s32 v4, v0;
	vm0 =	vmand vm0, vm1  }
0x65: {  	v4 =	vnsel vm0, $0x0, v4;
	_ =	sdelay $0x3  }
0x66: {  	v5 =	vor.u32 s6, v3  }
0x67: {  	s10 =	simm.s32 $0x2790;
	[tilespmem:v4+s5+$0x0] =	vst.idx.msk vm0, v5  }
0x68: {  	s11 =	simm.s32 $0x20;
	s6 =	simm.s32 $0x10;
	v4 =	vld [tilespmem:s10+$0x0]  }
.LBB2_4:
0x69: {  	p0 =	sne.s32 s11, $0x7C0;
	s4 =	sadd.s32 $0x10, s4  }
0x6a: {  	v5 =	vld [tilespmem:s4+$0x0];
	_ =	sdelay $0x2  }
0x6b: {  	v4 =	vmul.u32 $0x190, v4;
	_ =	sdelay $0x1  }
0x6c: {  	v4 =	vadd.s32 v5, v4  }
0x6d: {  	vm0 =	vge.s32 v4, v0;
	vm1 =	vlt.s32 v4, v1  }
0x6e: {  	v4 =	vsub.s32 v4, v0;
	vm0 =	vmand vm0, vm1  }
0x6f: {  	v4 =	vnsel vm0, $0x0, v4;
	_ =	sdelay $0x1  }
.Ltmp1:
0x70: {  	(pc) =	sbr.rel @p0 .LBB2_4-.Ltmp1, $4  }
0x71: {  	_ = 	snop  }
0x72: {  	v5 =	vor.u32 s6, v3;
	s6 =	smov.u32 s11  }
0x73: {  	s10 =	sadd.s32 $0x10, s10;
	[tilespmem:v4+s5+$0x0] =	vst.idx.msk vm0, v5  }
0x74: {  	s11 =	sadd.s32 $0x10, s11;
	v4 =	vld [tilespmem:s10+$0x0]  }
0x75: {  	s4 =	sadd.s32 $0x10, s4  }
0x76: {  	v5 =	vld [tilespmem:s4+$0x0];
	_ =	sdelay $0x2  }
0x77: {  	v4 =	vmul.u32 $0x190, v4;
	_ =	sdelay $0x1  }
0x78: {  	v4 =	vadd.s32 v5, v4  }
0x79: {  	vm0 =	vge.s32 v4, v0;
	vm1 =	vlt.s32 v4, v1  }
0x7a: {  	v4 =	vsub.s32 v4, v0;
	vm0 =	vmand vm0, vm1  }
0x7b: {  	v4 =	vnsel vm0, $0x0, v4;
	_ =	sdelay $0x3  }
0x7c: {  	v5 =	vor.u32 s6, v3  }
0x7d: {  	s29 =	simm.s32 $0x2780;
	s30 =	rddreg [dreg:$0x7];
	[tilespmem:v4+s5+$0x0] =	vst.idx.msk vm0, v5  }
0x7e: {  	[tilespmem:s29], [sflag:$0x5] =	stream.linear.gather [hbm4b:s30+s5], $0x7D0, $0x38;
	[tilespmem:$0x1CC80] =	vst v63  }
0x7f: {  	_ =	swait.ge [sflag:s8], $0x7D0  }
0x80: {  	[sflag:s8] =	ssyncset.done $0x0  }
0x81: {  	s4 =	simm.s32 $0x2F80;
	s7 =	rddreg [dreg:$0x8];
	[sflag:s8] =	ssyncadd.s32 $0xFFFFF830  }
0x82: {  	[tilespmem:s4], [sflag:$0x5] =	stream.linear.gather [hbm4b:s7+s5], $0x7D0, $0x38;
	[tilespmem:$0x1CC80] =	vst v63  }
0x83: {  	_ =	swait.ge [sflag:s8], $0x7D0  }
0x84: {  	[sflag:s8] =	ssyncset.done $0x0  }
0x85: {  	[sflag:s8] =	ssyncadd.s32 $0xFFFFF830  }
0x86: {  	v4 =	vld [tilespmem:s29+$0x0];
	_ =	sdelay $0x1  }
0x87: {  	v5 =	vld [tilespmem:s4+$0x0];
	_ =	sdelay $0x2  }
0x88: {  	v4 =	vmul.u32 $0x190, v4;
	_ =	sdelay $0x1  }
0x89: {  	v4 =	vadd.s32 v5, v4  }
0x8a: {  	vm14 =	vge.s32 v4, v0;
	vm15 =	vlt.s32 v4, v1  }
0x8b: {  	v4 =	vsub.s32 v4, v0;
	vm0 =	vmand vm14, vm15  }
0x8c: {  	v4 =	vnsel vm0, $0x0, v4;
	_ =	sdelay $0x2  }
0x8d: {  	s31 =	simm.s32 $0x7D0  }
0x8e: {  	v5 =	vor.u32 s31, v3  }
0x8f: {  	s10 =	simm.s32 $0x2790;
	[tilespmem:v4+s5+$0x0] =	vst.idx.msk vm0, v5  }
0x90: {  	s11 =	simm.s32 $0x7F0;
	s6 =	simm.s32 $0x7E0;
	v4 =	vld [tilespmem:s10+$0x0]  }
.LBB2_6:
0x91: {  	p0 =	sne.s32 s11, $0xF90;
	s4 =	sadd.s32 $0x10, s4  }
0x92: {  	v5 =	vld [tilespmem:s4+$0x0];
	_ =	sdelay $0x2  }
0x93: {  	v4 =	vmul.u32 $0x190, v4;
	_ =	sdelay $0x1  }
0x94: {  	v4 =	vadd.s32 v5, v4  }
0x95: {  	vm0 =	vge.s32 v4, v0;
	vm1 =	vlt.s32 v4, v1  }
0x96: {  	v4 =	vsub.s32 v4, v0;
	vm0 =	vmand vm0, vm1  }
0x97: {  	v4 =	vnsel vm0, $0x0, v4;
	_ =	sdelay $0x1  }
.Ltmp2:
0x98: {  	(pc) =	sbr.rel @p0 .LBB2_6-.Ltmp2, $4  }
0x99: {  	_ = 	snop  }
0x9a: {  	v5 =	vor.u32 s6, v3;
	s6 =	smov.u32 s11  }
0x9b: {  	s10 =	sadd.s32 $0x10, s10;
	[tilespmem:v4+s5+$0x0] =	vst.idx.msk vm0, v5  }
0x9c: {  	s11 =	sadd.s32 $0x10, s11;
	v4 =	vld [tilespmem:s10+$0x0]  }
0x9d: {  	s4 =	sadd.s32 $0x10, s4  }
0x9e: {  	v5 =	vld [tilespmem:s4+$0x0];
	_ =	sdelay $0x2  }
0x9f: {  	v4 =	vmul.u32 $0x190, v4;
	_ =	sdelay $0x1  }
0xa0: {  	v4 =	vadd.s32 v5, v4  }
0xa1: {  	vm0 =	vge.s32 v4, v0;
	vm1 =	vlt.s32 v4, v1  }
0xa2: {  	v4 =	vsub.s32 v4, v0;
	vm0 =	vmand vm0, vm1  }
0xa3: {  	v4 =	vnsel vm0, $0x0, v4;
	_ =	sdelay $0x3  }
0xa4: {  	v5 =	vor.u32 s6, v3  }
0xa5: {  	s29 =	simm.s32 $0x2780;
	s30 =	rddreg [dreg:$0x9];
	[tilespmem:v4+s5+$0x0] =	vst.idx.msk vm0, v5  }
0xa6: {  	[tilespmem:s29], [sflag:$0x5] =	stream.linear.gather [hbm4b:s30+s5], $0x7D0, $0x38;
	[tilespmem:$0x1CC80] =	vst v63  }
0xa7: {  	_ =	swait.ge [sflag:s8], $0x7D0  }
0xa8: {  	[sflag:s8] =	ssyncset.done $0x0  }
0xa9: {  	s4 =	simm.s32 $0x2F80;
	s7 =	rddreg [dreg:$0xa];
	[sflag:s8] =	ssyncadd.s32 $0xFFFFF830  }
0xaa: {  	[tilespmem:s4], [sflag:$0x5] =	stream.linear.gather [hbm4b:s7+s5], $0x7D0, $0x38;
	[tilespmem:$0x1CC80] =	vst v63  }
0xab: {  	_ =	swait.ge [sflag:s8], $0x7D0  }
0xac: {  	[sflag:s8] =	ssyncset.done $0x0  }
0xad: {  	[sflag:s8] =	ssyncadd.s32 $0xFFFFF830  }
0xae: {  	v4 =	vld [tilespmem:s29+$0x0];
	_ =	sdelay $0x1  }
0xaf: {  	v5 =	vld [tilespmem:s4+$0x0];
	_ =	sdelay $0x2  }
0xb0: {  	v4 =	vmul.u32 $0x190, v4;
	_ =	sdelay $0x1  }
0xb1: {  	v4 =	vadd.s32 v5, v4  }
0xb2: {  	vm14 =	vge.s32 v4, v0;
	vm15 =	vlt.s32 v4, v1  }
0xb3: {  	v4 =	vsub.s32 v4, v0;
	vm0 =	vmand vm14, vm15  }
0xb4: {  	v4 =	vnsel vm0, $0x0, v4;
	_ =	sdelay $0x2  }
0xb5: {  	s31 =	simm.s32 $0xFA0  }
0xb6: {  	v5 =	vor.u32 s31, v3  }
0xb7: {  	s10 =	simm.s32 $0x2790;
	[tilespmem:v4+s5+$0x0] =	vst.idx.msk vm0, v5  }
0xb8: {  	s11 =	simm.s32 $0xFC0;
	s6 =	simm.s32 $0xFB0;
	v4 =	vld [tilespmem:s10+$0x0]  }
.LBB2_8:
0xb9: {  	p0 =	sne.s32 s11, $0x1760;
	s4 =	sadd.s32 $0x10, s4  }
0xba: {  	v5 =	vld [tilespmem:s4+$0x0];
	_ =	sdelay $0x2  }
0xbb: {  	v4 =	vmul.u32 $0x190, v4;
	_ =	sdelay $0x1  }
0xbc: {  	v4 =	vadd.s32 v5, v4  }
0xbd: {  	vm0 =	vge.s32 v4, v0;
	vm1 =	vlt.s32 v4, v1  }
0xbe: {  	v4 =	vsub.s32 v4, v0;
	vm0 =	vmand vm0, vm1  }
0xbf: {  	v4 =	vnsel vm0, $0x0, v4;
	_ =	sdelay $0x1  }
.Ltmp3:
0xc0: {  	(pc) =	sbr.rel @p0 .LBB2_8-.Ltmp3, $4  }
0xc1: {  	_ = 	snop  }
0xc2: {  	v5 =	vor.u32 s6, v3;
	s6 =	smov.u32 s11  }
0xc3: {  	s10 =	sadd.s32 $0x10, s10;
	[tilespmem:v4+s5+$0x0] =	vst.idx.msk vm0, v5  }
0xc4: {  	s11 =	sadd.s32 $0x10, s11;
	v4 =	vld [tilespmem:s10+$0x0]  }
0xc5: {  	s4 =	sadd.s32 $0x10, s4  }
0xc6: {  	v5 =	vld [tilespmem:s4+$0x0];
	_ =	sdelay $0x2  }
0xc7: {  	v4 =	vmul.u32 $0x190, v4;
	_ =	sdelay $0x1  }
0xc8: {  	v4 =	vadd.s32 v5, v4  }
0xc9: {  	vm0 =	vge.s32 v4, v0;
	vm1 =	vlt.s32 v4, v1  }
0xca: {  	v4 =	vsub.s32 v4, v0;
	vm0 =	vmand vm0, vm1  }
0xcb: {  	v4 =	vnsel vm0, $0x0, v4;
	_ =	sdelay $0x3  }
0xcc: {  	v5 =	vor.u32 s6, v3  }
0xcd: {  	s29 =	simm.s32 $0x2780;
	s30 =	rddreg [dreg:$0xb];
	[tilespmem:v4+s5+$0x0] =	vst.idx.msk vm0, v5  }
0xce: {  	[tilespmem:s29], [sflag:$0x5] =	stream.linear.gather [hbm4b:s30+s5], $0x7D0, $0x38;
	[tilespmem:$0x1CC80] =	vst v63  }
0xcf: {  	_ =	swait.ge [sflag:s8], $0x7D0  }
0xd0: {  	[sflag:s8] =	ssyncset.done $0x0  }
0xd1: {  	s4 =	simm.s32 $0x2F80;
	s7 =	rddreg [dreg:$0xc];
	[sflag:s8] =	ssyncadd.s32 $0xFFFFF830  }
0xd2: {  	[tilespmem:s4], [sflag:$0x5] =	stream.linear.gather [hbm4b:s7+s5], $0x7D0, $0x38;
	[tilespmem:$0x1CC80] =	vst v63  }
0xd3: {  	_ =	swait.ge [sflag:s8], $0x7D0  }
0xd4: {  	[sflag:s8] =	ssyncset.done $0x0  }
0xd5: {  	[sflag:s8] =	ssyncadd.s32 $0xFFFFF830  }
0xd6: {  	v4 =	vld [tilespmem:s29+$0x0];
	_ =	sdelay $0x1  }
0xd7: {  	v5 =	vld [tilespmem:s4+$0x0];
	_ =	sdelay $0x2  }
0xd8: {  	v4 =	vmul.u32 $0x190, v4;
	_ =	sdelay $0x1  }
0xd9: {  	v4 =	vadd.s32 v5, v4  }
0xda: {  	vm14 =	vge.s32 v4, v0;
	vm15 =	vlt.s32 v4, v1  }
0xdb: {  	v4 =	vsub.s32 v4, v0;
	vm0 =	vmand vm14, vm15  }
0xdc: {  	v4 =	vnsel vm0, $0x0, v4;
	_ =	sdelay $0x2  }
0xdd: {  	s31 =	simm.s32 $0x1770  }
0xde: {  	v5 =	vor.u32 s31, v3  }
0xdf: {  	s10 =	simm.s32 $0x2790;
	[tilespmem:v4+s5+$0x0] =	vst.idx.msk vm0, v5  }
0xe0: {  	s11 =	simm.s32 $0x1790;
	s6 =	simm.s32 $0x1780;
	v4 =	vld [tilespmem:s10+$0x0]  }
.LBB2_10:
0xe1: {  	p0 =	sne.s32 s11, $0x1F30;
	s4 =	sadd.s32 $0x10, s4  }
0xe2: {  	v5 =	vld [tilespmem:s4+$0x0];
	_ =	sdelay $0x2  }
0xe3: {  	v4 =	vmul.u32 $0x190, v4;
	_ =	sdelay $0x1  }
0xe4: {  	v4 =	vadd.s32 v5, v4  }
0xe5: {  	vm0 =	vge.s32 v4, v0;
	vm1 =	vlt.s32 v4, v1  }
0xe6: {  	v4 =	vsub.s32 v4, v0;
	vm0 =	vmand vm0, vm1  }
0xe7: {  	v4 =	vnsel vm0, $0x0, v4;
	_ =	sdelay $0x1  }
.Ltmp4:
0xe8: {  	(pc) =	sbr.rel @p0 .LBB2_10-.Ltmp4, $4  }
0xe9: {  	_ = 	snop  }
0xea: {  	v5 =	vor.u32 s6, v3;
	s6 =	smov.u32 s11  }
0xeb: {  	s10 =	sadd.s32 $0x10, s10;
	[tilespmem:v4+s5+$0x0] =	vst.idx.msk vm0, v5  }
0xec: {  	s11 =	sadd.s32 $0x10, s11;
	v4 =	vld [tilespmem:s10+$0x0]  }
0xed: {  	s4 =	sadd.s32 $0x10, s4  }
0xee: {  	v5 =	vld [tilespmem:s4+$0x0];
	_ =	sdelay $0x2  }
0xef: {  	v4 =	vmul.u32 $0x190, v4;
	_ =	sdelay $0x1  }
0xf0: {  	v4 =	vadd.s32 v5, v4  }
0xf1: {  	vm0 =	vge.s32 v4, v0;
	vm1 =	vlt.s32 v4, v1  }
0xf2: {  	v4 =	vsub.s32 v4, v0;
	vm0 =	vmand vm0, vm1  }
0xf3: {  	v4 =	vnsel vm0, $0x0, v4;
	_ =	sdelay $0x3  }
0xf4: {  	v5 =	vor.u32 s6, v3  }
0xf5: {  	s29 =	simm.s32 $0x2780;
	s30 =	rddreg [dreg:$0xd];
	[tilespmem:v4+s5+$0x0] =	vst.idx.msk vm0, v5  }
0xf6: {  	[tilespmem:s29], [sflag:$0x5] =	stream.linear.gather [hbm4b:s30+s5], $0x7D0, $0x38;
	[tilespmem:$0x1CC80] =	vst v63  }
0xf7: {  	_ =	swait.ge [sflag:s8], $0x7D0  }
0xf8: {  	[sflag:s8] =	ssyncset.done $0x0  }
0xf9: {  	s4 =	simm.s32 $0x2F80;
	s7 =	rddreg [dreg:$0xe];
	[sflag:s8] =	ssyncadd.s32 $0xFFFFF830  }
0xfa: {  	[tilespmem:s4], [sflag:$0x5] =	stream.linear.gather [hbm4b:s7+s5], $0x7D0, $0x38;
	[tilespmem:$0x1CC80] =	vst v63  }
0xfb: {  	_ =	swait.ge [sflag:s8], $0x7D0  }
0xfc: {  	[sflag:s8] =	ssyncset.done $0x0  }
0xfd: {  	[sflag:s8] =	ssyncadd.s32 $0xFFFFF830  }
0xfe: {  	v4 =	vld [tilespmem:s29+$0x0];
	_ =	sdelay $0x1  }
0xff: {  	v5 =	vld [tilespmem:s4+$0x0];
	_ =	sdelay $0x2  }
0x100: {  	v4 =	vmul.u32 $0x190, v4;
	_ =	sdelay $0x1  }
0x101: {  	v4 =	vadd.s32 v5, v4  }
0x102: {  	vm14 =	vge.s32 v4, v0;
	vm15 =	vlt.s32 v4, v1  }
0x103: {  	v4 =	vsub.s32 v4, v0;
	vm0 =	vmand vm14, vm15  }
0x104: {  	v4 =	vnsel vm0, $0x0, v4;
	_ =	sdelay $0x2  }
0x105: {  	s31 =	simm.s32 $0x1F40  }
0x106: {  	v5 =	vor.u32 s31, v3  }
0x107: {  	s10 =	simm.s32 $0x2790;
	[tilespmem:v4+s5+$0x0] =	vst.idx.msk vm0, v5  }
0x108: {  	s11 =	simm.s32 $0x1F60;
	s6 =	simm.s32 $0x1F50;
	v4 =	vld [tilespmem:s10+$0x0]  }
.LBB2_12:
0x109: {  	p0 =	sne.s32 s11, $0x2700;
	s4 =	sadd.s32 $0x10, s4  }
0x10a: {  	v5 =	vld [tilespmem:s4+$0x0];
	_ =	sdelay $0x2  }
0x10b: {  	v4 =	vmul.u32 $0x190, v4;
	_ =	sdelay $0x1  }
0x10c: {  	v4 =	vadd.s32 v5, v4  }
0x10d: {  	vm0 =	vge.s32 v4, v0;
	vm1 =	vlt.s32 v4, v1  }
0x10e: {  	v4 =	vsub.s32 v4, v0;
	vm0 =	vmand vm0, vm1  }
0x10f: {  	v4 =	vnsel vm0, $0x0, v4;
	_ =	sdelay $0x1  }
.Ltmp5:
0x110: {  	(pc) =	sbr.rel @p0 .LBB2_12-.Ltmp5, $4  }
0x111: {  	_ = 	snop  }
0x112: {  	v5 =	vor.u32 s6, v3;
	s6 =	smov.u32 s11  }
0x113: {  	s10 =	sadd.s32 $0x10, s10;
	[tilespmem:v4+s5+$0x0] =	vst.idx.msk vm0, v5  }
0x114: {  	s11 =	sadd.s32 $0x10, s11;
	v4 =	vld [tilespmem:s10+$0x0]  }
0x115: {  	s4 =	sadd.s32 $0x10, s4  }
0x116: {  	v5 =	vld [tilespmem:s4+$0x0];
	_ =	sdelay $0x2  }
0x117: {  	v4 =	vmul.u32 $0x190, v4;
	_ =	sdelay $0x1  }
0x118: {  	v4 =	vadd.s32 v5, v4  }
0x119: {  	vm0 =	vge.s32 v4, v0;
	vm1 =	vlt.s32 v4, v1  }
0x11a: {  	v4 =	vsub.s32 v4, v0;
	vm0 =	vmand vm0, vm1  }
0x11b: {  	v4 =	vnsel vm0, $0x0, v4;
	_ =	sdelay $0x3  }
0x11c: {  	v5 =	vor.u32 s6, v3  }
0x11d: {  	s29 =	simm.s32 $0x2780;
	s30 =	rddreg [dreg:$0xf];
	[tilespmem:v4+s5+$0x0] =	vst.idx.msk vm0, v5  }
0x11e: {  	[tilespmem:s29], [sflag:$0x5] =	stream.linear.gather [hbm4b:s30+s5], $0x7D0, $0x38;
	[tilespmem:$0x1CC80] =	vst v63  }
0x11f: {  	_ =	swait.ge [sflag:s8], $0x7D0  }
0x120: {  	[sflag:s8] =	ssyncset.done $0x0  }
0x121: {  	s4 =	simm.s32 $0x2F80;
	s7 =	rddreg [dreg:$0x10];
	[sflag:s8] =	ssyncadd.s32 $0xFFFFF830  }
0x122: {  	[tilespmem:s4], [sflag:$0x5] =	stream.linear.gather [hbm4b:s7+s5], $0x7D0, $0x38;
	[tilespmem:$0x1CC80] =	vst v63  }
0x123: {  	_ =	swait.ge [sflag:s8], $0x7D0  }
0x124: {  	[sflag:s8] =	ssyncset.done $0x0  }
0x125: {  	[sflag:s8] =	ssyncadd.s32 $0xFFFFF830  }
0x126: {  	v4 =	vld [tilespmem:s29+$0x0];
	_ =	sdelay $0x1  }
0x127: {  	v5 =	vld [tilespmem:s4+$0x0];
	_ =	sdelay $0x2  }
0x128: {  	v4 =	vmul.u32 $0x190, v4;
	_ =	sdelay $0x1  }
0x129: {  	v4 =	vadd.s32 v5, v4  }
0x12a: {  	vm14 =	vge.s32 v4, v0;
	vm15 =	vlt.s32 v4, v1  }
0x12b: {  	v4 =	vsub.s32 v4, v0;
	vm0 =	vmand vm14, vm15  }
0x12c: {  	v4 =	vnsel vm0, $0x0, v4;
	_ =	sdelay $0x2  }
0x12d: {  	s31 =	simm.s32 $0x2710  }
0x12e: {  	v5 =	vor.u32 s31, v3  }
0x12f: {  	s10 =	simm.s32 $0x2790;
	[tilespmem:v4+s5+$0x0] =	vst.idx.msk vm0, v5  }
0x130: {  	s11 =	simm.s32 $0x2730;
	s6 =	simm.s32 $0x2720;
	v4 =	vld [tilespmem:s10+$0x0]  }
.LBB2_14:
0x131: {  	p0 =	sne.s32 s11, $0x2ED0;
	s4 =	sadd.s32 $0x10, s4  }
0x132: {  	v5 =	vld [tilespmem:s4+$0x0];
	_ =	sdelay $0x2  }
0x133: {  	v4 =	vmul.u32 $0x190, v4;
	_ =	sdelay $0x1  }
0x134: {  	v4 =	vadd.s32 v5, v4  }
0x135: {  	vm0 =	vge.s32 v4, v0;
	vm1 =	vlt.s32 v4, v1  }
0x136: {  	v4 =	vsub.s32 v4, v0;
	vm0 =	vmand vm0, vm1  }
0x137: {  	v4 =	vnsel vm0, $0x0, v4;
	_ =	sdelay $0x1  }
.Ltmp6:
0x138: {  	(pc) =	sbr.rel @p0 .LBB2_14-.Ltmp6, $4  }
0x139: {  	_ = 	snop  }
0x13a: {  	v5 =	vor.u32 s6, v3;
	s6 =	smov.u32 s11  }
0x13b: {  	s10 =	sadd.s32 $0x10, s10;
	[tilespmem:v4+s5+$0x0] =	vst.idx.msk vm0, v5  }
0x13c: {  	s11 =	sadd.s32 $0x10, s11;
	v4 =	vld [tilespmem:s10+$0x0]  }
0x13d: {  	s4 =	sadd.s32 $0x10, s4  }
0x13e: {  	v5 =	vld [tilespmem:s4+$0x0];
	_ =	sdelay $0x2  }
0x13f: {  	v4 =	vmul.u32 $0x190, v4;
	_ =	sdelay $0x1  }
0x140: {  	v4 =	vadd.s32 v5, v4  }
0x141: {  	vm0 =	vge.s32 v4, v0;
	vm1 =	vlt.s32 v4, v1  }
0x142: {  	v4 =	vsub.s32 v4, v0;
	vm0 =	vmand vm0, vm1  }
0x143: {  	v4 =	vnsel vm0, $0x0, v4;
	_ =	sdelay $0x3  }
0x144: {  	v5 =	vor.u32 s6, v3  }
0x145: {  	s29 =	simm.s32 $0x2780;
	s30 =	rddreg [dreg:$0x11];
	[tilespmem:v4+s5+$0x0] =	vst.idx.msk vm0, v5  }
0x146: {  	[tilespmem:s29], [sflag:$0x5] =	stream.linear.gather [hbm4b:s30+s5], $0x7D0, $0x38;
	[tilespmem:$0x1CC80] =	vst v63  }
0x147: {  	_ =	swait.ge [sflag:s8], $0x7D0  }
0x148: {  	[sflag:s8] =	ssyncset.done $0x0  }
0x149: {  	s4 =	simm.s32 $0x2F80;
	s7 =	rddreg [dreg:$0x12];
	[sflag:s8] =	ssyncadd.s32 $0xFFFFF830  }
0x14a: {  	[tilespmem:s4], [sflag:$0x5] =	stream.linear.gather [hbm4b:s7+s5], $0x7D0, $0x38;
	[tilespmem:$0x1CC80] =	vst v63  }
0x14b: {  	_ =	swait.ge [sflag:s8], $0x7D0  }
0x14c: {  	[sflag:s8] =	ssyncset.done $0x0  }
0x14d: {  	[sflag:s8] =	ssyncadd.s32 $0xFFFFF830  }
0x14e: {  	v4 =	vld [tilespmem:s29+$0x0];
	_ =	sdelay $0x1  }
0x14f: {  	v5 =	vld [tilespmem:s4+$0x0];
	_ =	sdelay $0x2  }
0x150: {  	v4 =	vmul.u32 $0x190, v4;
	_ =	sdelay $0x1  }
0x151: {  	v4 =	vadd.s32 v5, v4  }
0x152: {  	vm14 =	vge.s32 v4, v0;
	vm15 =	vlt.s32 v4, v1  }
0x153: {  	v4 =	vsub.s32 v4, v0;
	vm0 =	vmand vm14, vm15  }
0x154: {  	v4 =	vnsel vm0, $0x0, v4;
	_ =	sdelay $0x2  }
0x155: {  	s31 =	simm.s32 $0x2EE0  }
0x156: {  	v5 =	vor.u32 s31, v3  }
0x157: {  	s10 =	simm.s32 $0x2790;
	[tilespmem:v4+s5+$0x0] =	vst.idx.msk vm0, v5  }
0x158: {  	s11 =	simm.s32 $0x2F00;
	s6 =	simm.s32 $0x2EF0;
	v4 =	vld [tilespmem:s10+$0x0]  }
.LBB2_16:
0x159: {  	p0 =	sne.s32 s11, $0x36A0;
	s4 =	sadd.s32 $0x10, s4  }
0x15a: {  	v5 =	vld [tilespmem:s4+$0x0];
	_ =	sdelay $0x2  }
0x15b: {  	v4 =	vmul.u32 $0x190, v4;
	_ =	sdelay $0x1  }
0x15c: {  	v4 =	vadd.s32 v5, v4  }
0x15d: {  	vm0 =	vge.s32 v4, v0;
	vm1 =	vlt.s32 v4, v1  }
0x15e: {  	v4 =	vsub.s32 v4, v0;
	vm0 =	vmand vm0, vm1  }
0x15f: {  	v4 =	vnsel vm0, $0x0, v4;
	_ =	sdelay $0x1  }
.Ltmp7:
0x160: {  	(pc) =	sbr.rel @p0 .LBB2_16-.Ltmp7, $4  }
0x161: {  	_ = 	snop  }
0x162: {  	v5 =	vor.u32 s6, v3;
	s6 =	smov.u32 s11  }
0x163: {  	s10 =	sadd.s32 $0x10, s10;
	[tilespmem:v4+s5+$0x0] =	vst.idx.msk vm0, v5  }
0x164: {  	s11 =	sadd.s32 $0x10, s11;
	v4 =	vld [tilespmem:s10+$0x0]  }
0x165: {  	s4 =	sadd.s32 $0x10, s4  }
0x166: {  	v5 =	vld [tilespmem:s4+$0x0];
	_ =	sdelay $0x2  }
0x167: {  	v4 =	vmul.u32 $0x190, v4;
	_ =	sdelay $0x1  }
0x168: {  	v4 =	vadd.s32 v5, v4  }
0x169: {  	vm0 =	vge.s32 v4, v0;
	vm1 =	vlt.s32 v4, v1  }
0x16a: {  	v4 =	vsub.s32 v4, v0;
	vm0 =	vmand vm0, vm1  }
0x16b: {  	v4 =	vnsel vm0, $0x0, v4;
	_ =	sdelay $0x3  }
0x16c: {  	v5 =	vor.u32 s6, v3  }
0x16d: {  	s29 =	simm.s32 $0x2780;
	s30 =	rddreg [dreg:$0x13];
	[tilespmem:v4+s5+$0x0] =	vst.idx.msk vm0, v5  }
0x16e: {  	[tilespmem:s29], [sflag:$0x5] =	stream.linear.gather [hbm4b:s30+s5], $0x7D0, $0x38;
	[tilespmem:$0x1CC80] =	vst v63  }
0x16f: {  	_ =	swait.ge [sflag:s8], $0x7D0  }
0x170: {  	[sflag:s8] =	ssyncset.done $0x0  }
0x171: {  	s4 =	simm.s32 $0x2F80;
	s7 =	rddreg [dreg:$0x14];
	[sflag:s8] =	ssyncadd.s32 $0xFFFFF830  }
0x172: {  	[tilespmem:s4], [sflag:$0x5] =	stream.linear.gather [hbm4b:s7+s5], $0x7D0, $0x38;
	[tilespmem:$0x1CC80] =	vst v63  }
0x173: {  	_ =	swait.ge [sflag:s8], $0x7D0  }
0x174: {  	[sflag:s8] =	ssyncset.done $0x0  }
0x175: {  	[sflag:s8] =	ssyncadd.s32 $0xFFFFF830  }
0x176: {  	v4 =	vld [tilespmem:s29+$0x0];
	_ =	sdelay $0x1  }
0x177: {  	v5 =	vld [tilespmem:s4+$0x0];
	_ =	sdelay $0x2  }
0x178: {  	v4 =	vmul.u32 $0x190, v4;
	_ =	sdelay $0x1  }
0x179: {  	v4 =	vadd.s32 v5, v4  }
0x17a: {  	vm14 =	vge.s32 v4, v0;
	vm15 =	vlt.s32 v4, v1  }
0x17b: {  	v4 =	vsub.s32 v4, v0;
	vm0 =	vmand vm14, vm15  }
0x17c: {  	v4 =	vnsel vm0, $0x0, v4;
	_ =	sdelay $0x2  }
0x17d: {  	s31 =	simm.s32 $0x36B0  }
0x17e: {  	v5 =	vor.u32 s31, v3  }
0x17f: {  	s10 =	simm.s32 $0x2790;
	[tilespmem:v4+s5+$0x0] =	vst.idx.msk vm0, v5  }
0x180: {  	s11 =	simm.s32 $0x36D0;
	s6 =	simm.s32 $0x36C0;
	v4 =	vld [tilespmem:s10+$0x0]  }
.LBB2_18:
0x181: {  	p0 =	sne.s32 s11, $0x3E70;
	s4 =	sadd.s32 $0x10, s4  }
0x182: {  	v5 =	vld [tilespmem:s4+$0x0];
	_ =	sdelay $0x2  }
0x183: {  	v4 =	vmul.u32 $0x190, v4;
	_ =	sdelay $0x1  }
0x184: {  	v4 =	vadd.s32 v5, v4  }
0x185: {  	vm0 =	vge.s32 v4, v0;
	vm1 =	vlt.s32 v4, v1  }
0x186: {  	v4 =	vsub.s32 v4, v0;
	vm0 =	vmand vm0, vm1  }
0x187: {  	v4 =	vnsel vm0, $0x0, v4;
	_ =	sdelay $0x1  }
.Ltmp8:
0x188: {  	(pc) =	sbr.rel @p0 .LBB2_18-.Ltmp8, $4  }
0x189: {  	_ = 	snop  }
0x18a: {  	v5 =	vor.u32 s6, v3;
	s6 =	smov.u32 s11  }
0x18b: {  	s10 =	sadd.s32 $0x10, s10;
	[tilespmem:v4+s5+$0x0] =	vst.idx.msk vm0, v5  }
0x18c: {  	s11 =	sadd.s32 $0x10, s11;
	v4 =	vld [tilespmem:s10+$0x0]  }
0x18d: {  	s4 =	sadd.s32 $0x10, s4  }
0x18e: {  	v5 =	vld [tilespmem:s4+$0x0];
	_ =	sdelay $0x2  }
0x18f: {  	v4 =	vmul.u32 $0x190, v4;
	_ =	sdelay $0x1  }
0x190: {  	v4 =	vadd.s32 v5, v4  }
0x191: {  	vm0 =	vge.s32 v4, v0;
	vm1 =	vlt.s32 v4, v1  }
0x192: {  	v4 =	vsub.s32 v4, v0;
	vm0 =	vmand vm0, vm1  }
0x193: {  	v4 =	vnsel vm0, $0x0, v4;
	_ =	sdelay $0x2  }
0x194: {  	s31 =	sld [smem:$0x7E6]  }
0x195: {  	v5 =	vor.u32 s6, v3  }
0x196: {  	[tilespmem:v4+s5+$0x0] =	vst.idx.msk vm0, v5  }
0x197: {  	[hbm4b:s31+s5] =	stream.linear.scatter [tilespmem:s5], [sflag:$0x5], $0x2710, $0x38;
	[tilespmem:$0x1CC80] =	vst v63  }
0x198: {  	_ =	swait.ge [sflag:s8], $0x2710  }
0x199: {  	[sflag:s8] =	ssyncset.done $0x0  }
0x19a: {  	s4 =	simm.s32 $0x40;
	[sflag:s8] =	ssyncadd.s32 $0xFFFFD8F0  }
0x19b: {  	[tilespmem:s4+$0xFFFFFFC0] =	vst v2  }
0x19c: {  	[tilespmem:s4+$0x30] =	vst v2  }
0x19d: {  	[tilespmem:s4+$0x20] =	vst v2  }
0x19e: {  	[tilespmem:s4+$0x10] =	vst v2  }
0x19f: {  	[tilespmem:s4+$0x0] =	vst v2  }
0x1a0: {  	[tilespmem:s4+$0xFFFFFFF0] =	vst v2  }
0x1a1: {  	s6 =	simm.s32 $0x0;
	[tilespmem:s4+$0xFFFFFFE0] =	vst v2  }
.LBB2_20:
0x1a2: {  	s6 =	sadd.s32 $0x8, s6;
	[tilespmem:s4+$0xFFFFFFD0] =	vst v2;
	s4 =	sadd.s32 $0x80, s4  }
0x1a3: {  	[tilespmem:s4+$0xFFFFFFC0] =	vst v2;
	p0 =	slt.u32 s6, $0x268  }
0x1a4: {  	[tilespmem:s4+$0x30] =	vst v2  }
.Ltmp9:
0x1a5: {  	[tilespmem:s4+$0x20] =	vst v2;
	(pc) =	sbr.rel @p0 .LBB2_20-.Ltmp9, $4  }
0x1a6: {  	[tilespmem:s4+$0x10] =	vst v2  }
0x1a7: {  	[tilespmem:s4+$0x0] =	vst v2  }
0x1a8: {  	[tilespmem:s4+$0xFFFFFFF0] =	vst v2  }
0x1a9: {  	[tilespmem:s4+$0xFFFFFFE0] =	vst v2  }
0x1aa: {  	[tilespmem:s4+$0xFFFFFFD0] =	vst v2  }
0x1ab: {  	s4 =	sld [smem:$0x7E0];
	_ =	sdelay $0x1  }
0x1ac: {  	s6 =	simm.s32 $0x0;
	s10 =	simm.s32 $0x2780;
	[tilespmem:$0x2700] =	vst v2  }
0x1ad: {  	[tilespmem:s10], [sflag:$0x5] =	stream.linear.gather [hbm4b:s4+s6], $0x7D0, $0x38;
	[tilespmem:$0x1CC80] =	vst v63  }
0x1ae: {  	_ =	swait.ge [sflag:s8], $0x7D0  }
0x1af: {  	s7 =	sld [smem:$0x7E1]  }
0x1b0: {  	[sflag:s8] =	ssyncset.done $0x0  }
0x1b1: {  	s4 =	simm.s32 $0x2F80;
	[sflag:s8] =	ssyncadd.s32 $0xFFFFF830  }
0x1b2: {  	[tilespmem:s4], [sflag:$0x5] =	stream.linear.gather [hbm4b:s7+s6], $0x7D0, $0x38;
	[tilespmem:$0x1CC80] =	vst v63  }
0x1b3: {  	_ =	swait.ge [sflag:s8], $0x7D0  }
0x1b4: {  	[sflag:s8] =	ssyncset.done $0x0  }
0x1b5: {  	[sflag:s8] =	ssyncadd.s32 $0xFFFFF830  }
0x1b6: {  	v4 =	vld [tilespmem:s10+$0x0];
	_ =	sdelay $0x1  }
0x1b7: {  	v5 =	vld [tilespmem:s4+$0x0];
	_ =	sdelay $0x2  }
0x1b8: {  	v4 =	vmul.u32 $0x190, v4;
	_ =	sdelay $0x1  }
0x1b9: {  	v4 =	vadd.s32 v5, v4  }
0x1ba: {  	vm0 =	vge.s32 v4, v0;
	vm1 =	vlt.s32 v4, v1  }
0x1bb: {  	v4 =	vsub.s32 v4, v0;
	vm0 =	vmand vm0, vm1  }
0x1bc: {  	v4 =	vnsel vm0, $0x0, v4;
	_ =	sdelay $0x3  }
0x1bd: {  	v5 =	vor.u32 s6, v3  }
0x1be: {  	s10 =	simm.s32 $0x2790;
	[tilespmem:v4+s5+$0x0] =	vst.idx.msk vm0, v5  }
0x1bf: {  	s11 =	simm.s32 $0x20;
	s6 =	simm.s32 $0x10;
	v4 =	vld [tilespmem:s10+$0x0]  }
.LBB2_22:
0x1c0: {  	p0 =	sne.s32 s11, $0x7C0;
	s4 =	sadd.s32 $0x10, s4  }
0x1c1: {  	v5 =	vld [tilespmem:s4+$0x0];
	_ =	sdelay $0x2  }
0x1c2: {  	v4 =	vmul.u32 $0x190, v4;
	_ =	sdelay $0x1  }
0x1c3: {  	v4 =	vadd.s32 v5, v4  }
0x1c4: {  	vm0 =	vge.s32 v4, v0;
	vm1 =	vlt.s32 v4, v1  }
0x1c5: {  	v4 =	vsub.s32 v4, v0;
	vm0 =	vmand vm0, vm1  }
0x1c6: {  	v4 =	vnsel vm0, $0x0, v4;
	_ =	sdelay $0x1  }
.Ltmp10:
0x1c7: {  	(pc) =	sbr.rel @p0 .LBB2_22-.Ltmp10, $4  }
0x1c8: {  	_ = 	snop  }
0x1c9: {  	v5 =	vor.u32 s6, v3;
	s6 =	smov.u32 s11  }
0x1ca: {  	s10 =	sadd.s32 $0x10, s10;
	[tilespmem:v4+s5+$0x0] =	vst.idx.msk vm0, v5  }
0x1cb: {  	s11 =	sadd.s32 $0x10, s11;
	v4 =	vld [tilespmem:s10+$0x0]  }
0x1cc: {  	s4 =	sadd.s32 $0x10, s4  }
0x1cd: {  	v5 =	vld [tilespmem:s4+$0x0];
	_ =	sdelay $0x2  }
0x1ce: {  	v4 =	vmul.u32 $0x190, v4;
	_ =	sdelay $0x1  }
0x1cf: {  	v4 =	vadd.s32 v5, v4  }
0x1d0: {  	vm0 =	vge.s32 v4, v0;
	vm1 =	vlt.s32 v4, v1  }
0x1d1: {  	v4 =	vsub.s32 v4, v0;
	vm0 =	vmand vm0, vm1  }
0x1d2: {  	v4 =	vnsel vm0, $0x0, v4;
	_ =	sdelay $0x3  }
0x1d3: {  	v5 =	vor.u32 s6, v3  }
0x1d4: {  	s29 =	simm.s32 $0x2780;
	s30 =	rddreg [dreg:$0x15];
	[tilespmem:v4+s5+$0x0] =	vst.idx.msk vm0, v5  }
0x1d5: {  	[tilespmem:s29], [sflag:$0x5] =	stream.linear.gather [hbm4b:s30+s5], $0x7D0, $0x38;
	[tilespmem:$0x1CC80] =	vst v63  }
0x1d6: {  	_ =	swait.ge [sflag:s8], $0x7D0  }
0x1d7: {  	[sflag:s8] =	ssyncset.done $0x0  }
0x1d8: {  	s4 =	simm.s32 $0x2F80;
	s7 =	rddreg [dreg:$0x16];
	[sflag:s8] =	ssyncadd.s32 $0xFFFFF830  }
0x1d9: {  	[tilespmem:s4], [sflag:$0x5] =	stream.linear.gather [hbm4b:s7+s5], $0x7D0, $0x38;
	[tilespmem:$0x1CC80] =	vst v63  }
0x1da: {  	_ =	swait.ge [sflag:s8], $0x7D0  }
0x1db: {  	[sflag:s8] =	ssyncset.done $0x0  }
0x1dc: {  	[sflag:s8] =	ssyncadd.s32 $0xFFFFF830  }
0x1dd: {  	v4 =	vld [tilespmem:s29+$0x0];
	_ =	sdelay $0x1  }
0x1de: {  	v5 =	vld [tilespmem:s4+$0x0];
	_ =	sdelay $0x2  }
0x1df: {  	v4 =	vmul.u32 $0x190, v4;
	_ =	sdelay $0x1  }
0x1e0: {  	v4 =	vadd.s32 v5, v4  }
0x1e1: {  	vm14 =	vge.s32 v4, v0;
	vm15 =	vlt.s32 v4, v1  }
0x1e2: {  	v4 =	vsub.s32 v4, v0;
	vm0 =	vmand vm14, vm15  }
0x1e3: {  	v4 =	vnsel vm0, $0x0, v4;
	_ =	sdelay $0x2  }
0x1e4: {  	s31 =	simm.s32 $0x7D0  }
0x1e5: {  	v5 =	vor.u32 s31, v3  }
0x1e6: {  	s10 =	simm.s32 $0x2790;
	[tilespmem:v4+s5+$0x0] =	vst.idx.msk vm0, v5  }
0x1e7: {  	s11 =	simm.s32 $0x7F0;
	s6 =	simm.s32 $0x7E0;
	v4 =	vld [tilespmem:s10+$0x0]  }
.LBB2_24:
0x1e8: {  	p0 =	sne.s32 s11, $0xF90;
	s4 =	sadd.s32 $0x10, s4  }
0x1e9: {  	v5 =	vld [tilespmem:s4+$0x0];
	_ =	sdelay $0x2  }
0x1ea: {  	v4 =	vmul.u32 $0x190, v4;
	_ =	sdelay $0x1  }
0x1eb: {  	v4 =	vadd.s32 v5, v4  }
0x1ec: {  	vm0 =	vge.s32 v4, v0;
	vm1 =	vlt.s32 v4, v1  }
0x1ed: {  	v4 =	vsub.s32 v4, v0;
	vm0 =	vmand vm0, vm1  }
0x1ee: {  	v4 =	vnsel vm0, $0x0, v4;
	_ =	sdelay $0x1  }
.Ltmp11:
0x1ef: {  	(pc) =	sbr.rel @p0 .LBB2_24-.Ltmp11, $4  }
0x1f0: {  	_ = 	snop  }
0x1f1: {  	v5 =	vor.u32 s6, v3;
	s6 =	smov.u32 s11  }
0x1f2: {  	s10 =	sadd.s32 $0x10, s10;
	[tilespmem:v4+s5+$0x0] =	vst.idx.msk vm0, v5  }
0x1f3: {  	s11 =	sadd.s32 $0x10, s11;
	v4 =	vld [tilespmem:s10+$0x0]  }
0x1f4: {  	s4 =	sadd.s32 $0x10, s4  }
0x1f5: {  	v5 =	vld [tilespmem:s4+$0x0];
	_ =	sdelay $0x2  }
0x1f6: {  	v4 =	vmul.u32 $0x190, v4;
	_ =	sdelay $0x1  }
0x1f7: {  	v4 =	vadd.s32 v5, v4  }
0x1f8: {  	vm0 =	vge.s32 v4, v0;
	vm1 =	vlt.s32 v4, v1  }
0x1f9: {  	v4 =	vsub.s32 v4, v0;
	vm0 =	vmand vm0, vm1  }
0x1fa: {  	v4 =	vnsel vm0, $0x0, v4;
	_ =	sdelay $0x3  }
0x1fb: {  	v5 =	vor.u32 s6, v3  }
0x1fc: {  	s29 =	simm.s32 $0x2780;
	s30 =	rddreg [dreg:$0x17];
	[tilespmem:v4+s5+$0x0] =	vst.idx.msk vm0, v5  }
0x1fd: {  	[tilespmem:s29], [sflag:$0x5] =	stream.linear.gather [hbm4b:s30+s5], $0x7D0, $0x38;
	[tilespmem:$0x1CC80] =	vst v63  }
0x1fe: {  	_ =	swait.ge [sflag:s8], $0x7D0  }
0x1ff: {  	[sflag:s8] =	ssyncset.done $0x0  }
0x200: {  	s4 =	simm.s32 $0x2F80;
	s7 =	rddreg [dreg:$0x18];
	[sflag:s8] =	ssyncadd.s32 $0xFFFFF830  }
0x201: {  	[tilespmem:s4], [sflag:$0x5] =	stream.linear.gather [hbm4b:s7+s5], $0x7D0, $0x38;
	[tilespmem:$0x1CC80] =	vst v63  }
0x202: {  	_ =	swait.ge [sflag:s8], $0x7D0  }
0x203: {  	[sflag:s8] =	ssyncset.done $0x0  }
0x204: {  	[sflag:s8] =	ssyncadd.s32 $0xFFFFF830  }
0x205: {  	v4 =	vld [tilespmem:s29+$0x0];
	_ =	sdelay $0x1  }
0x206: {  	v5 =	vld [tilespmem:s4+$0x0];
	_ =	sdelay $0x2  }
0x207: {  	v4 =	vmul.u32 $0x190, v4;
	_ =	sdelay $0x1  }
0x208: {  	v4 =	vadd.s32 v5, v4  }
0x209: {  	vm14 =	vge.s32 v4, v0;
	vm15 =	vlt.s32 v4, v1  }
0x20a: {  	v4 =	vsub.s32 v4, v0;
	vm0 =	vmand vm14, vm15  }
0x20b: {  	v4 =	vnsel vm0, $0x0, v4;
	_ =	sdelay $0x2  }
0x20c: {  	s31 =	simm.s32 $0xFA0  }
0x20d: {  	v5 =	vor.u32 s31, v3  }
0x20e: {  	s10 =	simm.s32 $0x2790;
	[tilespmem:v4+s5+$0x0] =	vst.idx.msk vm0, v5  }
0x20f: {  	s11 =	simm.s32 $0xFC0;
	s6 =	simm.s32 $0xFB0;
	v4 =	vld [tilespmem:s10+$0x0]  }
.LBB2_26:
0x210: {  	p0 =	sne.s32 s11, $0x1760;
	s4 =	sadd.s32 $0x10, s4  }
0x211: {  	v5 =	vld [tilespmem:s4+$0x0];
	_ =	sdelay $0x2  }
0x212: {  	v4 =	vmul.u32 $0x190, v4;
	_ =	sdelay $0x1  }
0x213: {  	v4 =	vadd.s32 v5, v4  }
0x214: {  	vm0 =	vge.s32 v4, v0;
	vm1 =	vlt.s32 v4, v1  }
0x215: {  	v4 =	vsub.s32 v4, v0;
	vm0 =	vmand vm0, vm1  }
0x216: {  	v4 =	vnsel vm0, $0x0, v4;
	_ =	sdelay $0x1  }
.Ltmp12:
0x217: {  	(pc) =	sbr.rel @p0 .LBB2_26-.Ltmp12, $4  }
0x218: {  	_ = 	snop  }
0x219: {  	v5 =	vor.u32 s6, v3;
	s6 =	smov.u32 s11  }
0x21a: {  	s10 =	sadd.s32 $0x10, s10;
	[tilespmem:v4+s5+$0x0] =	vst.idx.msk vm0, v5  }
0x21b: {  	s11 =	sadd.s32 $0x10, s11;
	v4 =	vld [tilespmem:s10+$0x0]  }
0x21c: {  	s4 =	sadd.s32 $0x10, s4  }
0x21d: {  	v5 =	vld [tilespmem:s4+$0x0];
	_ =	sdelay $0x2  }
0x21e: {  	v4 =	vmul.u32 $0x190, v4;
	_ =	sdelay $0x1  }
0x21f: {  	v4 =	vadd.s32 v5, v4  }
0x220: {  	vm0 =	vge.s32 v4, v0;
	vm1 =	vlt.s32 v4, v1  }
0x221: {  	v4 =	vsub.s32 v4, v0;
	vm0 =	vmand vm0, vm1  }
0x222: {  	v4 =	vnsel vm0, $0x0, v4;
	_ =	sdelay $0x3  }
0x223: {  	v5 =	vor.u32 s6, v3  }
0x224: {  	s29 =	simm.s32 $0x2780;
	s30 =	rddreg [dreg:$0x19];
	[tilespmem:v4+s5+$0x0] =	vst.idx.msk vm0, v5  }
0x225: {  	[tilespmem:s29], [sflag:$0x5] =	stream.linear.gather [hbm4b:s30+s5], $0x7D0, $0x38;
	[tilespmem:$0x1CC80] =	vst v63  }
0x226: {  	_ =	swait.ge [sflag:s8], $0x7D0  }
0x227: {  	[sflag:s8] =	ssyncset.done $0x0  }
0x228: {  	s4 =	simm.s32 $0x2F80;
	s7 =	rddreg [dreg:$0x1a];
	[sflag:s8] =	ssyncadd.s32 $0xFFFFF830  }
0x229: {  	[tilespmem:s4], [sflag:$0x5] =	stream.linear.gather [hbm4b:s7+s5], $0x7D0, $0x38;
	[tilespmem:$0x1CC80] =	vst v63  }
0x22a: {  	_ =	swait.ge [sflag:s8], $0x7D0  }
0x22b: {  	[sflag:s8] =	ssyncset.done $0x0  }
0x22c: {  	[sflag:s8] =	ssyncadd.s32 $0xFFFFF830  }
0x22d: {  	v4 =	vld [tilespmem:s29+$0x0];
	_ =	sdelay $0x1  }
0x22e: {  	v5 =	vld [tilespmem:s4+$0x0];
	_ =	sdelay $0x2  }
0x22f: {  	v4 =	vmul.u32 $0x190, v4;
	_ =	sdelay $0x1  }
0x230: {  	v4 =	vadd.s32 v5, v4  }
0x231: {  	vm14 =	vge.s32 v4, v0;
	vm15 =	vlt.s32 v4, v1  }
0x232: {  	v4 =	vsub.s32 v4, v0;
	vm0 =	vmand vm14, vm15  }
0x233: {  	v4 =	vnsel vm0, $0x0, v4;
	_ =	sdelay $0x2  }
0x234: {  	s31 =	simm.s32 $0x1770  }
0x235: {  	v5 =	vor.u32 s31, v3  }
0x236: {  	s10 =	simm.s32 $0x2790;
	[tilespmem:v4+s5+$0x0] =	vst.idx.msk vm0, v5  }
0x237: {  	s11 =	simm.s32 $0x1790;
	s6 =	simm.s32 $0x1780;
	v4 =	vld [tilespmem:s10+$0x0]  }
.LBB2_28:
0x238: {  	p0 =	sne.s32 s11, $0x1F30;
	s4 =	sadd.s32 $0x10, s4  }
0x239: {  	v5 =	vld [tilespmem:s4+$0x0];
	_ =	sdelay $0x2  }
0x23a: {  	v4 =	vmul.u32 $0x190, v4;
	_ =	sdelay $0x1  }
0x23b: {  	v4 =	vadd.s32 v5, v4  }
0x23c: {  	vm0 =	vge.s32 v4, v0;
	vm1 =	vlt.s32 v4, v1  }
0x23d: {  	v4 =	vsub.s32 v4, v0;
	vm0 =	vmand vm0, vm1  }
0x23e: {  	v4 =	vnsel vm0, $0x0, v4;
	_ =	sdelay $0x1  }
.Ltmp13:
0x23f: {  	(pc) =	sbr.rel @p0 .LBB2_28-.Ltmp13, $4  }
0x240: {  	_ = 	snop  }
0x241: {  	v5 =	vor.u32 s6, v3;
	s6 =	smov.u32 s11  }
0x242: {  	s10 =	sadd.s32 $0x10, s10;
	[tilespmem:v4+s5+$0x0] =	vst.idx.msk vm0, v5  }
0x243: {  	s11 =	sadd.s32 $0x10, s11;
	v4 =	vld [tilespmem:s10+$0x0]  }
0x244: {  	s4 =	sadd.s32 $0x10, s4  }
0x245: {  	v5 =	vld [tilespmem:s4+$0x0];
	_ =	sdelay $0x2  }
0x246: {  	v4 =	vmul.u32 $0x190, v4;
	_ =	sdelay $0x1  }
0x247: {  	v4 =	vadd.s32 v5, v4  }
0x248: {  	vm0 =	vge.s32 v4, v0;
	vm1 =	vlt.s32 v4, v1  }
0x249: {  	v4 =	vsub.s32 v4, v0;
	vm0 =	vmand vm0, vm1  }
0x24a: {  	v4 =	vnsel vm0, $0x0, v4;
	_ =	sdelay $0x3  }
0x24b: {  	v5 =	vor.u32 s6, v3  }
0x24c: {  	s29 =	simm.s32 $0x2780;
	s30 =	rddreg [dreg:$0x1b];
	[tilespmem:v4+s5+$0x0] =	vst.idx.msk vm0, v5  }
0x24d: {  	[tilespmem:s29], [sflag:$0x5] =	stream.linear.gather [hbm4b:s30+s5], $0x7D0, $0x38;
	[tilespmem:$0x1CC80] =	vst v63  }
0x24e: {  	_ =	swait.ge [sflag:s8], $0x7D0  }
0x24f: {  	[sflag:s8] =	ssyncset.done $0x0  }
0x250: {  	s4 =	simm.s32 $0x2F80;
	s7 =	rddreg [dreg:$0x1c];
	[sflag:s8] =	ssyncadd.s32 $0xFFFFF830  }
0x251: {  	[tilespmem:s4], [sflag:$0x5] =	stream.linear.gather [hbm4b:s7+s5], $0x7D0, $0x38;
	[tilespmem:$0x1CC80] =	vst v63  }
0x252: {  	_ =	swait.ge [sflag:s8], $0x7D0  }
0x253: {  	[sflag:s8] =	ssyncset.done $0x0  }
0x254: {  	[sflag:s8] =	ssyncadd.s32 $0xFFFFF830  }
0x255: {  	v4 =	vld [tilespmem:s29+$0x0];
	_ =	sdelay $0x1  }
0x256: {  	v5 =	vld [tilespmem:s4+$0x0];
	_ =	sdelay $0x2  }
0x257: {  	v4 =	vmul.u32 $0x190, v4;
	_ =	sdelay $0x1  }
0x258: {  	v4 =	vadd.s32 v5, v4  }
0x259: {  	vm14 =	vge.s32 v4, v0;
	vm15 =	vlt.s32 v4, v1  }
0x25a: {  	v4 =	vsub.s32 v4, v0;
	vm0 =	vmand vm14, vm15  }
0x25b: {  	v4 =	vnsel vm0, $0x0, v4;
	_ =	sdelay $0x2  }
0x25c: {  	s31 =	simm.s32 $0x1F40  }
0x25d: {  	v5 =	vor.u32 s31, v3  }
0x25e: {  	s10 =	simm.s32 $0x2790;
	[tilespmem:v4+s5+$0x0] =	vst.idx.msk vm0, v5  }
0x25f: {  	s11 =	simm.s32 $0x1F60;
	s6 =	simm.s32 $0x1F50;
	v4 =	vld [tilespmem:s10+$0x0]  }
.LBB2_30:
0x260: {  	p0 =	sne.s32 s11, $0x2700;
	s4 =	sadd.s32 $0x10, s4  }
0x261: {  	v5 =	vld [tilespmem:s4+$0x0];
	_ =	sdelay $0x2  }
0x262: {  	v4 =	vmul.u32 $0x190, v4;
	_ =	sdelay $0x1  }
0x263: {  	v4 =	vadd.s32 v5, v4  }
0x264: {  	vm0 =	vge.s32 v4, v0;
	vm1 =	vlt.s32 v4, v1  }
0x265: {  	v4 =	vsub.s32 v4, v0;
	vm0 =	vmand vm0, vm1  }
0x266: {  	v4 =	vnsel vm0, $0x0, v4;
	_ =	sdelay $0x1  }
.Ltmp14:
0x267: {  	(pc) =	sbr.rel @p0 .LBB2_30-.Ltmp14, $4  }
0x268: {  	_ = 	snop  }
0x269: {  	v5 =	vor.u32 s6, v3;
	s6 =	smov.u32 s11  }
0x26a: {  	s10 =	sadd.s32 $0x10, s10;
	[tilespmem:v4+s5+$0x0] =	vst.idx.msk vm0, v5  }
0x26b: {  	s11 =	sadd.s32 $0x10, s11;
	v4 =	vld [tilespmem:s10+$0x0]  }
0x26c: {  	s4 =	sadd.s32 $0x10, s4  }
0x26d: {  	v5 =	vld [tilespmem:s4+$0x0];
	_ =	sdelay $0x2  }
0x26e: {  	v4 =	vmul.u32 $0x190, v4;
	_ =	sdelay $0x1  }
0x26f: {  	v4 =	vadd.s32 v5, v4  }
0x270: {  	vm0 =	vge.s32 v4, v0;
	vm1 =	vlt.s32 v4, v1  }
0x271: {  	v4 =	vsub.s32 v4, v0;
	vm0 =	vmand vm0, vm1  }
0x272: {  	v4 =	vnsel vm0, $0x0, v4;
	_ =	sdelay $0x3  }
0x273: {  	v5 =	vor.u32 s6, v3  }
0x274: {  	s29 =	simm.s32 $0x2780;
	s30 =	rddreg [dreg:$0x1d];
	[tilespmem:v4+s5+$0x0] =	vst.idx.msk vm0, v5  }
0x275: {  	[tilespmem:s29], [sflag:$0x5] =	stream.linear.gather [hbm4b:s30+s5], $0x7D0, $0x38;
	[tilespmem:$0x1CC80] =	vst v63  }
0x276: {  	_ =	swait.ge [sflag:s8], $0x7D0  }
0x277: {  	[sflag:s8] =	ssyncset.done $0x0  }
0x278: {  	s4 =	simm.s32 $0x2F80;
	s7 =	rddreg [dreg:$0x1e];
	[sflag:s8] =	ssyncadd.s32 $0xFFFFF830  }
0x279: {  	[tilespmem:s4], [sflag:$0x5] =	stream.linear.gather [hbm4b:s7+s5], $0x7D0, $0x38;
	[tilespmem:$0x1CC80] =	vst v63  }
0x27a: {  	_ =	swait.ge [sflag:s8], $0x7D0  }
0x27b: {  	[sflag:s8] =	ssyncset.done $0x0  }
0x27c: {  	[sflag:s8] =	ssyncadd.s32 $0xFFFFF830  }
0x27d: {  	v4 =	vld [tilespmem:s29+$0x0];
	_ =	sdelay $0x1  }
0x27e: {  	v5 =	vld [tilespmem:s4+$0x0];
	_ =	sdelay $0x2  }
0x27f: {  	v4 =	vmul.u32 $0x190, v4;
	_ =	sdelay $0x1  }
0x280: {  	v4 =	vadd.s32 v5, v4  }
0x281: {  	vm14 =	vge.s32 v4, v0;
	vm15 =	vlt.s32 v4, v1  }
0x282: {  	v4 =	vsub.s32 v4, v0;
	vm0 =	vmand vm14, vm15  }
0x283: {  	v4 =	vnsel vm0, $0x0, v4;
	_ =	sdelay $0x2  }
0x284: {  	s31 =	simm.s32 $0x2710  }
0x285: {  	v5 =	vor.u32 s31, v3  }
0x286: {  	s10 =	simm.s32 $0x2790;
	[tilespmem:v4+s5+$0x0] =	vst.idx.msk vm0, v5  }
0x287: {  	s11 =	simm.s32 $0x2730;
	s6 =	simm.s32 $0x2720;
	v4 =	vld [tilespmem:s10+$0x0]  }
.LBB2_32:
0x288: {  	p0 =	sne.s32 s11, $0x2ED0;
	s4 =	sadd.s32 $0x10, s4  }
0x289: {  	v5 =	vld [tilespmem:s4+$0x0];
	_ =	sdelay $0x2  }
0x28a: {  	v4 =	vmul.u32 $0x190, v4;
	_ =	sdelay $0x1  }
0x28b: {  	v4 =	vadd.s32 v5, v4  }
0x28c: {  	vm0 =	vge.s32 v4, v0;
	vm1 =	vlt.s32 v4, v1  }
0x28d: {  	v4 =	vsub.s32 v4, v0;
	vm0 =	vmand vm0, vm1  }
0x28e: {  	v4 =	vnsel vm0, $0x0, v4;
	_ =	sdelay $0x1  }
.Ltmp15:
0x28f: {  	(pc) =	sbr.rel @p0 .LBB2_32-.Ltmp15, $4  }
0x290: {  	_ = 	snop  }
0x291: {  	v5 =	vor.u32 s6, v3;
	s6 =	smov.u32 s11  }
0x292: {  	s10 =	sadd.s32 $0x10, s10;
	[tilespmem:v4+s5+$0x0] =	vst.idx.msk vm0, v5  }
0x293: {  	s11 =	sadd.s32 $0x10, s11;
	v4 =	vld [tilespmem:s10+$0x0]  }
0x294: {  	s4 =	sadd.s32 $0x10, s4  }
0x295: {  	v5 =	vld [tilespmem:s4+$0x0];
	_ =	sdelay $0x2  }
0x296: {  	v4 =	vmul.u32 $0x190, v4;
	_ =	sdelay $0x1  }
0x297: {  	v4 =	vadd.s32 v5, v4  }
0x298: {  	vm0 =	vge.s32 v4, v0;
	vm1 =	vlt.s32 v4, v1  }
0x299: {  	v4 =	vsub.s32 v4, v0;
	vm0 =	vmand vm0, vm1  }
0x29a: {  	v4 =	vnsel vm0, $0x0, v4;
	_ =	sdelay $0x3  }
0x29b: {  	v5 =	vor.u32 s6, v3  }
0x29c: {  	s29 =	simm.s32 $0x2780;
	s30 =	rddreg [dreg:$0x1f];
	[tilespmem:v4+s5+$0x0] =	vst.idx.msk vm0, v5  }
0x29d: {  	[tilespmem:s29], [sflag:$0x5] =	stream.linear.gather [hbm4b:s30+s5], $0x7D0, $0x38;
	[tilespmem:$0x1CC80] =	vst v63  }
0x29e: {  	_ =	swait.ge [sflag:s8], $0x7D0  }
0x29f: {  	s7 =	sld [smem:$0x7DF]  }
0x2a0: {  	[sflag:s8] =	ssyncset.done $0x0  }
0x2a1: {  	s4 =	simm.s32 $0x2F80;
	[sflag:s8] =	ssyncadd.s32 $0xFFFFF830  }
0x2a2: {  	[tilespmem:s4], [sflag:$0x5] =	stream.linear.gather [hbm4b:s7+s5], $0x7D0, $0x38;
	[tilespmem:$0x1CC80] =	vst v63  }
0x2a3: {  	_ =	swait.ge [sflag:s8], $0x7D0  }
0x2a4: {  	[sflag:s8] =	ssyncset.done $0x0  }
0x2a5: {  	[sflag:s8] =	ssyncadd.s32 $0xFFFFF830  }
0x2a6: {  	v4 =	vld [tilespmem:s29+$0x0];
	_ =	sdelay $0x1  }
0x2a7: {  	v5 =	vld [tilespmem:s4+$0x0];
	_ =	sdelay $0x2  }
0x2a8: {  	v4 =	vmul.u32 $0x190, v4;
	_ =	sdelay $0x1  }
0x2a9: {  	v4 =	vadd.s32 v5, v4  }
0x2aa: {  	vm14 =	vge.s32 v4, v0;
	vm15 =	vlt.s32 v4, v1  }
0x2ab: {  	v4 =	vsub.s32 v4, v0;
	vm0 =	vmand vm14, vm15  }
0x2ac: {  	v4 =	vnsel vm0, $0x0, v4;
	_ =	sdelay $0x2  }
0x2ad: {  	s31 =	simm.s32 $0x2EE0  }
0x2ae: {  	v5 =	vor.u32 s31, v3  }
0x2af: {  	s10 =	simm.s32 $0x2790;
	[tilespmem:v4+s5+$0x0] =	vst.idx.msk vm0, v5  }
0x2b0: {  	s11 =	simm.s32 $0x2F00;
	s6 =	simm.s32 $0x2EF0;
	v4 =	vld [tilespmem:s10+$0x0]  }
.LBB2_34:
0x2b1: {  	p0 =	sne.s32 s11, $0x36A0;
	s4 =	sadd.s32 $0x10, s4  }
0x2b2: {  	v5 =	vld [tilespmem:s4+$0x0];
	_ =	sdelay $0x2  }
0x2b3: {  	v4 =	vmul.u32 $0x190, v4;
	_ =	sdelay $0x1  }
0x2b4: {  	v4 =	vadd.s32 v5, v4  }
0x2b5: {  	vm0 =	vge.s32 v4, v0;
	vm1 =	vlt.s32 v4, v1  }
0x2b6: {  	v4 =	vsub.s32 v4, v0;
	vm0 =	vmand vm0, vm1  }
0x2b7: {  	v4 =	vnsel vm0, $0x0, v4;
	_ =	sdelay $0x1  }
.Ltmp16:
0x2b8: {  	(pc) =	sbr.rel @p0 .LBB2_34-.Ltmp16, $4  }
0x2b9: {  	_ = 	snop  }
0x2ba: {  	v5 =	vor.u32 s6, v3;
	s6 =	smov.u32 s11  }
0x2bb: {  	s10 =	sadd.s32 $0x10, s10;
	[tilespmem:v4+s5+$0x0] =	vst.idx.msk vm0, v5  }
0x2bc: {  	s11 =	sadd.s32 $0x10, s11;
	v4 =	vld [tilespmem:s10+$0x0]  }
0x2bd: {  	s4 =	sadd.s32 $0x10, s4  }
0x2be: {  	v5 =	vld [tilespmem:s4+$0x0];
	_ =	sdelay $0x2  }
0x2bf: {  	v4 =	vmul.u32 $0x190, v4;
	_ =	sdelay $0x1  }
0x2c0: {  	v4 =	vadd.s32 v5, v4  }
0x2c1: {  	vm0 =	vge.s32 v4, v0;
	vm1 =	vlt.s32 v4, v1  }
0x2c2: {  	v4 =	vsub.s32 v4, v0;
	vm0 =	vmand vm0, vm1  }
0x2c3: {  	v4 =	vnsel vm0, $0x0, v4;
	_ =	sdelay $0x2  }
0x2c4: {  	s30 =	sld [smem:$0x7E2]  }
0x2c5: {  	v5 =	vor.u32 s6, v3  }
0x2c6: {  	s29 =	simm.s32 $0x2780;
	[tilespmem:v4+s5+$0x0] =	vst.idx.msk vm0, v5  }
0x2c7: {  	[tilespmem:s29], [sflag:$0x5] =	stream.linear.gather [hbm4b:s30+s5], $0x7D0, $0x38;
	[tilespmem:$0x1CC80] =	vst v63  }
0x2c8: {  	_ =	swait.ge [sflag:s8], $0x7D0  }
0x2c9: {  	s7 =	sld [smem:$0x7E3]  }
0x2ca: {  	[sflag:s8] =	ssyncset.done $0x0  }
0x2cb: {  	s4 =	simm.s32 $0x2F80;
	[sflag:s8] =	ssyncadd.s32 $0xFFFFF830  }
0x2cc: {  	[tilespmem:s4], [sflag:$0x5] =	stream.linear.gather [hbm4b:s7+s5], $0x7D0, $0x38;
	[tilespmem:$0x1CC80] =	vst v63  }
0x2cd: {  	_ =	swait.ge [sflag:s8], $0x7D0  }
0x2ce: {  	[sflag:s8] =	ssyncset.done $0x0  }
0x2cf: {  	[sflag:s8] =	ssyncadd.s32 $0xFFFFF830  }
0x2d0: {  	v4 =	vld [tilespmem:s29+$0x0];
	_ =	sdelay $0x1  }
0x2d1: {  	v5 =	vld [tilespmem:s4+$0x0];
	_ =	sdelay $0x2  }
0x2d2: {  	v4 =	vmul.u32 $0x190, v4;
	_ =	sdelay $0x1  }
0x2d3: {  	v4 =	vadd.s32 v5, v4  }
0x2d4: {  	vm14 =	vge.s32 v4, v0;
	vm15 =	vlt.s32 v4, v1  }
0x2d5: {  	v4 =	vsub.s32 v4, v0;
	vm0 =	vmand vm14, vm15  }
0x2d6: {  	v4 =	vnsel vm0, $0x0, v4;
	_ =	sdelay $0x2  }
0x2d7: {  	s31 =	simm.s32 $0x36B0  }
0x2d8: {  	v5 =	vor.u32 s31, v3  }
0x2d9: {  	s10 =	simm.s32 $0x2790;
	[tilespmem:v4+s5+$0x0] =	vst.idx.msk vm0, v5  }
0x2da: {  	s11 =	simm.s32 $0x36D0;
	s6 =	simm.s32 $0x36C0;
	v4 =	vld [tilespmem:s10+$0x0]  }
.LBB2_36:
0x2db: {  	p0 =	sne.s32 s11, $0x3E70;
	s4 =	sadd.s32 $0x10, s4  }
0x2dc: {  	v5 =	vld [tilespmem:s4+$0x0];
	_ =	sdelay $0x2  }
0x2dd: {  	v4 =	vmul.u32 $0x190, v4;
	_ =	sdelay $0x1  }
0x2de: {  	v4 =	vadd.s32 v5, v4  }
0x2df: {  	vm0 =	vge.s32 v4, v0;
	vm1 =	vlt.s32 v4, v1  }
0x2e0: {  	v4 =	vsub.s32 v4, v0;
	vm0 =	vmand vm0, vm1  }
0x2e1: {  	v4 =	vnsel vm0, $0x0, v4;
	_ =	sdelay $0x1  }
.Ltmp17:
0x2e2: {  	(pc) =	sbr.rel @p0 .LBB2_36-.Ltmp17, $4  }
0x2e3: {  	_ = 	snop  }
0x2e4: {  	v5 =	vor.u32 s6, v3;
	s6 =	smov.u32 s11  }
0x2e5: {  	s10 =	sadd.s32 $0x10, s10;
	[tilespmem:v4+s5+$0x0] =	vst.idx.msk vm0, v5  }
0x2e6: {  	s11 =	sadd.s32 $0x10, s11;
	v4 =	vld [tilespmem:s10+$0x0]  }
0x2e7: {  	s4 =	sadd.s32 $0x10, s4  }
0x2e8: {  	v5 =	vld [tilespmem:s4+$0x0];
	_ =	sdelay $0x2  }
0x2e9: {  	v4 =	vmul.u32 $0x190, v4;
	_ =	sdelay $0x1  }
0x2ea: {  	v4 =	vadd.s32 v5, v4  }
0x2eb: {  	vm0 =	vge.s32 v4, v0;
	vm1 =	vlt.s32 v4, v1  }
0x2ec: {  	v4 =	vsub.s32 v4, v0;
	vm0 =	vmand vm0, vm1  }
0x2ed: {  	v4 =	vnsel vm0, $0x0, v4;
	_ =	sdelay $0x2  }
0x2ee: {  	s24 =	sld [smem:$0x7E7]  }
0x2ef: {  	v5 =	vor.u32 s6, v3  }
0x2f0: {  	s15 =	simm.s32 $0x0;
	[tilespmem:v4+s5+$0x0] =	vst.idx.msk vm0, v5  }
0x2f1: {  	[hbm4b:s24+s15] =	stream.linear.scatter [tilespmem:s15], [sflag:$0x5], $0x2710, $0x38;
	[tilespmem:$0x1CC80] =	vst v63  }
0x2f2: {  	_ =	swait.ge [sflag:s8], $0x2710  }
0x2f3: {  	[sflag:s8] =	ssyncset.done $0x0  }
0x2f4: {  	[sflag:s8] =	ssyncadd.s32 $0xFFFFD8F0  }
0x2f5: {  	[bflag:$0x0] =	sbarrier.arrive $0xFFFF  }
0x2f6: {  	s25 =	sld [smem:$0x7E4];
	_ =	sdelay $0x2  }
0x2f7: {  	[tilespmem:s0], [sflag:$0x5] =	stream.linear.gather [hbm4b:s25+s15], $0x3F00, $0x38;
	[tilespmem:$0x1CC80] =	vst v63  }
0x2f8: {  	_ =	swait.ge [sflag:s8], $0x3F00  }
0x2f9: {  	s26 =	sld [smem:$0x7E8]  }
0x2fa: {  	[sflag:s8] =	ssyncset.done $0x0  }
0x2fb: {  	[sflag:s8] =	ssyncadd.s32 $0xFFFFC100  }
0x2fc: {  	[tilespmem:s1], [sflag:$0x5] =	stream.linear.gather [hbm4b:s26+s15], $0x3F00, $0x38;
	[tilespmem:$0x1CC80] =	vst v63  }
0x2fd: {  	_ =	swait.ge [sflag:s8], $0x3F00  }
0x2fe: {  	s28 =	sld [smem:$0x7E9]  }
0x2ff: {  	[sflag:s8] =	ssyncset.done $0x0  }
0x300: {  	[sflag:s8] =	ssyncadd.s32 $0xFFFFC100  }
0x301: {  	[tilespmem:s2], [sflag:$0x5] =	stream.linear.gather [hbm4b:s28+s15], $0x3F00, $0x38;
	[tilespmem:$0x1CC80] =	vst v63  }
0x302: {  	_ =	swait.ge [sflag:s8], $0x3F00  }
0x303: {  	s29 =	sld [smem:$0x7EA]  }
0x304: {  	[sflag:s8] =	ssyncset.done $0x0  }
0x305: {  	[sflag:s8] =	ssyncadd.s32 $0xFFFFC100  }
0x306: {  	[tilespmem:s3], [sflag:$0x5] =	stream.linear.gather [hbm4b:s29+s15], $0x3F00, $0x38;
	[tilespmem:$0x1CC80] =	vst v63  }
0x307: {  	_ =	swait.ge [sflag:s8], $0x3F00  }
0x308: {  	s30 =	sld [smem:$0x7EB]  }
0x309: {  	[sflag:s8] =	ssyncset.done $0x0  }
0x30a: {  	s31 =	simm.s32 $0x13380;
	[sflag:s8] =	ssyncadd.s32 $0xFFFFC100  }
0x30b: {  	[tilespmem:s31], [sflag:$0x1] =	stream.linear.gather [hbm4b:s30+s15], $0xC80, $0x38;
	[tilespmem:$0x1CC80] =	vst v63  }
.LBB2_38:
0x30c: {  	s6 =	simm.s32 $0x1  }
0x30d: {  	_ =	swait.ge [sflag:s6], $0xC80  }
0x30e: {  	s4 =	sld [smem:$0x7EC]  }
0x30f: {  	s16 =	smul.u32 $0x1900, s15  }
0x310: {  	s30 =	sld [smem:$0x7F1]  }
0x311: {  	s4 =	sadd.s32 s16, s4  }
0x312: {  	s31 =	simm.s32 $0x14000;
	[sflag:s6] =	ssyncset.done $0x0;
	s4 =	sshrl.u32 s4, $0x3  }
0x313: {  	p0 =	seq.s32 s15, $0x0;
	[sflag:s6] =	ssyncadd.s32 $0xFFFFF380;
	s4 =	sadd.s32 s30, s4  }
0x314: {  	[tilespmem:s31], [sflag:$0x2] =	stream.linear.gather [hbm4b:s4+s5], $0xC80, $0x38;
	[tilespmem:$0x1CC80] =	vst v63  }
0x315: {  	s4 =	simm.s32 @!p0 $0x3  }
0x316: {  	_ =	swait.ge @!p0 [sflag:s4], $0x1000  }
0x317: {  	[sflag:s4] =	ssyncset.done @!p0 $0x0  }
0x318: {  	[sflag:s4] =	ssyncadd.s32 @!p0 $0xFFFFF000  }
0x319: {  	_ =	swait.ge @!p0 [sflag:s4], $0x1000  }
0x31a: {  	[sflag:s4] =	ssyncset.done @!p0 $0x0  }
0x31b: {  	[sflag:s4] =	ssyncadd.s32 @!p0 $0xFFFFF000  }
0x31c: {  	_ =	swait.ge @!p0 [sflag:s4], $0x1000  }
0x31d: {  	[sflag:s4] =	ssyncset.done @!p0 $0x0  }
0x31e: {  	[sflag:s4] =	ssyncadd.s32 @!p0 $0xFFFFF000  }
0x31f: {  	_ =	swait.ge @!p0 [sflag:s4], $0x1000  }
0x320: {  	s21 =	sshll.u32 s15, $0x1;
	[sflag:s4] =	ssyncset.done @!p0 $0x0  }
0x321: {  	s22 =	simm.s32 $0x133A0;
	s10 =	simm.s32 $0x0;
	[sflag:s4] =	ssyncadd.s32 @!p0 $0xFFFFF000  }
.LBB2_39:
0x322: {  	v7 =	vld [tilespmem:s22+$0x20]  }
0x323: {  	v15 =	vld [tilespmem:s22+$0xFFFFFFF0]  }
0x324: {  	v8 =	vld [tilespmem:s22+$0xFFFFFFE0];
	_ =	sdelay $0x2  }
0x325: {  	v13 =	vld [tilespmem:s22+$0x0];
	vm2 =	vlt.s32 v7, $0x3E80  }
0x326: {  	vm3 =	vlt.s32 v15, $0x3E80  }
0x327: {  	vm0 =	vlt.s32 v8, $0x3E80;
	_ =	sdelay $0x2  }
0x328: {  	v12 =	vld [tilespmem:s22+$0x10];
	vm4 =	vlt.s32 v13, $0x3E80  }
0x329: {  	v4 =	vld.idx.msk [tilespmem:v7+s0+$0x0], vm2  }
0x32a: {  	v6 =	vld.idx.msk [tilespmem:v15+s0+$0x0], vm3  }
0x32b: {  	s4 =	simm.s32 $0x40;
	s6 =	simm.s32 $0x200;
	s11 =	sshll.u32 s10, $0x7;
	v5 =	vld.idx.msk [tilespmem:v8+s0+$0x0], vm0  }
0x32c: {  	s14 =	sadd.s32 $0x50, s22;
	s4 =	sand.u32 $0x70, s4;
	s6 =	sand.u32 $0x1C00, s6  }
0x32d: {  	s24 =	simm.s32 $0x0;
	s25 =	simm.s32 $0x0;
	v16 =	vld [tilespmem:s14+$0x20];
	s4 =	sor.u32 s6, s4;
	vm6 =	vlt.s32 v12, $0x3E80;
	vm1 =	vmmov vm2  }
0x32e: {  	s6 =	sand.u32 $0x70, s25;
	s23 =	sor.u32 s11, s4;
	s4 =	sand.u32 $0xC00, s24;
	v9 =	vld.idx.msk [tilespmem:v13+s0+$0x0], vm4;
	vm3 =	vmmov vm3;
	v4 =	vnsel vm1, $0x0, v4  }
0x32f: {  	s26 =	simm.s32 $0x80;
	s4 =	sor.u32 s4, s6;
	v18 =	vnsel vm3, $0x0, v6;
	v6 =	vld [tilespmem:s14+$0x10];
	[tilespmem:s23+$0x14C80] =	vst v4  }
0x330: {  	s12 =	simm.s32 $0x10;
	s13 =	simm.s32 $0x20;
	s6 =	sor.u32 s11, s4;
	v5 =	vnsel vm0, $0x0, v5;
	v4 =	vld.idx.msk [tilespmem:v7+s1+$0x0], vm2  }
0x331: {  	s18 =	simm.s32 $0x100;
	s12 =	sand.u32 $0x70, s12;
	s4 =	sand.u32 $0x1C00, s26;
	[tilespmem:s6+$0x14C80] =	vst v5;
	v5 =	vld [tilespmem:s14+$0xFFFFFFF0]  }
0x332: {  	v14 =	vld [tilespmem:s14+$0xFFFFFFE0];
	s13 =	sand.u32 $0x70, s13;
	s18 =	sand.u32 $0x1C00, s18;
	s4 =	sor.u32 s4, s12  }
0x333: {  	s13 =	sor.u32 s18, s13;
	s4 =	sor.u32 s11, s4;
	v10 =	vld.idx.msk [tilespmem:v12+s0+$0x0], vm6  }
0x334: {  	s13 =	sor.u32 s11, s13;
	v9 =	vnsel vm4, $0x0, v9;
	[tilespmem:s4+$0x14C80] =	vst v18;
	v11 =	vld.idx.msk [tilespmem:v8+s1+$0x0], vm0  }
0x335: {  	s19 =	simm.s32 $0x30;
	s20 =	simm.s32 $0x180;
	[tilespmem:s13+$0x14C80] =	vst v9;
	vm5 =	vlt.s32 v6, $0x3E80;
	v4 =	vnsel vm1, $0x0, v4  }
0x336: {  	s19 =	sand.u32 $0x70, s19;
	s30 =	sand.u32 $0x1C00, s20;
	v9 =	vld.idx.msk [tilespmem:v15+s1+$0x0], vm3;
	vm7 =	vlt.s32 v5, $0x3E80;
	[tilespmem:s23+$0x15C80] =	vst v4  }
0x337: {  	vm8 =	vlt.s32 v16, $0x3E80;
	s12 =	sor.u32 s30, s19;
	v17 =	vld.idx.msk [tilespmem:v7+s2+$0x0], vm2  }
0x338: {  	s12 =	sor.u32 s11, s12;
	v10 =	vnsel vm6, $0x0, v10;
	v4 =	vld [tilespmem:s14+$0x0];
	vm2 =	vmmov vm0  }
0x339: {  	[tilespmem:s12+$0x14C80] =	vst v10;
	vm0 =	vlt.s32 v14, $0x3E80;
	v10 =	vnsel vm2, $0x0, v11;
	v11 =	vld.idx.msk [tilespmem:v13+s1+$0x0], vm4  }
0x33a: {  	[tilespmem:s6+$0x15C80] =	vst v10;
	v10 =	vld.idx.msk [tilespmem:v12+s1+$0x0], vm6  }
0x33b: {  	v22 =	vld.idx.msk [tilespmem:v6+s0+$0x0], vm5  }
0x33c: {  	vm4 =	vmmov vm4;
	v20 =	vld.idx.msk [tilespmem:v5+s0+$0x0], vm7;
	v17 =	vnsel vm1, $0x0, v17  }
0x33d: {  	vm12 =	vlt.s32 v4, $0x3E80;
	[tilespmem:s23+$0x16C80] =	vst v17;
	v17 =	vld.idx.msk [tilespmem:v16+s0+$0x0], vm8  }
0x33e: {  	v19 =	vld.idx.msk [tilespmem:v7+s3+$0x0], vm1  }
0x33f: {  	s25 =	sadd.s32 $0x50, s14;
	v11 =	vnsel vm4, $0x0, v11;
	v7 =	vld.idx.msk [tilespmem:v14+s0+$0x0], vm0  }
0x340: {  	s7 =	simm.s32 $0x480;
	s8 =	simm.s32 $0x90;
	[tilespmem:s13+$0x15C80] =	vst v11;
	v11 =	vld [tilespmem:s25+$0x20]  }
0x341: {  	s18 =	sand.u32 $0x1C00, s7;
	s19 =	sand.u32 $0x70, s8;
	v18 =	vld.idx.msk [tilespmem:v8+s2+$0x0], vm2  }
0x342: {  	s9 =	simm.s32 $0x280;
	s17 =	simm.s32 $0x50;
	s18 =	sor.u32 s18, s19;
	vm10 =	vmmov vm8;
	v9 =	vnsel vm3, $0x0, v9;
	v23 =	vld.idx.msk [tilespmem:v13+s2+$0x0], vm4  }
0x343: {  	vm9 =	vmmov vm6;
	s19 =	sand.u32 $0x70, s17;
	s24 =	sor.u32 s11, s18;
	s18 =	sand.u32 $0xC00, s9;
	[tilespmem:s4+$0x15C80] =	vst v9;
	v21 =	vld.idx.msk [tilespmem:v4+s0+$0x0], vm12;
	v9 =	vnsel vm10, $0x0, v17  }
0x344: {  	s18 =	sor.u32 s18, s19;
	v17 =	vld.idx.msk [tilespmem:v15+s2+$0x0], vm3;
	[tilespmem:s24+$0x14C80] =	vst v9;
	v9 =	vnsel vm9, $0x0, v10  }
0x345: {  	s19 =	sor.u32 s11, s18;
	v7 =	vnsel vm0, $0x0, v7;
	vm15 =	vlt.s32 v11, $0x3E80;
	v10 =	vld.idx.msk [tilespmem:v16+s1+$0x0], vm8;
	[tilespmem:s12+$0x15C80] =	vst v9  }
0x346: {  	vm14 =	vmmov vm3;
	v9 =	vnsel vm2, $0x0, v18;
	[tilespmem:s19+$0x14C80] =	vst v7;
	v18 =	vld.idx.msk [tilespmem:v12+s2+$0x0], vm6  }
0x347: {  	v25 =	vld.idx.msk [tilespmem:v14+s1+$0x0], vm0  }
0x348: {  	v19 =	vnsel vm1, $0x0, v19;
	[tilespmem:s6+$0x16C80] =	vst v9;
	v9 =	vld [tilespmem:s25+$0x0]  }
0x349: {  	s20 =	simm.s32 $0x300;
	s7 =	simm.s32 $0x70;
	s30 =	simm.s32 $0x60;
	[tilespmem:s23+$0x17C80] =	vst v19;
	v19 =	vnsel vm4, $0x0, v23;
	v24 =	vld.idx.msk [tilespmem:v8+s3+$0x0], vm2  }
0x34a: {  	s26 =	simm.s32 $0x380;
	s18 =	sand.u32 $0x70, s30;
	s14 =	sand.u32 $0x1C00, s20;
	[tilespmem:s13+$0x16C80] =	vst v19;
	v8 =	vld [tilespmem:s25+$0xFFFFFFE0];
	v17 =	vnsel vm14, $0x0, v17  }
0x34b: {  	s26 =	sand.u32 $0x1C00, s26;
	vm11 =	vmmov vm7;
	s20 =	sand.u32 $0x70, s7;
	s14 =	sor.u32 s14, s18;
	[tilespmem:s4+$0x16C80] =	vst v17;
	v7 =	vnsel vm10, $0x0, v10;
	v60 =	vld.idx.msk [tilespmem:v11+s0+$0x0], vm15  }
0x34c: {  	s26 =	sor.u32 s26, s20;
	s20 =	sor.u32 s11, s14;
	v10 =	vnsel vm11, $0x0, v20;
	v19 =	vld.idx.msk [tilespmem:v15+s3+$0x0], vm14;
	[tilespmem:s24+$0x15C80] =	vst v7  }
0x34d: {  	s28 =	simm.s32 $0x80;
	s29 =	simm.s32 $0x400;
	s14 =	sor.u32 s11, s26;
	v20 =	vnsel vm12, $0x0, v21;
	v7 =	vld [tilespmem:s25+$0xFFFFFFF0];
	[tilespmem:s20+$0x14C80] =	vst v10;
	vm6 =	vlt.s32 v9, $0x3E80  }
0x34e: {  	s28 =	sand.u32 $0x70, s28;
	s8 =	sand.u32 $0x1C00, s29;
	[tilespmem:s14+$0x14C80] =	vst v20;
	v20 =	vld.idx.msk [tilespmem:v5+s1+$0x0], vm7  }
0x34f: {  	s31 =	simm.s32 $0xE0;
	s9 =	simm.s32 $0x700;
	s18 =	sor.u32 s8, s28;
	vm0 =	vmmov vm0;
	v26 =	vld.idx.msk [tilespmem:v16+s2+$0x0], vm8  }
0x350: {  	s17 =	sand.u32 $0x70, s31;
	s18 =	sor.u32 s11, s18;
	s23 =	sand.u32 $0x1C00, s9;
	v21 =	vnsel vm5, $0x0, v22;
	v10 =	vld [tilespmem:s25+$0x10]  }
0x351: {  	vm1 =	vmmov vm15;
	s23 =	sor.u32 s23, s17;
	[tilespmem:s18+$0x14C80] =	vst v21;
	vm8 =	vlt.s32 v8, $0x3E80;
	v21 =	vld.idx.msk [tilespmem:v4+s1+$0x0], vm12;
	v17 =	vnsel vm2, $0x0, v24  }
0x352: {  	s23 =	sor.u32 s11, s23;
	v59 =	vld.idx.msk [tilespmem:v6+s1+$0x0], vm5;
	[tilespmem:s6+$0x17C80] =	vst v17;
	v15 =	vnsel vm1, $0x0, v60  }
0x353: {  	v22 =	vnsel vm0, $0x0, v25;
	[tilespmem:s23+$0x14C80] =	vst v15;
	v17 =	vnsel vm11, $0x0, v20;
	v20 =	vld.idx.msk [tilespmem:v9+s0+$0x0], vm6  }
0x354: {  	[tilespmem:s19+$0x15C80] =	vst v22;
	vm13 =	vlt.s32 v7, $0x3E80;
	v22 =	vnsel vm10, $0x0, v26;
	v15 =	vld.idx.msk [tilespmem:v11+s1+$0x0], vm15  }
0x355: {  	vm7 =	vlt.s32 v10, $0x3E80;
	[tilespmem:s24+$0x16C80] =	vst v22;
	v22 =	vld.idx.msk [tilespmem:v14+s2+$0x0], vm0  }
0x356: {  	vm3 =	vmmov vm12;
	vm2 =	vmmov vm5;
	v16 =	vld.idx.msk [tilespmem:v16+s3+$0x0], vm10  }
0x357: {  	v23 =	vld.idx.msk [tilespmem:v8+s0+$0x0], vm8;
	[tilespmem:s20+$0x15C80] =	vst v17;
	v17 =	vnsel vm3, $0x0, v21  }
0x358: {  	s30 =	simm.s32 $0xA0;
	s7 =	simm.s32 $0x600;
	vm5 =	vmmov vm4;
	[tilespmem:s14+$0x15C80] =	vst v17;
	v63 =	vld.idx.msk [tilespmem:v5+s2+$0x0], vm11  }
0x359: {  	s28 =	simm.s32 $0x580;
	s26 =	sand.u32 $0x70, s30;
	vm4 =	vmmov vm9;
	s6 =	simm.s32 $0x500;
	v17 =	vnsel vm2, $0x0, v59;
	v27 =	vld.idx.msk [tilespmem:v4+s2+$0x0], vm12  }
0x35a: {  	s30 =	simm.s32 $0xB0;
	s28 =	sand.u32 $0x1C00, s28;
	s29 =	sand.u32 $0xC00, s6;
	[tilespmem:s18+$0x15C80] =	vst v17;
	v61 =	vld.idx.msk [tilespmem:v7+s0+$0x0], vm13;
	v17 =	vnsel vm0, $0x0, v22  }
0x35b: {  	s30 =	sand.u32 $0x70, s30;
	s26 =	sor.u32 s29, s26;
	s29 =	simm.s32 $0xC0;
	v62 =	vld.idx.msk [tilespmem:v10+s0+$0x0], vm7;
	v16 =	vnsel vm10, $0x0, v16;
	[tilespmem:s19+$0x16C80] =	vst v17  }
0x35c: {  	s30 =	sor.u32 s28, s30;
	s28 =	sand.u32 $0x70, s29;
	v17 =	vld.idx.msk [tilespmem:v6+s2+$0x0], vm2;
	[tilespmem:s24+$0x17C80] =	vst v16;
	s24 =	sand.u32 $0x1C00, s7;
	v16 =	vnsel vm14, $0x0, v19  }
0x35d: {  	s8 =	simm.s32 $0xD0;
	s9 =	simm.s32 $0x680;
	[tilespmem:s4+$0x17C80] =	vst v16;
	v16 =	vnsel vm9, $0x0, v18;
	s29 =	sor.u32 s24, s28;
	v18 =	vld.idx.msk [tilespmem:v14+s3+$0x0], vm0  }
0x35e: {  	vm10 =	vmmov vm13;
	s4 =	sand.u32 $0x70, s8;
	s24 =	sand.u32 $0x1C00, s9;
	s28 =	sor.u32 s11, s26;
	v14 =	vld.idx.msk [tilespmem:v13+s3+$0x0], vm5;
	[tilespmem:s12+$0x16C80] =	vst v16;
	v16 =	vnsel vm8, $0x0, v23  }
0x35f: {  	s25 =	sadd.s32 $0x50, s25;
	v21 =	vnsel vm6, $0x0, v20;
	vm9 =	vmmov vm11;
	s17 =	sor.u32 s24, s4;
	v13 =	vnsel vm10, $0x0, v61;
	s4 =	sor.u32 s11, s30;
	[tilespmem:s28+$0x14C80] =	vst v16;
	v16 =	vld.idx.msk [tilespmem:v12+s3+$0x0], vm4  }
0x360: {  	s24 =	simm.s32 $0xA;
	v20 =	vnsel vm7, $0x0, v62;
	s29 =	sor.u32 s11, s29;
	v22 =	vnsel vm9, $0x0, v63;
	v23 =	vnsel vm3, $0x0, v27;
	s26 =	sor.u32 s11, s17;
	[tilespmem:s4+$0x14C80] =	vst v13;
	v12 =	vmovc v7;
	v19 =	vld.idx.msk [tilespmem:v8+s1+$0x0], vm8  }
.LBB2_40:
0x361: {  	v24 =	vld [tilespmem:s25+$0x20];
	s24 =	sadd.s32 $0x5, s24;
	[tilespmem:s29+$0x14C80] =	vst v21;
	v15 =	vnsel vm1, $0x0, v15  }
0x362: {  	v13 =	vld [tilespmem:s25+$0xFFFFFFE0];
	p1 =	slt.u32 s24, $0x14;
	[tilespmem:s23+$0x15C80] =	vst v15;
	v15 =	vnsel vm2, $0x0, v17  }
0x363: {  	v18 =	vnsel vm0, $0x0, v18;
	vm0 =	vmmov vm8;
	[tilespmem:s26+$0x14C80] =	vst v20;
	v17 =	vld.idx.msk [tilespmem:v11+s2+$0x0], vm1  }
0x364: {  	v14 =	vnsel vm5, $0x0, v14;
	vm5 =	vmmov vm3;
	vm3 =	vmmov vm6;
	v20 =	vld [tilespmem:s25+$0xFFFFFFF0];
	[tilespmem:s20+$0x16C80] =	vst v22  }
0x365: {  	v16 =	vnsel vm4, $0x0, v16;
	vm4 =	vmmov vm2;
	vm2 =	vmmov vm7;
	v22 =	vld [tilespmem:s25+$0x0];
	[tilespmem:s14+$0x16C80] =	vst v23  }
0x366: {  	v19 =	vnsel vm0, $0x0, v19;
	v23 =	vld [tilespmem:s25+$0x10];
	vm11 =	vlt.s32 v24, $0x3E80;
	[tilespmem:s18+$0x16C80] =	vst v15  }
0x367: {  	vm8 =	vlt.s32 v13, $0x3E80;
	[tilespmem:s28+$0x15C80] =	vst v19;
	v15 =	vld.idx.msk [tilespmem:v7+s1+$0x0], vm10  }
0x368: {  	v19 =	vld.idx.msk [tilespmem:v9+s1+$0x0], vm6;
	[tilespmem:s19+$0x17C80] =	vst v18;
	s19 =	smov.u32 s28  }
0x369: {  	v17 =	vnsel vm1, $0x0, v17;
	vm12 =	vlt.s32 v20, $0x3E80;
	v18 =	vld.idx.msk [tilespmem:v10+s1+$0x0], vm7;
	[tilespmem:s13+$0x17C80] =	vst v14;
	s13 =	smov.u32 s14;
	s14 =	smov.u32 s29  }
0x36a: {  	vm6 =	vlt.s32 v22, $0x3E80;
	v14 =	vld.idx.msk [tilespmem:v8+s2+$0x0], vm0;
	[tilespmem:s23+$0x16C80] =	vst v17  }
0x36b: {  	vm7 =	vlt.s32 v23, $0x3E80;
	v17 =	vld.idx.msk [tilespmem:v11+s3+$0x0], vm1;
	[tilespmem:s12+$0x17C80] =	vst v16;
	v11 =	vmov v24;
	s12 =	smov.u32 s18;
	s18 =	smov.u32 s26  }
0x36c: {  	v16 =	vld.idx.msk [tilespmem:v24+s0+$0x0], vm11  }
0x36d: {  	v15 =	vnsel vm10, $0x0, v15;
	v21 =	vld.idx.msk [tilespmem:v13+s0+$0x0], vm8  }
0x36e: {  	s6 =	sadd.s32 $0x280, s6;
	s31 =	sadd.s32 $0x50, s31;
	[tilespmem:s4+$0x15C80] =	vst v15;
	v15 =	vnsel vm3, $0x0, v19;
	v19 =	vld.idx.msk [tilespmem:v5+s3+$0x0], vm9;
	v5 =	vmov v7;
	v7 =	vmov v20  }
0x36f: {  	s30 =	sand.u32 $0x70, s31;
	s28 =	sadd.s32 $0x200, s6;
	s26 =	sadd.s32 $0x80, s6;
	v24 =	vld.idx.msk [tilespmem:v20+s0+$0x0], vm12;
	[tilespmem:s14+$0x15C80] =	vst v15;
	v15 =	vnsel vm2, $0x0, v18  }
0x370: {  	s9 =	sadd.s32 $0xFFFFFFE0, s31;
	s29 =	sadd.s32 $0xFFFFFFD0, s31;
	s28 =	sand.u32 $0x1C00, s28;
	v14 =	vnsel vm0, $0x0, v14;
	v18 =	vld.idx.msk [tilespmem:v22+s0+$0x0], vm6;
	[tilespmem:s18+$0x15C80] =	vst v15  }
0x371: {  	s17 =	sadd.s32 $0x100, s6;
	s7 =	sadd.s32 $0x180, s6;
	s28 =	sor.u32 s28, s30;
	v25 =	vld.idx.msk [tilespmem:v23+s0+$0x0], vm7;
	[tilespmem:s19+$0x16C80] =	vst v14;
	v14 =	vnsel vm1, $0x0, v17;
	vm1 =	vmmov vm11  }
0x372: {  	s8 =	sand.u32 $0xC00, s6;
	s30 =	sadd.s32 $0xFFFFFFF0, s31;
	v15 =	vnsel vm1, $0x0, v16;
	v16 =	vld.idx.msk [tilespmem:v12+s2+$0x0], vm10;
	[tilespmem:s23+$0x17C80] =	vst v14;
	s23 =	sor.u32 s11, s28;
	v12 =	vmov v20  }
0x373: {  	s29 =	sand.u32 $0x70, s29;
	s26 =	sand.u32 $0x1C00, s26;
	s28 =	sadd.s32 $0xFFFFFFC0, s31;
	v26 =	vnsel vm8, $0x0, v21;
	[tilespmem:s23+$0x14C80] =	vst v15;
	v27 =	vld.idx.msk [tilespmem:v9+s2+$0x0], vm3  }
0x374: {  	s9 =	sand.u32 $0x70, s9;
	s17 =	sand.u32 $0x1C00, s17;
	s28 =	sand.u32 $0x70, s28;
	v14 =	vnsel vm9, $0x0, v19;
	vm9 =	vmmov vm10;
	vm10 =	vmmov vm12;
	v15 =	vld.idx.msk [tilespmem:v11+s1+$0x0], vm11  }
.Ltmp18:
0x375: {  	s7 =	sand.u32 $0x1C00, s7;
	s30 =	sand.u32 $0x70, s30;
	v24 =	vnsel vm10, $0x0, v24;
	v17 =	vld.idx.msk [tilespmem:v10+s2+$0x0], vm2;
	[tilespmem:s20+$0x17C80] =	vst v14;
	(pc) =	sbr.rel @p1 .LBB2_40-.Ltmp18, $4  }
0x376: {  	s9 =	sor.u32 s17, s9;
	s8 =	sor.u32 s8, s28;
	s20 =	sor.u32 s26, s29;
	v21 =	vnsel vm6, $0x0, v18;
	v18 =	vld.idx.msk [tilespmem:v8+s3+$0x0], vm0;
	v8 =	vmov v13  }
0x377: {  	s7 =	sor.u32 s7, s30;
	s28 =	sor.u32 s11, s8;
	s8 =	sor.u32 s11, s20;
	v20 =	vnsel vm7, $0x0, v25;
	v14 =	vld.idx.msk [tilespmem:v4+s3+$0x0], vm5;
	v4 =	vmov v9;
	v9 =	vmov v22  }
0x378: {  	s29 =	sor.u32 s11, s9;
	s26 =	sor.u32 s11, s7;
	s20 =	smov.u32 s4;
	v22 =	vnsel vm9, $0x0, v16;
	[tilespmem:s28+$0x14C80] =	vst v26;
	v16 =	vld.idx.msk [tilespmem:v6+s3+$0x0], vm4;
	v6 =	vmov v10;
	v10 =	vmov v23  }
0x379: {  	s25 =	sadd.s32 $0x50, s25;
	s4 =	smov.u32 s8;
	v23 =	vnsel vm3, $0x0, v27;
	v19 =	vld.idx.msk [tilespmem:v13+s1+$0x0], vm8;
	[tilespmem:s8+$0x14C80] =	vst v24  }
0x37a: {  	_ =	sdelay $0x1  }
0x37b: {  	[tilespmem:s29+$0x14C80] =	vst v21  }
0x37c: {  	[tilespmem:s26+$0x14C80] =	vst v20  }
0x37d: {  	vm8 =	vmmov vm8;
	[tilespmem:s20+$0x16C80] =	vst v22  }
0x37e: {  	v13 =	vnsel vm1, $0x0, v15;
	v46 =	vld.idx.msk [tilespmem:v7+s1+$0x0], vm10;
	[tilespmem:s14+$0x16C80] =	vst v23  }
0x37f: {  	v17 =	vnsel vm2, $0x0, v17;
	[tilespmem:s23+$0x15C80] =	vst v13;
	v47 =	vld.idx.msk [tilespmem:v9+s1+$0x0], vm6  }
0x380: {  	vm6 =	vmmov vm6;
	[tilespmem:s18+$0x16C80] =	vst v17;
	v48 =	vld.idx.msk [tilespmem:v10+s1+$0x0], vm7;
	v18 =	vnsel vm0, $0x0, v18  }
0x381: {  	vm7 =	vmmov vm7;
	[tilespmem:s19+$0x17C80] =	vst v18;
	v19 =	vnsel vm8, $0x0, v19  }
0x382: {  	vm11 =	vmmov vm3;
	v13 =	vld.idx.msk [tilespmem:v11+s2+$0x0], vm1;
	v14 =	vnsel vm5, $0x0, v14;
	[tilespmem:s28+$0x15C80] =	vst v19  }
0x383: {  	[tilespmem:s13+$0x17C80] =	vst v14;
	v50 =	vnsel vm10, $0x0, v46;
	v49 =	vld.idx.msk [tilespmem:v8+s2+$0x0], vm8  }
0x384: {  	v5 =	vld.idx.msk [tilespmem:v5+s3+$0x0], vm9;
	[tilespmem:s4+$0x15C80] =	vst v50;
	v52 =	vnsel vm6, $0x0, v47  }
0x385: {  	vm12 =	vmmov vm2;
	v53 =	vnsel vm7, $0x0, v48;
	[tilespmem:s29+$0x15C80] =	vst v52;
	v12 =	vld.idx.msk [tilespmem:v12+s2+$0x0], vm10  }
0x386: {  	v16 =	vnsel vm4, $0x0, v16;
	[tilespmem:s26+$0x15C80] =	vst v53;
	v54 =	vld.idx.msk [tilespmem:v9+s2+$0x0], vm6  }
0x387: {  	[tilespmem:s12+$0x17C80] =	vst v16;
	v13 =	vnsel vm1, $0x0, v13;
	v56 =	vld.idx.msk [tilespmem:v10+s2+$0x0], vm7  }
0x388: {  	v4 =	vld.idx.msk [tilespmem:v4+s3+$0x0], vm11;
	[tilespmem:s23+$0x16C80] =	vst v13;
	v55 =	vnsel vm8, $0x0, v49  }
0x389: {  	vm13 =	vmmov vm10;
	v5 =	vnsel vm9, $0x0, v5;
	v51 =	vld.idx.msk [tilespmem:v11+s3+$0x0], vm1;
	[tilespmem:s28+$0x16C80] =	vst v55  }
0x38a: {  	[tilespmem:s20+$0x17C80] =	vst v5;
	v58 =	vnsel vm13, $0x0, v12;
	v57 =	vld.idx.msk [tilespmem:v8+s3+$0x0], vm8  }
0x38b: {  	v6 =	vld.idx.msk [tilespmem:v6+s3+$0x0], vm12;
	v59 =	vnsel vm6, $0x0, v54;
	[tilespmem:s4+$0x16C80] =	vst v58  }
0x38c: {  	v60 =	vnsel vm7, $0x0, v56;
	[tilespmem:s29+$0x16C80] =	vst v59;
	v61 =	vld.idx.msk [tilespmem:v7+s3+$0x0], vm10  }
0x38d: {  	v4 =	vnsel vm11, $0x0, v4;
	[tilespmem:s26+$0x16C80] =	vst v60;
	v62 =	vld.idx.msk [tilespmem:v9+s3+$0x0], vm6  }
0x38e: {  	s10 =	sadd.s32 $0x1, s10;
	[tilespmem:s14+$0x17C80] =	vst v4;
	v11 =	vnsel vm1, $0x0, v51;
	v63 =	vld.idx.msk [tilespmem:v10+s3+$0x0], vm7  }
0x38f: {  	p1 =	sne.s32 s10, $0x8;
	[tilespmem:s23+$0x17C80] =	vst v11;
	v5 =	vnsel vm8, $0x0, v57  }
.Ltmp19:
0x390: {  	[tilespmem:s28+$0x17C80] =	vst v5;
	v5 =	vnsel vm12, $0x0, v6;
	(pc) =	sbr.rel @p1 .LBB2_39-.Ltmp19, $4  }
0x391: {  	vm14 =	vmmov vm6;
	v4 =	vnsel vm13, $0x0, v61;
	[tilespmem:s18+$0x17C80] =	vst v5  }
0x392: {  	vm15 =	vmmov vm7;
	[tilespmem:s4+$0x17C80] =	vst v4;
	v4 =	vnsel vm14, $0x0, v62  }
0x393: {  	v5 =	vnsel vm15, $0x0, v63;
	[tilespmem:s29+$0x17C80] =	vst v4  }
0x394: {  	s22 =	sadd.s32 $0x190, s22;
	[tilespmem:s26+$0x17C80] =	vst v5  }
0x395: {  	s6 =	sld [smem:$0x7F8];
	_ =	sdelay $0x1  }
0x396: {  	s4 =	sshll.u32 s15, $0xD  }
0x397: {  	s7 =	rddreg [dreg:$0x3];
	s6 =	sadd.s32 s6, s4  }
0x398: {  	s24 =	sld [smem:$0x7F6];
	s6 =	sshrl.u32 s6, $0x3  }
0x399: {  	s8 =	simm.s32 $0x14C80;
	s6 =	sadd.s32 s7, s6  }
0x39a: {  	[hbm4b:s6+s5] =	stream.linear.scatter [tilespmem:s8], [sflag:$0x3], $0x1000, $0x38;
	[tilespmem:$0x1CC80] =	vst v63  }
0x39b: {  	s6 =	sadd.s32 s24, s4  }
0x39c: {  	s26 =	sld [smem:$0x7F7];
	s6 =	sshrl.u32 s6, $0x3  }
0x39d: {  	s25 =	simm.s32 $0x15C80;
	s29 =	sld [smem:$0x7F9];
	s6 =	sadd.s32 s7, s6  }
0x39e: {  	[hbm4b:s6+s5] =	stream.linear.scatter [tilespmem:s25], [sflag:$0x3], $0x1000, $0x38;
	[tilespmem:$0x1CC80] =	vst v63  }
0x39f: {  	s6 =	sadd.s32 s26, s4  }
0x3a0: {  	s4 =	sadd.s32 s29, s4;
	s6 =	sshrl.u32 s6, $0x3  }
0x3a1: {  	s28 =	simm.s32 $0x16C80;
	s4 =	sshrl.u32 s4, $0x3;
	s6 =	sadd.s32 s7, s6  }
0x3a2: {  	[hbm4b:s6+s5] =	stream.linear.scatter [tilespmem:s28], [sflag:$0x3], $0x1000, $0x38;
	[tilespmem:$0x1CC80] =	vst v63  }
0x3a3: {  	s30 =	simm.s32 $0x17C80;
	s31 =	simm.s32 $0x2;
	s4 =	sadd.s32 s7, s4  }
0x3a4: {  	[hbm4b:s4+s5] =	stream.linear.scatter [tilespmem:s30], [sflag:$0x3], $0x1000, $0x38;
	[tilespmem:$0x1CC80] =	vst v63  }
0x3a5: {  	_ =	swait.ge [sflag:s31], $0xC80  }
0x3a6: {  	s4 =	sld [smem:$0x7ED]  }
0x3a7: {  	s21 =	sor.u32 $0x1, s21  }
0x3a8: {  	p1 =	sgt.u32 s21, $0x30;
	s6 =	sld [smem:$0x7F1]  }
0x3a9: {  	s4 =	sadd.s32 @!p1 s16, s4  }
0x3aa: {  	s7 =	simm.s32 @!p1 $0x13380;
	[sflag:s31] =	ssyncset.done $0x0;
	s4 =	sshrl.u32 @!p1 s4, $0x3  }
0x3ab: {  	[sflag:s31] =	ssyncadd.s32 $0xFFFFF380;
	s4 =	sadd.s32 @!p1 s6, s4;
	s6 =	simm.s32 @!p1 $0x0  }
0x3ac: {  	[tilespmem:s7], [sflag:$0x1] =	stream.linear.gather @!p1 [hbm4b:s4+s6], $0xC80, $0x38;
	[tilespmem:$0x1CC80] =	vst v63  }
0x3ad: {  	s4 =	simm.s32 @!p0 $0x4  }
0x3ae: {  	_ =	swait.ge @!p0 [sflag:s4], $0x1000  }
0x3af: {  	[sflag:s4] =	ssyncset.done @!p0 $0x0  }
0x3b0: {  	[sflag:s4] =	ssyncadd.s32 @!p0 $0xFFFFF000  }
0x3b1: {  	_ =	swait.ge @!p0 [sflag:s4], $0x1000  }
0x3b2: {  	[sflag:s4] =	ssyncset.done @!p0 $0x0  }
0x3b3: {  	[sflag:s4] =	ssyncadd.s32 @!p0 $0xFFFFF000  }
0x3b4: {  	_ =	swait.ge @!p0 [sflag:s4], $0x1000  }
0x3b5: {  	[sflag:s4] =	ssyncset.done @!p0 $0x0  }
0x3b6: {  	[sflag:s4] =	ssyncadd.s32 @!p0 $0xFFFFF000  }
0x3b7: {  	_ =	swait.ge @!p0 [sflag:s4], $0x1000  }
0x3b8: {  	s10 =	simm.s32 $0x14020;
	[sflag:s4] =	ssyncset.done @!p0 $0x0  }
0x3b9: {  	s22 =	simm.s32 $0x0;
	s16 =	simm.s32 $0x0;
	[sflag:s4] =	ssyncadd.s32 @!p0 $0xFFFFF000  }
.LBB2_43:
0x3ba: {  	v7 =	vld [tilespmem:s10+$0x20]  }
0x3bb: {  	v15 =	vld [tilespmem:s10+$0xFFFFFFF0]  }
0x3bc: {  	v8 =	vld [tilespmem:s10+$0xFFFFFFE0];
	_ =	sdelay $0x2  }
0x3bd: {  	v13 =	vld [tilespmem:s10+$0x0];
	vm2 =	vlt.s32 v7, $0x3E80  }
0x3be: {  	vm3 =	vlt.s32 v15, $0x3E80  }
0x3bf: {  	vm0 =	vlt.s32 v8, $0x3E80;
	_ =	sdelay $0x2  }
0x3c0: {  	v12 =	vld [tilespmem:s10+$0x10];
	vm4 =	vlt.s32 v13, $0x3E80  }
0x3c1: {  	s4 =	simm.s32 $0x40;
	s6 =	simm.s32 $0x200;
	v4 =	vld.idx.msk [tilespmem:v7+s0+$0x0], vm2  }
0x3c2: {  	s4 =	sand.u32 $0x70, s4;
	s6 =	sand.u32 $0x1C00, s6;
	v6 =	vld.idx.msk [tilespmem:v15+s0+$0x0], vm3  }
0x3c3: {  	s11 =	sshll.u32 s22, $0x7;
	s14 =	simm.s32 $0x0;
	s4 =	sor.u32 s6, s4;
	v5 =	vld.idx.msk [tilespmem:v8+s0+$0x0], vm0  }
0x3c4: {  	s23 =	sor.u32 s11, s4;
	s4 =	sand.u32 $0x70, s14;
	s14 =	sadd.s32 $0x50, s10  }
0x3c5: {  	v16 =	vld [tilespmem:s14+$0x20];
	vm6 =	vlt.s32 v12, $0x3E80;
	vm1 =	vmmov vm2  }
0x3c6: {  	s17 =	sand.u32 $0xC00, s16;
	v9 =	vld.idx.msk [tilespmem:v13+s0+$0x0], vm4;
	vm3 =	vmmov vm3;
	v4 =	vnsel vm1, $0x0, v4  }
0x3c7: {  	s18 =	simm.s32 $0x80;
	s4 =	sor.u32 s17, s4;
	v18 =	vnsel vm3, $0x0, v6;
	v6 =	vld [tilespmem:s14+$0x10];
	[tilespmem:s23+$0x18C80] =	vst v4  }
0x3c8: {  	s7 =	simm.s32 $0x10;
	s8 =	simm.s32 $0x20;
	s6 =	sor.u32 s11, s4;
	v5 =	vnsel vm0, $0x0, v5;
	v4 =	vld.idx.msk [tilespmem:v7+s1+$0x0], vm2  }
0x3c9: {  	s9 =	simm.s32 $0x100;
	s7 =	sand.u32 $0x70, s7;
	s4 =	sand.u32 $0x1C00, s18;
	[tilespmem:s6+$0x18C80] =	vst v5;
	v5 =	vld [tilespmem:s14+$0xFFFFFFF0]  }
0x3ca: {  	s8 =	sand.u32 $0x70, s8;
	s9 =	sand.u32 $0x1C00, s9;
	v14 =	vld [tilespmem:s14+$0xFFFFFFE0];
	s4 =	sor.u32 s4, s7  }
0x3cb: {  	s13 =	simm.s32 $0x180;
	s8 =	sor.u32 s9, s8;
	s4 =	sor.u32 s11, s4;
	v10 =	vld.idx.msk [tilespmem:v12+s0+$0x0], vm6  }
0x3cc: {  	s19 =	sand.u32 $0x1C00, s13;
	s13 =	sor.u32 s11, s8;
	v9 =	vnsel vm4, $0x0, v9;
	[tilespmem:s4+$0x18C80] =	vst v18;
	v11 =	vld.idx.msk [tilespmem:v8+s1+$0x0], vm0  }
0x3cd: {  	s12 =	simm.s32 $0x30;
	[tilespmem:s13+$0x18C80] =	vst v9;
	vm5 =	vlt.s32 v6, $0x3E80;
	v4 =	vnsel vm1, $0x0, v4  }
0x3ce: {  	s12 =	sand.u32 $0x70, s12;
	v9 =	vld.idx.msk [tilespmem:v15+s1+$0x0], vm3;
	vm7 =	vlt.s32 v5, $0x3E80;
	[tilespmem:s23+$0x19C80] =	vst v4  }
0x3cf: {  	s7 =	sor.u32 s19, s12;
	vm8 =	vlt.s32 v16, $0x3E80;
	v17 =	vld.idx.msk [tilespmem:v7+s2+$0x0], vm2  }
0x3d0: {  	s12 =	sor.u32 s11, s7;
	v10 =	vnsel vm6, $0x0, v10;
	v4 =	vld [tilespmem:s14+$0x0];
	vm2 =	vmmov vm0  }
0x3d1: {  	[tilespmem:s12+$0x18C80] =	vst v10;
	vm0 =	vlt.s32 v14, $0x3E80;
	v10 =	vnsel vm2, $0x0, v11;
	v11 =	vld.idx.msk [tilespmem:v13+s1+$0x0], vm4  }
0x3d2: {  	[tilespmem:s6+$0x19C80] =	vst v10;
	v10 =	vld.idx.msk [tilespmem:v12+s1+$0x0], vm6  }
0x3d3: {  	v22 =	vld.idx.msk [tilespmem:v6+s0+$0x0], vm5  }
0x3d4: {  	s20 =	simm.s32 $0x480;
	s24 =	simm.s32 $0x90;
	vm4 =	vmmov vm4;
	v20 =	vld.idx.msk [tilespmem:v5+s0+$0x0], vm7;
	v17 =	vnsel vm1, $0x0, v17  }
0x3d5: {  	s8 =	sand.u32 $0x70, s24;
	s7 =	sand.u32 $0x1C00, s20;
	vm12 =	vlt.s32 v4, $0x3E80;
	[tilespmem:s23+$0x1AC80] =	vst v17;
	v17 =	vld.idx.msk [tilespmem:v16+s0+$0x0], vm8  }
0x3d6: {  	s25 =	simm.s32 $0x280;
	s7 =	sor.u32 s7, s8;
	v19 =	vld.idx.msk [tilespmem:v7+s3+$0x0], vm1  }
0x3d7: {  	s24 =	sor.u32 s11, s7;
	s7 =	sand.u32 $0xC00, s25;
	s25 =	sadd.s32 $0x50, s14;
	v11 =	vnsel vm4, $0x0, v11;
	v7 =	vld.idx.msk [tilespmem:v14+s0+$0x0], vm0  }
0x3d8: {  	[tilespmem:s13+$0x19C80] =	vst v11;
	v11 =	vld [tilespmem:s25+$0x20]  }
0x3d9: {  	v18 =	vld.idx.msk [tilespmem:v8+s2+$0x0], vm2  }
0x3da: {  	s26 =	simm.s32 $0x50;
	vm10 =	vmmov vm8;
	v9 =	vnsel vm3, $0x0, v9;
	v23 =	vld.idx.msk [tilespmem:v13+s2+$0x0], vm4  }
0x3db: {  	vm9 =	vmmov vm6;
	s8 =	sand.u32 $0x70, s26;
	[tilespmem:s4+$0x19C80] =	vst v9;
	v21 =	vld.idx.msk [tilespmem:v4+s0+$0x0], vm12;
	v9 =	vnsel vm10, $0x0, v17  }
0x3dc: {  	s7 =	sor.u32 s7, s8;
	v17 =	vld.idx.msk [tilespmem:v15+s2+$0x0], vm3;
	[tilespmem:s24+$0x18C80] =	vst v9;
	v9 =	vnsel vm9, $0x0, v10  }
0x3dd: {  	s19 =	sor.u32 s11, s7;
	v7 =	vnsel vm0, $0x0, v7;
	vm15 =	vlt.s32 v11, $0x3E80;
	v10 =	vld.idx.msk [tilespmem:v16+s1+$0x0], vm8;
	[tilespmem:s12+$0x19C80] =	vst v9  }
0x3de: {  	vm14 =	vmmov vm3;
	v9 =	vnsel vm2, $0x0, v18;
	[tilespmem:s19+$0x18C80] =	vst v7;
	v18 =	vld.idx.msk [tilespmem:v12+s2+$0x0], vm6  }
0x3df: {  	v25 =	vld.idx.msk [tilespmem:v14+s1+$0x0], vm0  }
0x3e0: {  	v19 =	vnsel vm1, $0x0, v19;
	[tilespmem:s6+$0x1AC80] =	vst v9;
	v9 =	vld [tilespmem:s25+$0x0]  }
0x3e1: {  	s30 =	simm.s32 $0x300;
	s9 =	simm.s32 $0x60;
	s20 =	simm.s32 $0x380;
	[tilespmem:s23+$0x1BC80] =	vst v19;
	v19 =	vnsel vm4, $0x0, v23;
	v24 =	vld.idx.msk [tilespmem:v8+s3+$0x0], vm2  }
0x3e2: {  	s8 =	sand.u32 $0x70, s9;
	s7 =	sand.u32 $0x1C00, s30;
	s14 =	simm.s32 $0x70;
	[tilespmem:s13+$0x1AC80] =	vst v19;
	v8 =	vld [tilespmem:s25+$0xFFFFFFE0];
	v17 =	vnsel vm14, $0x0, v17  }
0x3e3: {  	s7 =	sor.u32 s7, s8;
	vm11 =	vmmov vm7;
	s9 =	sand.u32 $0x70, s14;
	s14 =	sand.u32 $0x1C00, s20;
	[tilespmem:s4+$0x1AC80] =	vst v17;
	v7 =	vnsel vm10, $0x0, v10;
	v60 =	vld.idx.msk [tilespmem:v11+s0+$0x0], vm15  }
0x3e4: {  	s20 =	sor.u32 s11, s7;
	s9 =	sor.u32 s14, s9;
	v10 =	vnsel vm11, $0x0, v20;
	v19 =	vld.idx.msk [tilespmem:v15+s3+$0x0], vm14;
	[tilespmem:s24+$0x19C80] =	vst v7  }
0x3e5: {  	s17 =	simm.s32 $0x80;
	s18 =	simm.s32 $0x400;
	s14 =	sor.u32 s11, s9;
	v20 =	vnsel vm12, $0x0, v21;
	v7 =	vld [tilespmem:s25+$0xFFFFFFF0];
	[tilespmem:s20+$0x18C80] =	vst v10;
	vm6 =	vlt.s32 v9, $0x3E80  }
0x3e6: {  	s17 =	sand.u32 $0x70, s17;
	s26 =	sand.u32 $0x1C00, s18;
	[tilespmem:s14+$0x18C80] =	vst v20;
	v20 =	vld.idx.msk [tilespmem:v5+s1+$0x0], vm7  }
0x3e7: {  	s31 =	simm.s32 $0xE0;
	s30 =	sor.u32 s26, s17;
	s8 =	simm.s32 $0x700;
	vm0 =	vmmov vm0;
	v26 =	vld.idx.msk [tilespmem:v16+s2+$0x0], vm8  }
0x3e8: {  	s18 =	sor.u32 s11, s30;
	s7 =	sand.u32 $0x1C00, s8;
	s9 =	sand.u32 $0x70, s31;
	v21 =	vnsel vm5, $0x0, v22;
	v10 =	vld [tilespmem:s25+$0x10]  }
0x3e9: {  	s7 =	sor.u32 s7, s9;
	vm1 =	vmmov vm15;
	[tilespmem:s18+$0x18C80] =	vst v21;
	vm8 =	vlt.s32 v8, $0x3E80;
	v21 =	vld.idx.msk [tilespmem:v4+s1+$0x0], vm12;
	v17 =	vnsel vm2, $0x0, v24  }
0x3ea: {  	s23 =	sor.u32 s11, s7;
	v59 =	vld.idx.msk [tilespmem:v6+s1+$0x0], vm5;
	[tilespmem:s6+$0x1BC80] =	vst v17;
	v15 =	vnsel vm1, $0x0, v60  }
0x3eb: {  	v22 =	vnsel vm0, $0x0, v25;
	[tilespmem:s23+$0x18C80] =	vst v15;
	v17 =	vnsel vm11, $0x0, v20;
	v20 =	vld.idx.msk [tilespmem:v9+s0+$0x0], vm6  }
0x3ec: {  	[tilespmem:s19+$0x19C80] =	vst v22;
	vm13 =	vlt.s32 v7, $0x3E80;
	v22 =	vnsel vm10, $0x0, v26;
	v15 =	vld.idx.msk [tilespmem:v11+s1+$0x0], vm15  }
0x3ed: {  	vm7 =	vlt.s32 v10, $0x3E80;
	[tilespmem:s24+$0x1AC80] =	vst v22;
	v22 =	vld.idx.msk [tilespmem:v14+s2+$0x0], vm0  }
0x3ee: {  	vm3 =	vmmov vm12;
	vm2 =	vmmov vm5;
	v16 =	vld.idx.msk [tilespmem:v16+s3+$0x0], vm10  }
0x3ef: {  	v23 =	vld.idx.msk [tilespmem:v8+s0+$0x0], vm8;
	[tilespmem:s20+$0x19C80] =	vst v17;
	v17 =	vnsel vm3, $0x0, v21  }
0x3f0: {  	s17 =	simm.s32 $0xA0;
	s30 =	simm.s32 $0xC0;
	vm5 =	vmmov vm4;
	[tilespmem:s14+$0x19C80] =	vst v17;
	v63 =	vld.idx.msk [tilespmem:v5+s2+$0x0], vm11  }
0x3f1: {  	s8 =	simm.s32 $0x580;
	s7 =	sand.u32 $0x70, s17;
	s17 =	simm.s32 $0xB0;
	vm4 =	vmmov vm9;
	v17 =	vnsel vm2, $0x0, v59;
	v27 =	vld.idx.msk [tilespmem:v4+s2+$0x0], vm12  }
0x3f2: {  	s8 =	sand.u32 $0x1C00, s8;
	s17 =	sand.u32 $0x70, s17;
	s6 =	simm.s32 $0x500;
	[tilespmem:s18+$0x19C80] =	vst v17;
	v61 =	vld.idx.msk [tilespmem:v7+s0+$0x0], vm13;
	v17 =	vnsel vm0, $0x0, v22  }
0x3f3: {  	s9 =	sand.u32 $0x70, s30;
	s8 =	sor.u32 s8, s17;
	s26 =	sand.u32 $0xC00, s6;
	v62 =	vld.idx.msk [tilespmem:v10+s0+$0x0], vm7;
	v16 =	vnsel vm10, $0x0, v16;
	[tilespmem:s19+$0x1AC80] =	vst v17  }
0x3f4: {  	s25 =	sadd.s32 $0x50, s25;
	s7 =	sor.u32 s26, s7;
	s26 =	simm.s32 $0x600;
	v17 =	vld.idx.msk [tilespmem:v6+s2+$0x0], vm2;
	[tilespmem:s24+$0x1BC80] =	vst v16;
	v16 =	vnsel vm14, $0x0, v19  }
0x3f5: {  	s30 =	sand.u32 $0x1C00, s26;
	s26 =	simm.s32 $0x680;
	s24 =	simm.s32 $0xD0;
	[tilespmem:s4+$0x1BC80] =	vst v16;
	v16 =	vnsel vm9, $0x0, v18;
	v18 =	vld.idx.msk [tilespmem:v14+s3+$0x0], vm0  }
0x3f6: {  	s28 =	sor.u32 s11, s7;
	s17 =	sand.u32 $0x1C00, s26;
	vm10 =	vmmov vm13;
	s4 =	sand.u32 $0x70, s24;
	v14 =	vld.idx.msk [tilespmem:v13+s3+$0x0], vm5;
	[tilespmem:s12+$0x1AC80] =	vst v16;
	v16 =	vnsel vm8, $0x0, v23  }
0x3f7: {  	s9 =	sor.u32 s30, s9;
	v21 =	vnsel vm6, $0x0, v20;
	vm9 =	vmmov vm11;
	s30 =	sor.u32 s17, s4;
	v13 =	vnsel vm10, $0x0, v61;
	s4 =	sor.u32 s11, s8;
	[tilespmem:s28+$0x18C80] =	vst v16;
	v16 =	vld.idx.msk [tilespmem:v12+s3+$0x0], vm4  }
0x3f8: {  	s29 =	sor.u32 s11, s9;
	s24 =	simm.s32 $0xA;
	v20 =	vnsel vm7, $0x0, v62;
	v22 =	vnsel vm9, $0x0, v63;
	v23 =	vnsel vm3, $0x0, v27;
	s26 =	sor.u32 s11, s30;
	[tilespmem:s4+$0x18C80] =	vst v13;
	v12 =	vmovc v7;
	v19 =	vld.idx.msk [tilespmem:v8+s1+$0x0], vm8  }
.LBB2_44:
0x3f9: {  	v24 =	vld [tilespmem:s25+$0x20];
	s24 =	sadd.s32 $0x5, s24;
	[tilespmem:s29+$0x18C80] =	vst v21;
	v15 =	vnsel vm1, $0x0, v15  }
0x3fa: {  	v13 =	vld [tilespmem:s25+$0xFFFFFFE0];
	p0 =	slt.u32 s24, $0x14;
	[tilespmem:s23+$0x19C80] =	vst v15;
	v15 =	vnsel vm2, $0x0, v17  }
0x3fb: {  	v18 =	vnsel vm0, $0x0, v18;
	vm0 =	vmmov vm8;
	[tilespmem:s26+$0x18C80] =	vst v20;
	v17 =	vld.idx.msk [tilespmem:v11+s2+$0x0], vm1  }
0x3fc: {  	v14 =	vnsel vm5, $0x0, v14;
	vm5 =	vmmov vm3;
	vm3 =	vmmov vm6;
	v20 =	vld [tilespmem:s25+$0xFFFFFFF0];
	[tilespmem:s20+$0x1AC80] =	vst v22  }
0x3fd: {  	v16 =	vnsel vm4, $0x0, v16;
	vm4 =	vmmov vm2;
	vm2 =	vmmov vm7;
	v22 =	vld [tilespmem:s25+$0x0];
	[tilespmem:s14+$0x1AC80] =	vst v23  }
0x3fe: {  	v19 =	vnsel vm0, $0x0, v19;
	v23 =	vld [tilespmem:s25+$0x10];
	vm11 =	vlt.s32 v24, $0x3E80;
	[tilespmem:s18+$0x1AC80] =	vst v15  }
0x3ff: {  	vm8 =	vlt.s32 v13, $0x3E80;
	[tilespmem:s28+$0x19C80] =	vst v19;
	v15 =	vld.idx.msk [tilespmem:v7+s1+$0x0], vm10  }
0x400: {  	v19 =	vld.idx.msk [tilespmem:v9+s1+$0x0], vm6;
	[tilespmem:s19+$0x1BC80] =	vst v18;
	s19 =	smov.u32 s28  }
0x401: {  	v17 =	vnsel vm1, $0x0, v17;
	vm12 =	vlt.s32 v20, $0x3E80;
	v18 =	vld.idx.msk [tilespmem:v10+s1+$0x0], vm7;
	[tilespmem:s13+$0x1BC80] =	vst v14;
	s13 =	smov.u32 s14;
	s14 =	smov.u32 s29  }
0x402: {  	vm6 =	vlt.s32 v22, $0x3E80;
	v14 =	vld.idx.msk [tilespmem:v8+s2+$0x0], vm0;
	[tilespmem:s23+$0x1AC80] =	vst v17  }
0x403: {  	vm7 =	vlt.s32 v23, $0x3E80;
	v17 =	vld.idx.msk [tilespmem:v11+s3+$0x0], vm1;
	[tilespmem:s12+$0x1BC80] =	vst v16;
	v11 =	vmov v24;
	s12 =	smov.u32 s18;
	s18 =	smov.u32 s26  }
0x404: {  	v16 =	vld.idx.msk [tilespmem:v24+s0+$0x0], vm11  }
0x405: {  	v15 =	vnsel vm10, $0x0, v15;
	v21 =	vld.idx.msk [tilespmem:v13+s0+$0x0], vm8  }
0x406: {  	s6 =	sadd.s32 $0x280, s6;
	s31 =	sadd.s32 $0x50, s31;
	[tilespmem:s4+$0x19C80] =	vst v15;
	v15 =	vnsel vm3, $0x0, v19;
	v19 =	vld.idx.msk [tilespmem:v5+s3+$0x0], vm9;
	v5 =	vmov v7;
	v7 =	vmov v20  }
0x407: {  	s7 =	sadd.s32 $0x80, s6;
	s8 =	sadd.s32 $0x200, s6;
	s9 =	sadd.s32 $0xFFFFFFD0, s31;
	v24 =	vld.idx.msk [tilespmem:v20+s0+$0x0], vm12;
	[tilespmem:s14+$0x19C80] =	vst v15;
	v15 =	vnsel vm2, $0x0, v18  }
0x408: {  	s17 =	sand.u32 $0x70, s31;
	s30 =	sand.u32 $0xC00, s6;
	s8 =	sand.u32 $0x1C00, s8;
	v14 =	vnsel vm0, $0x0, v14;
	v18 =	vld.idx.msk [tilespmem:v22+s0+$0x0], vm6;
	[tilespmem:s18+$0x19C80] =	vst v15  }
0x409: {  	s8 =	sor.u32 s8, s17;
	s28 =	sadd.s32 $0x100, s6;
	s26 =	sadd.s32 $0xFFFFFFE0, s31;
	v25 =	vld.idx.msk [tilespmem:v23+s0+$0x0], vm7;
	[tilespmem:s19+$0x1AC80] =	vst v14;
	v14 =	vnsel vm1, $0x0, v17;
	vm1 =	vmmov vm11  }
0x40a: {  	s17 =	sadd.s32 $0xFFFFFFF0, s31;
	s29 =	sadd.s32 $0x180, s6;
	v15 =	vnsel vm1, $0x0, v16;
	v16 =	vld.idx.msk [tilespmem:v12+s2+$0x0], vm10;
	[tilespmem:s23+$0x1BC80] =	vst v14;
	s23 =	sor.u32 s11, s8;
	v12 =	vmov v20  }
0x40b: {  	s9 =	sand.u32 $0x70, s9;
	s7 =	sand.u32 $0x1C00, s7;
	s8 =	sadd.s32 $0xFFFFFFC0, s31;
	v26 =	vnsel vm8, $0x0, v21;
	[tilespmem:s23+$0x18C80] =	vst v15;
	v27 =	vld.idx.msk [tilespmem:v9+s2+$0x0], vm3  }
0x40c: {  	s28 =	sand.u32 $0x1C00, s28;
	s26 =	sand.u32 $0x70, s26;
	s8 =	sand.u32 $0x70, s8;
	v14 =	vnsel vm9, $0x0, v19;
	vm9 =	vmmov vm10;
	vm10 =	vmmov vm12;
	v15 =	vld.idx.msk [tilespmem:v11+s1+$0x0], vm11  }
.Ltmp20:
0x40d: {  	s17 =	sand.u32 $0x70, s17;
	s29 =	sand.u32 $0x1C00, s29;
	v24 =	vnsel vm10, $0x0, v24;
	v17 =	vld.idx.msk [tilespmem:v10+s2+$0x0], vm2;
	[tilespmem:s20+$0x1BC80] =	vst v14;
	(pc) =	sbr.rel @p0 .LBB2_44-.Ltmp20, $4  }
0x40e: {  	s7 =	sor.u32 s7, s9;
	s9 =	sor.u32 s28, s26;
	s8 =	sor.u32 s30, s8;
	v21 =	vnsel vm6, $0x0, v18;
	v18 =	vld.idx.msk [tilespmem:v8+s3+$0x0], vm0;
	v8 =	vmov v13  }
0x40f: {  	s7 =	sor.u32 s11, s7;
	s28 =	sor.u32 s11, s8;
	s8 =	sor.u32 s29, s17;
	v20 =	vnsel vm7, $0x0, v25;
	v14 =	vld.idx.msk [tilespmem:v4+s3+$0x0], vm5;
	v4 =	vmov v9;
	v9 =	vmov v22  }
0x410: {  	s29 =	sor.u32 s11, s9;
	s20 =	smov.u32 s4;
	s26 =	sor.u32 s11, s8;
	v22 =	vnsel vm9, $0x0, v16;
	[tilespmem:s28+$0x18C80] =	vst v26;
	v16 =	vld.idx.msk [tilespmem:v6+s3+$0x0], vm4;
	v6 =	vmov v10;
	v10 =	vmov v23  }
0x411: {  	s25 =	sadd.s32 $0x50, s25;
	s4 =	smov.u32 s7;
	v23 =	vnsel vm3, $0x0, v27;
	v19 =	vld.idx.msk [tilespmem:v13+s1+$0x0], vm8;
	[tilespmem:s7+$0x18C80] =	vst v24  }
0x412: {  	_ =	sdelay $0x1  }
0x413: {  	[tilespmem:s29+$0x18C80] =	vst v21  }
0x414: {  	[tilespmem:s26+$0x18C80] =	vst v20  }
0x415: {  	vm8 =	vmmov vm8;
	[tilespmem:s20+$0x1AC80] =	vst v22  }
0x416: {  	v13 =	vnsel vm1, $0x0, v15;
	v46 =	vld.idx.msk [tilespmem:v7+s1+$0x0], vm10;
	[tilespmem:s14+$0x1AC80] =	vst v23  }
0x417: {  	v17 =	vnsel vm2, $0x0, v17;
	[tilespmem:s23+$0x19C80] =	vst v13;
	v47 =	vld.idx.msk [tilespmem:v9+s1+$0x0], vm6  }
0x418: {  	vm6 =	vmmov vm6;
	[tilespmem:s18+$0x1AC80] =	vst v17;
	v48 =	vld.idx.msk [tilespmem:v10+s1+$0x0], vm7;
	v18 =	vnsel vm0, $0x0, v18  }
0x419: {  	vm7 =	vmmov vm7;
	[tilespmem:s19+$0x1BC80] =	vst v18;
	v19 =	vnsel vm8, $0x0, v19  }
0x41a: {  	vm11 =	vmmov vm3;
	v13 =	vld.idx.msk [tilespmem:v11+s2+$0x0], vm1;
	v14 =	vnsel vm5, $0x0, v14;
	[tilespmem:s28+$0x19C80] =	vst v19  }
0x41b: {  	[tilespmem:s13+$0x1BC80] =	vst v14;
	v50 =	vnsel vm10, $0x0, v46;
	v49 =	vld.idx.msk [tilespmem:v8+s2+$0x0], vm8  }
0x41c: {  	v5 =	vld.idx.msk [tilespmem:v5+s3+$0x0], vm9;
	[tilespmem:s4+$0x19C80] =	vst v50;
	v52 =	vnsel vm6, $0x0, v47  }
0x41d: {  	vm12 =	vmmov vm2;
	v53 =	vnsel vm7, $0x0, v48;
	[tilespmem:s29+$0x19C80] =	vst v52;
	v12 =	vld.idx.msk [tilespmem:v12+s2+$0x0], vm10  }
0x41e: {  	v16 =	vnsel vm4, $0x0, v16;
	[tilespmem:s26+$0x19C80] =	vst v53;
	v54 =	vld.idx.msk [tilespmem:v9+s2+$0x0], vm6  }
0x41f: {  	[tilespmem:s12+$0x1BC80] =	vst v16;
	v13 =	vnsel vm1, $0x0, v13;
	v56 =	vld.idx.msk [tilespmem:v10+s2+$0x0], vm7  }
0x420: {  	v4 =	vld.idx.msk [tilespmem:v4+s3+$0x0], vm11;
	[tilespmem:s23+$0x1AC80] =	vst v13;
	v55 =	vnsel vm8, $0x0, v49  }
0x421: {  	vm13 =	vmmov vm10;
	v5 =	vnsel vm9, $0x0, v5;
	v51 =	vld.idx.msk [tilespmem:v11+s3+$0x0], vm1;
	[tilespmem:s28+$0x1AC80] =	vst v55  }
0x422: {  	[tilespmem:s20+$0x1BC80] =	vst v5;
	v58 =	vnsel vm13, $0x0, v12;
	v57 =	vld.idx.msk [tilespmem:v8+s3+$0x0], vm8  }
0x423: {  	v6 =	vld.idx.msk [tilespmem:v6+s3+$0x0], vm12;
	v59 =	vnsel vm6, $0x0, v54;
	[tilespmem:s4+$0x1AC80] =	vst v58  }
0x424: {  	v60 =	vnsel vm7, $0x0, v56;
	[tilespmem:s29+$0x1AC80] =	vst v59;
	v61 =	vld.idx.msk [tilespmem:v7+s3+$0x0], vm10  }
0x425: {  	v4 =	vnsel vm11, $0x0, v4;
	[tilespmem:s26+$0x1AC80] =	vst v60;
	v62 =	vld.idx.msk [tilespmem:v9+s3+$0x0], vm6  }
0x426: {  	s22 =	sadd.s32 $0x1, s22;
	[tilespmem:s14+$0x1BC80] =	vst v4;
	v11 =	vnsel vm1, $0x0, v51;
	v63 =	vld.idx.msk [tilespmem:v10+s3+$0x0], vm7  }
0x427: {  	p0 =	sne.s32 s22, $0x8;
	[tilespmem:s23+$0x1BC80] =	vst v11;
	v5 =	vnsel vm8, $0x0, v57  }
.Ltmp21:
0x428: {  	[tilespmem:s28+$0x1BC80] =	vst v5;
	v5 =	vnsel vm12, $0x0, v6;
	(pc) =	sbr.rel @p0 .LBB2_43-.Ltmp21, $4  }
0x429: {  	vm14 =	vmmov vm6;
	v4 =	vnsel vm13, $0x0, v61;
	[tilespmem:s18+$0x1BC80] =	vst v5  }
0x42a: {  	vm15 =	vmmov vm7;
	[tilespmem:s4+$0x1BC80] =	vst v4;
	v4 =	vnsel vm14, $0x0, v62  }
0x42b: {  	v5 =	vnsel vm15, $0x0, v63;
	[tilespmem:s29+$0x1BC80] =	vst v4  }
0x42c: {  	s10 =	sadd.s32 $0x190, s10;
	[tilespmem:s26+$0x1BC80] =	vst v5  }
0x42d: {  	s6 =	sld [smem:$0x7F8];
	_ =	sdelay $0x1  }
0x42e: {  	s4 =	sshll.u32 s21, $0xC  }
0x42f: {  	s7 =	rddreg [dreg:$0x3];
	s6 =	sadd.s32 s6, s4  }
0x430: {  	s25 =	sld [smem:$0x7F6];
	s6 =	sshrl.u32 s6, $0x3  }
0x431: {  	s8 =	simm.s32 $0x18C80;
	s6 =	sadd.s32 s7, s6  }
0x432: {  	[hbm4b:s6+s5] =	stream.linear.scatter [tilespmem:s8], [sflag:$0x4], $0x1000, $0x38;
	[tilespmem:$0x1CC80] =	vst v63  }
0x433: {  	s6 =	sadd.s32 s25, s4  }
0x434: {  	s26 =	simm.s32 $0x19C80;
	s28 =	sld [smem:$0x7F7];
	s6 =	sshrl.u32 s6, $0x3  }
0x435: {  	s30 =	sld [smem:$0x7F9];
	s15 =	sadd.s32 $0x1, s15;
	s6 =	sadd.s32 s7, s6  }
0x436: {  	[hbm4b:s6+s5] =	stream.linear.scatter [tilespmem:s26], [sflag:$0x4], $0x1000, $0x38;
	[tilespmem:$0x1CC80] =	vst v63  }
0x437: {  	p0 =	sne.s32 s15, $0x19;
	s6 =	sadd.s32 s28, s4  }
.Ltmp22:
0x438: {  	s4 =	sadd.s32 s30, s4;
	s6 =	sshrl.u32 s6, $0x3;
	(pc) =	sbr.rel @p0 .LBB2_38-.Ltmp22, $4  }
0x439: {  	s29 =	simm.s32 $0x1AC80;
	s4 =	sshrl.u32 s4, $0x3;
	s6 =	sadd.s32 s7, s6  }
0x43a: {  	[hbm4b:s6+s5] =	stream.linear.scatter [tilespmem:s29], [sflag:$0x4], $0x1000, $0x38;
	[tilespmem:$0x1CC80] =	vst v63  }
0x43b: {  	s31 =	simm.s32 $0x1BC80;
	s4 =	sadd.s32 s7, s4  }
0x43c: {  	[hbm4b:s4+s5] =	stream.linear.scatter [tilespmem:s31], [sflag:$0x4], $0x1000, $0x38;
	[tilespmem:$0x1CC80] =	vst v63  }
0x43d: {  	s4 =	simm.s32 $0x3  }
0x43e: {  	_ =	swait.ge [sflag:s4], $0x1000  }
0x43f: {  	[sflag:s4] =	ssyncset.done $0x0  }
0x440: {  	[sflag:s4] =	ssyncadd.s32 $0xFFFFF000  }
0x441: {  	_ =	swait.ge [sflag:s4], $0x1000  }
0x442: {  	[sflag:s4] =	ssyncset.done $0x0  }
0x443: {  	[sflag:s4] =	ssyncadd.s32 $0xFFFFF000  }
0x444: {  	_ =	swait.ge [sflag:s4], $0x1000  }
0x445: {  	[sflag:s4] =	ssyncset.done $0x0  }
0x446: {  	[sflag:s4] =	ssyncadd.s32 $0xFFFFF000  }
0x447: {  	_ =	swait.ge [sflag:s4], $0x1000  }
0x448: {  	[sflag:s4] =	ssyncset.done $0x0  }
0x449: {  	s24 =	simm.s32 $0x4;
	[sflag:s4] =	ssyncadd.s32 $0xFFFFF000  }
0x44a: {  	_ =	swait.ge [sflag:s24], $0x1000  }
0x44b: {  	[sflag:s24] =	ssyncset.done $0x0  }
0x44c: {  	[sflag:s24] =	ssyncadd.s32 $0xFFFFF000  }
0x44d: {  	_ =	swait.ge [sflag:s24], $0x1000  }
0x44e: {  	[sflag:s24] =	ssyncset.done $0x0  }
0x44f: {  	[sflag:s24] =	ssyncadd.s32 $0xFFFFF000  }
0x450: {  	_ =	swait.ge [sflag:s24], $0x1000  }
0x451: {  	[sflag:s24] =	ssyncset.done $0x0  }
0x452: {  	[sflag:s24] =	ssyncadd.s32 $0xFFFFF000  }
0x453: {  	_ =	swait.ge [sflag:s24], $0x1000  }
0x454: {  	s25 =	sld [smem:$0x7E5]  }
0x455: {  	[sflag:s24] =	ssyncset.done $0x0  }
0x456: {  	s15 =	simm.s32 $0x0;
	s6 =	simm.s32 $0x5;
	[sflag:s24] =	ssyncadd.s32 $0xFFFFF000  }
0x457: {  	[tilespmem:s0], [sflag:$0x5] =	stream.linear.gather [hbm4b:s25+s15], $0x3F00, $0x38;
	[tilespmem:$0x1CC80] =	vst v63  }
0x458: {  	_ =	swait.ge [sflag:s6], $0x3F00  }
0x459: {  	s26 =	sld [smem:$0x7EE]  }
0x45a: {  	[sflag:s6] =	ssyncset.done $0x0  }
0x45b: {  	[sflag:s6] =	ssyncadd.s32 $0xFFFFC100  }
0x45c: {  	[tilespmem:s1], [sflag:$0x5] =	stream.linear.gather [hbm4b:s26+s15], $0x3F00, $0x38;
	[tilespmem:$0x1CC80] =	vst v63  }
0x45d: {  	_ =	swait.ge [sflag:s6], $0x3F00  }
0x45e: {  	s28 =	sld [smem:$0x7EF]  }
0x45f: {  	[sflag:s6] =	ssyncset.done $0x0  }
0x460: {  	[sflag:s6] =	ssyncadd.s32 $0xFFFFC100  }
0x461: {  	[tilespmem:s2], [sflag:$0x5] =	stream.linear.gather [hbm4b:s28+s15], $0x3F00, $0x38;
	[tilespmem:$0x1CC80] =	vst v63  }
0x462: {  	_ =	swait.ge [sflag:s6], $0x3F00  }
0x463: {  	s29 =	sld [smem:$0x7F0]  }
0x464: {  	[sflag:s6] =	ssyncset.done $0x0  }
0x465: {  	[sflag:s6] =	ssyncadd.s32 $0xFFFFC100  }
0x466: {  	[tilespmem:s3], [sflag:$0x5] =	stream.linear.gather [hbm4b:s29+s15], $0x3F00, $0x38;
	[tilespmem:$0x1CC80] =	vst v63  }
0x467: {  	_ =	swait.ge [sflag:s6], $0x3F00  }
0x468: {  	s30 =	sld [smem:$0x7F2]  }
0x469: {  	[sflag:s6] =	ssyncset.done $0x0  }
0x46a: {  	s31 =	simm.s32 $0x13380;
	[sflag:s6] =	ssyncadd.s32 $0xFFFFC100  }
0x46b: {  	[tilespmem:s31], [sflag:$0x1] =	stream.linear.gather [hbm4b:s30+s15], $0xC80, $0x38;
	[tilespmem:$0x1CC80] =	vst v63  }
.LBB2_48:
0x46c: {  	s6 =	simm.s32 $0x1  }
0x46d: {  	_ =	swait.ge [sflag:s6], $0xC80  }
0x46e: {  	s4 =	sld [smem:$0x7F3]  }
0x46f: {  	s16 =	smul.u32 $0x1900, s15  }
0x470: {  	s30 =	sld [smem:$0x7F1]  }
0x471: {  	s4 =	sadd.s32 s16, s4  }
0x472: {  	s31 =	simm.s32 $0x14000;
	[sflag:s6] =	ssyncset.done $0x0;
	s4 =	sshrl.u32 s4, $0x3  }
0x473: {  	p0 =	seq.s32 s15, $0x0;
	[sflag:s6] =	ssyncadd.s32 $0xFFFFF380;
	s4 =	sadd.s32 s30, s4  }
0x474: {  	[tilespmem:s31], [sflag:$0x2] =	stream.linear.gather [hbm4b:s4+s5], $0xC80, $0x38;
	[tilespmem:$0x1CC80] =	vst v63  }
0x475: {  	s4 =	simm.s32 @!p0 $0x3  }
0x476: {  	_ =	swait.ge @!p0 [sflag:s4], $0x1000  }
0x477: {  	[sflag:s4] =	ssyncset.done @!p0 $0x0  }
0x478: {  	[sflag:s4] =	ssyncadd.s32 @!p0 $0xFFFFF000  }
0x479: {  	_ =	swait.ge @!p0 [sflag:s4], $0x1000  }
0x47a: {  	[sflag:s4] =	ssyncset.done @!p0 $0x0  }
0x47b: {  	[sflag:s4] =	ssyncadd.s32 @!p0 $0xFFFFF000  }
0x47c: {  	_ =	swait.ge @!p0 [sflag:s4], $0x1000  }
0x47d: {  	[sflag:s4] =	ssyncset.done @!p0 $0x0  }
0x47e: {  	[sflag:s4] =	ssyncadd.s32 @!p0 $0xFFFFF000  }
0x47f: {  	_ =	swait.ge @!p0 [sflag:s4], $0x1000  }
0x480: {  	s21 =	sshll.u32 s15, $0x1;
	[sflag:s4] =	ssyncset.done @!p0 $0x0  }
0x481: {  	s22 =	simm.s32 $0x133A0;
	s10 =	simm.s32 $0x0;
	[sflag:s4] =	ssyncadd.s32 @!p0 $0xFFFFF000  }
.LBB2_49:
0x482: {  	v7 =	vld [tilespmem:s22+$0x20]  }
0x483: {  	v15 =	vld [tilespmem:s22+$0xFFFFFFF0]  }
0x484: {  	v8 =	vld [tilespmem:s22+$0xFFFFFFE0];
	_ =	sdelay $0x2  }
0x485: {  	v13 =	vld [tilespmem:s22+$0x0];
	vm2 =	vlt.s32 v7, $0x3E80  }
0x486: {  	vm3 =	vlt.s32 v15, $0x3E80  }
0x487: {  	vm0 =	vlt.s32 v8, $0x3E80;
	_ =	sdelay $0x2  }
0x488: {  	v12 =	vld [tilespmem:s22+$0x10];
	vm4 =	vlt.s32 v13, $0x3E80  }
0x489: {  	s4 =	simm.s32 $0x40;
	s6 =	simm.s32 $0x200;
	v4 =	vld.idx.msk [tilespmem:v7+s0+$0x0], vm2  }
0x48a: {  	s4 =	sand.u32 $0x70, s4;
	s6 =	sand.u32 $0x1C00, s6;
	v6 =	vld.idx.msk [tilespmem:v15+s0+$0x0], vm3  }
0x48b: {  	s11 =	sshll.u32 s10, $0x7;
	s14 =	simm.s32 $0x0;
	s4 =	sor.u32 s6, s4;
	v5 =	vld.idx.msk [tilespmem:v8+s0+$0x0], vm0  }
0x48c: {  	s23 =	sor.u32 s11, s4;
	s4 =	sand.u32 $0xC00, s14;
	s14 =	sadd.s32 $0x50, s22  }
0x48d: {  	s17 =	simm.s32 $0x0;
	v16 =	vld [tilespmem:s14+$0x20];
	vm6 =	vlt.s32 v12, $0x3E80;
	vm1 =	vmmov vm2  }
0x48e: {  	s6 =	sand.u32 $0x70, s17;
	v9 =	vld.idx.msk [tilespmem:v13+s0+$0x0], vm4;
	vm3 =	vmmov vm3;
	v4 =	vnsel vm1, $0x0, v4  }
0x48f: {  	s18 =	simm.s32 $0x80;
	s4 =	sor.u32 s4, s6;
	v18 =	vnsel vm3, $0x0, v6;
	v6 =	vld [tilespmem:s14+$0x10];
	[tilespmem:s23+$0x14C80] =	vst v4  }
0x490: {  	s7 =	simm.s32 $0x10;
	s8 =	simm.s32 $0x20;
	s6 =	sor.u32 s11, s4;
	v5 =	vnsel vm0, $0x0, v5;
	v4 =	vld.idx.msk [tilespmem:v7+s1+$0x0], vm2  }
0x491: {  	s9 =	simm.s32 $0x100;
	s7 =	sand.u32 $0x70, s7;
	s4 =	sand.u32 $0x1C00, s18;
	[tilespmem:s6+$0x14C80] =	vst v5;
	v5 =	vld [tilespmem:s14+$0xFFFFFFF0]  }
0x492: {  	s8 =	sand.u32 $0x70, s8;
	s9 =	sand.u32 $0x1C00, s9;
	v14 =	vld [tilespmem:s14+$0xFFFFFFE0];
	s4 =	sor.u32 s4, s7  }
0x493: {  	s13 =	simm.s32 $0x180;
	s8 =	sor.u32 s9, s8;
	s4 =	sor.u32 s11, s4;
	v10 =	vld.idx.msk [tilespmem:v12+s0+$0x0], vm6  }
0x494: {  	s19 =	sand.u32 $0x1C00, s13;
	s13 =	sor.u32 s11, s8;
	v9 =	vnsel vm4, $0x0, v9;
	[tilespmem:s4+$0x14C80] =	vst v18;
	v11 =	vld.idx.msk [tilespmem:v8+s1+$0x0], vm0  }
0x495: {  	s12 =	simm.s32 $0x30;
	[tilespmem:s13+$0x14C80] =	vst v9;
	vm5 =	vlt.s32 v6, $0x3E80;
	v4 =	vnsel vm1, $0x0, v4  }
0x496: {  	s12 =	sand.u32 $0x70, s12;
	v9 =	vld.idx.msk [tilespmem:v15+s1+$0x0], vm3;
	vm7 =	vlt.s32 v5, $0x3E80;
	[tilespmem:s23+$0x15C80] =	vst v4  }
0x497: {  	s7 =	sor.u32 s19, s12;
	vm8 =	vlt.s32 v16, $0x3E80;
	v17 =	vld.idx.msk [tilespmem:v7+s2+$0x0], vm2  }
0x498: {  	s12 =	sor.u32 s11, s7;
	v10 =	vnsel vm6, $0x0, v10;
	v4 =	vld [tilespmem:s14+$0x0];
	vm2 =	vmmov vm0  }
0x499: {  	[tilespmem:s12+$0x14C80] =	vst v10;
	vm0 =	vlt.s32 v14, $0x3E80;
	v10 =	vnsel vm2, $0x0, v11;
	v11 =	vld.idx.msk [tilespmem:v13+s1+$0x0], vm4  }
0x49a: {  	[tilespmem:s6+$0x15C80] =	vst v10;
	v10 =	vld.idx.msk [tilespmem:v12+s1+$0x0], vm6  }
0x49b: {  	v22 =	vld.idx.msk [tilespmem:v6+s0+$0x0], vm5  }
0x49c: {  	s20 =	simm.s32 $0x480;
	s24 =	simm.s32 $0x90;
	vm4 =	vmmov vm4;
	v20 =	vld.idx.msk [tilespmem:v5+s0+$0x0], vm7;
	v17 =	vnsel vm1, $0x0, v17  }
0x49d: {  	s8 =	sand.u32 $0x70, s24;
	s7 =	sand.u32 $0x1C00, s20;
	vm12 =	vlt.s32 v4, $0x3E80;
	[tilespmem:s23+$0x16C80] =	vst v17;
	v17 =	vld.idx.msk [tilespmem:v16+s0+$0x0], vm8  }
0x49e: {  	s25 =	simm.s32 $0x280;
	s7 =	sor.u32 s7, s8;
	v19 =	vld.idx.msk [tilespmem:v7+s3+$0x0], vm1  }
0x49f: {  	s24 =	sor.u32 s11, s7;
	s7 =	sand.u32 $0xC00, s25;
	s25 =	sadd.s32 $0x50, s14;
	v11 =	vnsel vm4, $0x0, v11;
	v7 =	vld.idx.msk [tilespmem:v14+s0+$0x0], vm0  }
0x4a0: {  	[tilespmem:s13+$0x15C80] =	vst v11;
	v11 =	vld [tilespmem:s25+$0x20]  }
0x4a1: {  	v18 =	vld.idx.msk [tilespmem:v8+s2+$0x0], vm2  }
0x4a2: {  	s26 =	simm.s32 $0x50;
	vm10 =	vmmov vm8;
	v9 =	vnsel vm3, $0x0, v9;
	v23 =	vld.idx.msk [tilespmem:v13+s2+$0x0], vm4  }
0x4a3: {  	vm9 =	vmmov vm6;
	s8 =	sand.u32 $0x70, s26;
	[tilespmem:s4+$0x15C80] =	vst v9;
	v21 =	vld.idx.msk [tilespmem:v4+s0+$0x0], vm12;
	v9 =	vnsel vm10, $0x0, v17  }
0x4a4: {  	s7 =	sor.u32 s7, s8;
	v17 =	vld.idx.msk [tilespmem:v15+s2+$0x0], vm3;
	[tilespmem:s24+$0x14C80] =	vst v9;
	v9 =	vnsel vm9, $0x0, v10  }
0x4a5: {  	s19 =	sor.u32 s11, s7;
	v7 =	vnsel vm0, $0x0, v7;
	vm15 =	vlt.s32 v11, $0x3E80;
	v10 =	vld.idx.msk [tilespmem:v16+s1+$0x0], vm8;
	[tilespmem:s12+$0x15C80] =	vst v9  }
0x4a6: {  	vm14 =	vmmov vm3;
	v9 =	vnsel vm2, $0x0, v18;
	[tilespmem:s19+$0x14C80] =	vst v7;
	v18 =	vld.idx.msk [tilespmem:v12+s2+$0x0], vm6  }
0x4a7: {  	v25 =	vld.idx.msk [tilespmem:v14+s1+$0x0], vm0  }
0x4a8: {  	v19 =	vnsel vm1, $0x0, v19;
	[tilespmem:s6+$0x16C80] =	vst v9;
	v9 =	vld [tilespmem:s25+$0x0]  }
0x4a9: {  	s30 =	simm.s32 $0x300;
	s9 =	simm.s32 $0x60;
	s20 =	simm.s32 $0x380;
	[tilespmem:s23+$0x17C80] =	vst v19;
	v19 =	vnsel vm4, $0x0, v23;
	v24 =	vld.idx.msk [tilespmem:v8+s3+$0x0], vm2  }
0x4aa: {  	s8 =	sand.u32 $0x70, s9;
	s7 =	sand.u32 $0x1C00, s30;
	s14 =	simm.s32 $0x70;
	[tilespmem:s13+$0x16C80] =	vst v19;
	v8 =	vld [tilespmem:s25+$0xFFFFFFE0];
	v17 =	vnsel vm14, $0x0, v17  }
0x4ab: {  	s7 =	sor.u32 s7, s8;
	vm11 =	vmmov vm7;
	s9 =	sand.u32 $0x70, s14;
	s14 =	sand.u32 $0x1C00, s20;
	[tilespmem:s4+$0x16C80] =	vst v17;
	v7 =	vnsel vm10, $0x0, v10;
	v60 =	vld.idx.msk [tilespmem:v11+s0+$0x0], vm15  }
0x4ac: {  	s20 =	sor.u32 s11, s7;
	s9 =	sor.u32 s14, s9;
	v10 =	vnsel vm11, $0x0, v20;
	v19 =	vld.idx.msk [tilespmem:v15+s3+$0x0], vm14;
	[tilespmem:s24+$0x15C80] =	vst v7  }
0x4ad: {  	s17 =	simm.s32 $0x80;
	s18 =	simm.s32 $0x400;
	s14 =	sor.u32 s11, s9;
	v20 =	vnsel vm12, $0x0, v21;
	v7 =	vld [tilespmem:s25+$0xFFFFFFF0];
	[tilespmem:s20+$0x14C80] =	vst v10;
	vm6 =	vlt.s32 v9, $0x3E80  }
0x4ae: {  	s17 =	sand.u32 $0x70, s17;
	s26 =	sand.u32 $0x1C00, s18;
	[tilespmem:s14+$0x14C80] =	vst v20;
	v20 =	vld.idx.msk [tilespmem:v5+s1+$0x0], vm7  }
0x4af: {  	s31 =	simm.s32 $0xE0;
	s30 =	sor.u32 s26, s17;
	s8 =	simm.s32 $0x700;
	vm0 =	vmmov vm0;
	v26 =	vld.idx.msk [tilespmem:v16+s2+$0x0], vm8  }
0x4b0: {  	s18 =	sor.u32 s11, s30;
	s7 =	sand.u32 $0x1C00, s8;
	s9 =	sand.u32 $0x70, s31;
	v21 =	vnsel vm5, $0x0, v22;
	v10 =	vld [tilespmem:s25+$0x10]  }
0x4b1: {  	s7 =	sor.u32 s7, s9;
	vm1 =	vmmov vm15;
	[tilespmem:s18+$0x14C80] =	vst v21;
	vm8 =	vlt.s32 v8, $0x3E80;
	v21 =	vld.idx.msk [tilespmem:v4+s1+$0x0], vm12;
	v17 =	vnsel vm2, $0x0, v24  }
0x4b2: {  	s23 =	sor.u32 s11, s7;
	v59 =	vld.idx.msk [tilespmem:v6+s1+$0x0], vm5;
	[tilespmem:s6+$0x17C80] =	vst v17;
	v15 =	vnsel vm1, $0x0, v60  }
0x4b3: {  	v22 =	vnsel vm0, $0x0, v25;
	[tilespmem:s23+$0x14C80] =	vst v15;
	v17 =	vnsel vm11, $0x0, v20;
	v20 =	vld.idx.msk [tilespmem:v9+s0+$0x0], vm6  }
0x4b4: {  	[tilespmem:s19+$0x15C80] =	vst v22;
	vm13 =	vlt.s32 v7, $0x3E80;
	v22 =	vnsel vm10, $0x0, v26;
	v15 =	vld.idx.msk [tilespmem:v11+s1+$0x0], vm15  }
0x4b5: {  	vm7 =	vlt.s32 v10, $0x3E80;
	[tilespmem:s24+$0x16C80] =	vst v22;
	v22 =	vld.idx.msk [tilespmem:v14+s2+$0x0], vm0  }
0x4b6: {  	vm3 =	vmmov vm12;
	vm2 =	vmmov vm5;
	v16 =	vld.idx.msk [tilespmem:v16+s3+$0x0], vm10  }
0x4b7: {  	v23 =	vld.idx.msk [tilespmem:v8+s0+$0x0], vm8;
	[tilespmem:s20+$0x15C80] =	vst v17;
	v17 =	vnsel vm3, $0x0, v21  }
0x4b8: {  	s17 =	simm.s32 $0xA0;
	s30 =	simm.s32 $0xC0;
	vm5 =	vmmov vm4;
	[tilespmem:s14+$0x15C80] =	vst v17;
	v63 =	vld.idx.msk [tilespmem:v5+s2+$0x0], vm11  }
0x4b9: {  	s8 =	simm.s32 $0x580;
	s7 =	sand.u32 $0x70, s17;
	s17 =	simm.s32 $0xB0;
	vm4 =	vmmov vm9;
	v17 =	vnsel vm2, $0x0, v59;
	v27 =	vld.idx.msk [tilespmem:v4+s2+$0x0], vm12  }
0x4ba: {  	s8 =	sand.u32 $0x1C00, s8;
	s17 =	sand.u32 $0x70, s17;
	s6 =	simm.s32 $0x500;
	[tilespmem:s18+$0x15C80] =	vst v17;
	v61 =	vld.idx.msk [tilespmem:v7+s0+$0x0], vm13;
	v17 =	vnsel vm0, $0x0, v22  }
0x4bb: {  	s9 =	sand.u32 $0x70, s30;
	s8 =	sor.u32 s8, s17;
	s26 =	sand.u32 $0xC00, s6;
	v62 =	vld.idx.msk [tilespmem:v10+s0+$0x0], vm7;
	v16 =	vnsel vm10, $0x0, v16;
	[tilespmem:s19+$0x16C80] =	vst v17  }
0x4bc: {  	s25 =	sadd.s32 $0x50, s25;
	s7 =	sor.u32 s26, s7;
	s26 =	simm.s32 $0x600;
	v17 =	vld.idx.msk [tilespmem:v6+s2+$0x0], vm2;
	[tilespmem:s24+$0x17C80] =	vst v16;
	v16 =	vnsel vm14, $0x0, v19  }
0x4bd: {  	s30 =	sand.u32 $0x1C00, s26;
	s26 =	simm.s32 $0x680;
	s24 =	simm.s32 $0xD0;
	[tilespmem:s4+$0x17C80] =	vst v16;
	v16 =	vnsel vm9, $0x0, v18;
	v18 =	vld.idx.msk [tilespmem:v14+s3+$0x0], vm0  }
0x4be: {  	s28 =	sor.u32 s11, s7;
	s17 =	sand.u32 $0x1C00, s26;
	vm10 =	vmmov vm13;
	s4 =	sand.u32 $0x70, s24;
	v14 =	vld.idx.msk [tilespmem:v13+s3+$0x0], vm5;
	[tilespmem:s12+$0x16C80] =	vst v16;
	v16 =	vnsel vm8, $0x0, v23  }
0x4bf: {  	s9 =	sor.u32 s30, s9;
	v21 =	vnsel vm6, $0x0, v20;
	vm9 =	vmmov vm11;
	s30 =	sor.u32 s17, s4;
	v13 =	vnsel vm10, $0x0, v61;
	s4 =	sor.u32 s11, s8;
	[tilespmem:s28+$0x14C80] =	vst v16;
	v16 =	vld.idx.msk [tilespmem:v12+s3+$0x0], vm4  }
0x4c0: {  	s29 =	sor.u32 s11, s9;
	s24 =	simm.s32 $0xA;
	v20 =	vnsel vm7, $0x0, v62;
	v22 =	vnsel vm9, $0x0, v63;
	v23 =	vnsel vm3, $0x0, v27;
	s26 =	sor.u32 s11, s30;
	[tilespmem:s4+$0x14C80] =	vst v13;
	v12 =	vmovc v7;
	v19 =	vld.idx.msk [tilespmem:v8+s1+$0x0], vm8  }
.LBB2_50:
0x4c1: {  	v24 =	vld [tilespmem:s25+$0x20];
	s24 =	sadd.s32 $0x5, s24;
	[tilespmem:s29+$0x14C80] =	vst v21;
	v15 =	vnsel vm1, $0x0, v15  }
0x4c2: {  	v13 =	vld [tilespmem:s25+$0xFFFFFFE0];
	p1 =	slt.u32 s24, $0x14;
	[tilespmem:s23+$0x15C80] =	vst v15;
	v15 =	vnsel vm2, $0x0, v17  }
0x4c3: {  	v18 =	vnsel vm0, $0x0, v18;
	vm0 =	vmmov vm8;
	[tilespmem:s26+$0x14C80] =	vst v20;
	v17 =	vld.idx.msk [tilespmem:v11+s2+$0x0], vm1  }
0x4c4: {  	v14 =	vnsel vm5, $0x0, v14;
	vm5 =	vmmov vm3;
	vm3 =	vmmov vm6;
	v20 =	vld [tilespmem:s25+$0xFFFFFFF0];
	[tilespmem:s20+$0x16C80] =	vst v22  }
0x4c5: {  	v16 =	vnsel vm4, $0x0, v16;
	vm4 =	vmmov vm2;
	vm2 =	vmmov vm7;
	v22 =	vld [tilespmem:s25+$0x0];
	[tilespmem:s14+$0x16C80] =	vst v23  }
0x4c6: {  	v19 =	vnsel vm0, $0x0, v19;
	v23 =	vld [tilespmem:s25+$0x10];
	vm11 =	vlt.s32 v24, $0x3E80;
	[tilespmem:s18+$0x16C80] =	vst v15  }
0x4c7: {  	vm8 =	vlt.s32 v13, $0x3E80;
	[tilespmem:s28+$0x15C80] =	vst v19;
	v15 =	vld.idx.msk [tilespmem:v7+s1+$0x0], vm10  }
0x4c8: {  	v19 =	vld.idx.msk [tilespmem:v9+s1+$0x0], vm6;
	[tilespmem:s19+$0x17C80] =	vst v18;
	s19 =	smov.u32 s28  }
0x4c9: {  	v17 =	vnsel vm1, $0x0, v17;
	vm12 =	vlt.s32 v20, $0x3E80;
	v18 =	vld.idx.msk [tilespmem:v10+s1+$0x0], vm7;
	[tilespmem:s13+$0x17C80] =	vst v14;
	s13 =	smov.u32 s14;
	s14 =	smov.u32 s29  }
0x4ca: {  	vm6 =	vlt.s32 v22, $0x3E80;
	v14 =	vld.idx.msk [tilespmem:v8+s2+$0x0], vm0;
	[tilespmem:s23+$0x16C80] =	vst v17  }
0x4cb: {  	vm7 =	vlt.s32 v23, $0x3E80;
	v17 =	vld.idx.msk [tilespmem:v11+s3+$0x0], vm1;
	[tilespmem:s12+$0x17C80] =	vst v16;
	v11 =	vmov v24;
	s12 =	smov.u32 s18;
	s18 =	smov.u32 s26  }
0x4cc: {  	v16 =	vld.idx.msk [tilespmem:v24+s0+$0x0], vm11  }
0x4cd: {  	v15 =	vnsel vm10, $0x0, v15;
	v21 =	vld.idx.msk [tilespmem:v13+s0+$0x0], vm8  }
0x4ce: {  	s6 =	sadd.s32 $0x280, s6;
	s31 =	sadd.s32 $0x50, s31;
	[tilespmem:s4+$0x15C80] =	vst v15;
	v15 =	vnsel vm3, $0x0, v19;
	v19 =	vld.idx.msk [tilespmem:v5+s3+$0x0], vm9;
	v5 =	vmov v7;
	v7 =	vmov v20  }
0x4cf: {  	s7 =	sadd.s32 $0x80, s6;
	s8 =	sadd.s32 $0x200, s6;
	s9 =	sadd.s32 $0xFFFFFFD0, s31;
	v24 =	vld.idx.msk [tilespmem:v20+s0+$0x0], vm12;
	[tilespmem:s14+$0x15C80] =	vst v15;
	v15 =	vnsel vm2, $0x0, v18  }
0x4d0: {  	s17 =	sand.u32 $0x70, s31;
	s30 =	sand.u32 $0xC00, s6;
	s8 =	sand.u32 $0x1C00, s8;
	v14 =	vnsel vm0, $0x0, v14;
	v18 =	vld.idx.msk [tilespmem:v22+s0+$0x0], vm6;
	[tilespmem:s18+$0x15C80] =	vst v15  }
0x4d1: {  	s8 =	sor.u32 s8, s17;
	s28 =	sadd.s32 $0x100, s6;
	s26 =	sadd.s32 $0xFFFFFFE0, s31;
	v25 =	vld.idx.msk [tilespmem:v23+s0+$0x0], vm7;
	[tilespmem:s19+$0x16C80] =	vst v14;
	v14 =	vnsel vm1, $0x0, v17;
	vm1 =	vmmov vm11  }
0x4d2: {  	s17 =	sadd.s32 $0xFFFFFFF0, s31;
	s29 =	sadd.s32 $0x180, s6;
	v15 =	vnsel vm1, $0x0, v16;
	v16 =	vld.idx.msk [tilespmem:v12+s2+$0x0], vm10;
	[tilespmem:s23+$0x17C80] =	vst v14;
	s23 =	sor.u32 s11, s8;
	v12 =	vmov v20  }
0x4d3: {  	s9 =	sand.u32 $0x70, s9;
	s7 =	sand.u32 $0x1C00, s7;
	s8 =	sadd.s32 $0xFFFFFFC0, s31;
	v26 =	vnsel vm8, $0x0, v21;
	[tilespmem:s23+$0x14C80] =	vst v15;
	v27 =	vld.idx.msk [tilespmem:v9+s2+$0x0], vm3  }
0x4d4: {  	s28 =	sand.u32 $0x1C00, s28;
	s26 =	sand.u32 $0x70, s26;
	s8 =	sand.u32 $0x70, s8;
	v14 =	vnsel vm9, $0x0, v19;
	vm9 =	vmmov vm10;
	vm10 =	vmmov vm12;
	v15 =	vld.idx.msk [tilespmem:v11+s1+$0x0], vm11  }
.Ltmp23:
0x4d5: {  	s17 =	sand.u32 $0x70, s17;
	s29 =	sand.u32 $0x1C00, s29;
	v24 =	vnsel vm10, $0x0, v24;
	v17 =	vld.idx.msk [tilespmem:v10+s2+$0x0], vm2;
	[tilespmem:s20+$0x17C80] =	vst v14;
	(pc) =	sbr.rel @p1 .LBB2_50-.Ltmp23, $4  }
0x4d6: {  	s7 =	sor.u32 s7, s9;
	s9 =	sor.u32 s28, s26;
	s8 =	sor.u32 s30, s8;
	v21 =	vnsel vm6, $0x0, v18;
	v18 =	vld.idx.msk [tilespmem:v8+s3+$0x0], vm0;
	v8 =	vmov v13  }
0x4d7: {  	s7 =	sor.u32 s11, s7;
	s28 =	sor.u32 s11, s8;
	s8 =	sor.u32 s29, s17;
	v20 =	vnsel vm7, $0x0, v25;
	v14 =	vld.idx.msk [tilespmem:v4+s3+$0x0], vm5;
	v4 =	vmov v9;
	v9 =	vmov v22  }
0x4d8: {  	s29 =	sor.u32 s11, s9;
	s20 =	smov.u32 s4;
	s26 =	sor.u32 s11, s8;
	v22 =	vnsel vm9, $0x0, v16;
	[tilespmem:s28+$0x14C80] =	vst v26;
	v16 =	vld.idx.msk [tilespmem:v6+s3+$0x0], vm4;
	v6 =	vmov v10;
	v10 =	vmov v23  }
0x4d9: {  	s25 =	sadd.s32 $0x50, s25;
	s4 =	smov.u32 s7;
	v23 =	vnsel vm3, $0x0, v27;
	v19 =	vld.idx.msk [tilespmem:v13+s1+$0x0], vm8;
	[tilespmem:s7+$0x14C80] =	vst v24  }
0x4da: {  	_ =	sdelay $0x1  }
0x4db: {  	[tilespmem:s29+$0x14C80] =	vst v21  }
0x4dc: {  	[tilespmem:s26+$0x14C80] =	vst v20  }
0x4dd: {  	vm8 =	vmmov vm8;
	[tilespmem:s20+$0x16C80] =	vst v22  }
0x4de: {  	v13 =	vnsel vm1, $0x0, v15;
	v46 =	vld.idx.msk [tilespmem:v7+s1+$0x0], vm10;
	[tilespmem:s14+$0x16C80] =	vst v23  }
0x4df: {  	v17 =	vnsel vm2, $0x0, v17;
	[tilespmem:s23+$0x15C80] =	vst v13;
	v47 =	vld.idx.msk [tilespmem:v9+s1+$0x0], vm6  }
0x4e0: {  	vm6 =	vmmov vm6;
	[tilespmem:s18+$0x16C80] =	vst v17;
	v48 =	vld.idx.msk [tilespmem:v10+s1+$0x0], vm7;
	v18 =	vnsel vm0, $0x0, v18  }
0x4e1: {  	vm7 =	vmmov vm7;
	[tilespmem:s19+$0x17C80] =	vst v18;
	v19 =	vnsel vm8, $0x0, v19  }
0x4e2: {  	vm11 =	vmmov vm3;
	v13 =	vld.idx.msk [tilespmem:v11+s2+$0x0], vm1;
	v14 =	vnsel vm5, $0x0, v14;
	[tilespmem:s28+$0x15C80] =	vst v19  }
0x4e3: {  	[tilespmem:s13+$0x17C80] =	vst v14;
	v50 =	vnsel vm10, $0x0, v46;
	v49 =	vld.idx.msk [tilespmem:v8+s2+$0x0], vm8  }
0x4e4: {  	v5 =	vld.idx.msk [tilespmem:v5+s3+$0x0], vm9;
	[tilespmem:s4+$0x15C80] =	vst v50;
	v52 =	vnsel vm6, $0x0, v47  }
0x4e5: {  	vm12 =	vmmov vm2;
	v53 =	vnsel vm7, $0x0, v48;
	[tilespmem:s29+$0x15C80] =	vst v52;
	v12 =	vld.idx.msk [tilespmem:v12+s2+$0x0], vm10  }
0x4e6: {  	v16 =	vnsel vm4, $0x0, v16;
	[tilespmem:s26+$0x15C80] =	vst v53;
	v54 =	vld.idx.msk [tilespmem:v9+s2+$0x0], vm6  }
0x4e7: {  	[tilespmem:s12+$0x17C80] =	vst v16;
	v13 =	vnsel vm1, $0x0, v13;
	v56 =	vld.idx.msk [tilespmem:v10+s2+$0x0], vm7  }
0x4e8: {  	v4 =	vld.idx.msk [tilespmem:v4+s3+$0x0], vm11;
	[tilespmem:s23+$0x16C80] =	vst v13;
	v55 =	vnsel vm8, $0x0, v49  }
0x4e9: {  	vm13 =	vmmov vm10;
	v5 =	vnsel vm9, $0x0, v5;
	v51 =	vld.idx.msk [tilespmem:v11+s3+$0x0], vm1;
	[tilespmem:s28+$0x16C80] =	vst v55  }
0x4ea: {  	[tilespmem:s20+$0x17C80] =	vst v5;
	v58 =	vnsel vm13, $0x0, v12;
	v57 =	vld.idx.msk [tilespmem:v8+s3+$0x0], vm8  }
0x4eb: {  	v6 =	vld.idx.msk [tilespmem:v6+s3+$0x0], vm12;
	v59 =	vnsel vm6, $0x0, v54;
	[tilespmem:s4+$0x16C80] =	vst v58  }
0x4ec: {  	v60 =	vnsel vm7, $0x0, v56;
	[tilespmem:s29+$0x16C80] =	vst v59;
	v61 =	vld.idx.msk [tilespmem:v7+s3+$0x0], vm10  }
0x4ed: {  	v4 =	vnsel vm11, $0x0, v4;
	[tilespmem:s26+$0x16C80] =	vst v60;
	v62 =	vld.idx.msk [tilespmem:v9+s3+$0x0], vm6  }
0x4ee: {  	s10 =	sadd.s32 $0x1, s10;
	[tilespmem:s14+$0x17C80] =	vst v4;
	v11 =	vnsel vm1, $0x0, v51;
	v63 =	vld.idx.msk [tilespmem:v10+s3+$0x0], vm7  }
0x4ef: {  	p1 =	sne.s32 s10, $0x8;
	[tilespmem:s23+$0x17C80] =	vst v11;
	v5 =	vnsel vm8, $0x0, v57  }
.Ltmp24:
0x4f0: {  	[tilespmem:s28+$0x17C80] =	vst v5;
	v5 =	vnsel vm12, $0x0, v6;
	(pc) =	sbr.rel @p1 .LBB2_49-.Ltmp24, $4  }
0x4f1: {  	vm14 =	vmmov vm6;
	v4 =	vnsel vm13, $0x0, v61;
	[tilespmem:s18+$0x17C80] =	vst v5  }
0x4f2: {  	vm15 =	vmmov vm7;
	[tilespmem:s4+$0x17C80] =	vst v4;
	v4 =	vnsel vm14, $0x0, v62  }
0x4f3: {  	v5 =	vnsel vm15, $0x0, v63;
	[tilespmem:s29+$0x17C80] =	vst v4  }
0x4f4: {  	s22 =	sadd.s32 $0x190, s22;
	[tilespmem:s26+$0x17C80] =	vst v5  }
0x4f5: {  	s6 =	sld [smem:$0x7FC];
	_ =	sdelay $0x1  }
0x4f6: {  	s4 =	sshll.u32 s15, $0xD  }
0x4f7: {  	s7 =	rddreg [dreg:$0x3];
	s6 =	sadd.s32 s6, s4  }
0x4f8: {  	s24 =	sld [smem:$0x7FA];
	s6 =	sshrl.u32 s6, $0x3  }
0x4f9: {  	s8 =	simm.s32 $0x14C80;
	s6 =	sadd.s32 s7, s6  }
0x4fa: {  	[hbm4b:s6+s5] =	stream.linear.scatter [tilespmem:s8], [sflag:$0x3], $0x1000, $0x38;
	[tilespmem:$0x1CC80] =	vst v63  }
0x4fb: {  	s6 =	sadd.s32 s24, s4  }
0x4fc: {  	s26 =	sld [smem:$0x7FB];
	s6 =	sshrl.u32 s6, $0x3  }
0x4fd: {  	s25 =	simm.s32 $0x15C80;
	s29 =	sld [smem:$0x7FD];
	s6 =	sadd.s32 s7, s6  }
0x4fe: {  	[hbm4b:s6+s5] =	stream.linear.scatter [tilespmem:s25], [sflag:$0x3], $0x1000, $0x38;
	[tilespmem:$0x1CC80] =	vst v63  }
0x4ff: {  	s6 =	sadd.s32 s26, s4  }
0x500: {  	s4 =	sadd.s32 s29, s4;
	s6 =	sshrl.u32 s6, $0x3  }
0x501: {  	s28 =	simm.s32 $0x16C80;
	s4 =	sshrl.u32 s4, $0x3;
	s6 =	sadd.s32 s7, s6  }
0x502: {  	[hbm4b:s6+s5] =	stream.linear.scatter [tilespmem:s28], [sflag:$0x3], $0x1000, $0x38;
	[tilespmem:$0x1CC80] =	vst v63  }
0x503: {  	s30 =	simm.s32 $0x17C80;
	s31 =	simm.s32 $0x2;
	s4 =	sadd.s32 s7, s4  }
0x504: {  	[hbm4b:s4+s5] =	stream.linear.scatter [tilespmem:s30], [sflag:$0x3], $0x1000, $0x38;
	[tilespmem:$0x1CC80] =	vst v63  }
0x505: {  	_ =	swait.ge [sflag:s31], $0xC80  }
0x506: {  	s4 =	sld [smem:$0x7F4]  }
0x507: {  	s21 =	sor.u32 $0x1, s21  }
0x508: {  	p1 =	sgt.u32 s21, $0x30;
	s6 =	sld [smem:$0x7F1]  }
0x509: {  	s4 =	sadd.s32 @!p1 s16, s4  }
0x50a: {  	s7 =	simm.s32 @!p1 $0x13380;
	[sflag:s31] =	ssyncset.done $0x0;
	s4 =	sshrl.u32 @!p1 s4, $0x3  }
0x50b: {  	[sflag:s31] =	ssyncadd.s32 $0xFFFFF380;
	s4 =	sadd.s32 @!p1 s6, s4;
	s6 =	simm.s32 @!p1 $0x0  }
0x50c: {  	[tilespmem:s7], [sflag:$0x1] =	stream.linear.gather @!p1 [hbm4b:s4+s6], $0xC80, $0x38;
	[tilespmem:$0x1CC80] =	vst v63  }
0x50d: {  	s4 =	simm.s32 @!p0 $0x4  }
0x50e: {  	_ =	swait.ge @!p0 [sflag:s4], $0x1000  }
0x50f: {  	[sflag:s4] =	ssyncset.done @!p0 $0x0  }
0x510: {  	[sflag:s4] =	ssyncadd.s32 @!p0 $0xFFFFF000  }
0x511: {  	_ =	swait.ge @!p0 [sflag:s4], $0x1000  }
0x512: {  	[sflag:s4] =	ssyncset.done @!p0 $0x0  }
0x513: {  	[sflag:s4] =	ssyncadd.s32 @!p0 $0xFFFFF000  }
0x514: {  	_ =	swait.ge @!p0 [sflag:s4], $0x1000  }
0x515: {  	[sflag:s4] =	ssyncset.done @!p0 $0x0  }
0x516: {  	[sflag:s4] =	ssyncadd.s32 @!p0 $0xFFFFF000  }
0x517: {  	_ =	swait.ge @!p0 [sflag:s4], $0x1000  }
0x518: {  	s10 =	simm.s32 $0x14020;
	[sflag:s4] =	ssyncset.done @!p0 $0x0  }
0x519: {  	s22 =	simm.s32 $0x0;
	s16 =	simm.s32 $0x0;
	[sflag:s4] =	ssyncadd.s32 @!p0 $0xFFFFF000  }
.LBB2_53:
0x51a: {  	v7 =	vld [tilespmem:s10+$0x20]  }
0x51b: {  	v15 =	vld [tilespmem:s10+$0xFFFFFFF0]  }
0x51c: {  	v8 =	vld [tilespmem:s10+$0xFFFFFFE0];
	_ =	sdelay $0x2  }
0x51d: {  	v13 =	vld [tilespmem:s10+$0x0];
	vm2 =	vlt.s32 v7, $0x3E80  }
0x51e: {  	vm3 =	vlt.s32 v15, $0x3E80  }
0x51f: {  	vm0 =	vlt.s32 v8, $0x3E80;
	_ =	sdelay $0x2  }
0x520: {  	v12 =	vld [tilespmem:s10+$0x10];
	vm4 =	vlt.s32 v13, $0x3E80  }
0x521: {  	s4 =	simm.s32 $0x40;
	s6 =	simm.s32 $0x200;
	v4 =	vld.idx.msk [tilespmem:v7+s0+$0x0], vm2  }
0x522: {  	s4 =	sand.u32 $0x70, s4;
	s6 =	sand.u32 $0x1C00, s6;
	v6 =	vld.idx.msk [tilespmem:v15+s0+$0x0], vm3  }
0x523: {  	s11 =	sshll.u32 s22, $0x7;
	s14 =	simm.s32 $0x0;
	s4 =	sor.u32 s6, s4;
	v5 =	vld.idx.msk [tilespmem:v8+s0+$0x0], vm0  }
0x524: {  	s23 =	sor.u32 s11, s4;
	s4 =	sand.u32 $0x70, s14;
	s14 =	sadd.s32 $0x50, s10  }
0x525: {  	v16 =	vld [tilespmem:s14+$0x20];
	vm6 =	vlt.s32 v12, $0x3E80;
	vm1 =	vmmov vm2  }
0x526: {  	s17 =	sand.u32 $0xC00, s16;
	v9 =	vld.idx.msk [tilespmem:v13+s0+$0x0], vm4;
	vm3 =	vmmov vm3;
	v4 =	vnsel vm1, $0x0, v4  }
0x527: {  	s18 =	simm.s32 $0x80;
	s4 =	sor.u32 s17, s4;
	v18 =	vnsel vm3, $0x0, v6;
	v6 =	vld [tilespmem:s14+$0x10];
	[tilespmem:s23+$0x18C80] =	vst v4  }
0x528: {  	s7 =	simm.s32 $0x10;
	s8 =	simm.s32 $0x20;
	s6 =	sor.u32 s11, s4;
	v5 =	vnsel vm0, $0x0, v5;
	v4 =	vld.idx.msk [tilespmem:v7+s1+$0x0], vm2  }
0x529: {  	s9 =	simm.s32 $0x100;
	s7 =	sand.u32 $0x70, s7;
	s4 =	sand.u32 $0x1C00, s18;
	[tilespmem:s6+$0x18C80] =	vst v5;
	v5 =	vld [tilespmem:s14+$0xFFFFFFF0]  }
0x52a: {  	s8 =	sand.u32 $0x70, s8;
	s9 =	sand.u32 $0x1C00, s9;
	v14 =	vld [tilespmem:s14+$0xFFFFFFE0];
	s4 =	sor.u32 s4, s7  }
0x52b: {  	s13 =	simm.s32 $0x180;
	s8 =	sor.u32 s9, s8;
	s4 =	sor.u32 s11, s4;
	v10 =	vld.idx.msk [tilespmem:v12+s0+$0x0], vm6  }
0x52c: {  	s19 =	sand.u32 $0x1C00, s13;
	s13 =	sor.u32 s11, s8;
	v9 =	vnsel vm4, $0x0, v9;
	[tilespmem:s4+$0x18C80] =	vst v18;
	v11 =	vld.idx.msk [tilespmem:v8+s1+$0x0], vm0  }
0x52d: {  	s12 =	simm.s32 $0x30;
	[tilespmem:s13+$0x18C80] =	vst v9;
	vm5 =	vlt.s32 v6, $0x3E80;
	v4 =	vnsel vm1, $0x0, v4  }
0x52e: {  	s12 =	sand.u32 $0x70, s12;
	v9 =	vld.idx.msk [tilespmem:v15+s1+$0x0], vm3;
	vm7 =	vlt.s32 v5, $0x3E80;
	[tilespmem:s23+$0x19C80] =	vst v4  }
0x52f: {  	s7 =	sor.u32 s19, s12;
	vm8 =	vlt.s32 v16, $0x3E80;
	v17 =	vld.idx.msk [tilespmem:v7+s2+$0x0], vm2  }
0x530: {  	s12 =	sor.u32 s11, s7;
	v10 =	vnsel vm6, $0x0, v10;
	v4 =	vld [tilespmem:s14+$0x0];
	vm2 =	vmmov vm0  }
0x531: {  	[tilespmem:s12+$0x18C80] =	vst v10;
	vm0 =	vlt.s32 v14, $0x3E80;
	v10 =	vnsel vm2, $0x0, v11;
	v11 =	vld.idx.msk [tilespmem:v13+s1+$0x0], vm4  }
0x532: {  	[tilespmem:s6+$0x19C80] =	vst v10;
	v10 =	vld.idx.msk [tilespmem:v12+s1+$0x0], vm6  }
0x533: {  	v22 =	vld.idx.msk [tilespmem:v6+s0+$0x0], vm5  }
0x534: {  	s20 =	simm.s32 $0x480;
	s24 =	simm.s32 $0x90;
	vm4 =	vmmov vm4;
	v20 =	vld.idx.msk [tilespmem:v5+s0+$0x0], vm7;
	v17 =	vnsel vm1, $0x0, v17  }
0x535: {  	s8 =	sand.u32 $0x70, s24;
	s7 =	sand.u32 $0x1C00, s20;
	vm12 =	vlt.s32 v4, $0x3E80;
	[tilespmem:s23+$0x1AC80] =	vst v17;
	v17 =	vld.idx.msk [tilespmem:v16+s0+$0x0], vm8  }
0x536: {  	s25 =	simm.s32 $0x280;
	s7 =	sor.u32 s7, s8;
	v19 =	vld.idx.msk [tilespmem:v7+s3+$0x0], vm1  }
0x537: {  	s24 =	sor.u32 s11, s7;
	s7 =	sand.u32 $0xC00, s25;
	s25 =	sadd.s32 $0x50, s14;
	v11 =	vnsel vm4, $0x0, v11;
	v7 =	vld.idx.msk [tilespmem:v14+s0+$0x0], vm0  }
0x538: {  	[tilespmem:s13+$0x19C80] =	vst v11;
	v11 =	vld [tilespmem:s25+$0x20]  }
0x539: {  	v18 =	vld.idx.msk [tilespmem:v8+s2+$0x0], vm2  }
0x53a: {  	s26 =	simm.s32 $0x50;
	vm10 =	vmmov vm8;
	v9 =	vnsel vm3, $0x0, v9;
	v23 =	vld.idx.msk [tilespmem:v13+s2+$0x0], vm4  }
0x53b: {  	vm9 =	vmmov vm6;
	s8 =	sand.u32 $0x70, s26;
	[tilespmem:s4+$0x19C80] =	vst v9;
	v21 =	vld.idx.msk [tilespmem:v4+s0+$0x0], vm12;
	v9 =	vnsel vm10, $0x0, v17  }
0x53c: {  	s7 =	sor.u32 s7, s8;
	v17 =	vld.idx.msk [tilespmem:v15+s2+$0x0], vm3;
	[tilespmem:s24+$0x18C80] =	vst v9;
	v9 =	vnsel vm9, $0x0, v10  }
0x53d: {  	s19 =	sor.u32 s11, s7;
	v7 =	vnsel vm0, $0x0, v7;
	vm15 =	vlt.s32 v11, $0x3E80;
	v10 =	vld.idx.msk [tilespmem:v16+s1+$0x0], vm8;
	[tilespmem:s12+$0x19C80] =	vst v9  }
0x53e: {  	vm14 =	vmmov vm3;
	v9 =	vnsel vm2, $0x0, v18;
	[tilespmem:s19+$0x18C80] =	vst v7;
	v18 =	vld.idx.msk [tilespmem:v12+s2+$0x0], vm6  }
0x53f: {  	v25 =	vld.idx.msk [tilespmem:v14+s1+$0x0], vm0  }
0x540: {  	v19 =	vnsel vm1, $0x0, v19;
	[tilespmem:s6+$0x1AC80] =	vst v9;
	v9 =	vld [tilespmem:s25+$0x0]  }
0x541: {  	s30 =	simm.s32 $0x300;
	s9 =	simm.s32 $0x60;
	s20 =	simm.s32 $0x380;
	[tilespmem:s23+$0x1BC80] =	vst v19;
	v19 =	vnsel vm4, $0x0, v23;
	v24 =	vld.idx.msk [tilespmem:v8+s3+$0x0], vm2  }
0x542: {  	s8 =	sand.u32 $0x70, s9;
	s7 =	sand.u32 $0x1C00, s30;
	s14 =	simm.s32 $0x70;
	[tilespmem:s13+$0x1AC80] =	vst v19;
	v8 =	vld [tilespmem:s25+$0xFFFFFFE0];
	v17 =	vnsel vm14, $0x0, v17  }
0x543: {  	s7 =	sor.u32 s7, s8;
	vm11 =	vmmov vm7;
	s9 =	sand.u32 $0x70, s14;
	s14 =	sand.u32 $0x1C00, s20;
	[tilespmem:s4+$0x1AC80] =	vst v17;
	v7 =	vnsel vm10, $0x0, v10;
	v60 =	vld.idx.msk [tilespmem:v11+s0+$0x0], vm15  }
0x544: {  	s20 =	sor.u32 s11, s7;
	s9 =	sor.u32 s14, s9;
	v10 =	vnsel vm11, $0x0, v20;
	v19 =	vld.idx.msk [tilespmem:v15+s3+$0x0], vm14;
	[tilespmem:s24+$0x19C80] =	vst v7  }
0x545: {  	s17 =	simm.s32 $0x80;
	s18 =	simm.s32 $0x400;
	s14 =	sor.u32 s11, s9;
	v20 =	vnsel vm12, $0x0, v21;
	v7 =	vld [tilespmem:s25+$0xFFFFFFF0];
	[tilespmem:s20+$0x18C80] =	vst v10;
	vm6 =	vlt.s32 v9, $0x3E80  }
0x546: {  	s17 =	sand.u32 $0x70, s17;
	s26 =	sand.u32 $0x1C00, s18;
	[tilespmem:s14+$0x18C80] =	vst v20;
	v20 =	vld.idx.msk [tilespmem:v5+s1+$0x0], vm7  }
0x547: {  	s31 =	simm.s32 $0xE0;
	s30 =	sor.u32 s26, s17;
	s8 =	simm.s32 $0x700;
	vm0 =	vmmov vm0;
	v26 =	vld.idx.msk [tilespmem:v16+s2+$0x0], vm8  }
0x548: {  	s18 =	sor.u32 s11, s30;
	s7 =	sand.u32 $0x1C00, s8;
	s9 =	sand.u32 $0x70, s31;
	v21 =	vnsel vm5, $0x0, v22;
	v10 =	vld [tilespmem:s25+$0x10]  }
0x549: {  	s7 =	sor.u32 s7, s9;
	vm1 =	vmmov vm15;
	[tilespmem:s18+$0x18C80] =	vst v21;
	vm8 =	vlt.s32 v8, $0x3E80;
	v21 =	vld.idx.msk [tilespmem:v4+s1+$0x0], vm12;
	v17 =	vnsel vm2, $0x0, v24  }
0x54a: {  	s23 =	sor.u32 s11, s7;
	v59 =	vld.idx.msk [tilespmem:v6+s1+$0x0], vm5;
	[tilespmem:s6+$0x1BC80] =	vst v17;
	v15 =	vnsel vm1, $0x0, v60  }
0x54b: {  	v22 =	vnsel vm0, $0x0, v25;
	[tilespmem:s23+$0x18C80] =	vst v15;
	v17 =	vnsel vm11, $0x0, v20;
	v20 =	vld.idx.msk [tilespmem:v9+s0+$0x0], vm6  }
0x54c: {  	[tilespmem:s19+$0x19C80] =	vst v22;
	vm13 =	vlt.s32 v7, $0x3E80;
	v22 =	vnsel vm10, $0x0, v26;
	v15 =	vld.idx.msk [tilespmem:v11+s1+$0x0], vm15  }
0x54d: {  	vm7 =	vlt.s32 v10, $0x3E80;
	[tilespmem:s24+$0x1AC80] =	vst v22;
	v22 =	vld.idx.msk [tilespmem:v14+s2+$0x0], vm0  }
0x54e: {  	vm3 =	vmmov vm12;
	vm2 =	vmmov vm5;
	v16 =	vld.idx.msk [tilespmem:v16+s3+$0x0], vm10  }
0x54f: {  	v23 =	vld.idx.msk [tilespmem:v8+s0+$0x0], vm8;
	[tilespmem:s20+$0x19C80] =	vst v17;
	v17 =	vnsel vm3, $0x0, v21  }
0x550: {  	s17 =	simm.s32 $0xA0;
	s30 =	simm.s32 $0xC0;
	vm5 =	vmmov vm4;
	[tilespmem:s14+$0x19C80] =	vst v17;
	v63 =	vld.idx.msk [tilespmem:v5+s2+$0x0], vm11  }
0x551: {  	s8 =	simm.s32 $0x580;
	s7 =	sand.u32 $0x70, s17;
	s17 =	simm.s32 $0xB0;
	vm4 =	vmmov vm9;
	v17 =	vnsel vm2, $0x0, v59;
	v27 =	vld.idx.msk [tilespmem:v4+s2+$0x0], vm12  }
0x552: {  	s8 =	sand.u32 $0x1C00, s8;
	s17 =	sand.u32 $0x70, s17;
	s6 =	simm.s32 $0x500;
	[tilespmem:s18+$0x19C80] =	vst v17;
	v61 =	vld.idx.msk [tilespmem:v7+s0+$0x0], vm13;
	v17 =	vnsel vm0, $0x0, v22  }
0x553: {  	s9 =	sand.u32 $0x70, s30;
	s8 =	sor.u32 s8, s17;
	s26 =	sand.u32 $0xC00, s6;
	v62 =	vld.idx.msk [tilespmem:v10+s0+$0x0], vm7;
	v16 =	vnsel vm10, $0x0, v16;
	[tilespmem:s19+$0x1AC80] =	vst v17  }
0x554: {  	s25 =	sadd.s32 $0x50, s25;
	s7 =	sor.u32 s26, s7;
	s26 =	simm.s32 $0x600;
	v17 =	vld.idx.msk [tilespmem:v6+s2+$0x0], vm2;
	[tilespmem:s24+$0x1BC80] =	vst v16;
	v16 =	vnsel vm14, $0x0, v19  }
0x555: {  	s30 =	sand.u32 $0x1C00, s26;
	s26 =	simm.s32 $0x680;
	s24 =	simm.s32 $0xD0;
	[tilespmem:s4+$0x1BC80] =	vst v16;
	v16 =	vnsel vm9, $0x0, v18;
	v18 =	vld.idx.msk [tilespmem:v14+s3+$0x0], vm0  }
0x556: {  	s28 =	sor.u32 s11, s7;
	s17 =	sand.u32 $0x1C00, s26;
	vm10 =	vmmov vm13;
	s4 =	sand.u32 $0x70, s24;
	v14 =	vld.idx.msk [tilespmem:v13+s3+$0x0], vm5;
	[tilespmem:s12+$0x1AC80] =	vst v16;
	v16 =	vnsel vm8, $0x0, v23  }
0x557: {  	s9 =	sor.u32 s30, s9;
	v21 =	vnsel vm6, $0x0, v20;
	vm9 =	vmmov vm11;
	s30 =	sor.u32 s17, s4;
	v13 =	vnsel vm10, $0x0, v61;
	s4 =	sor.u32 s11, s8;
	[tilespmem:s28+$0x18C80] =	vst v16;
	v16 =	vld.idx.msk [tilespmem:v12+s3+$0x0], vm4  }
0x558: {  	s29 =	sor.u32 s11, s9;
	s24 =	simm.s32 $0xA;
	v20 =	vnsel vm7, $0x0, v62;
	v22 =	vnsel vm9, $0x0, v63;
	v23 =	vnsel vm3, $0x0, v27;
	s26 =	sor.u32 s11, s30;
	[tilespmem:s4+$0x18C80] =	vst v13;
	v12 =	vmovc v7;
	v19 =	vld.idx.msk [tilespmem:v8+s1+$0x0], vm8  }
.LBB2_54:
0x559: {  	v24 =	vld [tilespmem:s25+$0x20];
	s24 =	sadd.s32 $0x5, s24;
	[tilespmem:s29+$0x18C80] =	vst v21;
	v15 =	vnsel vm1, $0x0, v15  }
0x55a: {  	v13 =	vld [tilespmem:s25+$0xFFFFFFE0];
	p0 =	slt.u32 s24, $0x14;
	[tilespmem:s23+$0x19C80] =	vst v15;
	v15 =	vnsel vm2, $0x0, v17  }
0x55b: {  	v18 =	vnsel vm0, $0x0, v18;
	vm0 =	vmmov vm8;
	[tilespmem:s26+$0x18C80] =	vst v20;
	v17 =	vld.idx.msk [tilespmem:v11+s2+$0x0], vm1  }
0x55c: {  	v14 =	vnsel vm5, $0x0, v14;
	vm5 =	vmmov vm3;
	vm3 =	vmmov vm6;
	v20 =	vld [tilespmem:s25+$0xFFFFFFF0];
	[tilespmem:s20+$0x1AC80] =	vst v22  }
0x55d: {  	v16 =	vnsel vm4, $0x0, v16;
	vm4 =	vmmov vm2;
	vm2 =	vmmov vm7;
	v22 =	vld [tilespmem:s25+$0x0];
	[tilespmem:s14+$0x1AC80] =	vst v23  }
0x55e: {  	v19 =	vnsel vm0, $0x0, v19;
	v23 =	vld [tilespmem:s25+$0x10];
	vm11 =	vlt.s32 v24, $0x3E80;
	[tilespmem:s18+$0x1AC80] =	vst v15  }
0x55f: {  	vm8 =	vlt.s32 v13, $0x3E80;
	[tilespmem:s28+$0x19C80] =	vst v19;
	v15 =	vld.idx.msk [tilespmem:v7+s1+$0x0], vm10  }
0x560: {  	v19 =	vld.idx.msk [tilespmem:v9+s1+$0x0], vm6;
	[tilespmem:s19+$0x1BC80] =	vst v18;
	s19 =	smov.u32 s28  }
0x561: {  	v17 =	vnsel vm1, $0x0, v17;
	vm12 =	vlt.s32 v20, $0x3E80;
	v18 =	vld.idx.msk [tilespmem:v10+s1+$0x0], vm7;
	[tilespmem:s13+$0x1BC80] =	vst v14;
	s13 =	smov.u32 s14;
	s14 =	smov.u32 s29  }
0x562: {  	vm6 =	vlt.s32 v22, $0x3E80;
	v14 =	vld.idx.msk [tilespmem:v8+s2+$0x0], vm0;
	[tilespmem:s23+$0x1AC80] =	vst v17  }
0x563: {  	vm7 =	vlt.s32 v23, $0x3E80;
	v17 =	vld.idx.msk [tilespmem:v11+s3+$0x0], vm1;
	[tilespmem:s12+$0x1BC80] =	vst v16;
	v11 =	vmov v24;
	s12 =	smov.u32 s18;
	s18 =	smov.u32 s26  }
0x564: {  	v16 =	vld.idx.msk [tilespmem:v24+s0+$0x0], vm11  }
0x565: {  	v15 =	vnsel vm10, $0x0, v15;
	v21 =	vld.idx.msk [tilespmem:v13+s0+$0x0], vm8  }
0x566: {  	s6 =	sadd.s32 $0x280, s6;
	s31 =	sadd.s32 $0x50, s31;
	[tilespmem:s4+$0x19C80] =	vst v15;
	v15 =	vnsel vm3, $0x0, v19;
	v19 =	vld.idx.msk [tilespmem:v5+s3+$0x0], vm9;
	v5 =	vmov v7;
	v7 =	vmov v20  }
0x567: {  	s7 =	sadd.s32 $0x80, s6;
	s8 =	sadd.s32 $0x200, s6;
	s9 =	sadd.s32 $0xFFFFFFD0, s31;
	v24 =	vld.idx.msk [tilespmem:v20+s0+$0x0], vm12;
	[tilespmem:s14+$0x19C80] =	vst v15;
	v15 =	vnsel vm2, $0x0, v18  }
0x568: {  	s17 =	sand.u32 $0x70, s31;
	s30 =	sand.u32 $0xC00, s6;
	s8 =	sand.u32 $0x1C00, s8;
	v14 =	vnsel vm0, $0x0, v14;
	v18 =	vld.idx.msk [tilespmem:v22+s0+$0x0], vm6;
	[tilespmem:s18+$0x19C80] =	vst v15  }
0x569: {  	s8 =	sor.u32 s8, s17;
	s28 =	sadd.s32 $0x100, s6;
	s26 =	sadd.s32 $0xFFFFFFE0, s31;
	v25 =	vld.idx.msk [tilespmem:v23+s0+$0x0], vm7;
	[tilespmem:s19+$0x1AC80] =	vst v14;
	v14 =	vnsel vm1, $0x0, v17;
	vm1 =	vmmov vm11  }
0x56a: {  	s17 =	sadd.s32 $0xFFFFFFF0, s31;
	s29 =	sadd.s32 $0x180, s6;
	v15 =	vnsel vm1, $0x0, v16;
	v16 =	vld.idx.msk [tilespmem:v12+s2+$0x0], vm10;
	[tilespmem:s23+$0x1BC80] =	vst v14;
	s23 =	sor.u32 s11, s8;
	v12 =	vmov v20  }
0x56b: {  	s9 =	sand.u32 $0x70, s9;
	s7 =	sand.u32 $0x1C00, s7;
	s8 =	sadd.s32 $0xFFFFFFC0, s31;
	v26 =	vnsel vm8, $0x0, v21;
	[tilespmem:s23+$0x18C80] =	vst v15;
	v27 =	vld.idx.msk [tilespmem:v9+s2+$0x0], vm3  }
0x56c: {  	s28 =	sand.u32 $0x1C00, s28;
	s26 =	sand.u32 $0x70, s26;
	s8 =	sand.u32 $0x70, s8;
	v14 =	vnsel vm9, $0x0, v19;
	vm9 =	vmmov vm10;
	vm10 =	vmmov vm12;
	v15 =	vld.idx.msk [tilespmem:v11+s1+$0x0], vm11  }
.Ltmp25:
0x56d: {  	s17 =	sand.u32 $0x70, s17;
	s29 =	sand.u32 $0x1C00, s29;
	v24 =	vnsel vm10, $0x0, v24;
	v17 =	vld.idx.msk [tilespmem:v10+s2+$0x0], vm2;
	[tilespmem:s20+$0x1BC80] =	vst v14;
	(pc) =	sbr.rel @p0 .LBB2_54-.Ltmp25, $4  }
0x56e: {  	s7 =	sor.u32 s7, s9;
	s9 =	sor.u32 s28, s26;
	s8 =	sor.u32 s30, s8;
	v21 =	vnsel vm6, $0x0, v18;
	v18 =	vld.idx.msk [tilespmem:v8+s3+$0x0], vm0;
	v8 =	vmov v13  }
0x56f: {  	s7 =	sor.u32 s11, s7;
	s28 =	sor.u32 s11, s8;
	s8 =	sor.u32 s29, s17;
	v20 =	vnsel vm7, $0x0, v25;
	v14 =	vld.idx.msk [tilespmem:v4+s3+$0x0], vm5;
	v4 =	vmov v9;
	v9 =	vmov v22  }
0x570: {  	s29 =	sor.u32 s11, s9;
	s20 =	smov.u32 s4;
	s26 =	sor.u32 s11, s8;
	v22 =	vnsel vm9, $0x0, v16;
	[tilespmem:s28+$0x18C80] =	vst v26;
	v16 =	vld.idx.msk [tilespmem:v6+s3+$0x0], vm4;
	v6 =	vmov v10;
	v10 =	vmov v23  }
0x571: {  	s25 =	sadd.s32 $0x50, s25;
	s4 =	smov.u32 s7;
	v23 =	vnsel vm3, $0x0, v27;
	v19 =	vld.idx.msk [tilespmem:v13+s1+$0x0], vm8;
	[tilespmem:s7+$0x18C80] =	vst v24  }
0x572: {  	_ =	sdelay $0x1  }
0x573: {  	[tilespmem:s29+$0x18C80] =	vst v21  }
0x574: {  	[tilespmem:s26+$0x18C80] =	vst v20  }
0x575: {  	vm8 =	vmmov vm8;
	[tilespmem:s20+$0x1AC80] =	vst v22  }
0x576: {  	v13 =	vnsel vm1, $0x0, v15;
	v46 =	vld.idx.msk [tilespmem:v7+s1+$0x0], vm10;
	[tilespmem:s14+$0x1AC80] =	vst v23  }
0x577: {  	v17 =	vnsel vm2, $0x0, v17;
	[tilespmem:s23+$0x19C80] =	vst v13;
	v47 =	vld.idx.msk [tilespmem:v9+s1+$0x0], vm6  }
0x578: {  	vm6 =	vmmov vm6;
	[tilespmem:s18+$0x1AC80] =	vst v17;
	v48 =	vld.idx.msk [tilespmem:v10+s1+$0x0], vm7;
	v18 =	vnsel vm0, $0x0, v18  }
0x579: {  	vm7 =	vmmov vm7;
	[tilespmem:s19+$0x1BC80] =	vst v18;
	v19 =	vnsel vm8, $0x0, v19  }
0x57a: {  	vm11 =	vmmov vm3;
	v13 =	vld.idx.msk [tilespmem:v11+s2+$0x0], vm1;
	v14 =	vnsel vm5, $0x0, v14;
	[tilespmem:s28+$0x19C80] =	vst v19  }
0x57b: {  	[tilespmem:s13+$0x1BC80] =	vst v14;
	v50 =	vnsel vm10, $0x0, v46;
	v49 =	vld.idx.msk [tilespmem:v8+s2+$0x0], vm8  }
0x57c: {  	v5 =	vld.idx.msk [tilespmem:v5+s3+$0x0], vm9;
	[tilespmem:s4+$0x19C80] =	vst v50;
	v52 =	vnsel vm6, $0x0, v47  }
0x57d: {  	vm12 =	vmmov vm2;
	v53 =	vnsel vm7, $0x0, v48;
	[tilespmem:s29+$0x19C80] =	vst v52;
	v12 =	vld.idx.msk [tilespmem:v12+s2+$0x0], vm10  }
0x57e: {  	v16 =	vnsel vm4, $0x0, v16;
	[tilespmem:s26+$0x19C80] =	vst v53;
	v54 =	vld.idx.msk [tilespmem:v9+s2+$0x0], vm6  }
0x57f: {  	[tilespmem:s12+$0x1BC80] =	vst v16;
	v13 =	vnsel vm1, $0x0, v13;
	v56 =	vld.idx.msk [tilespmem:v10+s2+$0x0], vm7  }
0x580: {  	v4 =	vld.idx.msk [tilespmem:v4+s3+$0x0], vm11;
	[tilespmem:s23+$0x1AC80] =	vst v13;
	v55 =	vnsel vm8, $0x0, v49  }
0x581: {  	vm13 =	vmmov vm10;
	v5 =	vnsel vm9, $0x0, v5;
	v51 =	vld.idx.msk [tilespmem:v11+s3+$0x0], vm1;
	[tilespmem:s28+$0x1AC80] =	vst v55  }
0x582: {  	[tilespmem:s20+$0x1BC80] =	vst v5;
	v58 =	vnsel vm13, $0x0, v12;
	v57 =	vld.idx.msk [tilespmem:v8+s3+$0x0], vm8  }
0x583: {  	v6 =	vld.idx.msk [tilespmem:v6+s3+$0x0], vm12;
	v59 =	vnsel vm6, $0x0, v54;
	[tilespmem:s4+$0x1AC80] =	vst v58  }
0x584: {  	v60 =	vnsel vm7, $0x0, v56;
	[tilespmem:s29+$0x1AC80] =	vst v59;
	v61 =	vld.idx.msk [tilespmem:v7+s3+$0x0], vm10  }
0x585: {  	v4 =	vnsel vm11, $0x0, v4;
	[tilespmem:s26+$0x1AC80] =	vst v60;
	v62 =	vld.idx.msk [tilespmem:v9+s3+$0x0], vm6  }
0x586: {  	s22 =	sadd.s32 $0x1, s22;
	[tilespmem:s14+$0x1BC80] =	vst v4;
	v11 =	vnsel vm1, $0x0, v51;
	v63 =	vld.idx.msk [tilespmem:v10+s3+$0x0], vm7  }
0x587: {  	p0 =	sne.s32 s22, $0x8;
	[tilespmem:s23+$0x1BC80] =	vst v11;
	v5 =	vnsel vm8, $0x0, v57  }
.Ltmp26:
0x588: {  	[tilespmem:s28+$0x1BC80] =	vst v5;
	v5 =	vnsel vm12, $0x0, v6;
	(pc) =	sbr.rel @p0 .LBB2_53-.Ltmp26, $4  }
0x589: {  	vm14 =	vmmov vm6;
	v4 =	vnsel vm13, $0x0, v61;
	[tilespmem:s18+$0x1BC80] =	vst v5  }
0x58a: {  	vm15 =	vmmov vm7;
	[tilespmem:s4+$0x1BC80] =	vst v4;
	v4 =	vnsel vm14, $0x0, v62  }
0x58b: {  	v5 =	vnsel vm15, $0x0, v63;
	[tilespmem:s29+$0x1BC80] =	vst v4  }
0x58c: {  	s10 =	sadd.s32 $0x190, s10;
	[tilespmem:s26+$0x1BC80] =	vst v5  }
0x58d: {  	s6 =	sld [smem:$0x7FC];
	_ =	sdelay $0x1  }
0x58e: {  	s4 =	sshll.u32 s21, $0xC  }
0x58f: {  	s7 =	rddreg [dreg:$0x3];
	s6 =	sadd.s32 s6, s4  }
0x590: {  	s25 =	sld [smem:$0x7FA];
	s6 =	sshrl.u32 s6, $0x3  }
0x591: {  	s8 =	simm.s32 $0x18C80;
	s6 =	sadd.s32 s7, s6  }
0x592: {  	[hbm4b:s6+s5] =	stream.linear.scatter [tilespmem:s8], [sflag:$0x4], $0x1000, $0x38;
	[tilespmem:$0x1CC80] =	vst v63  }
0x593: {  	s6 =	sadd.s32 s25, s4  }
0x594: {  	s26 =	simm.s32 $0x19C80;
	s28 =	sld [smem:$0x7FB];
	s6 =	sshrl.u32 s6, $0x3  }
0x595: {  	s30 =	sld [smem:$0x7FD];
	s15 =	sadd.s32 $0x1, s15;
	s6 =	sadd.s32 s7, s6  }
0x596: {  	[hbm4b:s6+s5] =	stream.linear.scatter [tilespmem:s26], [sflag:$0x4], $0x1000, $0x38;
	[tilespmem:$0x1CC80] =	vst v63  }
0x597: {  	p0 =	sne.s32 s15, $0x19;
	s6 =	sadd.s32 s28, s4  }
.Ltmp27:
0x598: {  	s4 =	sadd.s32 s30, s4;
	s6 =	sshrl.u32 s6, $0x3;
	(pc) =	sbr.rel @p0 .LBB2_48-.Ltmp27, $4  }
0x599: {  	s29 =	simm.s32 $0x1AC80;
	s4 =	sshrl.u32 s4, $0x3;
	s6 =	sadd.s32 s7, s6  }
0x59a: {  	[hbm4b:s6+s5] =	stream.linear.scatter [tilespmem:s29], [sflag:$0x4], $0x1000, $0x38;
	[tilespmem:$0x1CC80] =	vst v63  }
0x59b: {  	s31 =	simm.s32 $0x1BC80;
	s4 =	sadd.s32 s7, s4  }
0x59c: {  	[hbm4b:s4+s5] =	stream.linear.scatter [tilespmem:s31], [sflag:$0x4], $0x1000, $0x38;
	[tilespmem:$0x1CC80] =	vst v63  }
0x59d: {  	s4 =	simm.s32 $0x3  }
0x59e: {  	_ =	swait.ge [sflag:s4], $0x1000  }
0x59f: {  	[sflag:s4] =	ssyncset.done $0x0  }
0x5a0: {  	[sflag:s4] =	ssyncadd.s32 $0xFFFFF000  }
0x5a1: {  	_ =	swait.ge [sflag:s4], $0x1000  }
0x5a2: {  	[sflag:s4] =	ssyncset.done $0x0  }
0x5a3: {  	[sflag:s4] =	ssyncadd.s32 $0xFFFFF000  }
0x5a4: {  	_ =	swait.ge [sflag:s4], $0x1000  }
0x5a5: {  	[sflag:s4] =	ssyncset.done $0x0  }
0x5a6: {  	[sflag:s4] =	ssyncadd.s32 $0xFFFFF000  }
0x5a7: {  	_ =	swait.ge [sflag:s4], $0x1000  }
0x5a8: {  	[sflag:s4] =	ssyncset.done $0x0  }
0x5a9: {  	s6 =	simm.s32 $0x4;
	[sflag:s4] =	ssyncadd.s32 $0xFFFFF000  }
0x5aa: {  	_ =	swait.ge [sflag:s6], $0x1000  }
0x5ab: {  	[sflag:s6] =	ssyncset.done $0x0  }
0x5ac: {  	[sflag:s6] =	ssyncadd.s32 $0xFFFFF000  }
0x5ad: {  	_ =	swait.ge [sflag:s6], $0x1000  }
0x5ae: {  	[sflag:s6] =	ssyncset.done $0x0  }
0x5af: {  	[sflag:s6] =	ssyncadd.s32 $0xFFFFF000  }
0x5b0: {  	_ =	swait.ge [sflag:s6], $0x1000  }
0x5b1: {  	[sflag:s6] =	ssyncset.done $0x0  }
0x5b2: {  	[sflag:s6] =	ssyncadd.s32 $0xFFFFF000  }
0x5b3: {  	_ =	swait.ge [sflag:s6], $0x1000  }
0x5b4: {  	s7 =	sld [smem:$0x7DE]  }
0x5b5: {  	s31 =	sld [smem:$0x7F5];
	_ =	sdelay $0x1  }
0x5b6: {  	s7 =	sadd.s32 $0x1, s7  }
0x5b7: {  	p0 =	sne.s32 s7, s31  }
.Ltmp28:
0x5b8: {  	_ = 	snop;
	(pc) =	sbr.rel @p0 .LBB2_1-.Ltmp28, $3  }
0x5b9: {  	_ =	sdelay $0x1  }
0x5ba: {  	[sflag:s6] =	ssyncset.done $0x0  }
0x5bb: {  	s8 =	simm.s32 $0x5;
	[sflag:s6] =	ssyncadd.s32 $0xFFFFF000  }
0x5bc: {  	_ =	sfence.sel $0x180000  }
0x5bd: {  	[bflag:$0x0] =	sbarrier.arrive $0xFFFF  }
0x5be: {  	_ =	strace $0x90000047  }
0x5bf: {  	s0 =	stileid.u32;
	[bflag:$0x2] =	sbarrier.arrive $0xFFFF  }
0x5c0: {  	p0 =	sne.s32 s0, $0x0;
	s0 =	rddreg [dreg:$0x4]  }
0x5c1: {  	s0 =	sadd.s32 @!p0 $0x100000, s0  }
0x5c2: {  	[sflag:s0] =	ssyncadd.tile.s32 @!p0 $0x1;
	_ =	shalt  }
.Lfunc_end2:
_tile_overlayer_lowered:
.L_overlay_start_2:
0x5c3: {  	(tag) =	ssettag $0x2  }
0x5c4: {  	s0 =	rddreg [dreg:$0x0];
	s2 =	stileid.u32  }
0x5c5: {  	s1 =	rddreg [dreg:$0x1];
	p0 =	sne.s32 s2, $0x0  }
0x5c6: {  	s3 =	rddreg [dreg:$0x2];
	[bflag:$0x3] =	sbarrier.arrive $0xFFFF;
	s2 =	simm.s32 @!p0 $0x1C05  }
0x5c7: {  	[timem:s3], [sflag:s2] =	dma.local @!p0 [hbm:s0], s1  }
0x5c8: {  	s0 =	simm.s32 @!p0 $0x5  }
0x5c9: {  	_ =	swait.ge @!p0 [sflag:s0], s1  }
0x5ca: {  	s1 =	ssub.s32 @!p0 $0x0, s1;
	[sflag:s0] =	ssyncset.done @!p0 $0x0  }
0x5cb: {  	[sflag:s0] =	ssyncadd.s32 @!p0 s1  }
0x5cc: {  	[bflag:$0x3] =	sbarrier.arrive $0xFFFF  }
0x5cd: {  	_ =	shalt  }

</sc_bundles>
